<compile_context>
chip_gen: v7x
topology: tpu7x:2x2x1
jax: 0.10.2.dev20260603
libtpu: 0.0.44.dev20260713+nightly
codegen_flags: <defaults>
</compile_context>

<pallas_src>
import functools

import jax
import jax.numpy as jnp
from jax import lax
from jax.experimental import pallas as pl
from jax.experimental.pallas import tpu as pltpu
from jax.experimental.pallas import tpu_sc as plsc

_N = 10000
_E = 320000
_R = 8
_NB = 4
_GRID = 100

_NPAD = 10112
_NW = 32
_EPT = 10240
_EP = _EPT * _NW
_CH = 128
_NCHUNK = _EPT // _CH
_RSUB = _NPAD // 16

def _mesh():
    return plsc.VectorSubcoreMesh(core_axis_name="c", subcore_axis_name="s",
                                  num_cores=2, num_subcores=16)


def _sc_deg_gidx(src3, ety3, dst3, zeros16):

    @functools.partial(
        pl.kernel,
        out_type=(
            jax.ShapeDtypeStruct((_NW, _NCHUNK, _CH), jnp.int32),
            jax.ShapeDtypeStruct((2, _NPAD, 16), jnp.float32),
        ),
        mesh=_mesh(),
        compiler_params=pltpu.CompilerParams(use_tc_tiling_on_sc=False),
        scratch_types=[
            pltpu.VMEM((_NCHUNK, _CH), jnp.int32),
            pltpu.VMEM((_NCHUNK, _CH), jnp.int32),
            pltpu.VMEM((_NCHUNK, _CH), jnp.int32),
            pltpu.VMEM((_NCHUNK, _CH), jnp.int32),
            pltpu.VMEM((_CH, 16), jnp.float32),
            pltpu.VMEM_SHARED((_NPAD, 16), jnp.float32),
            pltpu.SemaphoreType.DMA,
        ],
    )
    def k(src_h, ety_h, dst_h, z16_h, gidx_h, deg_h,
          src_v, ety_v, gidx_v, dst_v, ones_v, dacc, sem):
        c = lax.axis_index("c")
        s = lax.axis_index("s")
        wid = s * 2 + c
        rows = pl.ds(s * _RSUB, _RSUB)
        pltpu.sync_copy(z16_h.at[rows], dacc.at[rows])
        pltpu.sync_copy(src_h.at[wid], src_v)
        pltpu.sync_copy(ety_h.at[wid], ety_v)
        pltpu.sync_copy(dst_h.at[wid], dst_v)
        one16 = jnp.ones((16,), jnp.float32)

        def fill(i, _):
            ones_v[i, :] = one16
            return 0

        lax.fori_loop(0, _CH, fill, 0)

        def gix(i, _):
            for j in range(_CH // 16):
                sl = pl.ds(j * 16, 16)
                gidx_v[i, sl] = ety_v[i, sl] * _NPAD + src_v[i, sl]
            return 0

        lax.fori_loop(0, _NCHUNK, gix, 0)
        pltpu.sync_copy(gidx_v, gidx_h.at[wid])
        plsc.subcore_barrier()

        def step(g, _):
            pltpu.sync_copy(ones_v, dacc.at[dst_v.at[g]], add=True)
            return 0

        lax.fori_loop(0, _NCHUNK, step, 0)
        plsc.subcore_barrier()
        pltpu.sync_copy(dacc.at[rows], deg_h.at[c, rows])

    return k(src3, ety3, dst3, zeros16)


_NBUF = 4
_TOTCH = _EP // _CH
_CNT0 = 80
_CNT1 = (_TOTCH - 16 * _CNT0) // 16
_CNTMAX = max(_CNT0, _CNT1)


def _sc_agg(z, gidx3, dst3, zeros_d, dout):

    @functools.partial(
        pl.kernel,
        out_type=jax.ShapeDtypeStruct((2, _NPAD, dout), jnp.float32),
        mesh=_mesh(),
        compiler_params=pltpu.CompilerParams(use_tc_tiling_on_sc=False),
        scratch_types=[
            pltpu.VMEM((_CNTMAX, _CH), jnp.int32),
            pltpu.VMEM((_CNTMAX, _CH), jnp.int32),
            [pltpu.VMEM((_CH, dout), jnp.float32)] * _NBUF,
            [pltpu.SemaphoreType.DMA] * _NBUF,
            pltpu.VMEM_SHARED((_NPAD, dout), jnp.float32),
        ],
    )
    def k(z_h, gidx_h, dst_h, zz_h, agg_h, gidx_v, dst_v, rows_v, sems, acc):
        c = lax.axis_index("c")
        s = lax.axis_index("s")
        rows = pl.ds(s * _RSUB, _RSUB)
        pltpu.sync_copy(zz_h.at[rows], acc.at[rows])

        def gather(g, b):
            pltpu.async_copy(z_h.at[gidx_v.at[g]], rows_v[b], sems[b])

        def gwait(g, b):
            pltpu.make_async_copy(z_h.at[gidx_v.at[g]], rows_v[b],
                                  sems[b]).wait()

        def run(start, cnt):
            if cnt > 0:
                span = pl.ds(start, cnt)
                head = pl.ds(0, cnt)
                pltpu.sync_copy(gidx_h.at[span], gidx_v.at[head])
                pltpu.sync_copy(dst_h.at[span], dst_v.at[head])
            plsc.subcore_barrier()
            if cnt > 0:
                for b in range(_NBUF - 1):
                    gather(b, b)

                def outer(t, _):
                    for b in range(_NBUF):
                        g = t * _NBUF + b
                        nxt = g + _NBUF - 1
                        bn = (b + _NBUF - 1) % _NBUF

                        @pl.when(nxt < cnt)
                        def _():
                            gather(nxt, bn)

                        gwait(g, b)
                        pltpu.sync_copy(rows_v[b], acc.at[dst_v.at[g]],
                                        add=True)
                    return 0

                lax.fori_loop(0, cnt // _NBUF, outer, 0)
            plsc.subcore_barrier()
            pltpu.sync_copy(acc.at[rows], agg_h.at[c, rows])

        @pl.when(c == 0)
        def _():
            run(s * _CNT0, _CNT0)

        @pl.when(c == 1)
        def _():
            run(16 * _CNT0 + s * _CNT1, _CNT1)

    return k(z, gidx3.reshape(_TOTCH, _CH), dst3.reshape(_TOTCH, _CH),
             zeros_d)


def _tc_z(x, bases, comb, din, dout):
    nblk = 8
    br = _NPAD // nblk

    def body(x_ref, b_ref, c_ref, z_ref):
        w = (c_ref[0, 0, 0] * b_ref[0] + c_ref[0, 0, 1] * b_ref[1]
             + c_ref[0, 0, 2] * b_ref[2] + c_ref[0, 0, 3] * b_ref[3])
        z_ref[...] = jnp.dot(x_ref[...], w, preferred_element_type=jnp.float32)

    return pl.pallas_call(
        body,
        grid=(_R, nblk),
        in_specs=[
            pl.BlockSpec((br, din), lambda r, nb: (nb, 0)),
            pl.BlockSpec((_NB, din, dout), lambda r, nb: (0, 0, 0)),
            pl.BlockSpec((1, 1, _NB), lambda r, nb: (r, 0, 0)),
        ],
        out_specs=pl.BlockSpec((br, dout), lambda r, nb: (r * nblk + nb, 0)),
        out_shape=jax.ShapeDtypeStruct((_R * _NPAD, dout), jnp.float32),
    )(x, bases, comb.reshape(_R, 1, _NB))


def _tc_h(h, agg2, deg2, loop_w, bias, din, dout, last):
    nblk = 8
    br = _NPAD // nblk

    def body(h_ref, a_ref, d_ref, w_ref, b_ref, o_ref):
        agg = a_ref[0] + a_ref[1]
        deg = d_ref[0, :, 0:1] + d_ref[1, :, 0:1]
        norm = 1.0 / jnp.maximum(deg, 1.0)
        u = (agg * norm
             + jnp.dot(h_ref[...], w_ref[...], preferred_element_type=jnp.float32)
             + b_ref[...])
        if last:
            o_ref[...] = jax.nn.sigmoid(u)
        else:
            o_ref[...] = jnp.where(u >= 0.0, u, 0.01 * u)

    return pl.pallas_call(
        body,
        grid=(nblk,),
        in_specs=[
            pl.BlockSpec((br, din), lambda nb: (nb, 0)),
            pl.BlockSpec((2, br, dout), lambda nb: (0, nb, 0)),
            pl.BlockSpec((2, br, 16), lambda nb: (0, nb, 0)),
            pl.BlockSpec((din, dout), lambda nb: (0, 0)),
            pl.BlockSpec((1, dout), lambda nb: (0, 0)),
        ],
        out_specs=pl.BlockSpec((br, dout), lambda nb: (nb, 0)),
        out_shape=jax.ShapeDtypeStruct((_NPAD, dout), jnp.float32),
    )(h, agg2, deg2, loop_w, bias)


def _tc_conv(h3, kmat, cb):
    npix = _GRID * _GRID
    prows = npix + 2 * 104

    def body(h_ref, k_ref, cb_ref, o_ref, pad_ref):
        pad_ref[...] = jnp.zeros((prows, 32), jnp.float32)
        pad_ref[pl.ds(104, npix), :] = h_ref[pl.ds(0, npix), :]
        col = lax.broadcasted_iota(jnp.int32, (npix, 1), 0) % _GRID
        acc = jnp.zeros((npix, 9), jnp.float32)
        t = 0
        for dy in (-1, 0, 1):
            for dx in (-1, 0, 1):
                xs = pad_ref[pl.ds(104 + dy * _GRID + dx, npix), :]
                if dx == -1:
                    xs = jnp.where(col >= 1, xs, 0.0)
                elif dx == 1:
                    xs = jnp.where(col <= _GRID - 2, xs, 0.0)
                acc = acc + jnp.dot(xs, k_ref[t],
                                    preferred_element_type=jnp.float32)
                t += 1
        o_ref[...] = jax.nn.sigmoid(acc + cb_ref[0, 0])

    return pl.pallas_call(
        body,
        in_specs=[
            pl.BlockSpec((_NPAD, 32), lambda: (0, 0)),
            pl.BlockSpec((9, 32, 9), lambda: (0, 0, 0)),
            pl.BlockSpec((1, 1), lambda: (0, 0)),
        ],
        out_specs=pl.BlockSpec((npix, 9), lambda: (0, 0)),
        out_shape=jax.ShapeDtypeStruct((npix, 9), jnp.float32),
        scratch_shapes=[pltpu.VMEM((prows, 32), jnp.float32)],
    )(h3, kmat, cb)


def _phase_kernel(conv_w):
    cols = []
    zero = jnp.zeros((conv_w.shape[0],), conv_w.dtype)
    for dy in (-1, 0, 1):
        for dx in (-1, 0, 1):
            row = []
            for phy in range(3):
                for phx in range(3):
                    ky = 3 * dy + 4 - phy
                    kx = 3 * dx + 4 - phx
                    if 0 <= ky < 7 and 0 <= kx < 7:
                        row.append(conv_w[:, 0, 6 - ky, 6 - kx])
                    else:
                        row.append(zero)
            cols.append(jnp.stack(row, axis=1))
    return jnp.stack(cols, axis=0)


def kernel(features, etypes, src, dst,
           bases0, comb0, loop_w0, bias0,
           bases1, comb1, loop_w1, bias1,
           bases2, comb2, loop_w2, bias2,
           conv_w, conv_b):
    pad_e = _EP - _E
    shape3 = (_NW, _NCHUNK, _CH)
    pad_i = jnp.arange(pad_e, dtype=jnp.int32)
    srcp = jnp.concatenate([src.astype(jnp.int32),
                            pad_i % _N]).reshape(shape3)
    etyp = jnp.concatenate([etypes.astype(jnp.int32),
                            jnp.zeros((pad_e,), jnp.int32)]).reshape(shape3)
    dstp = jnp.concatenate([dst.astype(jnp.int32),
                            _N + pad_i % (_NPAD - _N)]).reshape(shape3)
    x = jnp.pad(features, ((0, _NPAD - _N), (0, 0)))

    zeros16 = jnp.zeros((_NPAD, 16), jnp.float32)
    zeros64 = jnp.zeros((_NPAD, 64), jnp.float32)
    zeros32 = jnp.zeros((_NPAD, 32), jnp.float32)

    gidx, deg2 = _sc_deg_gidx(srcp, etyp, dstp, zeros16)

    layers = [
        (bases0, comb0, loop_w0, bias0, 128, 64, zeros64),
        (bases1, comb1, loop_w1, bias1, 64, 64, zeros64),
        (bases2, comb2, loop_w2, bias2, 64, 32, zeros32),
    ]
    h = x
    for li, (bs, cm, lw, bi, din, dout, zz) in enumerate(layers):
        z = _tc_z(h, bs, cm, din, dout)
        agg2 = _sc_agg(z, gidx, dstp, zz, dout)
        h = _tc_h(h, agg2, deg2, lw, bi.reshape(1, dout), din, dout,
                  last=(li == 2))

    kmat = _phase_kernel(conv_w)
    y9 = _tc_conv(h, kmat, conv_b.reshape(1, 1))
    return (y9.reshape(_GRID, _GRID, 3, 3)
              .transpose(0, 2, 1, 3)
              .reshape(1, 3 * _GRID, 3 * _GRID))

# --- scband reference (transcript-rebuilt; emitter-appended) ---
"""Pipeline reference for scband-rgcn-57999238365556 (READ-ONLY COPY).

The authoritative reference and input builder live on the scoring server;
editing this copy changes nothing except your own understanding.
"""

import jax, jax.numpy as jnp
import numpy as np

N = 10000
E = 320000
R = 8
NB = 4
DIMS = [128, 64, 64, 32]
GRID = 100
IMG = 300


def setup_inputs(seed: int = 0) -> dict:
    key = jax.random.key(seed)
    ks = jax.random.split(key, 24)
    inp = {}
    inp["features"] = jax.random.normal(ks[0], (N, DIMS[0]), dtype=jnp.float32)
    inp["etypes"] = jax.random.randint(ks[1], (E,), 0, R)
    inp["src"] = jax.random.randint(ks[2], (E,), 0, N)
    inp["dst"] = jax.random.randint(ks[3], (E,), 0, N)
    i = 4
    for l in range(3):
        din, dout = DIMS[l], DIMS[l + 1]
        inp["bases%d" % l] = jax.random.normal(ks[i], (NB, din, dout), dtype=jnp.float32) * 0.05; i += 1
        inp["comb%d" % l] = jax.random.normal(ks[i], (R, NB), dtype=jnp.float32); i += 1
        inp["loop_w%d" % l] = jax.random.normal(ks[i], (din, dout), dtype=jnp.float32) * 0.05; i += 1
        inp["bias%d" % l] = jnp.zeros((dout,), dtype=jnp.float32)
    inp["conv_w"] = jax.random.normal(ks[i], (DIMS[3], 1, 7, 7), dtype=jnp.float32) * 0.05
    inp["conv_b"] = jnp.zeros((1,), dtype=jnp.float32)
    return inp


def _rgc_layer(x, src, dst, etypes, bases, comb, loop_w, bias, act):
    # Basis-regularized RelGraphConv: W_r = sum_b comb[r,b] * V_b
    # Equivalent low-memory form: msg_e = sum_b comb[etype_e, b] * (x[src_e] @ V_b)
    ce = comb[etypes]  # [E, NB]
    x_src = x[src]     # gather  [E, din]
    msg = jnp.zeros((x_src.shape[0], bases.shape[2]), dtype=x.dtype)
    for b in range(bases.shape[0]):
        msg = msg + ce[:, b:b + 1] * (x_src @ bases[b])
    # edge norm = 1 / in_degree(dst)  (dgl edata['norm'])
    deg = jax.ops.segment_sum(jnp.ones((dst.shape[0],), dtype=x.dtype), dst, num_segments=N)
    norm = 1.0 / jnp.maximum(deg, 1.0)
    msg = msg * norm[dst][:, None]
    agg = jax.ops.segment_sum(msg, dst, num_segments=N)  # scatter-add
    h = agg + x @ loop_w + bias  # self-loop + bias (dgl defaults)
    return act(h)


def reference(features, etypes, src, dst, bases0, comb0, loop_w0, bias0, bases1, comb1, loop_w1, bias1, bases2, comb2, loop_w2, bias2, conv_w, conv_b):
    h = _rgc_layer(features, src, dst, etypes, bases0, comb0, loop_w0, bias0, jax.nn.leaky_relu)
    h = _rgc_layer(h, src, dst, etypes, bases1, comb1, loop_w1, bias1, jax.nn.leaky_relu)
    h = _rgc_layer(h, src, dst, etypes, bases2, comb2, loop_w2, bias2, jax.nn.sigmoid)
    # single graph in the batch: base_index = 0, num_nodes = GRID*GRID
    x1 = h.reshape(1, GRID, GRID, DIMS[3]).transpose(0, 3, 1, 2)  # NCHW
    # torch ConvTranspose2d(k=7, s=3, p=2) == dilated conv with lhs_dilation=3,
    # spatial pad k-1-p = 4, flipped kernel, transposed in/out channels
    wt = jnp.flip(conv_w, axis=(2, 3)).transpose(1, 0, 2, 3)  # [1, 32, 7, 7] OIHW
    y = jax.lax.conv_general_dilated(x1, wt, window_strides=(1, 1), padding=[(4, 4), (4, 4)], lhs_dilation=(3, 3), dimension_numbers=('NCHW', 'OIHW', 'NCHW'))
    y = jax.nn.sigmoid(y + conv_b[None, :, None, None])
    return y.reshape(1, IMG, IMG)

if __name__ == "__main__":
    import jax
    _d = setup_inputs()
    print(jax.jit(kernel)(*tuple(_d.values())))

</pallas_src>

<mosaic_0001>
#map = affine_map<(d0, d1) -> (0, 0, 0)>
#map1 = affine_map<(d0, d1) -> (0, 0)>
module attributes {stable_mosaic.version = 14 : i64} {
  func.func @k(%arg0: i32, %arg1: i32, %arg2: memref<32x80x128xi32, #tpu.memory_space<hbm>>, %arg3: memref<32x80x128xi32, #tpu.memory_space<hbm>>, %arg4: memref<32x80x128xi32, #tpu.memory_space<hbm>>, %arg5: memref<10112x16xf32, #tpu.memory_space<hbm>>, %arg6: memref<32x80x128xi32, #tpu.memory_space<hbm>>, %arg7: memref<2x10112x16xf32, #tpu.memory_space<hbm>>, %arg8: memref<80x128xi32, #tpu.memory_space<vmem>>, %arg9: memref<80x128xi32, #tpu.memory_space<vmem>>, %arg10: memref<80x128xi32, #tpu.memory_space<vmem>>, %arg11: memref<80x128xi32, #tpu.memory_space<vmem>>, %arg12: memref<128x16xf32, #tpu.memory_space<vmem>>, %arg13: memref<10112x16xf32, #tpu.memory_space<vmem_shared>>, %arg14: memref<!tpu.dma_semaphore, #tpu.memory_space<semaphore_mem>>) attributes {dimension_semantics = [#tpu.dimension_semantics<core_parallel>, #tpu.dimension_semantics<subcore_parallel>], iteration_bounds = array<i64: 2, 16>, scalar_prefetch = 0 : i64, scratch_operands = 7 : i64, tpu.core_type = #tpu.core_type<sc_vector_subcore>, window_params = [{transform_indices = #map}, {transform_indices = #map}, {transform_indices = #map}, {transform_indices = #map1}, {transform_indices = #map}, {transform_indices = #map}]} {
    %mul3A = arith.constant 2 : i32
    %mul3A_0 = arith.muli %arg1, %mul3A : i32
    %add3A = arith.addi %mul3A_0, %arg0 : i32
    %mul3A_1 = arith.constant 632 : i32
    %mul3A_2 = arith.muli %arg1, %mul3A_1 : i32
    "tpu.region"() ({
      %run_scoped3A = tpu.sem_alloc : memref<!tpu.dma_semaphore, #tpu.memory_space<semaphore_mem>>
      %dma_start3A = arith.constant 0 : i32
      %dma_start3A_25 = tpu.memref_slice %arg13[%mul3A_2, %dma_start3A] : memref<10112x16xf32, #tpu.memory_space<vmem_shared>> -> memref<632x16xf32, #tpu.memory_space<vmem_shared>>
      %dma_start3A_26 = arith.constant 0 : i32
      %dma_start3A_27 = tpu.memref_slice %arg5[%mul3A_2, %dma_start3A_26] : memref<10112x16xf32, #tpu.memory_space<hbm>> -> memref<632x16xf32, #tpu.memory_space<hbm>>
      tpu.enqueue_dma source(%dma_start3A_27 : memref<632x16xf32, #tpu.memory_space<hbm>>) target(%dma_start3A_25 : memref<632x16xf32, #tpu.memory_space<vmem_shared>>) target_semaphore(%run_scoped3A : memref<!tpu.dma_semaphore, #tpu.memory_space<semaphore_mem>>)
      %dma_wait3A = arith.constant 0 : i32
      %dma_wait3A_28 = tpu.memref_slice %arg13[%mul3A_2, %dma_wait3A] : memref<10112x16xf32, #tpu.memory_space<vmem_shared>> -> memref<632x16xf32, #tpu.memory_space<vmem_shared>>
      %dma_wait3A_29 = arith.constant 0 : i32
      %dma_wait3A_30 = tpu.memref_slice %arg5[%mul3A_2, %dma_wait3A_29] : memref<10112x16xf32, #tpu.memory_space<hbm>> -> memref<632x16xf32, #tpu.memory_space<hbm>>
      tpu.wait_dma2 semaphore(%run_scoped3A : memref<!tpu.dma_semaphore, #tpu.memory_space<semaphore_mem>>) src(%dma_wait3A_30 : memref<632x16xf32, #tpu.memory_space<hbm>>) dst(%dma_wait3A_28 : memref<632x16xf32, #tpu.memory_space<vmem_shared>>)
      tpu.yield
    }) : () -> ()
    "tpu.region"() ({
      %run_scoped3A = tpu.sem_alloc : memref<!tpu.dma_semaphore, #tpu.memory_space<semaphore_mem>>
      %dma_start3A = arith.constant 0 : i32
      %dma_start3A_25 = arith.constant 0 : i32
      %dma_start3A_26 = tpu.memref_slice %arg2[%add3A, %dma_start3A, %dma_start3A_25] : memref<32x80x128xi32, #tpu.memory_space<hbm>> -> memref<1x80x128xi32, #tpu.memory_space<hbm>>
      %dma_start3A_27 = tpu.memref_squeeze %dma_start3A_26 : memref<1x80x128xi32, #tpu.memory_space<hbm>> -> memref<80x128xi32, #tpu.memory_space<hbm>>
      %dma_start3A_28 = arith.constant 0 : i32
      %dma_start3A_29 = arith.constant 0 : i32
      %dma_start3A_30 = tpu.memref_slice %arg2[%add3A, %dma_start3A_28, %dma_start3A_29] : memref<32x80x128xi32, #tpu.memory_space<hbm>> -> memref<1x80x128xi32, #tpu.memory_space<hbm>>
      %dma_start3A_31 = tpu.memref_squeeze %dma_start3A_30 : memref<1x80x128xi32, #tpu.memory_space<hbm>> -> memref<80x128xi32, #tpu.memory_space<hbm>>
      tpu.enqueue_dma source(%dma_start3A_31 : memref<80x128xi32, #tpu.memory_space<hbm>>) target(%arg8 : memref<80x128xi32, #tpu.memory_space<vmem>>) target_semaphore(%run_scoped3A : memref<!tpu.dma_semaphore, #tpu.memory_space<semaphore_mem>>)
      %dma_wait3A = arith.constant 0 : i32
      %dma_wait3A_32 = arith.constant 0 : i32
      %dma_wait3A_33 = tpu.memref_slice %arg2[%add3A, %dma_wait3A, %dma_wait3A_32] : memref<32x80x128xi32, #tpu.memory_space<hbm>> -> memref<1x80x128xi32, #tpu.memory_space<hbm>>
      %dma_wait3A_34 = tpu.memref_squeeze %dma_wait3A_33 : memref<1x80x128xi32, #tpu.memory_space<hbm>> -> memref<80x128xi32, #tpu.memory_space<hbm>>
      %dma_wait3A_35 = arith.constant 0 : i32
      %dma_wait3A_36 = arith.constant 0 : i32
      %dma_wait3A_37 = tpu.memref_slice %arg2[%add3A, %dma_wait3A_35, %dma_wait3A_36] : memref<32x80x128xi32, #tpu.memory_space<hbm>> -> memref<1x80x128xi32, #tpu.memory_space<hbm>>
      %dma_wait3A_38 = tpu.memref_squeeze %dma_wait3A_37 : memref<1x80x128xi32, #tpu.memory_space<hbm>> -> memref<80x128xi32, #tpu.memory_space<hbm>>
      tpu.wait_dma2 semaphore(%run_scoped3A : memref<!tpu.dma_semaphore, #tpu.memory_space<semaphore_mem>>) src(%dma_wait3A_38 : memref<80x128xi32, #tpu.memory_space<hbm>>) dst(%arg8 : memref<80x128xi32, #tpu.memory_space<vmem>>)
      tpu.yield
    }) : () -> ()
    "tpu.region"() ({
      %run_scoped3A = tpu.sem_alloc : memref<!tpu.dma_semaphore, #tpu.memory_space<semaphore_mem>>
      %dma_start3A = arith.constant 0 : i32
      %dma_start3A_25 = arith.constant 0 : i32
      %dma_start3A_26 = tpu.memref_slice %arg3[%add3A, %dma_start3A, %dma_start3A_25] : memref<32x80x128xi32, #tpu.memory_space<hbm>> -> memref<1x80x128xi32, #tpu.memory_space<hbm>>
      %dma_start3A_27 = tpu.memref_squeeze %dma_start3A_26 : memref<1x80x128xi32, #tpu.memory_space<hbm>> -> memref<80x128xi32, #tpu.memory_space<hbm>>
      %dma_start3A_28 = arith.constant 0 : i32
      %dma_start3A_29 = arith.constant 0 : i32
      %dma_start3A_30 = tpu.memref_slice %arg3[%add3A, %dma_start3A_28, %dma_start3A_29] : memref<32x80x128xi32, #tpu.memory_space<hbm>> -> memref<1x80x128xi32, #tpu.memory_space<hbm>>
      %dma_start3A_31 = tpu.memref_squeeze %dma_start3A_30 : memref<1x80x128xi32, #tpu.memory_space<hbm>> -> memref<80x128xi32, #tpu.memory_space<hbm>>
      tpu.enqueue_dma source(%dma_start3A_31 : memref<80x128xi32, #tpu.memory_space<hbm>>) target(%arg9 : memref<80x128xi32, #tpu.memory_space<vmem>>) target_semaphore(%run_scoped3A : memref<!tpu.dma_semaphore, #tpu.memory_space<semaphore_mem>>)
      %dma_wait3A = arith.constant 0 : i32
      %dma_wait3A_32 = arith.constant 0 : i32
      %dma_wait3A_33 = tpu.memref_slice %arg3[%add3A, %dma_wait3A, %dma_wait3A_32] : memref<32x80x128xi32, #tpu.memory_space<hbm>> -> memref<1x80x128xi32, #tpu.memory_space<hbm>>
      %dma_wait3A_34 = tpu.memref_squeeze %dma_wait3A_33 : memref<1x80x128xi32, #tpu.memory_space<hbm>> -> memref<80x128xi32, #tpu.memory_space<hbm>>
      %dma_wait3A_35 = arith.constant 0 : i32
      %dma_wait3A_36 = arith.constant 0 : i32
      %dma_wait3A_37 = tpu.memref_slice %arg3[%add3A, %dma_wait3A_35, %dma_wait3A_36] : memref<32x80x128xi32, #tpu.memory_space<hbm>> -> memref<1x80x128xi32, #tpu.memory_space<hbm>>
      %dma_wait3A_38 = tpu.memref_squeeze %dma_wait3A_37 : memref<1x80x128xi32, #tpu.memory_space<hbm>> -> memref<80x128xi32, #tpu.memory_space<hbm>>
      tpu.wait_dma2 semaphore(%run_scoped3A : memref<!tpu.dma_semaphore, #tpu.memory_space<semaphore_mem>>) src(%dma_wait3A_38 : memref<80x128xi32, #tpu.memory_space<hbm>>) dst(%arg9 : memref<80x128xi32, #tpu.memory_space<vmem>>)
      tpu.yield
    }) : () -> ()
    "tpu.region"() ({
      %run_scoped3A = tpu.sem_alloc : memref<!tpu.dma_semaphore, #tpu.memory_space<semaphore_mem>>
      %dma_start3A = arith.constant 0 : i32
      %dma_start3A_25 = arith.constant 0 : i32
      %dma_start3A_26 = tpu.memref_slice %arg4[%add3A, %dma_start3A, %dma_start3A_25] : memref<32x80x128xi32, #tpu.memory_space<hbm>> -> memref<1x80x128xi32, #tpu.memory_space<hbm>>
      %dma_start3A_27 = tpu.memref_squeeze %dma_start3A_26 : memref<1x80x128xi32, #tpu.memory_space<hbm>> -> memref<80x128xi32, #tpu.memory_space<hbm>>
      %dma_start3A_28 = arith.constant 0 : i32
      %dma_start3A_29 = arith.constant 0 : i32
      %dma_start3A_30 = tpu.memref_slice %arg4[%add3A, %dma_start3A_28, %dma_start3A_29] : memref<32x80x128xi32, #tpu.memory_space<hbm>> -> memref<1x80x128xi32, #tpu.memory_space<hbm>>
      %dma_start3A_31 = tpu.memref_squeeze %dma_start3A_30 : memref<1x80x128xi32, #tpu.memory_space<hbm>> -> memref<80x128xi32, #tpu.memory_space<hbm>>
      tpu.enqueue_dma source(%dma_start3A_31 : memref<80x128xi32, #tpu.memory_space<hbm>>) target(%arg11 : memref<80x128xi32, #tpu.memory_space<vmem>>) target_semaphore(%run_scoped3A : memref<!tpu.dma_semaphore, #tpu.memory_space<semaphore_mem>>)
      %dma_wait3A = arith.constant 0 : i32
      %dma_wait3A_32 = arith.constant 0 : i32
      %dma_wait3A_33 = tpu.memref_slice %arg4[%add3A, %dma_wait3A, %dma_wait3A_32] : memref<32x80x128xi32, #tpu.memory_space<hbm>> -> memref<1x80x128xi32, #tpu.memory_space<hbm>>
      %dma_wait3A_34 = tpu.memref_squeeze %dma_wait3A_33 : memref<1x80x128xi32, #tpu.memory_space<hbm>> -> memref<80x128xi32, #tpu.memory_space<hbm>>
      %dma_wait3A_35 = arith.constant 0 : i32
      %dma_wait3A_36 = arith.constant 0 : i32
      %dma_wait3A_37 = tpu.memref_slice %arg4[%add3A, %dma_wait3A_35, %dma_wait3A_36] : memref<32x80x128xi32, #tpu.memory_space<hbm>> -> memref<1x80x128xi32, #tpu.memory_space<hbm>>
      %dma_wait3A_38 = tpu.memref_squeeze %dma_wait3A_37 : memref<1x80x128xi32, #tpu.memory_space<hbm>> -> memref<80x128xi32, #tpu.memory_space<hbm>>
      tpu.wait_dma2 semaphore(%run_scoped3A : memref<!tpu.dma_semaphore, #tpu.memory_space<semaphore_mem>>) src(%dma_wait3A_38 : memref<80x128xi32, #tpu.memory_space<hbm>>) dst(%arg11 : memref<80x128xi32, #tpu.memory_space<vmem>>)
      tpu.yield
    }) : () -> ()
    %broadcast_in_dim3A = arith.constant 1.000000e+00 : f32
    %broadcast_in_dim3A_3 = vector.broadcast %broadcast_in_dim3A : f32 to vector<16xf32>
    %scan3A = arith.constant 0 : i32
    %scan3A_4 = arith.constant 0 : i32
    %scan3A_5 = arith.constant 128 : i32
    %scan3A_6 = arith.addi %scan3A_4, %scan3A_5 : i32
    %scan3A_7 = arith.constant 1 : i32
    %scan3A_8 = scf.for %scan3A_25 = %scan3A_4 to %scan3A_6 step %scan3A_7 iter_args(%scan3A_26 = %scan3A) -> (i32)  : i32 {
      %swap3A = arith.index_cast %scan3A_25 : i32 to index
      %swap3A_27 = arith.constant 0 : index
      %swap3A_28 = tpu.vector_load %arg12[%swap3A, %swap3A_27] {strides = array<i32>} : memref<128x16xf32, #tpu.memory_space<vmem>>, vector<1x16xf32>,
      %swap3A_29 = vector.shape_cast %swap3A_28 : vector<1x16xf32> to vector<16xf32>
      %swap3A_30 = vector.shape_cast %broadcast_in_dim3A_3 : vector<16xf32> to vector<1x16xf32>
      tpu.vector_store %arg12[%swap3A, %swap3A_27], %swap3A_30 {strides = array<i32>} : memref<128x16xf32, #tpu.memory_space<vmem>>, vector<1x16xf32>,
      %scan3A_31 = arith.constant 0 : i32
      scf.yield %scan3A_31 : i32
    }
    %scan3A_9 = arith.constant 128 : i32
    %scan3A_10 = arith.constant 0 : i32
    %scan3A_11 = arith.constant 0 : i32
    %scan3A_12 = arith.constant 80 : i32
    %scan3A_13 = arith.addi %scan3A_11, %scan3A_12 : i32
    %scan3A_14 = arith.constant 1 : i32
    %scan3A_15 = scf.for %scan3A_25 = %scan3A_11 to %scan3A_13 step %scan3A_14 iter_args(%scan3A_26 = %scan3A_10) -> (i32)  : i32 {
      %get3A = arith.index_cast %scan3A_25 : i32 to index
      %get3A_27 = arith.constant 0 : index
      %get3A_28 = tpu.vector_load %arg9[%get3A, %get3A_27] {strides = array<i32>} : memref<80x128xi32, #tpu.memory_space<vmem>>, vector<1x16xi32>,
      %get3A_29 = vector.shape_cast %get3A_28 : vector<1x16xi32> to vector<16xi32>
      %mul3A_30 = arith.constant 10112 : i32
      %mul3A_31 = vector.broadcast %mul3A_30 : i32 to vector<16xi32>
      %mul3A_32 = arith.muli %get3A_29, %mul3A_31 : vector<16xi32>
      %get3A_33 = arith.index_cast %scan3A_25 : i32 to index
      %get3A_34 = arith.constant 0 : index
      %get3A_35 = tpu.vector_load %arg8[%get3A_33, %get3A_34] {strides = array<i32>} : memref<80x128xi32, #tpu.memory_space<vmem>>, vector<1x16xi32>,
      %get3A_36 = vector.shape_cast %get3A_35 : vector<1x16xi32> to vector<16xi32>
      %add3A_37 = arith.addi %mul3A_32, %get3A_36 : vector<16xi32>
      %swap3A = arith.index_cast %scan3A_25 : i32 to index
      %swap3A_38 = arith.constant 0 : index
      %swap3A_39 = tpu.vector_load %arg10[%swap3A, %swap3A_38] {strides = array<i32>} : memref<80x128xi32, #tpu.memory_space<vmem>>, vector<1x16xi32>,
      %swap3A_40 = vector.shape_cast %swap3A_39 : vector<1x16xi32> to vector<16xi32>
      %swap3A_41 = vector.shape_cast %add3A_37 : vector<16xi32> to vector<1x16xi32>
      tpu.vector_store %arg10[%swap3A, %swap3A_38], %swap3A_41 {strides = array<i32>} : memref<80x128xi32, #tpu.memory_space<vmem>>, vector<1x16xi32>,
      %get3A_42 = arith.index_cast %scan3A_25 : i32 to index
      %get3A_43 = arith.constant 16 : index
      %get3A_44 = tpu.vector_load %arg9[%get3A_42, %get3A_43] {strides = array<i32>} : memref<80x128xi32, #tpu.memory_space<vmem>>, vector<1x16xi32>,
      %get3A_45 = vector.shape_cast %get3A_44 : vector<1x16xi32> to vector<16xi32>
      %mul3A_46 = arith.constant 10112 : i32
      %mul3A_47 = vector.broadcast %mul3A_46 : i32 to vector<16xi32>
      %mul3A_48 = arith.muli %get3A_45, %mul3A_47 : vector<16xi32>
      %get3A_49 = arith.index_cast %scan3A_25 : i32 to index
      %get3A_50 = arith.constant 16 : index
      %get3A_51 = tpu.vector_load %arg8[%get3A_49, %get3A_50] {strides = array<i32>} : memref<80x128xi32, #tpu.memory_space<vmem>>, vector<1x16xi32>,
      %get3A_52 = vector.shape_cast %get3A_51 : vector<1x16xi32> to vector<16xi32>
      %add3A_53 = arith.addi %mul3A_48, %get3A_52 : vector<16xi32>
      %swap3A_54 = arith.index_cast %scan3A_25 : i32 to index
      %swap3A_55 = arith.constant 16 : index
      %swap3A_56 = tpu.vector_load %arg10[%swap3A_54, %swap3A_55] {strides = array<i32>} : memref<80x128xi32, #tpu.memory_space<vmem>>, vector<1x16xi32>,
      %swap3A_57 = vector.shape_cast %swap3A_56 : vector<1x16xi32> to vector<16xi32>
      %swap3A_58 = vector.shape_cast %add3A_53 : vector<16xi32> to vector<1x16xi32>
      tpu.vector_store %arg10[%swap3A_54, %swap3A_55], %swap3A_58 {strides = array<i32>} : memref<80x128xi32, #tpu.memory_space<vmem>>, vector<1x16xi32>,
      %get3A_59 = arith.index_cast %scan3A_25 : i32 to index
      %get3A_60 = arith.constant 32 : index
      %get3A_61 = tpu.vector_load %arg9[%get3A_59, %get3A_60] {strides = array<i32>} : memref<80x128xi32, #tpu.memory_space<vmem>>, vector<1x16xi32>,
      %get3A_62 = vector.shape_cast %get3A_61 : vector<1x16xi32> to vector<16xi32>
      %mul3A_63 = arith.constant 10112 : i32
      %mul3A_64 = vector.broadcast %mul3A_63 : i32 to vector<16xi32>
      %mul3A_65 = arith.muli %get3A_62, %mul3A_64 : vector<16xi32>
      %get3A_66 = arith.index_cast %scan3A_25 : i32 to index
      %get3A_67 = arith.constant 32 : index
      %get3A_68 = tpu.vector_load %arg8[%get3A_66, %get3A_67] {strides = array<i32>} : memref<80x128xi32, #tpu.memory_space<vmem>>, vector<1x16xi32>,
      %get3A_69 = vector.shape_cast %get3A_68 : vector<1x16xi32> to vector<16xi32>
      %add3A_70 = arith.addi %mul3A_65, %get3A_69 : vector<16xi32>
      %swap3A_71 = arith.index_cast %scan3A_25 : i32 to index
      %swap3A_72 = arith.constant 32 : index
      %swap3A_73 = tpu.vector_load %arg10[%swap3A_71, %swap3A_72] {strides = array<i32>} : memref<80x128xi32, #tpu.memory_space<vmem>>, vector<1x16xi32>,
      %swap3A_74 = vector.shape_cast %swap3A_73 : vector<1x16xi32> to vector<16xi32>
      %swap3A_75 = vector.shape_cast %add3A_70 : vector<16xi32> to vector<1x16xi32>
      tpu.vector_store %arg10[%swap3A_71, %swap3A_72], %swap3A_75 {strides = array<i32>} : memref<80x128xi32, #tpu.memory_space<vmem>>, vector<1x16xi32>,
      %get3A_76 = arith.index_cast %scan3A_25 : i32 to index
      %get3A_77 = arith.constant 48 : index
      %get3A_78 = tpu.vector_load %arg9[%get3A_76, %get3A_77] {strides = array<i32>} : memref<80x128xi32, #tpu.memory_space<vmem>>, vector<1x16xi32>,
      %get3A_79 = vector.shape_cast %get3A_78 : vector<1x16xi32> to vector<16xi32>
      %mul3A_80 = arith.constant 10112 : i32
      %mul3A_81 = vector.broadcast %mul3A_80 : i32 to vector<16xi32>
      %mul3A_82 = arith.muli %get3A_79, %mul3A_81 : vector<16xi32>
      %get3A_83 = arith.index_cast %scan3A_25 : i32 to index
      %get3A_84 = arith.constant 48 : index
      %get3A_85 = tpu.vector_load %arg8[%get3A_83, %get3A_84] {strides = array<i32>} : memref<80x128xi32, #tpu.memory_space<vmem>>, vector<1x16xi32>,
      %get3A_86 = vector.shape_cast %get3A_85 : vector<1x16xi32> to vector<16xi32>
      %add3A_87 = arith.addi %mul3A_82, %get3A_86 : vector<16xi32>
      %swap3A_88 = arith.index_cast %scan3A_25 : i32 to index
      %swap3A_89 = arith.constant 48 : index
      %swap3A_90 = tpu.vector_load %arg10[%swap3A_88, %swap3A_89] {strides = array<i32>} : memref<80x128xi32, #tpu.memory_space<vmem>>, vector<1x16xi32>,
      %swap3A_91 = vector.shape_cast %swap3A_90 : vector<1x16xi32> to vector<16xi32>
      %swap3A_92 = vector.shape_cast %add3A_87 : vector<16xi32> to vector<1x16xi32>
      tpu.vector_store %arg10[%swap3A_88, %swap3A_89], %swap3A_92 {strides = array<i32>} : memref<80x128xi32, #tpu.memory_space<vmem>>, vector<1x16xi32>,
      %get3A_93 = arith.index_cast %scan3A_25 : i32 to index
      %get3A_94 = arith.constant 64 : index
      %get3A_95 = tpu.vector_load %arg9[%get3A_93, %get3A_94] {strides = array<i32>} : memref<80x128xi32, #tpu.memory_space<vmem>>, vector<1x16xi32>,
      %get3A_96 = vector.shape_cast %get3A_95 : vector<1x16xi32> to vector<16xi32>
      %mul3A_97 = arith.constant 10112 : i32
      %mul3A_98 = vector.broadcast %mul3A_97 : i32 to vector<16xi32>
      %mul3A_99 = arith.muli %get3A_96, %mul3A_98 : vector<16xi32>
      %get3A_100 = arith.index_cast %scan3A_25 : i32 to index
      %get3A_101 = arith.constant 64 : index
      %get3A_102 = tpu.vector_load %arg8[%get3A_100, %get3A_101] {strides = array<i32>} : memref<80x128xi32, #tpu.memory_space<vmem>>, vector<1x16xi32>,
      %get3A_103 = vector.shape_cast %get3A_102 : vector<1x16xi32> to vector<16xi32>
      %add3A_104 = arith.addi %mul3A_99, %get3A_103 : vector<16xi32>
      %swap3A_105 = arith.index_cast %scan3A_25 : i32 to index
      %swap3A_106 = arith.constant 64 : index
      %swap3A_107 = tpu.vector_load %arg10[%swap3A_105, %swap3A_106] {strides = array<i32>} : memref<80x128xi32, #tpu.memory_space<vmem>>, vector<1x16xi32>,
      %swap3A_108 = vector.shape_cast %swap3A_107 : vector<1x16xi32> to vector<16xi32>
      %swap3A_109 = vector.shape_cast %add3A_104 : vector<16xi32> to vector<1x16xi32>
      tpu.vector_store %arg10[%swap3A_105, %swap3A_106], %swap3A_109 {strides = array<i32>} : memref<80x128xi32, #tpu.memory_space<vmem>>, vector<1x16xi32>,
      %get3A_110 = arith.index_cast %scan3A_25 : i32 to index
      %get3A_111 = arith.constant 80 : index
      %get3A_112 = tpu.vector_load %arg9[%get3A_110, %get3A_111] {strides = array<i32>} : memref<80x128xi32, #tpu.memory_space<vmem>>, vector<1x16xi32>,
      %get3A_113 = vector.shape_cast %get3A_112 : vector<1x16xi32> to vector<16xi32>
      %mul3A_114 = arith.constant 10112 : i32
      %mul3A_115 = vector.broadcast %mul3A_114 : i32 to vector<16xi32>
      %mul3A_116 = arith.muli %get3A_113, %mul3A_115 : vector<16xi32>
      %get3A_117 = arith.index_cast %scan3A_25 : i32 to index
      %get3A_118 = arith.constant 80 : index
      %get3A_119 = tpu.vector_load %arg8[%get3A_117, %get3A_118] {strides = array<i32>} : memref<80x128xi32, #tpu.memory_space<vmem>>, vector<1x16xi32>,
      %get3A_120 = vector.shape_cast %get3A_119 : vector<1x16xi32> to vector<16xi32>
      %add3A_121 = arith.addi %mul3A_116, %get3A_120 : vector<16xi32>
      %swap3A_122 = arith.index_cast %scan3A_25 : i32 to index
      %swap3A_123 = arith.constant 80 : index
      %swap3A_124 = tpu.vector_load %arg10[%swap3A_122, %swap3A_123] {strides = array<i32>} : memref<80x128xi32, #tpu.memory_space<vmem>>, vector<1x16xi32>,
      %swap3A_125 = vector.shape_cast %swap3A_124 : vector<1x16xi32> to vector<16xi32>
      %swap3A_126 = vector.shape_cast %add3A_121 : vector<16xi32> to vector<1x16xi32>
      tpu.vector_store %arg10[%swap3A_122, %swap3A_123], %swap3A_126 {strides = array<i32>} : memref<80x128xi32, #tpu.memory_space<vmem>>, vector<1x16xi32>,
      %get3A_127 = arith.index_cast %scan3A_25 : i32 to index
      %get3A_128 = arith.constant 96 : index
      %get3A_129 = tpu.vector_load %arg9[%get3A_127, %get3A_128] {strides = array<i32>} : memref<80x128xi32, #tpu.memory_space<vmem>>, vector<1x16xi32>,
      %get3A_130 = vector.shape_cast %get3A_129 : vector<1x16xi32> to vector<16xi32>
      %mul3A_131 = arith.constant 10112 : i32
      %mul3A_132 = vector.broadcast %mul3A_131 : i32 to vector<16xi32>
      %mul3A_133 = arith.muli %get3A_130, %mul3A_132 : vector<16xi32>
      %get3A_134 = arith.index_cast %scan3A_25 : i32 to index
      %get3A_135 = arith.constant 96 : index
      %get3A_136 = tpu.vector_load %arg8[%get3A_134, %get3A_135] {strides = array<i32>} : memref<80x128xi32, #tpu.memory_space<vmem>>, vector<1x16xi32>,
      %get3A_137 = vector.shape_cast %get3A_136 : vector<1x16xi32> to vector<16xi32>
      %add3A_138 = arith.addi %mul3A_133, %get3A_137 : vector<16xi32>
      %swap3A_139 = arith.index_cast %scan3A_25 : i32 to index
      %swap3A_140 = arith.constant 96 : index
      %swap3A_141 = tpu.vector_load %arg10[%swap3A_139, %swap3A_140] {strides = array<i32>} : memref<80x128xi32, #tpu.memory_space<vmem>>, vector<1x16xi32>,
      %swap3A_142 = vector.shape_cast %swap3A_141 : vector<1x16xi32> to vector<16xi32>
      %swap3A_143 = vector.shape_cast %add3A_138 : vector<16xi32> to vector<1x16xi32>
      tpu.vector_store %arg10[%swap3A_139, %swap3A_140], %swap3A_143 {strides = array<i32>} : memref<80x128xi32, #tpu.memory_space<vmem>>, vector<1x16xi32>,
      %get3A_144 = arith.index_cast %scan3A_25 : i32 to index
      %get3A_145 = arith.constant 112 : index
      %get3A_146 = tpu.vector_load %arg9[%get3A_144, %get3A_145] {strides = array<i32>} : memref<80x128xi32, #tpu.memory_space<vmem>>, vector<1x16xi32>,
      %get3A_147 = vector.shape_cast %get3A_146 : vector<1x16xi32> to vector<16xi32>
      %mul3A_148 = arith.constant 10112 : i32
      %mul3A_149 = vector.broadcast %mul3A_148 : i32 to vector<16xi32>
      %mul3A_150 = arith.muli %get3A_147, %mul3A_149 : vector<16xi32>
      %get3A_151 = arith.index_cast %scan3A_25 : i32 to index
      %get3A_152 = arith.constant 112 : index
      %get3A_153 = tpu.vector_load %arg8[%get3A_151, %get3A_152] {strides = array<i32>} : memref<80x128xi32, #tpu.memory_space<vmem>>, vector<1x16xi32>,
      %get3A_154 = vector.shape_cast %get3A_153 : vector<1x16xi32> to vector<16xi32>
      %add3A_155 = arith.addi %mul3A_150, %get3A_154 : vector<16xi32>
      %swap3A_156 = arith.index_cast %scan3A_25 : i32 to index
      %swap3A_157 = arith.constant 112 : index
      %swap3A_158 = tpu.vector_load %arg10[%swap3A_156, %swap3A_157] {strides = array<i32>} : memref<80x128xi32, #tpu.memory_space<vmem>>, vector<1x16xi32>,
      %swap3A_159 = vector.shape_cast %swap3A_158 : vector<1x16xi32> to vector<16xi32>
      %swap3A_160 = vector.shape_cast %add3A_155 : vector<16xi32> to vector<1x16xi32>
      tpu.vector_store %arg10[%swap3A_156, %swap3A_157], %swap3A_160 {strides = array<i32>} : memref<80x128xi32, #tpu.memory_space<vmem>>, vector<1x16xi32>,
      %scan3A_161 = arith.constant 0 : i32
      scf.yield %scan3A_161 : i32
    }
    %scan3A_16 = arith.constant 80 : i32
    "tpu.region"() ({
      %run_scoped3A = tpu.sem_alloc : memref<!tpu.dma_semaphore, #tpu.memory_space<semaphore_mem>>
      %dma_start3A = arith.constant 0 : i32
      %dma_start3A_25 = arith.constant 0 : i32
      %dma_start3A_26 = tpu.memref_slice %arg6[%add3A, %dma_start3A, %dma_start3A_25] : memref<32x80x128xi32, #tpu.memory_space<hbm>> -> memref<1x80x128xi32, #tpu.memory_space<hbm>>
      %dma_start3A_27 = tpu.memref_squeeze %dma_start3A_26 : memref<1x80x128xi32, #tpu.memory_space<hbm>> -> memref<80x128xi32, #tpu.memory_space<hbm>>
      %dma_start3A_28 = arith.constant 0 : i32
      %dma_start3A_29 = arith.constant 0 : i32
      %dma_start3A_30 = tpu.memref_slice %arg6[%add3A, %dma_start3A_28, %dma_start3A_29] : memref<32x80x128xi32, #tpu.memory_space<hbm>> -> memref<1x80x128xi32, #tpu.memory_space<hbm>>
      %dma_start3A_31 = tpu.memref_squeeze %dma_start3A_30 : memref<1x80x128xi32, #tpu.memory_space<hbm>> -> memref<80x128xi32, #tpu.memory_space<hbm>>
      tpu.enqueue_dma source(%arg10 : memref<80x128xi32, #tpu.memory_space<vmem>>) target(%dma_start3A_31 : memref<80x128xi32, #tpu.memory_space<hbm>>) target_semaphore(%run_scoped3A : memref<!tpu.dma_semaphore, #tpu.memory_space<semaphore_mem>>)
      %dma_wait3A = arith.constant 0 : i32
      %dma_wait3A_32 = arith.constant 0 : i32
      %dma_wait3A_33 = tpu.memref_slice %arg6[%add3A, %dma_wait3A, %dma_wait3A_32] : memref<32x80x128xi32, #tpu.memory_space<hbm>> -> memref<1x80x128xi32, #tpu.memory_space<hbm>>
      %dma_wait3A_34 = tpu.memref_squeeze %dma_wait3A_33 : memref<1x80x128xi32, #tpu.memory_space<hbm>> -> memref<80x128xi32, #tpu.memory_space<hbm>>
      %dma_wait3A_35 = arith.constant 0 : i32
      %dma_wait3A_36 = arith.constant 0 : i32
      %dma_wait3A_37 = tpu.memref_slice %arg6[%add3A, %dma_wait3A_35, %dma_wait3A_36] : memref<32x80x128xi32, #tpu.memory_space<hbm>> -> memref<1x80x128xi32, #tpu.memory_space<hbm>>
      %dma_wait3A_38 = tpu.memref_squeeze %dma_wait3A_37 : memref<1x80x128xi32, #tpu.memory_space<hbm>> -> memref<80x128xi32, #tpu.memory_space<hbm>>
      tpu.wait_dma2 semaphore(%run_scoped3A : memref<!tpu.dma_semaphore, #tpu.memory_space<semaphore_mem>>) src(%arg10 : memref<80x128xi32, #tpu.memory_space<vmem>>) dst(%dma_wait3A_38 : memref<80x128xi32, #tpu.memory_space<hbm>>)
      tpu.yield
    }) : () -> ()
    %barrier3A = arith.constant 0 : index
    tpu.barrier barrier_id(%barrier3A)
    %scan3A_17 = arith.constant 0 : i32
    %scan3A_18 = arith.constant 0 : i32
    %scan3A_19 = arith.constant 80 : i32
    %scan3A_20 = arith.addi %scan3A_18, %scan3A_19 : i32
    %scan3A_21 = arith.constant 1 : i32
    %scan3A_22 = scf.for %scan3A_25 = %scan3A_18 to %scan3A_20 step %scan3A_21 iter_args(%scan3A_26 = %scan3A_17) -> (i32)  : i32 {
      "tpu.region"() ({
        %run_scoped3A = tpu.sem_alloc : memref<!tpu.dma_semaphore, #tpu.memory_space<semaphore_mem>>
        %dma_start3A = arith.constant 0 : i32
        %dma_start3A_28 = tpu.memref_slice %arg11[%scan3A_25, %dma_start3A] : memref<80x128xi32, #tpu.memory_space<vmem>> -> memref<1x128xi32, #tpu.memory_space<vmem>>
        %dma_start3A_29 = tpu.memref_squeeze %dma_start3A_28 : memref<1x128xi32, #tpu.memory_space<vmem>> -> memref<128xi32, #tpu.memory_space<vmem>>
        %dma_start3A_30 = arith.constant 0 : i32
        %dma_start3A_31 = arith.constant 0 : i32
        %dma_start3A_32 = tpu.memref_slice %arg13[%dma_start3A_30, %dma_start3A_31] : memref<10112x16xf32, #tpu.memory_space<vmem_shared>> -> memref<10112x16xf32, #tpu.memory_space<vmem_shared>>
        tpu.enqueue_indirect_dma source(%arg12 : memref<128x16xf32, #tpu.memory_space<vmem>>) target(%dma_start3A_32 : memref<10112x16xf32, #tpu.memory_space<vmem_shared>>) offsets(%dma_start3A_29 : memref<128xi32, #tpu.memory_space<vmem>>) semaphore(%run_scoped3A : memref<!tpu.dma_semaphore, #tpu.memory_space<semaphore_mem>>) {add = true}
        %dma_wait3A = arith.constant 0 : i32
        %dma_wait3A_33 = tpu.memref_slice %arg11[%scan3A_25, %dma_wait3A] : memref<80x128xi32, #tpu.memory_space<vmem>> -> memref<1x128xi32, #tpu.memory_space<vmem>>
        %dma_wait3A_34 = tpu.memref_squeeze %dma_wait3A_33 : memref<1x128xi32, #tpu.memory_space<vmem>> -> memref<128xi32, #tpu.memory_space<vmem>>
        %dma_wait3A_35 = arith.constant 0 : i32
        %dma_wait3A_36 = arith.constant 0 : i32
        %dma_wait3A_37 = tpu.memref_slice %arg13[%dma_wait3A_35, %dma_wait3A_36] : memref<10112x16xf32, #tpu.memory_space<vmem_shared>> -> memref<10112x16xf32, #tpu.memory_space<vmem_shared>>
        tpu.wait_indirect_dma semaphore(%run_scoped3A : memref<!tpu.dma_semaphore, #tpu.memory_space<semaphore_mem>>) src(%arg12 : memref<128x16xf32, #tpu.memory_space<vmem>>) dst(%dma_wait3A_37 : memref<10112x16xf32, #tpu.memory_space<vmem_shared>>)
        tpu.yield
      }) : () -> ()
      %scan3A_27 = arith.constant 0 : i32
      scf.yield %scan3A_27 : i32
    }
    %scan3A_23 = arith.constant 80 : i32
    %barrier3A_24 = arith.constant 0 : index
    tpu.barrier barrier_id(%barrier3A_24)
    "tpu.region"() ({
      %run_scoped3A = tpu.sem_alloc : memref<!tpu.dma_semaphore, #tpu.memory_space<semaphore_mem>>
      %dma_start3A = arith.constant 0 : i32
      %dma_start3A_25 = tpu.memref_slice %arg7[%arg0, %mul3A_2, %dma_start3A] : memref<2x10112x16xf32, #tpu.memory_space<hbm>> -> memref<1x632x16xf32, #tpu.memory_space<hbm>>
      %dma_start3A_26 = tpu.memref_squeeze %dma_start3A_25 : memref<1x632x16xf32, #tpu.memory_space<hbm>> -> memref<632x16xf32, #tpu.memory_space<hbm>>
      %dma_start3A_27 = arith.constant 0 : i32
      %dma_start3A_28 = tpu.memref_slice %arg13[%mul3A_2, %dma_start3A_27] : memref<10112x16xf32, #tpu.memory_space<vmem_shared>> -> memref<632x16xf32, #tpu.memory_space<vmem_shared>>
      tpu.enqueue_dma source(%dma_start3A_28 : memref<632x16xf32, #tpu.memory_space<vmem_shared>>) target(%dma_start3A_26 : memref<632x16xf32, #tpu.memory_space<hbm>>) target_semaphore(%run_scoped3A : memref<!tpu.dma_semaphore, #tpu.memory_space<semaphore_mem>>)
      %dma_wait3A = arith.constant 0 : i32
      %dma_wait3A_29 = tpu.memref_slice %arg7[%arg0, %mul3A_2, %dma_wait3A] : memref<2x10112x16xf32, #tpu.memory_space<hbm>> -> memref<1x632x16xf32, #tpu.memory_space<hbm>>
      %dma_wait3A_30 = tpu.memref_squeeze %dma_wait3A_29 : memref<1x632x16xf32, #tpu.memory_space<hbm>> -> memref<632x16xf32, #tpu.memory_space<hbm>>
      %dma_wait3A_31 = arith.constant 0 : i32
      %dma_wait3A_32 = tpu.memref_slice %arg13[%mul3A_2, %dma_wait3A_31] : memref<10112x16xf32, #tpu.memory_space<vmem_shared>> -> memref<632x16xf32, #tpu.memory_space<vmem_shared>>
      tpu.wait_dma2 semaphore(%run_scoped3A : memref<!tpu.dma_semaphore, #tpu.memory_space<semaphore_mem>>) src(%dma_wait3A_32 : memref<632x16xf32, #tpu.memory_space<vmem_shared>>) dst(%dma_wait3A_30 : memref<632x16xf32, #tpu.memory_space<hbm>>)
      tpu.yield
    }) : () -> ()
    return
  }
}

#map = affine_map<(d0, d1) -> (0, 0)>
#map1 = affine_map<(d0, d1) -> (0, 0, 0)>
module attributes {stable_mosaic.version = 14 : i64} {
  func.func @k(%arg0: i32, %arg1: i32, %arg2: memref<80896x64xf32, #tpu.memory_space<hbm>>, %arg3: memref<2560x128xi32, #tpu.memory_space<hbm>>, %arg4: memref<2560x128xi32, #tpu.memory_space<hbm>>, %arg5: memref<10112x64xf32, #tpu.memory_space<hbm>>, %arg6: memref<2x10112x64xf32, #tpu.memory_space<hbm>>, %arg7: memref<80x128xi32, #tpu.memory_space<vmem>>, %arg8: memref<80x128xi32, #tpu.memory_space<vmem>>, %arg9: memref<128x64xf32, #tpu.memory_space<vmem>>, %arg10: memref<128x64xf32, #tpu.memory_space<vmem>>, %arg11: memref<128x64xf32, #tpu.memory_space<vmem>>, %arg12: memref<128x64xf32, #tpu.memory_space<vmem>>, %arg13: memref<!tpu.dma_semaphore, #tpu.memory_space<semaphore_mem>>, %arg14: memref<!tpu.dma_semaphore, #tpu.memory_space<semaphore_mem>>, %arg15: memref<!tpu.dma_semaphore, #tpu.memory_space<semaphore_mem>>, %arg16: memref<!tpu.dma_semaphore, #tpu.memory_space<semaphore_mem>>, %arg17: memref<10112x64xf32, #tpu.memory_space<vmem_shared>>) attributes {dimension_semantics = [#tpu.dimension_semantics<core_parallel>, #tpu.dimension_semantics<subcore_parallel>], iteration_bounds = array<i64: 2, 16>, scalar_prefetch = 0 : i64, scratch_operands = 11 : i64, tpu.core_type = #tpu.core_type<sc_vector_subcore>, window_params = [{transform_indices = #map}, {transform_indices = #map}, {transform_indices = #map}, {transform_indices = #map}, {transform_indices = #map1}]} {
    %mul3A = arith.constant 632 : i32
    %mul3A_0 = arith.muli %arg1, %mul3A : i32
    "tpu.region"() ({
      %run_scoped3A = tpu.sem_alloc : memref<!tpu.dma_semaphore, #tpu.memory_space<semaphore_mem>>
      %dma_start3A = arith.constant 0 : i32
      %dma_start3A_8 = tpu.memref_slice %arg17[%mul3A_0, %dma_start3A] : memref<10112x64xf32, #tpu.memory_space<vmem_shared>> -> memref<632x64xf32, #tpu.memory_space<vmem_shared>>
      %dma_start3A_9 = arith.constant 0 : i32
      %dma_start3A_10 = tpu.memref_slice %arg5[%mul3A_0, %dma_start3A_9] : memref<10112x64xf32, #tpu.memory_space<hbm>> -> memref<632x64xf32, #tpu.memory_space<hbm>>
      tpu.enqueue_dma source(%dma_start3A_10 : memref<632x64xf32, #tpu.memory_space<hbm>>) target(%dma_start3A_8 : memref<632x64xf32, #tpu.memory_space<vmem_shared>>) target_semaphore(%run_scoped3A : memref<!tpu.dma_semaphore, #tpu.memory_space<semaphore_mem>>)
      %dma_wait3A = arith.constant 0 : i32
      %dma_wait3A_11 = tpu.memref_slice %arg17[%mul3A_0, %dma_wait3A] : memref<10112x64xf32, #tpu.memory_space<vmem_shared>> -> memref<632x64xf32, #tpu.memory_space<vmem_shared>>
      %dma_wait3A_12 = arith.constant 0 : i32
      %dma_wait3A_13 = tpu.memref_slice %arg5[%mul3A_0, %dma_wait3A_12] : memref<10112x64xf32, #tpu.memory_space<hbm>> -> memref<632x64xf32, #tpu.memory_space<hbm>>
      tpu.wait_dma2 semaphore(%run_scoped3A : memref<!tpu.dma_semaphore, #tpu.memory_space<semaphore_mem>>) src(%dma_wait3A_13 : memref<632x64xf32, #tpu.memory_space<hbm>>) dst(%dma_wait3A_11 : memref<632x64xf32, #tpu.memory_space<vmem_shared>>)
      tpu.yield
    }) : () -> ()
    %eq3A = arith.constant 0 : i32
    %eq3A_1 = arith.cmpi eq, %arg0, %eq3A : i32
    %convert_element_type3A = arith.extui %eq3A_1 : i1 to i32
    %cond3A = arith.constant 0 : i32
    %cond3A_2 = arith.cmpi ne, %convert_element_type3A, %cond3A : i32
    scf.if %cond3A_2 {
      %mul3A_8 = arith.constant 80 : i32
      %mul3A_9 = arith.muli %arg1, %mul3A_8 : i32
      "tpu.region"() ({
        %run_scoped3A = tpu.sem_alloc : memref<!tpu.dma_semaphore, #tpu.memory_space<semaphore_mem>>
        %dma_start3A_37 = arith.constant 0 : i32
        %dma_start3A_38 = arith.constant 0 : i32
        %dma_start3A_39 = tpu.memref_slice %arg7[%dma_start3A_37, %dma_start3A_38] : memref<80x128xi32, #tpu.memory_space<vmem>> -> memref<80x128xi32, #tpu.memory_space<vmem>>
        %dma_start3A_40 = arith.constant 0 : i32
        %dma_start3A_41 = tpu.memref_slice %arg3[%mul3A_9, %dma_start3A_40] : memref<2560x128xi32, #tpu.memory_space<hbm>> -> memref<80x128xi32, #tpu.memory_space<hbm>>
        %dma_start3A_42 = arith.constant 0 : i32
        %dma_start3A_43 = arith.constant 0 : i32
        %dma_start3A_44 = tpu.memref_slice %arg7[%dma_start3A_42, %dma_start3A_43] : memref<80x128xi32, #tpu.memory_space<vmem>> -> memref<80x128xi32, #tpu.memory_space<vmem>>
        %dma_start3A_45 = arith.constant 0 : i32
        %dma_start3A_46 = tpu.memref_slice %arg3[%mul3A_9, %dma_start3A_45] : memref<2560x128xi32, #tpu.memory_space<hbm>> -> memref<80x128xi32, #tpu.memory_space<hbm>>
        tpu.enqueue_dma source(%dma_start3A_46 : memref<80x128xi32, #tpu.memory_space<hbm>>) target(%dma_start3A_44 : memref<80x128xi32, #tpu.memory_space<vmem>>) target_semaphore(%run_scoped3A : memref<!tpu.dma_semaphore, #tpu.memory_space<semaphore_mem>>)
        %dma_wait3A = arith.constant 0 : i32
        %dma_wait3A_47 = arith.constant 0 : i32
        %dma_wait3A_48 = tpu.memref_slice %arg7[%dma_wait3A, %dma_wait3A_47] : memref<80x128xi32, #tpu.memory_space<vmem>> -> memref<80x128xi32, #tpu.memory_space<vmem>>
        %dma_wait3A_49 = arith.constant 0 : i32
        %dma_wait3A_50 = tpu.memref_slice %arg3[%mul3A_9, %dma_wait3A_49] : memref<2560x128xi32, #tpu.memory_space<hbm>> -> memref<80x128xi32, #tpu.memory_space<hbm>>
        %dma_wait3A_51 = arith.constant 0 : i32
        %dma_wait3A_52 = arith.constant 0 : i32
        %dma_wait3A_53 = tpu.memref_slice %arg7[%dma_wait3A_51, %dma_wait3A_52] : memref<80x128xi32, #tpu.memory_space<vmem>> -> memref<80x128xi32, #tpu.memory_space<vmem>>
        %dma_wait3A_54 = arith.constant 0 : i32
        %dma_wait3A_55 = tpu.memref_slice %arg3[%mul3A_9, %dma_wait3A_54] : memref<2560x128xi32, #tpu.memory_space<hbm>> -> memref<80x128xi32, #tpu.memory_space<hbm>>
        tpu.wait_dma2 semaphore(%run_scoped3A : memref<!tpu.dma_semaphore, #tpu.memory_space<semaphore_mem>>) src(%dma_wait3A_55 : memref<80x128xi32, #tpu.memory_space<hbm>>) dst(%dma_wait3A_53 : memref<80x128xi32, #tpu.memory_space<vmem>>)
        tpu.yield
      }) : () -> ()
      "tpu.region"() ({
        %run_scoped3A = tpu.sem_alloc : memref<!tpu.dma_semaphore, #tpu.memory_space<semaphore_mem>>
        %dma_start3A_37 = arith.constant 0 : i32
        %dma_start3A_38 = arith.constant 0 : i32
        %dma_start3A_39 = tpu.memref_slice %arg8[%dma_start3A_37, %dma_start3A_38] : memref<80x128xi32, #tpu.memory_space<vmem>> -> memref<80x128xi32, #tpu.memory_space<vmem>>
        %dma_start3A_40 = arith.constant 0 : i32
        %dma_start3A_41 = tpu.memref_slice %arg4[%mul3A_9, %dma_start3A_40] : memref<2560x128xi32, #tpu.memory_space<hbm>> -> memref<80x128xi32, #tpu.memory_space<hbm>>
        %dma_start3A_42 = arith.constant 0 : i32
        %dma_start3A_43 = arith.constant 0 : i32
        %dma_start3A_44 = tpu.memref_slice %arg8[%dma_start3A_42, %dma_start3A_43] : memref<80x128xi32, #tpu.memory_space<vmem>> -> memref<80x128xi32, #tpu.memory_space<vmem>>
        %dma_start3A_45 = arith.constant 0 : i32
        %dma_start3A_46 = tpu.memref_slice %arg4[%mul3A_9, %dma_start3A_45] : memref<2560x128xi32, #tpu.memory_space<hbm>> -> memref<80x128xi32, #tpu.memory_space<hbm>>
        tpu.enqueue_dma source(%dma_start3A_46 : memref<80x128xi32, #tpu.memory_space<hbm>>) target(%dma_start3A_44 : memref<80x128xi32, #tpu.memory_space<vmem>>) target_semaphore(%run_scoped3A : memref<!tpu.dma_semaphore, #tpu.memory_space<semaphore_mem>>)
        %dma_wait3A = arith.constant 0 : i32
        %dma_wait3A_47 = arith.constant 0 : i32
        %dma_wait3A_48 = tpu.memref_slice %arg8[%dma_wait3A, %dma_wait3A_47] : memref<80x128xi32, #tpu.memory_space<vmem>> -> memref<80x128xi32, #tpu.memory_space<vmem>>
        %dma_wait3A_49 = arith.constant 0 : i32
        %dma_wait3A_50 = tpu.memref_slice %arg4[%mul3A_9, %dma_wait3A_49] : memref<2560x128xi32, #tpu.memory_space<hbm>> -> memref<80x128xi32, #tpu.memory_space<hbm>>
        %dma_wait3A_51 = arith.constant 0 : i32
        %dma_wait3A_52 = arith.constant 0 : i32
        %dma_wait3A_53 = tpu.memref_slice %arg8[%dma_wait3A_51, %dma_wait3A_52] : memref<80x128xi32, #tpu.memory_space<vmem>> -> memref<80x128xi32, #tpu.memory_space<vmem>>
        %dma_wait3A_54 = arith.constant 0 : i32
        %dma_wait3A_55 = tpu.memref_slice %arg4[%mul3A_9, %dma_wait3A_54] : memref<2560x128xi32, #tpu.memory_space<hbm>> -> memref<80x128xi32, #tpu.memory_space<hbm>>
        tpu.wait_dma2 semaphore(%run_scoped3A : memref<!tpu.dma_semaphore, #tpu.memory_space<semaphore_mem>>) src(%dma_wait3A_55 : memref<80x128xi32, #tpu.memory_space<hbm>>) dst(%dma_wait3A_53 : memref<80x128xi32, #tpu.memory_space<vmem>>)
        tpu.yield
      }) : () -> ()
      %barrier3A = arith.constant 0 : index
      tpu.barrier barrier_id(%barrier3A)
      %dma_start3A = arith.constant 0 : i32
      %dma_start3A_10 = arith.constant 0 : i32
      %dma_start3A_11 = tpu.memref_slice %arg7[%dma_start3A, %dma_start3A_10] : memref<80x128xi32, #tpu.memory_space<vmem>> -> memref<1x128xi32, #tpu.memory_space<vmem>>
      %dma_start3A_12 = tpu.memref_squeeze %dma_start3A_11 : memref<1x128xi32, #tpu.memory_space<vmem>> -> memref<128xi32, #tpu.memory_space<vmem>>
      %dma_start3A_13 = arith.constant 0 : i32
      %dma_start3A_14 = arith.constant 0 : i32
      %dma_start3A_15 = tpu.memref_slice %arg2[%dma_start3A_13, %dma_start3A_14] : memref<80896x64xf32, #tpu.memory_space<hbm>> -> memref<80896x64xf32, #tpu.memory_space<hbm>>
      tpu.enqueue_indirect_dma source(%dma_start3A_15 : memref<80896x64xf32, #tpu.memory_space<hbm>>) target(%arg9 : memref<128x64xf32, #tpu.memory_space<vmem>>) offsets(%dma_start3A_12 : memref<128xi32, #tpu.memory_space<vmem>>) semaphore(%arg13 : memref<!tpu.dma_semaphore, #tpu.memory_space<semaphore_mem>>)
      %dma_start3A_16 = arith.constant 1 : i32
      %dma_start3A_17 = arith.constant 0 : i32
      %dma_start3A_18 = tpu.memref_slice %arg7[%dma_start3A_16, %dma_start3A_17] : memref<80x128xi32, #tpu.memory_space<vmem>> -> memref<1x128xi32, #tpu.memory_space<vmem>>
      %dma_start3A_19 = tpu.memref_squeeze %dma_start3A_18 : memref<1x128xi32, #tpu.memory_space<vmem>> -> memref<128xi32, #tpu.memory_space<vmem>>
      %dma_start3A_20 = arith.constant 0 : i32
      %dma_start3A_21 = arith.constant 0 : i32
      %dma_start3A_22 = tpu.memref_slice %arg2[%dma_start3A_20, %dma_start3A_21] : memref<80896x64xf32, #tpu.memory_space<hbm>> -> memref<80896x64xf32, #tpu.memory_space<hbm>>
      tpu.enqueue_indirect_dma source(%dma_start3A_22 : memref<80896x64xf32, #tpu.memory_space<hbm>>) target(%arg10 : memref<128x64xf32, #tpu.memory_space<vmem>>) offsets(%dma_start3A_19 : memref<128xi32, #tpu.memory_space<vmem>>) semaphore(%arg14 : memref<!tpu.dma_semaphore, #tpu.memory_space<semaphore_mem>>)
      %dma_start3A_23 = arith.constant 2 : i32
      %dma_start3A_24 = arith.constant 0 : i32
      %dma_start3A_25 = tpu.memref_slice %arg7[%dma_start3A_23, %dma_start3A_24] : memref<80x128xi32, #tpu.memory_space<vmem>> -> memref<1x128xi32, #tpu.memory_space<vmem>>
      %dma_start3A_26 = tpu.memref_squeeze %dma_start3A_25 : memref<1x128xi32, #tpu.memory_space<vmem>> -> memref<128xi32, #tpu.memory_space<vmem>>
      %dma_start3A_27 = arith.constant 0 : i32
      %dma_start3A_28 = arith.constant 0 : i32
      %dma_start3A_29 = tpu.memref_slice %arg2[%dma_start3A_27, %dma_start3A_28] : memref<80896x64xf32, #tpu.memory_space<hbm>> -> memref<80896x64xf32, #tpu.memory_space<hbm>>
      tpu.enqueue_indirect_dma source(%dma_start3A_29 : memref<80896x64xf32, #tpu.memory_space<hbm>>) target(%arg11 : memref<128x64xf32, #tpu.memory_space<vmem>>) offsets(%dma_start3A_26 : memref<128xi32, #tpu.memory_space<vmem>>) semaphore(%arg15 : memref<!tpu.dma_semaphore, #tpu.memory_space<semaphore_mem>>)
      %scan3A = arith.constant 0 : i32
      %scan3A_30 = arith.constant 0 : i32
      %scan3A_31 = arith.constant 20 : i32
      %scan3A_32 = arith.addi %scan3A_30, %scan3A_31 : i32
      %scan3A_33 = arith.constant 1 : i32
      %scan3A_34 = scf.for %scan3A_37 = %scan3A_30 to %scan3A_32 step %scan3A_33 iter_args(%scan3A_38 = %scan3A) -> (i32)  : i32 {
        %mul3A_39 = arith.constant 4 : i32
        %mul3A_40 = arith.muli %scan3A_37, %mul3A_39 : i32
        %add3A = arith.constant 0 : i32
        %add3A_41 = arith.addi %mul3A_40, %add3A : i32
        %add3A_42 = arith.constant 4 : i32
        %add3A_43 = arith.addi %add3A_41, %add3A_42 : i32
        %sub3A = arith.constant 1 : i32
        %sub3A_44 = arith.subi %add3A_43, %sub3A : i32
        %lt3A = arith.constant 80 : i32
        %lt3A_45 = arith.cmpi slt, %sub3A_44, %lt3A : i32
        %convert_element_type3A_46 = arith.extui %lt3A_45 : i1 to i32
        %cond3A_47 = arith.constant 0 : i32
        %cond3A_48 = arith.cmpi ne, %convert_element_type3A_46, %cond3A_47 : i32
        scf.if %cond3A_48 {
          %dma_start3A_112 = arith.constant 0 : i32
          %dma_start3A_113 = tpu.memref_slice %arg7[%sub3A_44, %dma_start3A_112] : memref<80x128xi32, #tpu.memory_space<vmem>> -> memref<1x128xi32, #tpu.memory_space<vmem>>
          %dma_start3A_114 = tpu.memref_squeeze %dma_start3A_113 : memref<1x128xi32, #tpu.memory_space<vmem>> -> memref<128xi32, #tpu.memory_space<vmem>>
          %dma_start3A_115 = arith.constant 0 : i32
          %dma_start3A_116 = arith.constant 0 : i32
          %dma_start3A_117 = tpu.memref_slice %arg2[%dma_start3A_115, %dma_start3A_116] : memref<80896x64xf32, #tpu.memory_space<hbm>> -> memref<80896x64xf32, #tpu.memory_space<hbm>>
          tpu.enqueue_indirect_dma source(%dma_start3A_117 : memref<80896x64xf32, #tpu.memory_space<hbm>>) target(%arg12 : memref<128x64xf32, #tpu.memory_space<vmem>>) offsets(%dma_start3A_114 : memref<128xi32, #tpu.memory_space<vmem>>) semaphore(%arg16 : memref<!tpu.dma_semaphore, #tpu.memory_space<semaphore_mem>>)
        } else {
        }
        %dma_wait3A = arith.constant 0 : i32
        %dma_wait3A_49 = tpu.memref_slice %arg7[%add3A_41, %dma_wait3A] : memref<80x128xi32, #tpu.memory_space<vmem>> -> memref<1x128xi32, #tpu.memory_space<vmem>>
        %dma_wait3A_50 = tpu.memref_squeeze %dma_wait3A_49 : memref<1x128xi32, #tpu.memory_space<vmem>> -> memref<128xi32, #tpu.memory_space<vmem>>
        %dma_wait3A_51 = arith.constant 0 : i32
        %dma_wait3A_52 = arith.constant 0 : i32
        %dma_wait3A_53 = tpu.memref_slice %arg2[%dma_wait3A_51, %dma_wait3A_52] : memref<80896x64xf32, #tpu.memory_space<hbm>> -> memref<80896x64xf32, #tpu.memory_space<hbm>>
        tpu.wait_indirect_dma semaphore(%arg13 : memref<!tpu.dma_semaphore, #tpu.memory_space<semaphore_mem>>) src(%dma_wait3A_53 : memref<80896x64xf32, #tpu.memory_space<hbm>>) dst(%arg9 : memref<128x64xf32, #tpu.memory_space<vmem>>)
        "tpu.region"() ({
          %run_scoped3A = tpu.sem_alloc : memref<!tpu.dma_semaphore, #tpu.memory_space<semaphore_mem>>
          %dma_start3A_112 = arith.constant 0 : i32
          %dma_start3A_113 = tpu.memref_slice %arg8[%add3A_41, %dma_start3A_112] : memref<80x128xi32, #tpu.memory_space<vmem>> -> memref<1x128xi32, #tpu.memory_space<vmem>>
          %dma_start3A_114 = tpu.memref_squeeze %dma_start3A_113 : memref<1x128xi32, #tpu.memory_space<vmem>> -> memref<128xi32, #tpu.memory_space<vmem>>
          %dma_start3A_115 = arith.constant 0 : i32
          %dma_start3A_116 = arith.constant 0 : i32
          %dma_start3A_117 = tpu.memref_slice %arg17[%dma_start3A_115, %dma_start3A_116] : memref<10112x64xf32, #tpu.memory_space<vmem_shared>> -> memref<10112x64xf32, #tpu.memory_space<vmem_shared>>
          tpu.enqueue_indirect_dma source(%arg9 : memref<128x64xf32, #tpu.memory_space<vmem>>) target(%dma_start3A_117 : memref<10112x64xf32, #tpu.memory_space<vmem_shared>>) offsets(%dma_start3A_114 : memref<128xi32, #tpu.memory_space<vmem>>) semaphore(%run_scoped3A : memref<!tpu.dma_semaphore, #tpu.memory_space<semaphore_mem>>) {add = true}
          %dma_wait3A_118 = arith.constant 0 : i32
          %dma_wait3A_119 = tpu.memref_slice %arg8[%add3A_41, %dma_wait3A_118] : memref<80x128xi32, #tpu.memory_space<vmem>> -> memref<1x128xi32, #tpu.memory_space<vmem>>
          %dma_wait3A_120 = tpu.memref_squeeze %dma_wait3A_119 : memref<1x128xi32, #tpu.memory_space<vmem>> -> memref<128xi32, #tpu.memory_space<vmem>>
          %dma_wait3A_121 = arith.constant 0 : i32
          %dma_wait3A_122 = arith.constant 0 : i32
          %dma_wait3A_123 = tpu.memref_slice %arg17[%dma_wait3A_121, %dma_wait3A_122] : memref<10112x64xf32, #tpu.memory_space<vmem_shared>> -> memref<10112x64xf32, #tpu.memory_space<vmem_shared>>
          tpu.wait_indirect_dma semaphore(%run_scoped3A : memref<!tpu.dma_semaphore, #tpu.memory_space<semaphore_mem>>) src(%arg9 : memref<128x64xf32, #tpu.memory_space<vmem>>) dst(%dma_wait3A_123 : memref<10112x64xf32, #tpu.memory_space<vmem_shared>>)
          tpu.yield
        }) : () -> ()
        %mul3A_54 = arith.constant 4 : i32
        %mul3A_55 = arith.muli %scan3A_37, %mul3A_54 : i32
        %add3A_56 = arith.constant 1 : i32
        %add3A_57 = arith.addi %mul3A_55, %add3A_56 : i32
        %add3A_58 = arith.constant 4 : i32
        %add3A_59 = arith.addi %add3A_57, %add3A_58 : i32
        %sub3A_60 = arith.constant 1 : i32
        %sub3A_61 = arith.subi %add3A_59, %sub3A_60 : i32
        %lt3A_62 = arith.constant 80 : i32
        %lt3A_63 = arith.cmpi slt, %sub3A_61, %lt3A_62 : i32
        %convert_element_type3A_64 = arith.extui %lt3A_63 : i1 to i32
        %cond3A_65 = arith.constant 0 : i32
        %cond3A_66 = arith.cmpi ne, %convert_element_type3A_64, %cond3A_65 : i32
        scf.if %cond3A_66 {
          %dma_start3A_112 = arith.constant 0 : i32
          %dma_start3A_113 = tpu.memref_slice %arg7[%sub3A_61, %dma_start3A_112] : memref<80x128xi32, #tpu.memory_space<vmem>> -> memref<1x128xi32, #tpu.memory_space<vmem>>
          %dma_start3A_114 = tpu.memref_squeeze %dma_start3A_113 : memref<1x128xi32, #tpu.memory_space<vmem>> -> memref<128xi32, #tpu.memory_space<vmem>>
          %dma_start3A_115 = arith.constant 0 : i32
          %dma_start3A_116 = arith.constant 0 : i32
          %dma_start3A_117 = tpu.memref_slice %arg2[%dma_start3A_115, %dma_start3A_116] : memref<80896x64xf32, #tpu.memory_space<hbm>> -> memref<80896x64xf32, #tpu.memory_space<hbm>>
          tpu.enqueue_indirect_dma source(%dma_start3A_117 : memref<80896x64xf32, #tpu.memory_space<hbm>>) target(%arg9 : memref<128x64xf32, #tpu.memory_space<vmem>>) offsets(%dma_start3A_114 : memref<128xi32, #tpu.memory_space<vmem>>) semaphore(%arg13 : memref<!tpu.dma_semaphore, #tpu.memory_space<semaphore_mem>>)
        } else {
        }
        %dma_wait3A_67 = arith.constant 0 : i32
        %dma_wait3A_68 = tpu.memref_slice %arg7[%add3A_57, %dma_wait3A_67] : memref<80x128xi32, #tpu.memory_space<vmem>> -> memref<1x128xi32, #tpu.memory_space<vmem>>
        %dma_wait3A_69 = tpu.memref_squeeze %dma_wait3A_68 : memref<1x128xi32, #tpu.memory_space<vmem>> -> memref<128xi32, #tpu.memory_space<vmem>>
        %dma_wait3A_70 = arith.constant 0 : i32
        %dma_wait3A_71 = arith.constant 0 : i32
        %dma_wait3A_72 = tpu.memref_slice %arg2[%dma_wait3A_70, %dma_wait3A_71] : memref<80896x64xf32, #tpu.memory_space<hbm>> -> memref<80896x64xf32, #tpu.memory_space<hbm>>
        tpu.wait_indirect_dma semaphore(%arg14 : memref<!tpu.dma_semaphore, #tpu.memory_space<semaphore_mem>>) src(%dma_wait3A_72 : memref<80896x64xf32, #tpu.memory_space<hbm>>) dst(%arg10 : memref<128x64xf32, #tpu.memory_space<vmem>>)
        "tpu.region"() ({
          %run_scoped3A = tpu.sem_alloc : memref<!tpu.dma_semaphore, #tpu.memory_space<semaphore_mem>>
          %dma_start3A_112 = arith.constant 0 : i32
          %dma_start3A_113 = tpu.memref_slice %arg8[%add3A_57, %dma_start3A_112] : memref<80x128xi32, #tpu.memory_space<vmem>> -> memref<1x128xi32, #tpu.memory_space<vmem>>
          %dma_start3A_114 = tpu.memref_squeeze %dma_start3A_113 : memref<1x128xi32, #tpu.memory_space<vmem>> -> memref<128xi32, #tpu.memory_space<vmem>>
          %dma_start3A_115 = arith.constant 0 : i32
          %dma_start3A_116 = arith.constant 0 : i32
          %dma_start3A_117 = tpu.memref_slice %arg17[%dma_start3A_115, %dma_start3A_116] : memref<10112x64xf32, #tpu.memory_space<vmem_shared>> -> memref<10112x64xf32, #tpu.memory_space<vmem_shared>>
          tpu.enqueue_indirect_dma source(%arg10 : memref<128x64xf32, #tpu.memory_space<vmem>>) target(%dma_start3A_117 : memref<10112x64xf32, #tpu.memory_space<vmem_shared>>) offsets(%dma_start3A_114 : memref<128xi32, #tpu.memory_space<vmem>>) semaphore(%run_scoped3A : memref<!tpu.dma_semaphore, #tpu.memory_space<semaphore_mem>>) {add = true}
          %dma_wait3A_118 = arith.constant 0 : i32
          %dma_wait3A_119 = tpu.memref_slice %arg8[%add3A_57, %dma_wait3A_118] : memref<80x128xi32, #tpu.memory_space<vmem>> -> memref<1x128xi32, #tpu.memory_space<vmem>>
          %dma_wait3A_120 = tpu.memref_squeeze %dma_wait3A_119 : memref<1x128xi32, #tpu.memory_space<vmem>> -> memref<128xi32, #tpu.memory_space<vmem>>
          %dma_wait3A_121 = arith.constant 0 : i32
          %dma_wait3A_122 = arith.constant 0 : i32
          %dma_wait3A_123 = tpu.memref_slice %arg17[%dma_wait3A_121, %dma_wait3A_122] : memref<10112x64xf32, #tpu.memory_space<vmem_shared>> -> memref<10112x64xf32, #tpu.memory_space<vmem_shared>>
          tpu.wait_indirect_dma semaphore(%run_scoped3A : memref<!tpu.dma_semaphore, #tpu.memory_space<semaphore_mem>>) src(%arg10 : memref<128x64xf32, #tpu.memory_space<vmem>>) dst(%dma_wait3A_123 : memref<10112x64xf32, #tpu.memory_space<vmem_shared>>)
          tpu.yield
        }) : () -> ()
        %mul3A_73 = arith.constant 4 : i32
        %mul3A_74 = arith.muli %scan3A_37, %mul3A_73 : i32
        %add3A_75 = arith.constant 2 : i32
        %add3A_76 = arith.addi %mul3A_74, %add3A_75 : i32
        %add3A_77 = arith.constant 4 : i32
        %add3A_78 = arith.addi %add3A_76, %add3A_77 : i32
        %sub3A_79 = arith.constant 1 : i32
        %sub3A_80 = arith.subi %add3A_78, %sub3A_79 : i32
        %lt3A_81 = arith.constant 80 : i32
        %lt3A_82 = arith.cmpi slt, %sub3A_80, %lt3A_81 : i32
        %convert_element_type3A_83 = arith.extui %lt3A_82 : i1 to i32
        %cond3A_84 = arith.constant 0 : i32
        %cond3A_85 = arith.cmpi ne, %convert_element_type3A_83, %cond3A_84 : i32
        scf.if %cond3A_85 {
          %dma_start3A_112 = arith.constant 0 : i32
          %dma_start3A_113 = tpu.memref_slice %arg7[%sub3A_80, %dma_start3A_112] : memref<80x128xi32, #tpu.memory_space<vmem>> -> memref<1x128xi32, #tpu.memory_space<vmem>>
          %dma_start3A_114 = tpu.memref_squeeze %dma_start3A_113 : memref<1x128xi32, #tpu.memory_space<vmem>> -> memref<128xi32, #tpu.memory_space<vmem>>
          %dma_start3A_115 = arith.constant 0 : i32
          %dma_start3A_116 = arith.constant 0 : i32
          %dma_start3A_117 = tpu.memref_slice %arg2[%dma_start3A_115, %dma_start3A_116] : memref<80896x64xf32, #tpu.memory_space<hbm>> -> memref<80896x64xf32, #tpu.memory_space<hbm>>
          tpu.enqueue_indirect_dma source(%dma_start3A_117 : memref<80896x64xf32, #tpu.memory_space<hbm>>) target(%arg10 : memref<128x64xf32, #tpu.memory_space<vmem>>) offsets(%dma_start3A_114 : memref<128xi32, #tpu.memory_space<vmem>>) semaphore(%arg14 : memref<!tpu.dma_semaphore, #tpu.memory_space<semaphore_mem>>)
        } else {
        }
        %dma_wait3A_86 = arith.constant 0 : i32
        %dma_wait3A_87 = tpu.memref_slice %arg7[%add3A_76, %dma_wait3A_86] : memref<80x128xi32, #tpu.memory_space<vmem>> -> memref<1x128xi32, #tpu.memory_space<vmem>>
        %dma_wait3A_88 = tpu.memref_squeeze %dma_wait3A_87 : memref<1x128xi32, #tpu.memory_space<vmem>> -> memref<128xi32, #tpu.memory_space<vmem>>
        %dma_wait3A_89 = arith.constant 0 : i32
        %dma_wait3A_90 = arith.constant 0 : i32
        %dma_wait3A_91 = tpu.memref_slice %arg2[%dma_wait3A_89, %dma_wait3A_90] : memref<80896x64xf32, #tpu.memory_space<hbm>> -> memref<80896x64xf32, #tpu.memory_space<hbm>>
        tpu.wait_indirect_dma semaphore(%arg15 : memref<!tpu.dma_semaphore, #tpu.memory_space<semaphore_mem>>) src(%dma_wait3A_91 : memref<80896x64xf32, #tpu.memory_space<hbm>>) dst(%arg11 : memref<128x64xf32, #tpu.memory_space<vmem>>)
        "tpu.region"() ({
          %run_scoped3A = tpu.sem_alloc : memref<!tpu.dma_semaphore, #tpu.memory_space<semaphore_mem>>
          %dma_start3A_112 = arith.constant 0 : i32
          %dma_start3A_113 = tpu.memref_slice %arg8[%add3A_76, %dma_start3A_112] : memref<80x128xi32, #tpu.memory_space<vmem>> -> memref<1x128xi32, #tpu.memory_space<vmem>>
          %dma_start3A_114 = tpu.memref_squeeze %dma_start3A_113 : memref<1x128xi32, #tpu.memory_space<vmem>> -> memref<128xi32, #tpu.memory_space<vmem>>
          %dma_start3A_115 = arith.constant 0 : i32
          %dma_start3A_116 = arith.constant 0 : i32
          %dma_start3A_117 = tpu.memref_slice %arg17[%dma_start3A_115, %dma_start3A_116] : memref<10112x64xf32, #tpu.memory_space<vmem_shared>> -> memref<10112x64xf32, #tpu.memory_space<vmem_shared>>
          tpu.enqueue_indirect_dma source(%arg11 : memref<128x64xf32, #tpu.memory_space<vmem>>) target(%dma_start3A_117 : memref<10112x64xf32, #tpu.memory_space<vmem_shared>>) offsets(%dma_start3A_114 : memref<128xi32, #tpu.memory_space<vmem>>) semaphore(%run_scoped3A : memref<!tpu.dma_semaphore, #tpu.memory_space<semaphore_mem>>) {add = true}
          %dma_wait3A_118 = arith.constant 0 : i32
          %dma_wait3A_119 = tpu.memref_slice %arg8[%add3A_76, %dma_wait3A_118] : memref<80x128xi32, #tpu.memory_space<vmem>> -> memref<1x128xi32, #tpu.memory_space<vmem>>
          %dma_wait3A_120 = tpu.memref_squeeze %dma_wait3A_119 : memref<1x128xi32, #tpu.memory_space<vmem>> -> memref<128xi32, #tpu.memory_space<vmem>>
          %dma_wait3A_121 = arith.constant 0 : i32
          %dma_wait3A_122 = arith.constant 0 : i32
          %dma_wait3A_123 = tpu.memref_slice %arg17[%dma_wait3A_121, %dma_wait3A_122] : memref<10112x64xf32, #tpu.memory_space<vmem_shared>> -> memref<10112x64xf32, #tpu.memory_space<vmem_shared>>
          tpu.wait_indirect_dma semaphore(%run_scoped3A : memref<!tpu.dma_semaphore, #tpu.memory_space<semaphore_mem>>) src(%arg11 : memref<128x64xf32, #tpu.memory_space<vmem>>) dst(%dma_wait3A_123 : memref<10112x64xf32, #tpu.memory_space<vmem_shared>>)
          tpu.yield
        }) : () -> ()
        %mul3A_92 = arith.constant 4 : i32
        %mul3A_93 = arith.muli %scan3A_37, %mul3A_92 : i32
        %add3A_94 = arith.constant 3 : i32
        %add3A_95 = arith.addi %mul3A_93, %add3A_94 : i32
        %add3A_96 = arith.constant 4 : i32
        %add3A_97 = arith.addi %add3A_95, %add3A_96 : i32
        %sub3A_98 = arith.constant 1 : i32
        %sub3A_99 = arith.subi %add3A_97, %sub3A_98 : i32
        %lt3A_100 = arith.constant 80 : i32
        %lt3A_101 = arith.cmpi slt, %sub3A_99, %lt3A_100 : i32
        %convert_element_type3A_102 = arith.extui %lt3A_101 : i1 to i32
        %cond3A_103 = arith.constant 0 : i32
        %cond3A_104 = arith.cmpi ne, %convert_element_type3A_102, %cond3A_103 : i32
        scf.if %cond3A_104 {
          %dma_start3A_112 = arith.constant 0 : i32
          %dma_start3A_113 = tpu.memref_slice %arg7[%sub3A_99, %dma_start3A_112] : memref<80x128xi32, #tpu.memory_space<vmem>> -> memref<1x128xi32, #tpu.memory_space<vmem>>
          %dma_start3A_114 = tpu.memref_squeeze %dma_start3A_113 : memref<1x128xi32, #tpu.memory_space<vmem>> -> memref<128xi32, #tpu.memory_space<vmem>>
          %dma_start3A_115 = arith.constant 0 : i32
          %dma_start3A_116 = arith.constant 0 : i32
          %dma_start3A_117 = tpu.memref_slice %arg2[%dma_start3A_115, %dma_start3A_116] : memref<80896x64xf32, #tpu.memory_space<hbm>> -> memref<80896x64xf32, #tpu.memory_space<hbm>>
          tpu.enqueue_indirect_dma source(%dma_start3A_117 : memref<80896x64xf32, #tpu.memory_space<hbm>>) target(%arg11 : memref<128x64xf32, #tpu.memory_space<vmem>>) offsets(%dma_start3A_114 : memref<128xi32, #tpu.memory_space<vmem>>) semaphore(%arg15 : memref<!tpu.dma_semaphore, #tpu.memory_space<semaphore_mem>>)
        } else {
        }
        %dma_wait3A_105 = arith.constant 0 : i32
        %dma_wait3A_106 = tpu.memref_slice %arg7[%add3A_95, %dma_wait3A_105] : memref<80x128xi32, #tpu.memory_space<vmem>> -> memref<1x128xi32, #tpu.memory_space<vmem>>
        %dma_wait3A_107 = tpu.memref_squeeze %dma_wait3A_106 : memref<1x128xi32, #tpu.memory_space<vmem>> -> memref<128xi32, #tpu.memory_space<vmem>>
        %dma_wait3A_108 = arith.constant 0 : i32
        %dma_wait3A_109 = arith.constant 0 : i32
        %dma_wait3A_110 = tpu.memref_slice %arg2[%dma_wait3A_108, %dma_wait3A_109] : memref<80896x64xf32, #tpu.memory_space<hbm>> -> memref<80896x64xf32, #tpu.memory_space<hbm>>
        tpu.wait_indirect_dma semaphore(%arg16 : memref<!tpu.dma_semaphore, #tpu.memory_space<semaphore_mem>>) src(%dma_wait3A_110 : memref<80896x64xf32, #tpu.memory_space<hbm>>) dst(%arg12 : memref<128x64xf32, #tpu.memory_space<vmem>>)
        "tpu.region"() ({
          %run_scoped3A = tpu.sem_alloc : memref<!tpu.dma_semaphore, #tpu.memory_space<semaphore_mem>>
          %dma_start3A_112 = arith.constant 0 : i32
          %dma_start3A_113 = tpu.memref_slice %arg8[%add3A_95, %dma_start3A_112] : memref<80x128xi32, #tpu.memory_space<vmem>> -> memref<1x128xi32, #tpu.memory_space<vmem>>
          %dma_start3A_114 = tpu.memref_squeeze %dma_start3A_113 : memref<1x128xi32, #tpu.memory_space<vmem>> -> memref<128xi32, #tpu.memory_space<vmem>>
          %dma_start3A_115 = arith.constant 0 : i32
          %dma_start3A_116 = arith.constant 0 : i32
          %dma_start3A_117 = tpu.memref_slice %arg17[%dma_start3A_115, %dma_start3A_116] : memref<10112x64xf32, #tpu.memory_space<vmem_shared>> -> memref<10112x64xf32, #tpu.memory_space<vmem_shared>>
          tpu.enqueue_indirect_dma source(%arg12 : memref<128x64xf32, #tpu.memory_space<vmem>>) target(%dma_start3A_117 : memref<10112x64xf32, #tpu.memory_space<vmem_shared>>) offsets(%dma_start3A_114 : memref<128xi32, #tpu.memory_space<vmem>>) semaphore(%run_scoped3A : memref<!tpu.dma_semaphore, #tpu.memory_space<semaphore_mem>>) {add = true}
          %dma_wait3A_118 = arith.constant 0 : i32
          %dma_wait3A_119 = tpu.memref_slice %arg8[%add3A_95, %dma_wait3A_118] : memref<80x128xi32, #tpu.memory_space<vmem>> -> memref<1x128xi32, #tpu.memory_space<vmem>>
          %dma_wait3A_120 = tpu.memref_squeeze %dma_wait3A_119 : memref<1x128xi32, #tpu.memory_space<vmem>> -> memref<128xi32, #tpu.memory_space<vmem>>
          %dma_wait3A_121 = arith.constant 0 : i32
          %dma_wait3A_122 = arith.constant 0 : i32
          %dma_wait3A_123 = tpu.memref_slice %arg17[%dma_wait3A_121, %dma_wait3A_122] : memref<10112x64xf32, #tpu.memory_space<vmem_shared>> -> memref<10112x64xf32, #tpu.memory_space<vmem_shared>>
          tpu.wait_indirect_dma semaphore(%run_scoped3A : memref<!tpu.dma_semaphore, #tpu.memory_space<semaphore_mem>>) src(%arg12 : memref<128x64xf32, #tpu.memory_space<vmem>>) dst(%dma_wait3A_123 : memref<10112x64xf32, #tpu.memory_space<vmem_shared>>)
          tpu.yield
        }) : () -> ()
        %scan3A_111 = arith.constant 0 : i32
        scf.yield %scan3A_111 : i32
      }
      %scan3A_35 = arith.constant 20 : i32
      %barrier3A_36 = arith.constant 0 : index
      tpu.barrier barrier_id(%barrier3A_36)
      "tpu.region"() ({
        %run_scoped3A = tpu.sem_alloc : memref<!tpu.dma_semaphore, #tpu.memory_space<semaphore_mem>>
        %dma_start3A_37 = arith.constant 0 : i32
        %dma_start3A_38 = tpu.memref_slice %arg6[%arg0, %mul3A_0, %dma_start3A_37] : memref<2x10112x64xf32, #tpu.memory_space<hbm>> -> memref<1x632x64xf32, #tpu.memory_space<hbm>>
        %dma_start3A_39 = tpu.memref_squeeze %dma_start3A_38 : memref<1x632x64xf32, #tpu.memory_space<hbm>> -> memref<632x64xf32, #tpu.memory_space<hbm>>
        %dma_start3A_40 = arith.constant 0 : i32
        %dma_start3A_41 = tpu.memref_slice %arg17[%mul3A_0, %dma_start3A_40] : memref<10112x64xf32, #tpu.memory_space<vmem_shared>> -> memref<632x64xf32, #tpu.memory_space<vmem_shared>>
        tpu.enqueue_dma source(%dma_start3A_41 : memref<632x64xf32, #tpu.memory_space<vmem_shared>>) target(%dma_start3A_39 : memref<632x64xf32, #tpu.memory_space<hbm>>) target_semaphore(%run_scoped3A : memref<!tpu.dma_semaphore, #tpu.memory_space<semaphore_mem>>)
        %dma_wait3A = arith.constant 0 : i32
        %dma_wait3A_42 = tpu.memref_slice %arg6[%arg0, %mul3A_0, %dma_wait3A] : memref<2x10112x64xf32, #tpu.memory_space<hbm>> -> memref<1x632x64xf32, #tpu.memory_space<hbm>>
        %dma_wait3A_43 = tpu.memref_squeeze %dma_wait3A_42 : memref<1x632x64xf32, #tpu.memory_space<hbm>> -> memref<632x64xf32, #tpu.memory_space<hbm>>
        %dma_wait3A_44 = arith.constant 0 : i32
        %dma_wait3A_45 = tpu.memref_slice %arg17[%mul3A_0, %dma_wait3A_44] : memref<10112x64xf32, #tpu.memory_space<vmem_shared>> -> memref<632x64xf32, #tpu.memory_space<vmem_shared>>
        tpu.wait_dma2 semaphore(%run_scoped3A : memref<!tpu.dma_semaphore, #tpu.memory_space<semaphore_mem>>) src(%dma_wait3A_45 : memref<632x64xf32, #tpu.memory_space<vmem_shared>>) dst(%dma_wait3A_43 : memref<632x64xf32, #tpu.memory_space<hbm>>)
        tpu.yield
      }) : () -> ()
    } else {
    }
    %eq3A_3 = arith.constant 1 : i32
    %eq3A_4 = arith.cmpi eq, %arg0, %eq3A_3 : i32
    %convert_element_type3A_5 = arith.extui %eq3A_4 : i1 to i32
    %cond3A_6 = arith.constant 0 : i32
    %cond3A_7 = arith.cmpi ne, %convert_element_type3A_5, %cond3A_6 : i32
    scf.if %cond3A_7 {
      %mul3A_8 = arith.constant 80 : i32
      %mul3A_9 = arith.muli %arg1, %mul3A_8 : i32
      %add3A = arith.constant 1280 : i32
      %add3A_10 = arith.addi %add3A, %mul3A_9 : i32
      "tpu.region"() ({
        %run_scoped3A = tpu.sem_alloc : memref<!tpu.dma_semaphore, #tpu.memory_space<semaphore_mem>>
        %dma_start3A_38 = arith.constant 0 : i32
        %dma_start3A_39 = arith.constant 0 : i32
        %dma_start3A_40 = tpu.memref_slice %arg7[%dma_start3A_38, %dma_start3A_39] : memref<80x128xi32, #tpu.memory_space<vmem>> -> memref<80x128xi32, #tpu.memory_space<vmem>>
        %dma_start3A_41 = arith.constant 0 : i32
        %dma_start3A_42 = tpu.memref_slice %arg3[%add3A_10, %dma_start3A_41] : memref<2560x128xi32, #tpu.memory_space<hbm>> -> memref<80x128xi32, #tpu.memory_space<hbm>>
        %dma_start3A_43 = arith.constant 0 : i32
        %dma_start3A_44 = arith.constant 0 : i32
        %dma_start3A_45 = tpu.memref_slice %arg7[%dma_start3A_43, %dma_start3A_44] : memref<80x128xi32, #tpu.memory_space<vmem>> -> memref<80x128xi32, #tpu.memory_space<vmem>>
        %dma_start3A_46 = arith.constant 0 : i32
        %dma_start3A_47 = tpu.memref_slice %arg3[%add3A_10, %dma_start3A_46] : memref<2560x128xi32, #tpu.memory_space<hbm>> -> memref<80x128xi32, #tpu.memory_space<hbm>>
        tpu.enqueue_dma source(%dma_start3A_47 : memref<80x128xi32, #tpu.memory_space<hbm>>) target(%dma_start3A_45 : memref<80x128xi32, #tpu.memory_space<vmem>>) target_semaphore(%run_scoped3A : memref<!tpu.dma_semaphore, #tpu.memory_space<semaphore_mem>>)
        %dma_wait3A = arith.constant 0 : i32
        %dma_wait3A_48 = arith.constant 0 : i32
        %dma_wait3A_49 = tpu.memref_slice %arg7[%dma_wait3A, %dma_wait3A_48] : memref<80x128xi32, #tpu.memory_space<vmem>> -> memref<80x128xi32, #tpu.memory_space<vmem>>
        %dma_wait3A_50 = arith.constant 0 : i32
        %dma_wait3A_51 = tpu.memref_slice %arg3[%add3A_10, %dma_wait3A_50] : memref<2560x128xi32, #tpu.memory_space<hbm>> -> memref<80x128xi32, #tpu.memory_space<hbm>>
        %dma_wait3A_52 = arith.constant 0 : i32
        %dma_wait3A_53 = arith.constant 0 : i32
        %dma_wait3A_54 = tpu.memref_slice %arg7[%dma_wait3A_52, %dma_wait3A_53] : memref<80x128xi32, #tpu.memory_space<vmem>> -> memref<80x128xi32, #tpu.memory_space<vmem>>
        %dma_wait3A_55 = arith.constant 0 : i32
        %dma_wait3A_56 = tpu.memref_slice %arg3[%add3A_10, %dma_wait3A_55] : memref<2560x128xi32, #tpu.memory_space<hbm>> -> memref<80x128xi32, #tpu.memory_space<hbm>>
        tpu.wait_dma2 semaphore(%run_scoped3A : memref<!tpu.dma_semaphore, #tpu.memory_space<semaphore_mem>>) src(%dma_wait3A_56 : memref<80x128xi32, #tpu.memory_space<hbm>>) dst(%dma_wait3A_54 : memref<80x128xi32, #tpu.memory_space<vmem>>)
        tpu.yield
      }) : () -> ()
      "tpu.region"() ({
        %run_scoped3A = tpu.sem_alloc : memref<!tpu.dma_semaphore, #tpu.memory_space<semaphore_mem>>
        %dma_start3A_38 = arith.constant 0 : i32
        %dma_start3A_39 = arith.constant 0 : i32
        %dma_start3A_40 = tpu.memref_slice %arg8[%dma_start3A_38, %dma_start3A_39] : memref<80x128xi32, #tpu.memory_space<vmem>> -> memref<80x128xi32, #tpu.memory_space<vmem>>
        %dma_start3A_41 = arith.constant 0 : i32
        %dma_start3A_42 = tpu.memref_slice %arg4[%add3A_10, %dma_start3A_41] : memref<2560x128xi32, #tpu.memory_space<hbm>> -> memref<80x128xi32, #tpu.memory_space<hbm>>
        %dma_start3A_43 = arith.constant 0 : i32
        %dma_start3A_44 = arith.constant 0 : i32
        %dma_start3A_45 = tpu.memref_slice %arg8[%dma_start3A_43, %dma_start3A_44] : memref<80x128xi32, #tpu.memory_space<vmem>> -> memref<80x128xi32, #tpu.memory_space<vmem>>
        %dma_start3A_46 = arith.constant 0 : i32
        %dma_start3A_47 = tpu.memref_slice %arg4[%add3A_10, %dma_start3A_46] : memref<2560x128xi32, #tpu.memory_space<hbm>> -> memref<80x128xi32, #tpu.memory_space<hbm>>
        tpu.enqueue_dma source(%dma_start3A_47 : memref<80x128xi32, #tpu.memory_space<hbm>>) target(%dma_start3A_45 : memref<80x128xi32, #tpu.memory_space<vmem>>) target_semaphore(%run_scoped3A : memref<!tpu.dma_semaphore, #tpu.memory_space<semaphore_mem>>)
        %dma_wait3A = arith.constant 0 : i32
        %dma_wait3A_48 = arith.constant 0 : i32
        %dma_wait3A_49 = tpu.memref_slice %arg8[%dma_wait3A, %dma_wait3A_48] : memref<80x128xi32, #tpu.memory_space<vmem>> -> memref<80x128xi32, #tpu.memory_space<vmem>>
        %dma_wait3A_50 = arith.constant 0 : i32
        %dma_wait3A_51 = tpu.memref_slice %arg4[%add3A_10, %dma_wait3A_50] : memref<2560x128xi32, #tpu.memory_space<hbm>> -> memref<80x128xi32, #tpu.memory_space<hbm>>
        %dma_wait3A_52 = arith.constant 0 : i32
        %dma_wait3A_53 = arith.constant 0 : i32
        %dma_wait3A_54 = tpu.memref_slice %arg8[%dma_wait3A_52, %dma_wait3A_53] : memref<80x128xi32, #tpu.memory_space<vmem>> -> memref<80x128xi32, #tpu.memory_space<vmem>>
        %dma_wait3A_55 = arith.constant 0 : i32
        %dma_wait3A_56 = tpu.memref_slice %arg4[%add3A_10, %dma_wait3A_55] : memref<2560x128xi32, #tpu.memory_space<hbm>> -> memref<80x128xi32, #tpu.memory_space<hbm>>
        tpu.wait_dma2 semaphore(%run_scoped3A : memref<!tpu.dma_semaphore, #tpu.memory_space<semaphore_mem>>) src(%dma_wait3A_56 : memref<80x128xi32, #tpu.memory_space<hbm>>) dst(%dma_wait3A_54 : memref<80x128xi32, #tpu.memory_space<vmem>>)
        tpu.yield
      }) : () -> ()
      %barrier3A = arith.constant 0 : index
      tpu.barrier barrier_id(%barrier3A)
      %dma_start3A = arith.constant 0 : i32
      %dma_start3A_11 = arith.constant 0 : i32
      %dma_start3A_12 = tpu.memref_slice %arg7[%dma_start3A, %dma_start3A_11] : memref<80x128xi32, #tpu.memory_space<vmem>> -> memref<1x128xi32, #tpu.memory_space<vmem>>
      %dma_start3A_13 = tpu.memref_squeeze %dma_start3A_12 : memref<1x128xi32, #tpu.memory_space<vmem>> -> memref<128xi32, #tpu.memory_space<vmem>>
      %dma_start3A_14 = arith.constant 0 : i32
      %dma_start3A_15 = arith.constant 0 : i32
      %dma_start3A_16 = tpu.memref_slice %arg2[%dma_start3A_14, %dma_start3A_15] : memref<80896x64xf32, #tpu.memory_space<hbm>> -> memref<80896x64xf32, #tpu.memory_space<hbm>>
      tpu.enqueue_indirect_dma source(%dma_start3A_16 : memref<80896x64xf32, #tpu.memory_space<hbm>>) target(%arg9 : memref<128x64xf32, #tpu.memory_space<vmem>>) offsets(%dma_start3A_13 : memref<128xi32, #tpu.memory_space<vmem>>) semaphore(%arg13 : memref<!tpu.dma_semaphore, #tpu.memory_space<semaphore_mem>>)
      %dma_start3A_17 = arith.constant 1 : i32
      %dma_start3A_18 = arith.constant 0 : i32
      %dma_start3A_19 = tpu.memref_slice %arg7[%dma_start3A_17, %dma_start3A_18] : memref<80x128xi32, #tpu.memory_space<vmem>> -> memref<1x128xi32, #tpu.memory_space<vmem>>
      %dma_start3A_20 = tpu.memref_squeeze %dma_start3A_19 : memref<1x128xi32, #tpu.memory_space<vmem>> -> memref<128xi32, #tpu.memory_space<vmem>>
      %dma_start3A_21 = arith.constant 0 : i32
      %dma_start3A_22 = arith.constant 0 : i32
      %dma_start3A_23 = tpu.memref_slice %arg2[%dma_start3A_21, %dma_start3A_22] : memref<80896x64xf32, #tpu.memory_space<hbm>> -> memref<80896x64xf32, #tpu.memory_space<hbm>>
      tpu.enqueue_indirect_dma source(%dma_start3A_23 : memref<80896x64xf32, #tpu.memory_space<hbm>>) target(%arg10 : memref<128x64xf32, #tpu.memory_space<vmem>>) offsets(%dma_start3A_20 : memref<128xi32, #tpu.memory_space<vmem>>) semaphore(%arg14 : memref<!tpu.dma_semaphore, #tpu.memory_space<semaphore_mem>>)
      %dma_start3A_24 = arith.constant 2 : i32
      %dma_start3A_25 = arith.constant 0 : i32
      %dma_start3A_26 = tpu.memref_slice %arg7[%dma_start3A_24, %dma_start3A_25] : memref<80x128xi32, #tpu.memory_space<vmem>> -> memref<1x128xi32, #tpu.memory_space<vmem>>
      %dma_start3A_27 = tpu.memref_squeeze %dma_start3A_26 : memref<1x128xi32, #tpu.memory_space<vmem>> -> memref<128xi32, #tpu.memory_space<vmem>>
      %dma_start3A_28 = arith.constant 0 : i32
      %dma_start3A_29 = arith.constant 0 : i32
      %dma_start3A_30 = tpu.memref_slice %arg2[%dma_start3A_28, %dma_start3A_29] : memref<80896x64xf32, #tpu.memory_space<hbm>> -> memref<80896x64xf32, #tpu.memory_space<hbm>>
      tpu.enqueue_indirect_dma source(%dma_start3A_30 : memref<80896x64xf32, #tpu.memory_space<hbm>>) target(%arg11 : memref<128x64xf32, #tpu.memory_space<vmem>>) offsets(%dma_start3A_27 : memref<128xi32, #tpu.memory_space<vmem>>) semaphore(%arg15 : memref<!tpu.dma_semaphore, #tpu.memory_space<semaphore_mem>>)
      %scan3A = arith.constant 0 : i32
      %scan3A_31 = arith.constant 0 : i32
      %scan3A_32 = arith.constant 20 : i32
      %scan3A_33 = arith.addi %scan3A_31, %scan3A_32 : i32
      %scan3A_34 = arith.constant 1 : i32
      %scan3A_35 = scf.for %scan3A_38 = %scan3A_31 to %scan3A_33 step %scan3A_34 iter_args(%scan3A_39 = %scan3A) -> (i32)  : i32 {
        %mul3A_40 = arith.constant 4 : i32
        %mul3A_41 = arith.muli %scan3A_38, %mul3A_40 : i32
        %add3A_42 = arith.constant 0 : i32
        %add3A_43 = arith.addi %mul3A_41, %add3A_42 : i32
        %add3A_44 = arith.constant 4 : i32
        %add3A_45 = arith.addi %add3A_43, %add3A_44 : i32
        %sub3A = arith.constant 1 : i32
        %sub3A_46 = arith.subi %add3A_45, %sub3A : i32
        %lt3A = arith.constant 80 : i32
        %lt3A_47 = arith.cmpi slt, %sub3A_46, %lt3A : i32
        %convert_element_type3A_48 = arith.extui %lt3A_47 : i1 to i32
        %cond3A_49 = arith.constant 0 : i32
        %cond3A_50 = arith.cmpi ne, %convert_element_type3A_48, %cond3A_49 : i32
        scf.if %cond3A_50 {
          %dma_start3A_114 = arith.constant 0 : i32
          %dma_start3A_115 = tpu.memref_slice %arg7[%sub3A_46, %dma_start3A_114] : memref<80x128xi32, #tpu.memory_space<vmem>> -> memref<1x128xi32, #tpu.memory_space<vmem>>
          %dma_start3A_116 = tpu.memref_squeeze %dma_start3A_115 : memref<1x128xi32, #tpu.memory_space<vmem>> -> memref<128xi32, #tpu.memory_space<vmem>>
          %dma_start3A_117 = arith.constant 0 : i32
          %dma_start3A_118 = arith.constant 0 : i32
          %dma_start3A_119 = tpu.memref_slice %arg2[%dma_start3A_117, %dma_start3A_118] : memref<80896x64xf32, #tpu.memory_space<hbm>> -> memref<80896x64xf32, #tpu.memory_space<hbm>>
          tpu.enqueue_indirect_dma source(%dma_start3A_119 : memref<80896x64xf32, #tpu.memory_space<hbm>>) target(%arg12 : memref<128x64xf32, #tpu.memory_space<vmem>>) offsets(%dma_start3A_116 : memref<128xi32, #tpu.memory_space<vmem>>) semaphore(%arg16 : memref<!tpu.dma_semaphore, #tpu.memory_space<semaphore_mem>>)
        } else {
        }
        %dma_wait3A = arith.constant 0 : i32
        %dma_wait3A_51 = tpu.memref_slice %arg7[%add3A_43, %dma_wait3A] : memref<80x128xi32, #tpu.memory_space<vmem>> -> memref<1x128xi32, #tpu.memory_space<vmem>>
        %dma_wait3A_52 = tpu.memref_squeeze %dma_wait3A_51 : memref<1x128xi32, #tpu.memory_space<vmem>> -> memref<128xi32, #tpu.memory_space<vmem>>
        %dma_wait3A_53 = arith.constant 0 : i32
        %dma_wait3A_54 = arith.constant 0 : i32
        %dma_wait3A_55 = tpu.memref_slice %arg2[%dma_wait3A_53, %dma_wait3A_54] : memref<80896x64xf32, #tpu.memory_space<hbm>> -> memref<80896x64xf32, #tpu.memory_space<hbm>>
        tpu.wait_indirect_dma semaphore(%arg13 : memref<!tpu.dma_semaphore, #tpu.memory_space<semaphore_mem>>) src(%dma_wait3A_55 : memref<80896x64xf32, #tpu.memory_space<hbm>>) dst(%arg9 : memref<128x64xf32, #tpu.memory_space<vmem>>)
        "tpu.region"() ({
          %run_scoped3A = tpu.sem_alloc : memref<!tpu.dma_semaphore, #tpu.memory_space<semaphore_mem>>
          %dma_start3A_114 = arith.constant 0 : i32
          %dma_start3A_115 = tpu.memref_slice %arg8[%add3A_43, %dma_start3A_114] : memref<80x128xi32, #tpu.memory_space<vmem>> -> memref<1x128xi32, #tpu.memory_space<vmem>>
          %dma_start3A_116 = tpu.memref_squeeze %dma_start3A_115 : memref<1x128xi32, #tpu.memory_space<vmem>> -> memref<128xi32, #tpu.memory_space<vmem>>
          %dma_start3A_117 = arith.constant 0 : i32
          %dma_start3A_118 = arith.constant 0 : i32
          %dma_start3A_119 = tpu.memref_slice %arg17[%dma_start3A_117, %dma_start3A_118] : memref<10112x64xf32, #tpu.memory_space<vmem_shared>> -> memref<10112x64xf32, #tpu.memory_space<vmem_shared>>
          tpu.enqueue_indirect_dma source(%arg9 : memref<128x64xf32, #tpu.memory_space<vmem>>) target(%dma_start3A_119 : memref<10112x64xf32, #tpu.memory_space<vmem_shared>>) offsets(%dma_start3A_116 : memref<128xi32, #tpu.memory_space<vmem>>) semaphore(%run_scoped3A : memref<!tpu.dma_semaphore, #tpu.memory_space<semaphore_mem>>) {add = true}
          %dma_wait3A_120 = arith.constant 0 : i32
          %dma_wait3A_121 = tpu.memref_slice %arg8[%add3A_43, %dma_wait3A_120] : memref<80x128xi32, #tpu.memory_space<vmem>> -> memref<1x128xi32, #tpu.memory_space<vmem>>
          %dma_wait3A_122 = tpu.memref_squeeze %dma_wait3A_121 : memref<1x128xi32, #tpu.memory_space<vmem>> -> memref<128xi32, #tpu.memory_space<vmem>>
          %dma_wait3A_123 = arith.constant 0 : i32
          %dma_wait3A_124 = arith.constant 0 : i32
          %dma_wait3A_125 = tpu.memref_slice %arg17[%dma_wait3A_123, %dma_wait3A_124] : memref<10112x64xf32, #tpu.memory_space<vmem_shared>> -> memref<10112x64xf32, #tpu.memory_space<vmem_shared>>
          tpu.wait_indirect_dma semaphore(%run_scoped3A : memref<!tpu.dma_semaphore, #tpu.memory_space<semaphore_mem>>) src(%arg9 : memref<128x64xf32, #tpu.memory_space<vmem>>) dst(%dma_wait3A_125 : memref<10112x64xf32, #tpu.memory_space<vmem_shared>>)
          tpu.yield
        }) : () -> ()
        %mul3A_56 = arith.constant 4 : i32
        %mul3A_57 = arith.muli %scan3A_38, %mul3A_56 : i32
        %add3A_58 = arith.constant 1 : i32
        %add3A_59 = arith.addi %mul3A_57, %add3A_58 : i32
        %add3A_60 = arith.constant 4 : i32
        %add3A_61 = arith.addi %add3A_59, %add3A_60 : i32
        %sub3A_62 = arith.constant 1 : i32
        %sub3A_63 = arith.subi %add3A_61, %sub3A_62 : i32
        %lt3A_64 = arith.constant 80 : i32
        %lt3A_65 = arith.cmpi slt, %sub3A_63, %lt3A_64 : i32
        %convert_element_type3A_66 = arith.extui %lt3A_65 : i1 to i32
        %cond3A_67 = arith.constant 0 : i32
        %cond3A_68 = arith.cmpi ne, %convert_element_type3A_66, %cond3A_67 : i32
        scf.if %cond3A_68 {
          %dma_start3A_114 = arith.constant 0 : i32
          %dma_start3A_115 = tpu.memref_slice %arg7[%sub3A_63, %dma_start3A_114] : memref<80x128xi32, #tpu.memory_space<vmem>> -> memref<1x128xi32, #tpu.memory_space<vmem>>
          %dma_start3A_116 = tpu.memref_squeeze %dma_start3A_115 : memref<1x128xi32, #tpu.memory_space<vmem>> -> memref<128xi32, #tpu.memory_space<vmem>>
          %dma_start3A_117 = arith.constant 0 : i32
          %dma_start3A_118 = arith.constant 0 : i32
          %dma_start3A_119 = tpu.memref_slice %arg2[%dma_start3A_117, %dma_start3A_118] : memref<80896x64xf32, #tpu.memory_space<hbm>> -> memref<80896x64xf32, #tpu.memory_space<hbm>>
          tpu.enqueue_indirect_dma source(%dma_start3A_119 : memref<80896x64xf32, #tpu.memory_space<hbm>>) target(%arg9 : memref<128x64xf32, #tpu.memory_space<vmem>>) offsets(%dma_start3A_116 : memref<128xi32, #tpu.memory_space<vmem>>) semaphore(%arg13 : memref<!tpu.dma_semaphore, #tpu.memory_space<semaphore_mem>>)
        } else {
        }
        %dma_wait3A_69 = arith.constant 0 : i32
        %dma_wait3A_70 = tpu.memref_slice %arg7[%add3A_59, %dma_wait3A_69] : memref<80x128xi32, #tpu.memory_space<vmem>> -> memref<1x128xi32, #tpu.memory_space<vmem>>
        %dma_wait3A_71 = tpu.memref_squeeze %dma_wait3A_70 : memref<1x128xi32, #tpu.memory_space<vmem>> -> memref<128xi32, #tpu.memory_space<vmem>>
        %dma_wait3A_72 = arith.constant 0 : i32
        %dma_wait3A_73 = arith.constant 0 : i32
        %dma_wait3A_74 = tpu.memref_slice %arg2[%dma_wait3A_72, %dma_wait3A_73] : memref<80896x64xf32, #tpu.memory_space<hbm>> -> memref<80896x64xf32, #tpu.memory_space<hbm>>
        tpu.wait_indirect_dma semaphore(%arg14 : memref<!tpu.dma_semaphore, #tpu.memory_space<semaphore_mem>>) src(%dma_wait3A_74 : memref<80896x64xf32, #tpu.memory_space<hbm>>) dst(%arg10 : memref<128x64xf32, #tpu.memory_space<vmem>>)
        "tpu.region"() ({
          %run_scoped3A = tpu.sem_alloc : memref<!tpu.dma_semaphore, #tpu.memory_space<semaphore_mem>>
          %dma_start3A_114 = arith.constant 0 : i32
          %dma_start3A_115 = tpu.memref_slice %arg8[%add3A_59, %dma_start3A_114] : memref<80x128xi32, #tpu.memory_space<vmem>> -> memref<1x128xi32, #tpu.memory_space<vmem>>
          %dma_start3A_116 = tpu.memref_squeeze %dma_start3A_115 : memref<1x128xi32, #tpu.memory_space<vmem>> -> memref<128xi32, #tpu.memory_space<vmem>>
          %dma_start3A_117 = arith.constant 0 : i32
          %dma_start3A_118 = arith.constant 0 : i32
          %dma_start3A_119 = tpu.memref_slice %arg17[%dma_start3A_117, %dma_start3A_118] : memref<10112x64xf32, #tpu.memory_space<vmem_shared>> -> memref<10112x64xf32, #tpu.memory_space<vmem_shared>>
          tpu.enqueue_indirect_dma source(%arg10 : memref<128x64xf32, #tpu.memory_space<vmem>>) target(%dma_start3A_119 : memref<10112x64xf32, #tpu.memory_space<vmem_shared>>) offsets(%dma_start3A_116 : memref<128xi32, #tpu.memory_space<vmem>>) semaphore(%run_scoped3A : memref<!tpu.dma_semaphore, #tpu.memory_space<semaphore_mem>>) {add = true}
          %dma_wait3A_120 = arith.constant 0 : i32
          %dma_wait3A_121 = tpu.memref_slice %arg8[%add3A_59, %dma_wait3A_120] : memref<80x128xi32, #tpu.memory_space<vmem>> -> memref<1x128xi32, #tpu.memory_space<vmem>>
          %dma_wait3A_122 = tpu.memref_squeeze %dma_wait3A_121 : memref<1x128xi32, #tpu.memory_space<vmem>> -> memref<128xi32, #tpu.memory_space<vmem>>
          %dma_wait3A_123 = arith.constant 0 : i32
          %dma_wait3A_124 = arith.constant 0 : i32
          %dma_wait3A_125 = tpu.memref_slice %arg17[%dma_wait3A_123, %dma_wait3A_124] : memref<10112x64xf32, #tpu.memory_space<vmem_shared>> -> memref<10112x64xf32, #tpu.memory_space<vmem_shared>>
          tpu.wait_indirect_dma semaphore(%run_scoped3A : memref<!tpu.dma_semaphore, #tpu.memory_space<semaphore_mem>>) src(%arg10 : memref<128x64xf32, #tpu.memory_space<vmem>>) dst(%dma_wait3A_125 : memref<10112x64xf32, #tpu.memory_space<vmem_shared>>)
          tpu.yield
        }) : () -> ()
        %mul3A_75 = arith.constant 4 : i32
        %mul3A_76 = arith.muli %scan3A_38, %mul3A_75 : i32
        %add3A_77 = arith.constant 2 : i32
        %add3A_78 = arith.addi %mul3A_76, %add3A_77 : i32
        %add3A_79 = arith.constant 4 : i32
        %add3A_80 = arith.addi %add3A_78, %add3A_79 : i32
        %sub3A_81 = arith.constant 1 : i32
        %sub3A_82 = arith.subi %add3A_80, %sub3A_81 : i32
        %lt3A_83 = arith.constant 80 : i32
        %lt3A_84 = arith.cmpi slt, %sub3A_82, %lt3A_83 : i32
        %convert_element_type3A_85 = arith.extui %lt3A_84 : i1 to i32
        %cond3A_86 = arith.constant 0 : i32
        %cond3A_87 = arith.cmpi ne, %convert_element_type3A_85, %cond3A_86 : i32
        scf.if %cond3A_87 {
          %dma_start3A_114 = arith.constant 0 : i32
          %dma_start3A_115 = tpu.memref_slice %arg7[%sub3A_82, %dma_start3A_114] : memref<80x128xi32, #tpu.memory_space<vmem>> -> memref<1x128xi32, #tpu.memory_space<vmem>>
          %dma_start3A_116 = tpu.memref_squeeze %dma_start3A_115 : memref<1x128xi32, #tpu.memory_space<vmem>> -> memref<128xi32, #tpu.memory_space<vmem>>
          %dma_start3A_117 = arith.constant 0 : i32
          %dma_start3A_118 = arith.constant 0 : i32
          %dma_start3A_119 = tpu.memref_slice %arg2[%dma_start3A_117, %dma_start3A_118] : memref<80896x64xf32, #tpu.memory_space<hbm>> -> memref<80896x64xf32, #tpu.memory_space<hbm>>
          tpu.enqueue_indirect_dma source(%dma_start3A_119 : memref<80896x64xf32, #tpu.memory_space<hbm>>) target(%arg10 : memref<128x64xf32, #tpu.memory_space<vmem>>) offsets(%dma_start3A_116 : memref<128xi32, #tpu.memory_space<vmem>>) semaphore(%arg14 : memref<!tpu.dma_semaphore, #tpu.memory_space<semaphore_mem>>)
        } else {
        }
        %dma_wait3A_88 = arith.constant 0 : i32
        %dma_wait3A_89 = tpu.memref_slice %arg7[%add3A_78, %dma_wait3A_88] : memref<80x128xi32, #tpu.memory_space<vmem>> -> memref<1x128xi32, #tpu.memory_space<vmem>>
        %dma_wait3A_90 = tpu.memref_squeeze %dma_wait3A_89 : memref<1x128xi32, #tpu.memory_space<vmem>> -> memref<128xi32, #tpu.memory_space<vmem>>
        %dma_wait3A_91 = arith.constant 0 : i32
        %dma_wait3A_92 = arith.constant 0 : i32
        %dma_wait3A_93 = tpu.memref_slice %arg2[%dma_wait3A_91, %dma_wait3A_92] : memref<80896x64xf32, #tpu.memory_space<hbm>> -> memref<80896x64xf32, #tpu.memory_space<hbm>>
        tpu.wait_indirect_dma semaphore(%arg15 : memref<!tpu.dma_semaphore, #tpu.memory_space<semaphore_mem>>) src(%dma_wait3A_93 : memref<80896x64xf32, #tpu.memory_space<hbm>>) dst(%arg11 : memref<128x64xf32, #tpu.memory_space<vmem>>)
        "tpu.region"() ({
          %run_scoped3A = tpu.sem_alloc : memref<!tpu.dma_semaphore, #tpu.memory_space<semaphore_mem>>
          %dma_start3A_114 = arith.constant 0 : i32
          %dma_start3A_115 = tpu.memref_slice %arg8[%add3A_78, %dma_start3A_114] : memref<80x128xi32, #tpu.memory_space<vmem>> -> memref<1x128xi32, #tpu.memory_space<vmem>>
          %dma_start3A_116 = tpu.memref_squeeze %dma_start3A_115 : memref<1x128xi32, #tpu.memory_space<vmem>> -> memref<128xi32, #tpu.memory_space<vmem>>
          %dma_start3A_117 = arith.constant 0 : i32
          %dma_start3A_118 = arith.constant 0 : i32
          %dma_start3A_119 = tpu.memref_slice %arg17[%dma_start3A_117, %dma_start3A_118] : memref<10112x64xf32, #tpu.memory_space<vmem_shared>> -> memref<10112x64xf32, #tpu.memory_space<vmem_shared>>
          tpu.enqueue_indirect_dma source(%arg11 : memref<128x64xf32, #tpu.memory_space<vmem>>) target(%dma_start3A_119 : memref<10112x64xf32, #tpu.memory_space<vmem_shared>>) offsets(%dma_start3A_116 : memref<128xi32, #tpu.memory_space<vmem>>) semaphore(%run_scoped3A : memref<!tpu.dma_semaphore, #tpu.memory_space<semaphore_mem>>) {add = true}
          %dma_wait3A_120 = arith.constant 0 : i32
          %dma_wait3A_121 = tpu.memref_slice %arg8[%add3A_78, %dma_wait3A_120] : memref<80x128xi32, #tpu.memory_space<vmem>> -> memref<1x128xi32, #tpu.memory_space<vmem>>
          %dma_wait3A_122 = tpu.memref_squeeze %dma_wait3A_121 : memref<1x128xi32, #tpu.memory_space<vmem>> -> memref<128xi32, #tpu.memory_space<vmem>>
          %dma_wait3A_123 = arith.constant 0 : i32
          %dma_wait3A_124 = arith.constant 0 : i32
          %dma_wait3A_125 = tpu.memref_slice %arg17[%dma_wait3A_123, %dma_wait3A_124] : memref<10112x64xf32, #tpu.memory_space<vmem_shared>> -> memref<10112x64xf32, #tpu.memory_space<vmem_shared>>
          tpu.wait_indirect_dma semaphore(%run_scoped3A : memref<!tpu.dma_semaphore, #tpu.memory_space<semaphore_mem>>) src(%arg11 : memref<128x64xf32, #tpu.memory_space<vmem>>) dst(%dma_wait3A_125 : memref<10112x64xf32, #tpu.memory_space<vmem_shared>>)
          tpu.yield
        }) : () -> ()
        %mul3A_94 = arith.constant 4 : i32
        %mul3A_95 = arith.muli %scan3A_38, %mul3A_94 : i32
        %add3A_96 = arith.constant 3 : i32
        %add3A_97 = arith.addi %mul3A_95, %add3A_96 : i32
        %add3A_98 = arith.constant 4 : i32
        %add3A_99 = arith.addi %add3A_97, %add3A_98 : i32
        %sub3A_100 = arith.constant 1 : i32
        %sub3A_101 = arith.subi %add3A_99, %sub3A_100 : i32
        %lt3A_102 = arith.constant 80 : i32
        %lt3A_103 = arith.cmpi slt, %sub3A_101, %lt3A_102 : i32
        %convert_element_type3A_104 = arith.extui %lt3A_103 : i1 to i32
        %cond3A_105 = arith.constant 0 : i32
        %cond3A_106 = arith.cmpi ne, %convert_element_type3A_104, %cond3A_105 : i32
        scf.if %cond3A_106 {
          %dma_start3A_114 = arith.constant 0 : i32
          %dma_start3A_115 = tpu.memref_slice %arg7[%sub3A_101, %dma_start3A_114] : memref<80x128xi32, #tpu.memory_space<vmem>> -> memref<1x128xi32, #tpu.memory_space<vmem>>
          %dma_start3A_116 = tpu.memref_squeeze %dma_start3A_115 : memref<1x128xi32, #tpu.memory_space<vmem>> -> memref<128xi32, #tpu.memory_space<vmem>>
          %dma_start3A_117 = arith.constant 0 : i32
          %dma_start3A_118 = arith.constant 0 : i32
          %dma_start3A_119 = tpu.memref_slice %arg2[%dma_start3A_117, %dma_start3A_118] : memref<80896x64xf32, #tpu.memory_space<hbm>> -> memref<80896x64xf32, #tpu.memory_space<hbm>>
          tpu.enqueue_indirect_dma source(%dma_start3A_119 : memref<80896x64xf32, #tpu.memory_space<hbm>>) target(%arg11 : memref<128x64xf32, #tpu.memory_space<vmem>>) offsets(%dma_start3A_116 : memref<128xi32, #tpu.memory_space<vmem>>) semaphore(%arg15 : memref<!tpu.dma_semaphore, #tpu.memory_space<semaphore_mem>>)
        } else {
        }
        %dma_wait3A_107 = arith.constant 0 : i32
        %dma_wait3A_108 = tpu.memref_slice %arg7[%add3A_97, %dma_wait3A_107] : memref<80x128xi32, #tpu.memory_space<vmem>> -> memref<1x128xi32, #tpu.memory_space<vmem>>
        %dma_wait3A_109 = tpu.memref_squeeze %dma_wait3A_108 : memref<1x128xi32, #tpu.memory_space<vmem>> -> memref<128xi32, #tpu.memory_space<vmem>>
        %dma_wait3A_110 = arith.constant 0 : i32
        %dma_wait3A_111 = arith.constant 0 : i32
        %dma_wait3A_112 = tpu.memref_slice %arg2[%dma_wait3A_110, %dma_wait3A_111] : memref<80896x64xf32, #tpu.memory_space<hbm>> -> memref<80896x64xf32, #tpu.memory_space<hbm>>
        tpu.wait_indirect_dma semaphore(%arg16 : memref<!tpu.dma_semaphore, #tpu.memory_space<semaphore_mem>>) src(%dma_wait3A_112 : memref<80896x64xf32, #tpu.memory_space<hbm>>) dst(%arg12 : memref<128x64xf32, #tpu.memory_space<vmem>>)
        "tpu.region"() ({
          %run_scoped3A = tpu.sem_alloc : memref<!tpu.dma_semaphore, #tpu.memory_space<semaphore_mem>>
          %dma_start3A_114 = arith.constant 0 : i32
          %dma_start3A_115 = tpu.memref_slice %arg8[%add3A_97, %dma_start3A_114] : memref<80x128xi32, #tpu.memory_space<vmem>> -> memref<1x128xi32, #tpu.memory_space<vmem>>
          %dma_start3A_116 = tpu.memref_squeeze %dma_start3A_115 : memref<1x128xi32, #tpu.memory_space<vmem>> -> memref<128xi32, #tpu.memory_space<vmem>>
          %dma_start3A_117 = arith.constant 0 : i32
          %dma_start3A_118 = arith.constant 0 : i32
          %dma_start3A_119 = tpu.memref_slice %arg17[%dma_start3A_117, %dma_start3A_118] : memref<10112x64xf32, #tpu.memory_space<vmem_shared>> -> memref<10112x64xf32, #tpu.memory_space<vmem_shared>>
          tpu.enqueue_indirect_dma source(%arg12 : memref<128x64xf32, #tpu.memory_space<vmem>>) target(%dma_start3A_119 : memref<10112x64xf32, #tpu.memory_space<vmem_shared>>) offsets(%dma_start3A_116 : memref<128xi32, #tpu.memory_space<vmem>>) semaphore(%run_scoped3A : memref<!tpu.dma_semaphore, #tpu.memory_space<semaphore_mem>>) {add = true}
          %dma_wait3A_120 = arith.constant 0 : i32
          %dma_wait3A_121 = tpu.memref_slice %arg8[%add3A_97, %dma_wait3A_120] : memref<80x128xi32, #tpu.memory_space<vmem>> -> memref<1x128xi32, #tpu.memory_space<vmem>>
          %dma_wait3A_122 = tpu.memref_squeeze %dma_wait3A_121 : memref<1x128xi32, #tpu.memory_space<vmem>> -> memref<128xi32, #tpu.memory_space<vmem>>
          %dma_wait3A_123 = arith.constant 0 : i32
          %dma_wait3A_124 = arith.constant 0 : i32
          %dma_wait3A_125 = tpu.memref_slice %arg17[%dma_wait3A_123, %dma_wait3A_124] : memref<10112x64xf32, #tpu.memory_space<vmem_shared>> -> memref<10112x64xf32, #tpu.memory_space<vmem_shared>>
          tpu.wait_indirect_dma semaphore(%run_scoped3A : memref<!tpu.dma_semaphore, #tpu.memory_space<semaphore_mem>>) src(%arg12 : memref<128x64xf32, #tpu.memory_space<vmem>>) dst(%dma_wait3A_125 : memref<10112x64xf32, #tpu.memory_space<vmem_shared>>)
          tpu.yield
        }) : () -> ()
        %scan3A_113 = arith.constant 0 : i32
        scf.yield %scan3A_113 : i32
      }
      %scan3A_36 = arith.constant 20 : i32
      %barrier3A_37 = arith.constant 0 : index
      tpu.barrier barrier_id(%barrier3A_37)
      "tpu.region"() ({
        %run_scoped3A = tpu.sem_alloc : memref<!tpu.dma_semaphore, #tpu.memory_space<semaphore_mem>>
        %dma_start3A_38 = arith.constant 0 : i32
        %dma_start3A_39 = tpu.memref_slice %arg6[%arg0, %mul3A_0, %dma_start3A_38] : memref<2x10112x64xf32, #tpu.memory_space<hbm>> -> memref<1x632x64xf32, #tpu.memory_space<hbm>>
        %dma_start3A_40 = tpu.memref_squeeze %dma_start3A_39 : memref<1x632x64xf32, #tpu.memory_space<hbm>> -> memref<632x64xf32, #tpu.memory_space<hbm>>
        %dma_start3A_41 = arith.constant 0 : i32
        %dma_start3A_42 = tpu.memref_slice %arg17[%mul3A_0, %dma_start3A_41] : memref<10112x64xf32, #tpu.memory_space<vmem_shared>> -> memref<632x64xf32, #tpu.memory_space<vmem_shared>>
        tpu.enqueue_dma source(%dma_start3A_42 : memref<632x64xf32, #tpu.memory_space<vmem_shared>>) target(%dma_start3A_40 : memref<632x64xf32, #tpu.memory_space<hbm>>) target_semaphore(%run_scoped3A : memref<!tpu.dma_semaphore, #tpu.memory_space<semaphore_mem>>)
        %dma_wait3A = arith.constant 0 : i32
        %dma_wait3A_43 = tpu.memref_slice %arg6[%arg0, %mul3A_0, %dma_wait3A] : memref<2x10112x64xf32, #tpu.memory_space<hbm>> -> memref<1x632x64xf32, #tpu.memory_space<hbm>>
        %dma_wait3A_44 = tpu.memref_squeeze %dma_wait3A_43 : memref<1x632x64xf32, #tpu.memory_space<hbm>> -> memref<632x64xf32, #tpu.memory_space<hbm>>
        %dma_wait3A_45 = arith.constant 0 : i32
        %dma_wait3A_46 = tpu.memref_slice %arg17[%mul3A_0, %dma_wait3A_45] : memref<10112x64xf32, #tpu.memory_space<vmem_shared>> -> memref<632x64xf32, #tpu.memory_space<vmem_shared>>
        tpu.wait_dma2 semaphore(%run_scoped3A : memref<!tpu.dma_semaphore, #tpu.memory_space<semaphore_mem>>) src(%dma_wait3A_46 : memref<632x64xf32, #tpu.memory_space<vmem_shared>>) dst(%dma_wait3A_44 : memref<632x64xf32, #tpu.memory_space<hbm>>)
        tpu.yield
      }) : () -> ()
    } else {
    }
    return
  }
}

#map = affine_map<(d0, d1) -> (0, 0)>
#map1 = affine_map<(d0, d1) -> (0, 0, 0)>
module attributes {stable_mosaic.version = 14 : i64} {
  func.func @k(%arg0: i32, %arg1: i32, %arg2: memref<80896x32xf32, #tpu.memory_space<hbm>>, %arg3: memref<2560x128xi32, #tpu.memory_space<hbm>>, %arg4: memref<2560x128xi32, #tpu.memory_space<hbm>>, %arg5: memref<10112x32xf32, #tpu.memory_space<hbm>>, %arg6: memref<2x10112x32xf32, #tpu.memory_space<hbm>>, %arg7: memref<80x128xi32, #tpu.memory_space<vmem>>, %arg8: memref<80x128xi32, #tpu.memory_space<vmem>>, %arg9: memref<128x32xf32, #tpu.memory_space<vmem>>, %arg10: memref<128x32xf32, #tpu.memory_space<vmem>>, %arg11: memref<128x32xf32, #tpu.memory_space<vmem>>, %arg12: memref<128x32xf32, #tpu.memory_space<vmem>>, %arg13: memref<!tpu.dma_semaphore, #tpu.memory_space<semaphore_mem>>, %arg14: memref<!tpu.dma_semaphore, #tpu.memory_space<semaphore_mem>>, %arg15: memref<!tpu.dma_semaphore, #tpu.memory_space<semaphore_mem>>, %arg16: memref<!tpu.dma_semaphore, #tpu.memory_space<semaphore_mem>>, %arg17: memref<10112x32xf32, #tpu.memory_space<vmem_shared>>) attributes {dimension_semantics = [#tpu.dimension_semantics<core_parallel>, #tpu.dimension_semantics<subcore_parallel>], iteration_bounds = array<i64: 2, 16>, scalar_prefetch = 0 : i64, scratch_operands = 11 : i64, tpu.core_type = #tpu.core_type<sc_vector_subcore>, window_params = [{transform_indices = #map}, {transform_indices = #map}, {transform_indices = #map}, {transform_indices = #map}, {transform_indices = #map1}]} {
    %mul3A = arith.constant 632 : i32
    %mul3A_0 = arith.muli %arg1, %mul3A : i32
    "tpu.region"() ({
      %run_scoped3A = tpu.sem_alloc : memref<!tpu.dma_semaphore, #tpu.memory_space<semaphore_mem>>
      %dma_start3A = arith.constant 0 : i32
      %dma_start3A_8 = tpu.memref_slice %arg17[%mul3A_0, %dma_start3A] : memref<10112x32xf32, #tpu.memory_space<vmem_shared>> -> memref<632x32xf32, #tpu.memory_space<vmem_shared>>
      %dma_start3A_9 = arith.constant 0 : i32
      %dma_start3A_10 = tpu.memref_slice %arg5[%mul3A_0, %dma_start3A_9] : memref<10112x32xf32, #tpu.memory_space<hbm>> -> memref<632x32xf32, #tpu.memory_space<hbm>>
      tpu.enqueue_dma source(%dma_start3A_10 : memref<632x32xf32, #tpu.memory_space<hbm>>) target(%dma_start3A_8 : memref<632x32xf32, #tpu.memory_space<vmem_shared>>) target_semaphore(%run_scoped3A : memref<!tpu.dma_semaphore, #tpu.memory_space<semaphore_mem>>)
      %dma_wait3A = arith.constant 0 : i32
      %dma_wait3A_11 = tpu.memref_slice %arg17[%mul3A_0, %dma_wait3A] : memref<10112x32xf32, #tpu.memory_space<vmem_shared>> -> memref<632x32xf32, #tpu.memory_space<vmem_shared>>
      %dma_wait3A_12 = arith.constant 0 : i32
      %dma_wait3A_13 = tpu.memref_slice %arg5[%mul3A_0, %dma_wait3A_12] : memref<10112x32xf32, #tpu.memory_space<hbm>> -> memref<632x32xf32, #tpu.memory_space<hbm>>
      tpu.wait_dma2 semaphore(%run_scoped3A : memref<!tpu.dma_semaphore, #tpu.memory_space<semaphore_mem>>) src(%dma_wait3A_13 : memref<632x32xf32, #tpu.memory_space<hbm>>) dst(%dma_wait3A_11 : memref<632x32xf32, #tpu.memory_space<vmem_shared>>)
      tpu.yield
    }) : () -> ()
    %eq3A = arith.constant 0 : i32
    %eq3A_1 = arith.cmpi eq, %arg0, %eq3A : i32
    %convert_element_type3A = arith.extui %eq3A_1 : i1 to i32
    %cond3A = arith.constant 0 : i32
    %cond3A_2 = arith.cmpi ne, %convert_element_type3A, %cond3A : i32
    scf.if %cond3A_2 {
      %mul3A_8 = arith.constant 80 : i32
      %mul3A_9 = arith.muli %arg1, %mul3A_8 : i32
      "tpu.region"() ({
        %run_scoped3A = tpu.sem_alloc : memref<!tpu.dma_semaphore, #tpu.memory_space<semaphore_mem>>
        %dma_start3A_37 = arith.constant 0 : i32
        %dma_start3A_38 = arith.constant 0 : i32
        %dma_start3A_39 = tpu.memref_slice %arg7[%dma_start3A_37, %dma_start3A_38] : memref<80x128xi32, #tpu.memory_space<vmem>> -> memref<80x128xi32, #tpu.memory_space<vmem>>
        %dma_start3A_40 = arith.constant 0 : i32
        %dma_start3A_41 = tpu.memref_slice %arg3[%mul3A_9, %dma_start3A_40] : memref<2560x128xi32, #tpu.memory_space<hbm>> -> memref<80x128xi32, #tpu.memory_space<hbm>>
        %dma_start3A_42 = arith.constant 0 : i32
        %dma_start3A_43 = arith.constant 0 : i32
        %dma_start3A_44 = tpu.memref_slice %arg7[%dma_start3A_42, %dma_start3A_43] : memref<80x128xi32, #tpu.memory_space<vmem>> -> memref<80x128xi32, #tpu.memory_space<vmem>>
        %dma_start3A_45 = arith.constant 0 : i32
        %dma_start3A_46 = tpu.memref_slice %arg3[%mul3A_9, %dma_start3A_45] : memref<2560x128xi32, #tpu.memory_space<hbm>> -> memref<80x128xi32, #tpu.memory_space<hbm>>
        tpu.enqueue_dma source(%dma_start3A_46 : memref<80x128xi32, #tpu.memory_space<hbm>>) target(%dma_start3A_44 : memref<80x128xi32, #tpu.memory_space<vmem>>) target_semaphore(%run_scoped3A : memref<!tpu.dma_semaphore, #tpu.memory_space<semaphore_mem>>)
        %dma_wait3A = arith.constant 0 : i32
        %dma_wait3A_47 = arith.constant 0 : i32
        %dma_wait3A_48 = tpu.memref_slice %arg7[%dma_wait3A, %dma_wait3A_47] : memref<80x128xi32, #tpu.memory_space<vmem>> -> memref<80x128xi32, #tpu.memory_space<vmem>>
        %dma_wait3A_49 = arith.constant 0 : i32
        %dma_wait3A_50 = tpu.memref_slice %arg3[%mul3A_9, %dma_wait3A_49] : memref<2560x128xi32, #tpu.memory_space<hbm>> -> memref<80x128xi32, #tpu.memory_space<hbm>>
        %dma_wait3A_51 = arith.constant 0 : i32
        %dma_wait3A_52 = arith.constant 0 : i32
        %dma_wait3A_53 = tpu.memref_slice %arg7[%dma_wait3A_51, %dma_wait3A_52] : memref<80x128xi32, #tpu.memory_space<vmem>> -> memref<80x128xi32, #tpu.memory_space<vmem>>
        %dma_wait3A_54 = arith.constant 0 : i32
        %dma_wait3A_55 = tpu.memref_slice %arg3[%mul3A_9, %dma_wait3A_54] : memref<2560x128xi32, #tpu.memory_space<hbm>> -> memref<80x128xi32, #tpu.memory_space<hbm>>
        tpu.wait_dma2 semaphore(%run_scoped3A : memref<!tpu.dma_semaphore, #tpu.memory_space<semaphore_mem>>) src(%dma_wait3A_55 : memref<80x128xi32, #tpu.memory_space<hbm>>) dst(%dma_wait3A_53 : memref<80x128xi32, #tpu.memory_space<vmem>>)
        tpu.yield
      }) : () -> ()
      "tpu.region"() ({
        %run_scoped3A = tpu.sem_alloc : memref<!tpu.dma_semaphore, #tpu.memory_space<semaphore_mem>>
        %dma_start3A_37 = arith.constant 0 : i32
        %dma_start3A_38 = arith.constant 0 : i32
        %dma_start3A_39 = tpu.memref_slice %arg8[%dma_start3A_37, %dma_start3A_38] : memref<80x128xi32, #tpu.memory_space<vmem>> -> memref<80x128xi32, #tpu.memory_space<vmem>>
        %dma_start3A_40 = arith.constant 0 : i32
        %dma_start3A_41 = tpu.memref_slice %arg4[%mul3A_9, %dma_start3A_40] : memref<2560x128xi32, #tpu.memory_space<hbm>> -> memref<80x128xi32, #tpu.memory_space<hbm>>
        %dma_start3A_42 = arith.constant 0 : i32
        %dma_start3A_43 = arith.constant 0 : i32
        %dma_start3A_44 = tpu.memref_slice %arg8[%dma_start3A_42, %dma_start3A_43] : memref<80x128xi32, #tpu.memory_space<vmem>> -> memref<80x128xi32, #tpu.memory_space<vmem>>
        %dma_start3A_45 = arith.constant 0 : i32
        %dma_start3A_46 = tpu.memref_slice %arg4[%mul3A_9, %dma_start3A_45] : memref<2560x128xi32, #tpu.memory_space<hbm>> -> memref<80x128xi32, #tpu.memory_space<hbm>>
        tpu.enqueue_dma source(%dma_start3A_46 : memref<80x128xi32, #tpu.memory_space<hbm>>) target(%dma_start3A_44 : memref<80x128xi32, #tpu.memory_space<vmem>>) target_semaphore(%run_scoped3A : memref<!tpu.dma_semaphore, #tpu.memory_space<semaphore_mem>>)
        %dma_wait3A = arith.constant 0 : i32
        %dma_wait3A_47 = arith.constant 0 : i32
        %dma_wait3A_48 = tpu.memref_slice %arg8[%dma_wait3A, %dma_wait3A_47] : memref<80x128xi32, #tpu.memory_space<vmem>> -> memref<80x128xi32, #tpu.memory_space<vmem>>
        %dma_wait3A_49 = arith.constant 0 : i32
        %dma_wait3A_50 = tpu.memref_slice %arg4[%mul3A_9, %dma_wait3A_49] : memref<2560x128xi32, #tpu.memory_space<hbm>> -> memref<80x128xi32, #tpu.memory_space<hbm>>
        %dma_wait3A_51 = arith.constant 0 : i32
        %dma_wait3A_52 = arith.constant 0 : i32
        %dma_wait3A_53 = tpu.memref_slice %arg8[%dma_wait3A_51, %dma_wait3A_52] : memref<80x128xi32, #tpu.memory_space<vmem>> -> memref<80x128xi32, #tpu.memory_space<vmem>>
        %dma_wait3A_54 = arith.constant 0 : i32
        %dma_wait3A_55 = tpu.memref_slice %arg4[%mul3A_9, %dma_wait3A_54] : memref<2560x128xi32, #tpu.memory_space<hbm>> -> memref<80x128xi32, #tpu.memory_space<hbm>>
        tpu.wait_dma2 semaphore(%run_scoped3A : memref<!tpu.dma_semaphore, #tpu.memory_space<semaphore_mem>>) src(%dma_wait3A_55 : memref<80x128xi32, #tpu.memory_space<hbm>>) dst(%dma_wait3A_53 : memref<80x128xi32, #tpu.memory_space<vmem>>)
        tpu.yield
      }) : () -> ()
      %barrier3A = arith.constant 0 : index
      tpu.barrier barrier_id(%barrier3A)
      %dma_start3A = arith.constant 0 : i32
      %dma_start3A_10 = arith.constant 0 : i32
      %dma_start3A_11 = tpu.memref_slice %arg7[%dma_start3A, %dma_start3A_10] : memref<80x128xi32, #tpu.memory_space<vmem>> -> memref<1x128xi32, #tpu.memory_space<vmem>>
      %dma_start3A_12 = tpu.memref_squeeze %dma_start3A_11 : memref<1x128xi32, #tpu.memory_space<vmem>> -> memref<128xi32, #tpu.memory_space<vmem>>
      %dma_start3A_13 = arith.constant 0 : i32
      %dma_start3A_14 = arith.constant 0 : i32
      %dma_start3A_15 = tpu.memref_slice %arg2[%dma_start3A_13, %dma_start3A_14] : memref<80896x32xf32, #tpu.memory_space<hbm>> -> memref<80896x32xf32, #tpu.memory_space<hbm>>
      tpu.enqueue_indirect_dma source(%dma_start3A_15 : memref<80896x32xf32, #tpu.memory_space<hbm>>) target(%arg9 : memref<128x32xf32, #tpu.memory_space<vmem>>) offsets(%dma_start3A_12 : memref<128xi32, #tpu.memory_space<vmem>>) semaphore(%arg13 : memref<!tpu.dma_semaphore, #tpu.memory_space<semaphore_mem>>)
      %dma_start3A_16 = arith.constant 1 : i32
      %dma_start3A_17 = arith.constant 0 : i32
      %dma_start3A_18 = tpu.memref_slice %arg7[%dma_start3A_16, %dma_start3A_17] : memref<80x128xi32, #tpu.memory_space<vmem>> -> memref<1x128xi32, #tpu.memory_space<vmem>>
      %dma_start3A_19 = tpu.memref_squeeze %dma_start3A_18 : memref<1x128xi32, #tpu.memory_space<vmem>> -> memref<128xi32, #tpu.memory_space<vmem>>
      %dma_start3A_20 = arith.constant 0 : i32
      %dma_start3A_21 = arith.constant 0 : i32
      %dma_start3A_22 = tpu.memref_slice %arg2[%dma_start3A_20, %dma_start3A_21] : memref<80896x32xf32, #tpu.memory_space<hbm>> -> memref<80896x32xf32, #tpu.memory_space<hbm>>
      tpu.enqueue_indirect_dma source(%dma_start3A_22 : memref<80896x32xf32, #tpu.memory_space<hbm>>) target(%arg10 : memref<128x32xf32, #tpu.memory_space<vmem>>) offsets(%dma_start3A_19 : memref<128xi32, #tpu.memory_space<vmem>>) semaphore(%arg14 : memref<!tpu.dma_semaphore, #tpu.memory_space<semaphore_mem>>)
      %dma_start3A_23 = arith.constant 2 : i32
      %dma_start3A_24 = arith.constant 0 : i32
      %dma_start3A_25 = tpu.memref_slice %arg7[%dma_start3A_23, %dma_start3A_24] : memref<80x128xi32, #tpu.memory_space<vmem>> -> memref<1x128xi32, #tpu.memory_space<vmem>>
      %dma_start3A_26 = tpu.memref_squeeze %dma_start3A_25 : memref<1x128xi32, #tpu.memory_space<vmem>> -> memref<128xi32, #tpu.memory_space<vmem>>
      %dma_start3A_27 = arith.constant 0 : i32
      %dma_start3A_28 = arith.constant 0 : i32
      %dma_start3A_29 = tpu.memref_slice %arg2[%dma_start3A_27, %dma_start3A_28] : memref<80896x32xf32, #tpu.memory_space<hbm>> -> memref<80896x32xf32, #tpu.memory_space<hbm>>
      tpu.enqueue_indirect_dma source(%dma_start3A_29 : memref<80896x32xf32, #tpu.memory_space<hbm>>) target(%arg11 : memref<128x32xf32, #tpu.memory_space<vmem>>) offsets(%dma_start3A_26 : memref<128xi32, #tpu.memory_space<vmem>>) semaphore(%arg15 : memref<!tpu.dma_semaphore, #tpu.memory_space<semaphore_mem>>)
      %scan3A = arith.constant 0 : i32
      %scan3A_30 = arith.constant 0 : i32
      %scan3A_31 = arith.constant 20 : i32
      %scan3A_32 = arith.addi %scan3A_30, %scan3A_31 : i32
      %scan3A_33 = arith.constant 1 : i32
      %scan3A_34 = scf.for %scan3A_37 = %scan3A_30 to %scan3A_32 step %scan3A_33 iter_args(%scan3A_38 = %scan3A) -> (i32)  : i32 {
        %mul3A_39 = arith.constant 4 : i32
        %mul3A_40 = arith.muli %scan3A_37, %mul3A_39 : i32
        %add3A = arith.constant 0 : i32
        %add3A_41 = arith.addi %mul3A_40, %add3A : i32
        %add3A_42 = arith.constant 4 : i32
        %add3A_43 = arith.addi %add3A_41, %add3A_42 : i32
        %sub3A = arith.constant 1 : i32
        %sub3A_44 = arith.subi %add3A_43, %sub3A : i32
        %lt3A = arith.constant 80 : i32
        %lt3A_45 = arith.cmpi slt, %sub3A_44, %lt3A : i32
        %convert_element_type3A_46 = arith.extui %lt3A_45 : i1 to i32
        %cond3A_47 = arith.constant 0 : i32
        %cond3A_48 = arith.cmpi ne, %convert_element_type3A_46, %cond3A_47 : i32
        scf.if %cond3A_48 {
          %dma_start3A_112 = arith.constant 0 : i32
          %dma_start3A_113 = tpu.memref_slice %arg7[%sub3A_44, %dma_start3A_112] : memref<80x128xi32, #tpu.memory_space<vmem>> -> memref<1x128xi32, #tpu.memory_space<vmem>>
          %dma_start3A_114 = tpu.memref_squeeze %dma_start3A_113 : memref<1x128xi32, #tpu.memory_space<vmem>> -> memref<128xi32, #tpu.memory_space<vmem>>
          %dma_start3A_115 = arith.constant 0 : i32
          %dma_start3A_116 = arith.constant 0 : i32
          %dma_start3A_117 = tpu.memref_slice %arg2[%dma_start3A_115, %dma_start3A_116] : memref<80896x32xf32, #tpu.memory_space<hbm>> -> memref<80896x32xf32, #tpu.memory_space<hbm>>
          tpu.enqueue_indirect_dma source(%dma_start3A_117 : memref<80896x32xf32, #tpu.memory_space<hbm>>) target(%arg12 : memref<128x32xf32, #tpu.memory_space<vmem>>) offsets(%dma_start3A_114 : memref<128xi32, #tpu.memory_space<vmem>>) semaphore(%arg16 : memref<!tpu.dma_semaphore, #tpu.memory_space<semaphore_mem>>)
        } else {
        }
        %dma_wait3A = arith.constant 0 : i32
        %dma_wait3A_49 = tpu.memref_slice %arg7[%add3A_41, %dma_wait3A] : memref<80x128xi32, #tpu.memory_space<vmem>> -> memref<1x128xi32, #tpu.memory_space<vmem>>
        %dma_wait3A_50 = tpu.memref_squeeze %dma_wait3A_49 : memref<1x128xi32, #tpu.memory_space<vmem>> -> memref<128xi32, #tpu.memory_space<vmem>>
        %dma_wait3A_51 = arith.constant 0 : i32
        %dma_wait3A_52 = arith.constant 0 : i32
        %dma_wait3A_53 = tpu.memref_slice %arg2[%dma_wait3A_51, %dma_wait3A_52] : memref<80896x32xf32, #tpu.memory_space<hbm>> -> memref<80896x32xf32, #tpu.memory_space<hbm>>
        tpu.wait_indirect_dma semaphore(%arg13 : memref<!tpu.dma_semaphore, #tpu.memory_space<semaphore_mem>>) src(%dma_wait3A_53 : memref<80896x32xf32, #tpu.memory_space<hbm>>) dst(%arg9 : memref<128x32xf32, #tpu.memory_space<vmem>>)
        "tpu.region"() ({
          %run_scoped3A = tpu.sem_alloc : memref<!tpu.dma_semaphore, #tpu.memory_space<semaphore_mem>>
          %dma_start3A_112 = arith.constant 0 : i32
          %dma_start3A_113 = tpu.memref_slice %arg8[%add3A_41, %dma_start3A_112] : memref<80x128xi32, #tpu.memory_space<vmem>> -> memref<1x128xi32, #tpu.memory_space<vmem>>
          %dma_start3A_114 = tpu.memref_squeeze %dma_start3A_113 : memref<1x128xi32, #tpu.memory_space<vmem>> -> memref<128xi32, #tpu.memory_space<vmem>>
          %dma_start3A_115 = arith.constant 0 : i32
          %dma_start3A_116 = arith.constant 0 : i32
          %dma_start3A_117 = tpu.memref_slice %arg17[%dma_start3A_115, %dma_start3A_116] : memref<10112x32xf32, #tpu.memory_space<vmem_shared>> -> memref<10112x32xf32, #tpu.memory_space<vmem_shared>>
          tpu.enqueue_indirect_dma source(%arg9 : memref<128x32xf32, #tpu.memory_space<vmem>>) target(%dma_start3A_117 : memref<10112x32xf32, #tpu.memory_space<vmem_shared>>) offsets(%dma_start3A_114 : memref<128xi32, #tpu.memory_space<vmem>>) semaphore(%run_scoped3A : memref<!tpu.dma_semaphore, #tpu.memory_space<semaphore_mem>>) {add = true}
          %dma_wait3A_118 = arith.constant 0 : i32
          %dma_wait3A_119 = tpu.memref_slice %arg8[%add3A_41, %dma_wait3A_118] : memref<80x128xi32, #tpu.memory_space<vmem>> -> memref<1x128xi32, #tpu.memory_space<vmem>>
          %dma_wait3A_120 = tpu.memref_squeeze %dma_wait3A_119 : memref<1x128xi32, #tpu.memory_space<vmem>> -> memref<128xi32, #tpu.memory_space<vmem>>
          %dma_wait3A_121 = arith.constant 0 : i32
          %dma_wait3A_122 = arith.constant 0 : i32
          %dma_wait3A_123 = tpu.memref_slice %arg17[%dma_wait3A_121, %dma_wait3A_122] : memref<10112x32xf32, #tpu.memory_space<vmem_shared>> -> memref<10112x32xf32, #tpu.memory_space<vmem_shared>>
          tpu.wait_indirect_dma semaphore(%run_scoped3A : memref<!tpu.dma_semaphore, #tpu.memory_space<semaphore_mem>>) src(%arg9 : memref<128x32xf32, #tpu.memory_space<vmem>>) dst(%dma_wait3A_123 : memref<10112x32xf32, #tpu.memory_space<vmem_shared>>)
          tpu.yield
        }) : () -> ()
        %mul3A_54 = arith.constant 4 : i32
        %mul3A_55 = arith.muli %scan3A_37, %mul3A_54 : i32
        %add3A_56 = arith.constant 1 : i32
        %add3A_57 = arith.addi %mul3A_55, %add3A_56 : i32
        %add3A_58 = arith.constant 4 : i32
        %add3A_59 = arith.addi %add3A_57, %add3A_58 : i32
        %sub3A_60 = arith.constant 1 : i32
        %sub3A_61 = arith.subi %add3A_59, %sub3A_60 : i32
        %lt3A_62 = arith.constant 80 : i32
        %lt3A_63 = arith.cmpi slt, %sub3A_61, %lt3A_62 : i32
        %convert_element_type3A_64 = arith.extui %lt3A_63 : i1 to i32
        %cond3A_65 = arith.constant 0 : i32
        %cond3A_66 = arith.cmpi ne, %convert_element_type3A_64, %cond3A_65 : i32
        scf.if %cond3A_66 {
          %dma_start3A_112 = arith.constant 0 : i32
          %dma_start3A_113 = tpu.memref_slice %arg7[%sub3A_61, %dma_start3A_112] : memref<80x128xi32, #tpu.memory_space<vmem>> -> memref<1x128xi32, #tpu.memory_space<vmem>>
          %dma_start3A_114 = tpu.memref_squeeze %dma_start3A_113 : memref<1x128xi32, #tpu.memory_space<vmem>> -> memref<128xi32, #tpu.memory_space<vmem>>
          %dma_start3A_115 = arith.constant 0 : i32
          %dma_start3A_116 = arith.constant 0 : i32
          %dma_start3A_117 = tpu.memref_slice %arg2[%dma_start3A_115, %dma_start3A_116] : memref<80896x32xf32, #tpu.memory_space<hbm>> -> memref<80896x32xf32, #tpu.memory_space<hbm>>
          tpu.enqueue_indirect_dma source(%dma_start3A_117 : memref<80896x32xf32, #tpu.memory_space<hbm>>) target(%arg9 : memref<128x32xf32, #tpu.memory_space<vmem>>) offsets(%dma_start3A_114 : memref<128xi32, #tpu.memory_space<vmem>>) semaphore(%arg13 : memref<!tpu.dma_semaphore, #tpu.memory_space<semaphore_mem>>)
        } else {
        }
        %dma_wait3A_67 = arith.constant 0 : i32
        %dma_wait3A_68 = tpu.memref_slice %arg7[%add3A_57, %dma_wait3A_67] : memref<80x128xi32, #tpu.memory_space<vmem>> -> memref<1x128xi32, #tpu.memory_space<vmem>>
        %dma_wait3A_69 = tpu.memref_squeeze %dma_wait3A_68 : memref<1x128xi32, #tpu.memory_space<vmem>> -> memref<128xi32, #tpu.memory_space<vmem>>
        %dma_wait3A_70 = arith.constant 0 : i32
        %dma_wait3A_71 = arith.constant 0 : i32
        %dma_wait3A_72 = tpu.memref_slice %arg2[%dma_wait3A_70, %dma_wait3A_71] : memref<80896x32xf32, #tpu.memory_space<hbm>> -> memref<80896x32xf32, #tpu.memory_space<hbm>>
        tpu.wait_indirect_dma semaphore(%arg14 : memref<!tpu.dma_semaphore, #tpu.memory_space<semaphore_mem>>) src(%dma_wait3A_72 : memref<80896x32xf32, #tpu.memory_space<hbm>>) dst(%arg10 : memref<128x32xf32, #tpu.memory_space<vmem>>)
        "tpu.region"() ({
          %run_scoped3A = tpu.sem_alloc : memref<!tpu.dma_semaphore, #tpu.memory_space<semaphore_mem>>
          %dma_start3A_112 = arith.constant 0 : i32
          %dma_start3A_113 = tpu.memref_slice %arg8[%add3A_57, %dma_start3A_112] : memref<80x128xi32, #tpu.memory_space<vmem>> -> memref<1x128xi32, #tpu.memory_space<vmem>>
          %dma_start3A_114 = tpu.memref_squeeze %dma_start3A_113 : memref<1x128xi32, #tpu.memory_space<vmem>> -> memref<128xi32, #tpu.memory_space<vmem>>
          %dma_start3A_115 = arith.constant 0 : i32
          %dma_start3A_116 = arith.constant 0 : i32
          %dma_start3A_117 = tpu.memref_slice %arg17[%dma_start3A_115, %dma_start3A_116] : memref<10112x32xf32, #tpu.memory_space<vmem_shared>> -> memref<10112x32xf32, #tpu.memory_space<vmem_shared>>
          tpu.enqueue_indirect_dma source(%arg10 : memref<128x32xf32, #tpu.memory_space<vmem>>) target(%dma_start3A_117 : memref<10112x32xf32, #tpu.memory_space<vmem_shared>>) offsets(%dma_start3A_114 : memref<128xi32, #tpu.memory_space<vmem>>) semaphore(%run_scoped3A : memref<!tpu.dma_semaphore, #tpu.memory_space<semaphore_mem>>) {add = true}
          %dma_wait3A_118 = arith.constant 0 : i32
          %dma_wait3A_119 = tpu.memref_slice %arg8[%add3A_57, %dma_wait3A_118] : memref<80x128xi32, #tpu.memory_space<vmem>> -> memref<1x128xi32, #tpu.memory_space<vmem>>
          %dma_wait3A_120 = tpu.memref_squeeze %dma_wait3A_119 : memref<1x128xi32, #tpu.memory_space<vmem>> -> memref<128xi32, #tpu.memory_space<vmem>>
          %dma_wait3A_121 = arith.constant 0 : i32
          %dma_wait3A_122 = arith.constant 0 : i32
          %dma_wait3A_123 = tpu.memref_slice %arg17[%dma_wait3A_121, %dma_wait3A_122] : memref<10112x32xf32, #tpu.memory_space<vmem_shared>> -> memref<10112x32xf32, #tpu.memory_space<vmem_shared>>
          tpu.wait_indirect_dma semaphore(%run_scoped3A : memref<!tpu.dma_semaphore, #tpu.memory_space<semaphore_mem>>) src(%arg10 : memref<128x32xf32, #tpu.memory_space<vmem>>) dst(%dma_wait3A_123 : memref<10112x32xf32, #tpu.memory_space<vmem_shared>>)
          tpu.yield
        }) : () -> ()
        %mul3A_73 = arith.constant 4 : i32
        %mul3A_74 = arith.muli %scan3A_37, %mul3A_73 : i32
        %add3A_75 = arith.constant 2 : i32
        %add3A_76 = arith.addi %mul3A_74, %add3A_75 : i32
        %add3A_77 = arith.constant 4 : i32
        %add3A_78 = arith.addi %add3A_76, %add3A_77 : i32
        %sub3A_79 = arith.constant 1 : i32
        %sub3A_80 = arith.subi %add3A_78, %sub3A_79 : i32
        %lt3A_81 = arith.constant 80 : i32
        %lt3A_82 = arith.cmpi slt, %sub3A_80, %lt3A_81 : i32
        %convert_element_type3A_83 = arith.extui %lt3A_82 : i1 to i32
        %cond3A_84 = arith.constant 0 : i32
        %cond3A_85 = arith.cmpi ne, %convert_element_type3A_83, %cond3A_84 : i32
        scf.if %cond3A_85 {
          %dma_start3A_112 = arith.constant 0 : i32
          %dma_start3A_113 = tpu.memref_slice %arg7[%sub3A_80, %dma_start3A_112] : memref<80x128xi32, #tpu.memory_space<vmem>> -> memref<1x128xi32, #tpu.memory_space<vmem>>
          %dma_start3A_114 = tpu.memref_squeeze %dma_start3A_113 : memref<1x128xi32, #tpu.memory_space<vmem>> -> memref<128xi32, #tpu.memory_space<vmem>>
          %dma_start3A_115 = arith.constant 0 : i32
          %dma_start3A_116 = arith.constant 0 : i32
          %dma_start3A_117 = tpu.memref_slice %arg2[%dma_start3A_115, %dma_start3A_116] : memref<80896x32xf32, #tpu.memory_space<hbm>> -> memref<80896x32xf32, #tpu.memory_space<hbm>>
          tpu.enqueue_indirect_dma source(%dma_start3A_117 : memref<80896x32xf32, #tpu.memory_space<hbm>>) target(%arg10 : memref<128x32xf32, #tpu.memory_space<vmem>>) offsets(%dma_start3A_114 : memref<128xi32, #tpu.memory_space<vmem>>) semaphore(%arg14 : memref<!tpu.dma_semaphore, #tpu.memory_space<semaphore_mem>>)
        } else {
        }
        %dma_wait3A_86 = arith.constant 0 : i32
        %dma_wait3A_87 = tpu.memref_slice %arg7[%add3A_76, %dma_wait3A_86] : memref<80x128xi32, #tpu.memory_space<vmem>> -> memref<1x128xi32, #tpu.memory_space<vmem>>
        %dma_wait3A_88 = tpu.memref_squeeze %dma_wait3A_87 : memref<1x128xi32, #tpu.memory_space<vmem>> -> memref<128xi32, #tpu.memory_space<vmem>>
        %dma_wait3A_89 = arith.constant 0 : i32
        %dma_wait3A_90 = arith.constant 0 : i32
        %dma_wait3A_91 = tpu.memref_slice %arg2[%dma_wait3A_89, %dma_wait3A_90] : memref<80896x32xf32, #tpu.memory_space<hbm>> -> memref<80896x32xf32, #tpu.memory_space<hbm>>
        tpu.wait_indirect_dma semaphore(%arg15 : memref<!tpu.dma_semaphore, #tpu.memory_space<semaphore_mem>>) src(%dma_wait3A_91 : memref<80896x32xf32, #tpu.memory_space<hbm>>) dst(%arg11 : memref<128x32xf32, #tpu.memory_space<vmem>>)
        "tpu.region"() ({
          %run_scoped3A = tpu.sem_alloc : memref<!tpu.dma_semaphore, #tpu.memory_space<semaphore_mem>>
          %dma_start3A_112 = arith.constant 0 : i32
          %dma_start3A_113 = tpu.memref_slice %arg8[%add3A_76, %dma_start3A_112] : memref<80x128xi32, #tpu.memory_space<vmem>> -> memref<1x128xi32, #tpu.memory_space<vmem>>
          %dma_start3A_114 = tpu.memref_squeeze %dma_start3A_113 : memref<1x128xi32, #tpu.memory_space<vmem>> -> memref<128xi32, #tpu.memory_space<vmem>>
          %dma_start3A_115 = arith.constant 0 : i32
          %dma_start3A_116 = arith.constant 0 : i32
          %dma_start3A_117 = tpu.memref_slice %arg17[%dma_start3A_115, %dma_start3A_116] : memref<10112x32xf32, #tpu.memory_space<vmem_shared>> -> memref<10112x32xf32, #tpu.memory_space<vmem_shared>>
          tpu.enqueue_indirect_dma source(%arg11 : memref<128x32xf32, #tpu.memory_space<vmem>>) target(%dma_start3A_117 : memref<10112x32xf32, #tpu.memory_space<vmem_shared>>) offsets(%dma_start3A_114 : memref<128xi32, #tpu.memory_space<vmem>>) semaphore(%run_scoped3A : memref<!tpu.dma_semaphore, #tpu.memory_space<semaphore_mem>>) {add = true}
          %dma_wait3A_118 = arith.constant 0 : i32
          %dma_wait3A_119 = tpu.memref_slice %arg8[%add3A_76, %dma_wait3A_118] : memref<80x128xi32, #tpu.memory_space<vmem>> -> memref<1x128xi32, #tpu.memory_space<vmem>>
          %dma_wait3A_120 = tpu.memref_squeeze %dma_wait3A_119 : memref<1x128xi32, #tpu.memory_space<vmem>> -> memref<128xi32, #tpu.memory_space<vmem>>
          %dma_wait3A_121 = arith.constant 0 : i32
          %dma_wait3A_122 = arith.constant 0 : i32
          %dma_wait3A_123 = tpu.memref_slice %arg17[%dma_wait3A_121, %dma_wait3A_122] : memref<10112x32xf32, #tpu.memory_space<vmem_shared>> -> memref<10112x32xf32, #tpu.memory_space<vmem_shared>>
          tpu.wait_indirect_dma semaphore(%run_scoped3A : memref<!tpu.dma_semaphore, #tpu.memory_space<semaphore_mem>>) src(%arg11 : memref<128x32xf32, #tpu.memory_space<vmem>>) dst(%dma_wait3A_123 : memref<10112x32xf32, #tpu.memory_space<vmem_shared>>)
          tpu.yield
        }) : () -> ()
        %mul3A_92 = arith.constant 4 : i32
        %mul3A_93 = arith.muli %scan3A_37, %mul3A_92 : i32
        %add3A_94 = arith.constant 3 : i32
        %add3A_95 = arith.addi %mul3A_93, %add3A_94 : i32
        %add3A_96 = arith.constant 4 : i32
        %add3A_97 = arith.addi %add3A_95, %add3A_96 : i32
        %sub3A_98 = arith.constant 1 : i32
        %sub3A_99 = arith.subi %add3A_97, %sub3A_98 : i32
        %lt3A_100 = arith.constant 80 : i32
        %lt3A_101 = arith.cmpi slt, %sub3A_99, %lt3A_100 : i32
        %convert_element_type3A_102 = arith.extui %lt3A_101 : i1 to i32
        %cond3A_103 = arith.constant 0 : i32
        %cond3A_104 = arith.cmpi ne, %convert_element_type3A_102, %cond3A_103 : i32
        scf.if %cond3A_104 {
          %dma_start3A_112 = arith.constant 0 : i32
          %dma_start3A_113 = tpu.memref_slice %arg7[%sub3A_99, %dma_start3A_112] : memref<80x128xi32, #tpu.memory_space<vmem>> -> memref<1x128xi32, #tpu.memory_space<vmem>>
          %dma_start3A_114 = tpu.memref_squeeze %dma_start3A_113 : memref<1x128xi32, #tpu.memory_space<vmem>> -> memref<128xi32, #tpu.memory_space<vmem>>
          %dma_start3A_115 = arith.constant 0 : i32
          %dma_start3A_116 = arith.constant 0 : i32
          %dma_start3A_117 = tpu.memref_slice %arg2[%dma_start3A_115, %dma_start3A_116] : memref<80896x32xf32, #tpu.memory_space<hbm>> -> memref<80896x32xf32, #tpu.memory_space<hbm>>
          tpu.enqueue_indirect_dma source(%dma_start3A_117 : memref<80896x32xf32, #tpu.memory_space<hbm>>) target(%arg11 : memref<128x32xf32, #tpu.memory_space<vmem>>) offsets(%dma_start3A_114 : memref<128xi32, #tpu.memory_space<vmem>>) semaphore(%arg15 : memref<!tpu.dma_semaphore, #tpu.memory_space<semaphore_mem>>)
        } else {
        }
        %dma_wait3A_105 = arith.constant 0 : i32
        %dma_wait3A_106 = tpu.memref_slice %arg7[%add3A_95, %dma_wait3A_105] : memref<80x128xi32, #tpu.memory_space<vmem>> -> memref<1x128xi32, #tpu.memory_space<vmem>>
        %dma_wait3A_107 = tpu.memref_squeeze %dma_wait3A_106 : memref<1x128xi32, #tpu.memory_space<vmem>> -> memref<128xi32, #tpu.memory_space<vmem>>
        %dma_wait3A_108 = arith.constant 0 : i32
        %dma_wait3A_109 = arith.constant 0 : i32
        %dma_wait3A_110 = tpu.memref_slice %arg2[%dma_wait3A_108, %dma_wait3A_109] : memref<80896x32xf32, #tpu.memory_space<hbm>> -> memref<80896x32xf32, #tpu.memory_space<hbm>>
        tpu.wait_indirect_dma semaphore(%arg16 : memref<!tpu.dma_semaphore, #tpu.memory_space<semaphore_mem>>) src(%dma_wait3A_110 : memref<80896x32xf32, #tpu.memory_space<hbm>>) dst(%arg12 : memref<128x32xf32, #tpu.memory_space<vmem>>)
        "tpu.region"() ({
          %run_scoped3A = tpu.sem_alloc : memref<!tpu.dma_semaphore, #tpu.memory_space<semaphore_mem>>
          %dma_start3A_112 = arith.constant 0 : i32
          %dma_start3A_113 = tpu.memref_slice %arg8[%add3A_95, %dma_start3A_112] : memref<80x128xi32, #tpu.memory_space<vmem>> -> memref<1x128xi32, #tpu.memory_space<vmem>>
          %dma_start3A_114 = tpu.memref_squeeze %dma_start3A_113 : memref<1x128xi32, #tpu.memory_space<vmem>> -> memref<128xi32, #tpu.memory_space<vmem>>
          %dma_start3A_115 = arith.constant 0 : i32
          %dma_start3A_116 = arith.constant 0 : i32
          %dma_start3A_117 = tpu.memref_slice %arg17[%dma_start3A_115, %dma_start3A_116] : memref<10112x32xf32, #tpu.memory_space<vmem_shared>> -> memref<10112x32xf32, #tpu.memory_space<vmem_shared>>
          tpu.enqueue_indirect_dma source(%arg12 : memref<128x32xf32, #tpu.memory_space<vmem>>) target(%dma_start3A_117 : memref<10112x32xf32, #tpu.memory_space<vmem_shared>>) offsets(%dma_start3A_114 : memref<128xi32, #tpu.memory_space<vmem>>) semaphore(%run_scoped3A : memref<!tpu.dma_semaphore, #tpu.memory_space<semaphore_mem>>) {add = true}
          %dma_wait3A_118 = arith.constant 0 : i32
          %dma_wait3A_119 = tpu.memref_slice %arg8[%add3A_95, %dma_wait3A_118] : memref<80x128xi32, #tpu.memory_space<vmem>> -> memref<1x128xi32, #tpu.memory_space<vmem>>
          %dma_wait3A_120 = tpu.memref_squeeze %dma_wait3A_119 : memref<1x128xi32, #tpu.memory_space<vmem>> -> memref<128xi32, #tpu.memory_space<vmem>>
          %dma_wait3A_121 = arith.constant 0 : i32
          %dma_wait3A_122 = arith.constant 0 : i32
          %dma_wait3A_123 = tpu.memref_slice %arg17[%dma_wait3A_121, %dma_wait3A_122] : memref<10112x32xf32, #tpu.memory_space<vmem_shared>> -> memref<10112x32xf32, #tpu.memory_space<vmem_shared>>
          tpu.wait_indirect_dma semaphore(%run_scoped3A : memref<!tpu.dma_semaphore, #tpu.memory_space<semaphore_mem>>) src(%arg12 : memref<128x32xf32, #tpu.memory_space<vmem>>) dst(%dma_wait3A_123 : memref<10112x32xf32, #tpu.memory_space<vmem_shared>>)
          tpu.yield
        }) : () -> ()
        %scan3A_111 = arith.constant 0 : i32
        scf.yield %scan3A_111 : i32
      }
      %scan3A_35 = arith.constant 20 : i32
      %barrier3A_36 = arith.constant 0 : index
      tpu.barrier barrier_id(%barrier3A_36)
      "tpu.region"() ({
        %run_scoped3A = tpu.sem_alloc : memref<!tpu.dma_semaphore, #tpu.memory_space<semaphore_mem>>
        %dma_start3A_37 = arith.constant 0 : i32
        %dma_start3A_38 = tpu.memref_slice %arg6[%arg0, %mul3A_0, %dma_start3A_37] : memref<2x10112x32xf32, #tpu.memory_space<hbm>> -> memref<1x632x32xf32, #tpu.memory_space<hbm>>
        %dma_start3A_39 = tpu.memref_squeeze %dma_start3A_38 : memref<1x632x32xf32, #tpu.memory_space<hbm>> -> memref<632x32xf32, #tpu.memory_space<hbm>>
        %dma_start3A_40 = arith.constant 0 : i32
        %dma_start3A_41 = tpu.memref_slice %arg17[%mul3A_0, %dma_start3A_40] : memref<10112x32xf32, #tpu.memory_space<vmem_shared>> -> memref<632x32xf32, #tpu.memory_space<vmem_shared>>
        tpu.enqueue_dma source(%dma_start3A_41 : memref<632x32xf32, #tpu.memory_space<vmem_shared>>) target(%dma_start3A_39 : memref<632x32xf32, #tpu.memory_space<hbm>>) target_semaphore(%run_scoped3A : memref<!tpu.dma_semaphore, #tpu.memory_space<semaphore_mem>>)
        %dma_wait3A = arith.constant 0 : i32
        %dma_wait3A_42 = tpu.memref_slice %arg6[%arg0, %mul3A_0, %dma_wait3A] : memref<2x10112x32xf32, #tpu.memory_space<hbm>> -> memref<1x632x32xf32, #tpu.memory_space<hbm>>
        %dma_wait3A_43 = tpu.memref_squeeze %dma_wait3A_42 : memref<1x632x32xf32, #tpu.memory_space<hbm>> -> memref<632x32xf32, #tpu.memory_space<hbm>>
        %dma_wait3A_44 = arith.constant 0 : i32
        %dma_wait3A_45 = tpu.memref_slice %arg17[%mul3A_0, %dma_wait3A_44] : memref<10112x32xf32, #tpu.memory_space<vmem_shared>> -> memref<632x32xf32, #tpu.memory_space<vmem_shared>>
        tpu.wait_dma2 semaphore(%run_scoped3A : memref<!tpu.dma_semaphore, #tpu.memory_space<semaphore_mem>>) src(%dma_wait3A_45 : memref<632x32xf32, #tpu.memory_space<vmem_shared>>) dst(%dma_wait3A_43 : memref<632x32xf32, #tpu.memory_space<hbm>>)
        tpu.yield
      }) : () -> ()
    } else {
    }
    %eq3A_3 = arith.constant 1 : i32
    %eq3A_4 = arith.cmpi eq, %arg0, %eq3A_3 : i32
    %convert_element_type3A_5 = arith.extui %eq3A_4 : i1 to i32
    %cond3A_6 = arith.constant 0 : i32
    %cond3A_7 = arith.cmpi ne, %convert_element_type3A_5, %cond3A_6 : i32
    scf.if %cond3A_7 {
      %mul3A_8 = arith.constant 80 : i32
      %mul3A_9 = arith.muli %arg1, %mul3A_8 : i32
      %add3A = arith.constant 1280 : i32
      %add3A_10 = arith.addi %add3A, %mul3A_9 : i32
      "tpu.region"() ({
        %run_scoped3A = tpu.sem_alloc : memref<!tpu.dma_semaphore, #tpu.memory_space<semaphore_mem>>
        %dma_start3A_38 = arith.constant 0 : i32
        %dma_start3A_39 = arith.constant 0 : i32
        %dma_start3A_40 = tpu.memref_slice %arg7[%dma_start3A_38, %dma_start3A_39] : memref<80x128xi32, #tpu.memory_space<vmem>> -> memref<80x128xi32, #tpu.memory_space<vmem>>
        %dma_start3A_41 = arith.constant 0 : i32
        %dma_start3A_42 = tpu.memref_slice %arg3[%add3A_10, %dma_start3A_41] : memref<2560x128xi32, #tpu.memory_space<hbm>> -> memref<80x128xi32, #tpu.memory_space<hbm>>
        %dma_start3A_43 = arith.constant 0 : i32
        %dma_start3A_44 = arith.constant 0 : i32
        %dma_start3A_45 = tpu.memref_slice %arg7[%dma_start3A_43, %dma_start3A_44] : memref<80x128xi32, #tpu.memory_space<vmem>> -> memref<80x128xi32, #tpu.memory_space<vmem>>
        %dma_start3A_46 = arith.constant 0 : i32
        %dma_start3A_47 = tpu.memref_slice %arg3[%add3A_10, %dma_start3A_46] : memref<2560x128xi32, #tpu.memory_space<hbm>> -> memref<80x128xi32, #tpu.memory_space<hbm>>
        tpu.enqueue_dma source(%dma_start3A_47 : memref<80x128xi32, #tpu.memory_space<hbm>>) target(%dma_start3A_45 : memref<80x128xi32, #tpu.memory_space<vmem>>) target_semaphore(%run_scoped3A : memref<!tpu.dma_semaphore, #tpu.memory_space<semaphore_mem>>)
        %dma_wait3A = arith.constant 0 : i32
        %dma_wait3A_48 = arith.constant 0 : i32
        %dma_wait3A_49 = tpu.memref_slice %arg7[%dma_wait3A, %dma_wait3A_48] : memref<80x128xi32, #tpu.memory_space<vmem>> -> memref<80x128xi32, #tpu.memory_space<vmem>>
        %dma_wait3A_50 = arith.constant 0 : i32
        %dma_wait3A_51 = tpu.memref_slice %arg3[%add3A_10, %dma_wait3A_50] : memref<2560x128xi32, #tpu.memory_space<hbm>> -> memref<80x128xi32, #tpu.memory_space<hbm>>
        %dma_wait3A_52 = arith.constant 0 : i32
        %dma_wait3A_53 = arith.constant 0 : i32
        %dma_wait3A_54 = tpu.memref_slice %arg7[%dma_wait3A_52, %dma_wait3A_53] : memref<80x128xi32, #tpu.memory_space<vmem>> -> memref<80x128xi32, #tpu.memory_space<vmem>>
        %dma_wait3A_55 = arith.constant 0 : i32
        %dma_wait3A_56 = tpu.memref_slice %arg3[%add3A_10, %dma_wait3A_55] : memref<2560x128xi32, #tpu.memory_space<hbm>> -> memref<80x128xi32, #tpu.memory_space<hbm>>
        tpu.wait_dma2 semaphore(%run_scoped3A : memref<!tpu.dma_semaphore, #tpu.memory_space<semaphore_mem>>) src(%dma_wait3A_56 : memref<80x128xi32, #tpu.memory_space<hbm>>) dst(%dma_wait3A_54 : memref<80x128xi32, #tpu.memory_space<vmem>>)
        tpu.yield
      }) : () -> ()
      "tpu.region"() ({
        %run_scoped3A = tpu.sem_alloc : memref<!tpu.dma_semaphore, #tpu.memory_space<semaphore_mem>>
        %dma_start3A_38 = arith.constant 0 : i32
        %dma_start3A_39 = arith.constant 0 : i32
        %dma_start3A_40 = tpu.memref_slice %arg8[%dma_start3A_38, %dma_start3A_39] : memref<80x128xi32, #tpu.memory_space<vmem>> -> memref<80x128xi32, #tpu.memory_space<vmem>>
        %dma_start3A_41 = arith.constant 0 : i32
        %dma_start3A_42 = tpu.memref_slice %arg4[%add3A_10, %dma_start3A_41] : memref<2560x128xi32, #tpu.memory_space<hbm>> -> memref<80x128xi32, #tpu.memory_space<hbm>>
        %dma_start3A_43 = arith.constant 0 : i32
        %dma_start3A_44 = arith.constant 0 : i32
        %dma_start3A_45 = tpu.memref_slice %arg8[%dma_start3A_43, %dma_start3A_44] : memref<80x128xi32, #tpu.memory_space<vmem>> -> memref<80x128xi32, #tpu.memory_space<vmem>>
        %dma_start3A_46 = arith.constant 0 : i32
        %dma_start3A_47 = tpu.memref_slice %arg4[%add3A_10, %dma_start3A_46] : memref<2560x128xi32, #tpu.memory_space<hbm>> -> memref<80x128xi32, #tpu.memory_space<hbm>>
        tpu.enqueue_dma source(%dma_start3A_47 : memref<80x128xi32, #tpu.memory_space<hbm>>) target(%dma_start3A_45 : memref<80x128xi32, #tpu.memory_space<vmem>>) target_semaphore(%run_scoped3A : memref<!tpu.dma_semaphore, #tpu.memory_space<semaphore_mem>>)
        %dma_wait3A = arith.constant 0 : i32
        %dma_wait3A_48 = arith.constant 0 : i32
        %dma_wait3A_49 = tpu.memref_slice %arg8[%dma_wait3A, %dma_wait3A_48] : memref<80x128xi32, #tpu.memory_space<vmem>> -> memref<80x128xi32, #tpu.memory_space<vmem>>
        %dma_wait3A_50 = arith.constant 0 : i32
        %dma_wait3A_51 = tpu.memref_slice %arg4[%add3A_10, %dma_wait3A_50] : memref<2560x128xi32, #tpu.memory_space<hbm>> -> memref<80x128xi32, #tpu.memory_space<hbm>>
        %dma_wait3A_52 = arith.constant 0 : i32
        %dma_wait3A_53 = arith.constant 0 : i32
        %dma_wait3A_54 = tpu.memref_slice %arg8[%dma_wait3A_52, %dma_wait3A_53] : memref<80x128xi32, #tpu.memory_space<vmem>> -> memref<80x128xi32, #tpu.memory_space<vmem>>
        %dma_wait3A_55 = arith.constant 0 : i32
        %dma_wait3A_56 = tpu.memref_slice %arg4[%add3A_10, %dma_wait3A_55] : memref<2560x128xi32, #tpu.memory_space<hbm>> -> memref<80x128xi32, #tpu.memory_space<hbm>>
        tpu.wait_dma2 semaphore(%run_scoped3A : memref<!tpu.dma_semaphore, #tpu.memory_space<semaphore_mem>>) src(%dma_wait3A_56 : memref<80x128xi32, #tpu.memory_space<hbm>>) dst(%dma_wait3A_54 : memref<80x128xi32, #tpu.memory_space<vmem>>)
        tpu.yield
      }) : () -> ()
      %barrier3A = arith.constant 0 : index
      tpu.barrier barrier_id(%barrier3A)
      %dma_start3A = arith.constant 0 : i32
      %dma_start3A_11 = arith.constant 0 : i32
      %dma_start3A_12 = tpu.memref_slice %arg7[%dma_start3A, %dma_start3A_11] : memref<80x128xi32, #tpu.memory_space<vmem>> -> memref<1x128xi32, #tpu.memory_space<vmem>>
      %dma_start3A_13 = tpu.memref_squeeze %dma_start3A_12 : memref<1x128xi32, #tpu.memory_space<vmem>> -> memref<128xi32, #tpu.memory_space<vmem>>
      %dma_start3A_14 = arith.constant 0 : i32
      %dma_start3A_15 = arith.constant 0 : i32
      %dma_start3A_16 = tpu.memref_slice %arg2[%dma_start3A_14, %dma_start3A_15] : memref<80896x32xf32, #tpu.memory_space<hbm>> -> memref<80896x32xf32, #tpu.memory_space<hbm>>
      tpu.enqueue_indirect_dma source(%dma_start3A_16 : memref<80896x32xf32, #tpu.memory_space<hbm>>) target(%arg9 : memref<128x32xf32, #tpu.memory_space<vmem>>) offsets(%dma_start3A_13 : memref<128xi32, #tpu.memory_space<vmem>>) semaphore(%arg13 : memref<!tpu.dma_semaphore, #tpu.memory_space<semaphore_mem>>)
      %dma_start3A_17 = arith.constant 1 : i32
      %dma_start3A_18 = arith.constant 0 : i32
      %dma_start3A_19 = tpu.memref_slice %arg7[%dma_start3A_17, %dma_start3A_18] : memref<80x128xi32, #tpu.memory_space<vmem>> -> memref<1x128xi32, #tpu.memory_space<vmem>>
      %dma_start3A_20 = tpu.memref_squeeze %dma_start3A_19 : memref<1x128xi32, #tpu.memory_space<vmem>> -> memref<128xi32, #tpu.memory_space<vmem>>
      %dma_start3A_21 = arith.constant 0 : i32
      %dma_start3A_22 = arith.constant 0 : i32
      %dma_start3A_23 = tpu.memref_slice %arg2[%dma_start3A_21, %dma_start3A_22] : memref<80896x32xf32, #tpu.memory_space<hbm>> -> memref<80896x32xf32, #tpu.memory_space<hbm>>
      tpu.enqueue_indirect_dma source(%dma_start3A_23 : memref<80896x32xf32, #tpu.memory_space<hbm>>) target(%arg10 : memref<128x32xf32, #tpu.memory_space<vmem>>) offsets(%dma_start3A_20 : memref<128xi32, #tpu.memory_space<vmem>>) semaphore(%arg14 : memref<!tpu.dma_semaphore, #tpu.memory_space<semaphore_mem>>)
      %dma_start3A_24 = arith.constant 2 : i32
      %dma_start3A_25 = arith.constant 0 : i32
      %dma_start3A_26 = tpu.memref_slice %arg7[%dma_start3A_24, %dma_start3A_25] : memref<80x128xi32, #tpu.memory_space<vmem>> -> memref<1x128xi32, #tpu.memory_space<vmem>>
      %dma_start3A_27 = tpu.memref_squeeze %dma_start3A_26 : memref<1x128xi32, #tpu.memory_space<vmem>> -> memref<128xi32, #tpu.memory_space<vmem>>
      %dma_start3A_28 = arith.constant 0 : i32
      %dma_start3A_29 = arith.constant 0 : i32
      %dma_start3A_30 = tpu.memref_slice %arg2[%dma_start3A_28, %dma_start3A_29] : memref<80896x32xf32, #tpu.memory_space<hbm>> -> memref<80896x32xf32, #tpu.memory_space<hbm>>
      tpu.enqueue_indirect_dma source(%dma_start3A_30 : memref<80896x32xf32, #tpu.memory_space<hbm>>) target(%arg11 : memref<128x32xf32, #tpu.memory_space<vmem>>) offsets(%dma_start3A_27 : memref<128xi32, #tpu.memory_space<vmem>>) semaphore(%arg15 : memref<!tpu.dma_semaphore, #tpu.memory_space<semaphore_mem>>)
      %scan3A = arith.constant 0 : i32
      %scan3A_31 = arith.constant 0 : i32
      %scan3A_32 = arith.constant 20 : i32
      %scan3A_33 = arith.addi %scan3A_31, %scan3A_32 : i32
      %scan3A_34 = arith.constant 1 : i32
      %scan3A_35 = scf.for %scan3A_38 = %scan3A_31 to %scan3A_33 step %scan3A_34 iter_args(%scan3A_39 = %scan3A) -> (i32)  : i32 {
        %mul3A_40 = arith.constant 4 : i32
        %mul3A_41 = arith.muli %scan3A_38, %mul3A_40 : i32
        %add3A_42 = arith.constant 0 : i32
        %add3A_43 = arith.addi %mul3A_41, %add3A_42 : i32
        %add3A_44 = arith.constant 4 : i32
        %add3A_45 = arith.addi %add3A_43, %add3A_44 : i32
        %sub3A = arith.constant 1 : i32
        %sub3A_46 = arith.subi %add3A_45, %sub3A : i32
        %lt3A = arith.constant 80 : i32
        %lt3A_47 = arith.cmpi slt, %sub3A_46, %lt3A : i32
        %convert_element_type3A_48 = arith.extui %lt3A_47 : i1 to i32
        %cond3A_49 = arith.constant 0 : i32
        %cond3A_50 = arith.cmpi ne, %convert_element_type3A_48, %cond3A_49 : i32
        scf.if %cond3A_50 {
          %dma_start3A_114 = arith.constant 0 : i32
          %dma_start3A_115 = tpu.memref_slice %arg7[%sub3A_46, %dma_start3A_114] : memref<80x128xi32, #tpu.memory_space<vmem>> -> memref<1x128xi32, #tpu.memory_space<vmem>>
          %dma_start3A_116 = tpu.memref_squeeze %dma_start3A_115 : memref<1x128xi32, #tpu.memory_space<vmem>> -> memref<128xi32, #tpu.memory_space<vmem>>
          %dma_start3A_117 = arith.constant 0 : i32
          %dma_start3A_118 = arith.constant 0 : i32
          %dma_start3A_119 = tpu.memref_slice %arg2[%dma_start3A_117, %dma_start3A_118] : memref<80896x32xf32, #tpu.memory_space<hbm>> -> memref<80896x32xf32, #tpu.memory_space<hbm>>
          tpu.enqueue_indirect_dma source(%dma_start3A_119 : memref<80896x32xf32, #tpu.memory_space<hbm>>) target(%arg12 : memref<128x32xf32, #tpu.memory_space<vmem>>) offsets(%dma_start3A_116 : memref<128xi32, #tpu.memory_space<vmem>>) semaphore(%arg16 : memref<!tpu.dma_semaphore, #tpu.memory_space<semaphore_mem>>)
        } else {
        }
        %dma_wait3A = arith.constant 0 : i32
        %dma_wait3A_51 = tpu.memref_slice %arg7[%add3A_43, %dma_wait3A] : memref<80x128xi32, #tpu.memory_space<vmem>> -> memref<1x128xi32, #tpu.memory_space<vmem>>
        %dma_wait3A_52 = tpu.memref_squeeze %dma_wait3A_51 : memref<1x128xi32, #tpu.memory_space<vmem>> -> memref<128xi32, #tpu.memory_space<vmem>>
        %dma_wait3A_53 = arith.constant 0 : i32
        %dma_wait3A_54 = arith.constant 0 : i32
        %dma_wait3A_55 = tpu.memref_slice %arg2[%dma_wait3A_53, %dma_wait3A_54] : memref<80896x32xf32, #tpu.memory_space<hbm>> -> memref<80896x32xf32, #tpu.memory_space<hbm>>
        tpu.wait_indirect_dma semaphore(%arg13 : memref<!tpu.dma_semaphore, #tpu.memory_space<semaphore_mem>>) src(%dma_wait3A_55 : memref<80896x32xf32, #tpu.memory_space<hbm>>) dst(%arg9 : memref<128x32xf32, #tpu.memory_space<vmem>>)
        "tpu.region"() ({
          %run_scoped3A = tpu.sem_alloc : memref<!tpu.dma_semaphore, #tpu.memory_space<semaphore_mem>>
          %dma_start3A_114 = arith.constant 0 : i32
          %dma_start3A_115 = tpu.memref_slice %arg8[%add3A_43, %dma_start3A_114] : memref<80x128xi32, #tpu.memory_space<vmem>> -> memref<1x128xi32, #tpu.memory_space<vmem>>
          %dma_start3A_116 = tpu.memref_squeeze %dma_start3A_115 : memref<1x128xi32, #tpu.memory_space<vmem>> -> memref<128xi32, #tpu.memory_space<vmem>>
          %dma_start3A_117 = arith.constant 0 : i32
          %dma_start3A_118 = arith.constant 0 : i32
          %dma_start3A_119 = tpu.memref_slice %arg17[%dma_start3A_117, %dma_start3A_118] : memref<10112x32xf32, #tpu.memory_space<vmem_shared>> -> memref<10112x32xf32, #tpu.memory_space<vmem_shared>>
          tpu.enqueue_indirect_dma source(%arg9 : memref<128x32xf32, #tpu.memory_space<vmem>>) target(%dma_start3A_119 : memref<10112x32xf32, #tpu.memory_space<vmem_shared>>) offsets(%dma_start3A_116 : memref<128xi32, #tpu.memory_space<vmem>>) semaphore(%run_scoped3A : memref<!tpu.dma_semaphore, #tpu.memory_space<semaphore_mem>>) {add = true}
          %dma_wait3A_120 = arith.constant 0 : i32
          %dma_wait3A_121 = tpu.memref_slice %arg8[%add3A_43, %dma_wait3A_120] : memref<80x128xi32, #tpu.memory_space<vmem>> -> memref<1x128xi32, #tpu.memory_space<vmem>>
          %dma_wait3A_122 = tpu.memref_squeeze %dma_wait3A_121 : memref<1x128xi32, #tpu.memory_space<vmem>> -> memref<128xi32, #tpu.memory_space<vmem>>
          %dma_wait3A_123 = arith.constant 0 : i32
          %dma_wait3A_124 = arith.constant 0 : i32
          %dma_wait3A_125 = tpu.memref_slice %arg17[%dma_wait3A_123, %dma_wait3A_124] : memref<10112x32xf32, #tpu.memory_space<vmem_shared>> -> memref<10112x32xf32, #tpu.memory_space<vmem_shared>>
          tpu.wait_indirect_dma semaphore(%run_scoped3A : memref<!tpu.dma_semaphore, #tpu.memory_space<semaphore_mem>>) src(%arg9 : memref<128x32xf32, #tpu.memory_space<vmem>>) dst(%dma_wait3A_125 : memref<10112x32xf32, #tpu.memory_space<vmem_shared>>)
          tpu.yield
        }) : () -> ()
        %mul3A_56 = arith.constant 4 : i32
        %mul3A_57 = arith.muli %scan3A_38, %mul3A_56 : i32
        %add3A_58 = arith.constant 1 : i32
        %add3A_59 = arith.addi %mul3A_57, %add3A_58 : i32
        %add3A_60 = arith.constant 4 : i32
        %add3A_61 = arith.addi %add3A_59, %add3A_60 : i32
        %sub3A_62 = arith.constant 1 : i32
        %sub3A_63 = arith.subi %add3A_61, %sub3A_62 : i32
        %lt3A_64 = arith.constant 80 : i32
        %lt3A_65 = arith.cmpi slt, %sub3A_63, %lt3A_64 : i32
        %convert_element_type3A_66 = arith.extui %lt3A_65 : i1 to i32
        %cond3A_67 = arith.constant 0 : i32
        %cond3A_68 = arith.cmpi ne, %convert_element_type3A_66, %cond3A_67 : i32
        scf.if %cond3A_68 {
          %dma_start3A_114 = arith.constant 0 : i32
          %dma_start3A_115 = tpu.memref_slice %arg7[%sub3A_63, %dma_start3A_114] : memref<80x128xi32, #tpu.memory_space<vmem>> -> memref<1x128xi32, #tpu.memory_space<vmem>>
          %dma_start3A_116 = tpu.memref_squeeze %dma_start3A_115 : memref<1x128xi32, #tpu.memory_space<vmem>> -> memref<128xi32, #tpu.memory_space<vmem>>
          %dma_start3A_117 = arith.constant 0 : i32
          %dma_start3A_118 = arith.constant 0 : i32
          %dma_start3A_119 = tpu.memref_slice %arg2[%dma_start3A_117, %dma_start3A_118] : memref<80896x32xf32, #tpu.memory_space<hbm>> -> memref<80896x32xf32, #tpu.memory_space<hbm>>
          tpu.enqueue_indirect_dma source(%dma_start3A_119 : memref<80896x32xf32, #tpu.memory_space<hbm>>) target(%arg9 : memref<128x32xf32, #tpu.memory_space<vmem>>) offsets(%dma_start3A_116 : memref<128xi32, #tpu.memory_space<vmem>>) semaphore(%arg13 : memref<!tpu.dma_semaphore, #tpu.memory_space<semaphore_mem>>)
        } else {
        }
        %dma_wait3A_69 = arith.constant 0 : i32
        %dma_wait3A_70 = tpu.memref_slice %arg7[%add3A_59, %dma_wait3A_69] : memref<80x128xi32, #tpu.memory_space<vmem>> -> memref<1x128xi32, #tpu.memory_space<vmem>>
        %dma_wait3A_71 = tpu.memref_squeeze %dma_wait3A_70 : memref<1x128xi32, #tpu.memory_space<vmem>> -> memref<128xi32, #tpu.memory_space<vmem>>
        %dma_wait3A_72 = arith.constant 0 : i32
        %dma_wait3A_73 = arith.constant 0 : i32
        %dma_wait3A_74 = tpu.memref_slice %arg2[%dma_wait3A_72, %dma_wait3A_73] : memref<80896x32xf32, #tpu.memory_space<hbm>> -> memref<80896x32xf32, #tpu.memory_space<hbm>>
        tpu.wait_indirect_dma semaphore(%arg14 : memref<!tpu.dma_semaphore, #tpu.memory_space<semaphore_mem>>) src(%dma_wait3A_74 : memref<80896x32xf32, #tpu.memory_space<hbm>>) dst(%arg10 : memref<128x32xf32, #tpu.memory_space<vmem>>)
        "tpu.region"() ({
          %run_scoped3A = tpu.sem_alloc : memref<!tpu.dma_semaphore, #tpu.memory_space<semaphore_mem>>
          %dma_start3A_114 = arith.constant 0 : i32
          %dma_start3A_115 = tpu.memref_slice %arg8[%add3A_59, %dma_start3A_114] : memref<80x128xi32, #tpu.memory_space<vmem>> -> memref<1x128xi32, #tpu.memory_space<vmem>>
          %dma_start3A_116 = tpu.memref_squeeze %dma_start3A_115 : memref<1x128xi32, #tpu.memory_space<vmem>> -> memref<128xi32, #tpu.memory_space<vmem>>
          %dma_start3A_117 = arith.constant 0 : i32
          %dma_start3A_118 = arith.constant 0 : i32
          %dma_start3A_119 = tpu.memref_slice %arg17[%dma_start3A_117, %dma_start3A_118] : memref<10112x32xf32, #tpu.memory_space<vmem_shared>> -> memref<10112x32xf32, #tpu.memory_space<vmem_shared>>
          tpu.enqueue_indirect_dma source(%arg10 : memref<128x32xf32, #tpu.memory_space<vmem>>) target(%dma_start3A_119 : memref<10112x32xf32, #tpu.memory_space<vmem_shared>>) offsets(%dma_start3A_116 : memref<128xi32, #tpu.memory_space<vmem>>) semaphore(%run_scoped3A : memref<!tpu.dma_semaphore, #tpu.memory_space<semaphore_mem>>) {add = true}
          %dma_wait3A_120 = arith.constant 0 : i32
          %dma_wait3A_121 = tpu.memref_slice %arg8[%add3A_59, %dma_wait3A_120] : memref<80x128xi32, #tpu.memory_space<vmem>> -> memref<1x128xi32, #tpu.memory_space<vmem>>
          %dma_wait3A_122 = tpu.memref_squeeze %dma_wait3A_121 : memref<1x128xi32, #tpu.memory_space<vmem>> -> memref<128xi32, #tpu.memory_space<vmem>>
          %dma_wait3A_123 = arith.constant 0 : i32
          %dma_wait3A_124 = arith.constant 0 : i32
          %dma_wait3A_125 = tpu.memref_slice %arg17[%dma_wait3A_123, %dma_wait3A_124] : memref<10112x32xf32, #tpu.memory_space<vmem_shared>> -> memref<10112x32xf32, #tpu.memory_space<vmem_shared>>
          tpu.wait_indirect_dma semaphore(%run_scoped3A : memref<!tpu.dma_semaphore, #tpu.memory_space<semaphore_mem>>) src(%arg10 : memref<128x32xf32, #tpu.memory_space<vmem>>) dst(%dma_wait3A_125 : memref<10112x32xf32, #tpu.memory_space<vmem_shared>>)
          tpu.yield
        }) : () -> ()
        %mul3A_75 = arith.constant 4 : i32
        %mul3A_76 = arith.muli %scan3A_38, %mul3A_75 : i32
        %add3A_77 = arith.constant 2 : i32
        %add3A_78 = arith.addi %mul3A_76, %add3A_77 : i32
        %add3A_79 = arith.constant 4 : i32
        %add3A_80 = arith.addi %add3A_78, %add3A_79 : i32
        %sub3A_81 = arith.constant 1 : i32
        %sub3A_82 = arith.subi %add3A_80, %sub3A_81 : i32
        %lt3A_83 = arith.constant 80 : i32
        %lt3A_84 = arith.cmpi slt, %sub3A_82, %lt3A_83 : i32
        %convert_element_type3A_85 = arith.extui %lt3A_84 : i1 to i32
        %cond3A_86 = arith.constant 0 : i32
        %cond3A_87 = arith.cmpi ne, %convert_element_type3A_85, %cond3A_86 : i32
        scf.if %cond3A_87 {
          %dma_start3A_114 = arith.constant 0 : i32
          %dma_start3A_115 = tpu.memref_slice %arg7[%sub3A_82, %dma_start3A_114] : memref<80x128xi32, #tpu.memory_space<vmem>> -> memref<1x128xi32, #tpu.memory_space<vmem>>
          %dma_start3A_116 = tpu.memref_squeeze %dma_start3A_115 : memref<1x128xi32, #tpu.memory_space<vmem>> -> memref<128xi32, #tpu.memory_space<vmem>>
          %dma_start3A_117 = arith.constant 0 : i32
          %dma_start3A_118 = arith.constant 0 : i32
          %dma_start3A_119 = tpu.memref_slice %arg2[%dma_start3A_117, %dma_start3A_118] : memref<80896x32xf32, #tpu.memory_space<hbm>> -> memref<80896x32xf32, #tpu.memory_space<hbm>>
          tpu.enqueue_indirect_dma source(%dma_start3A_119 : memref<80896x32xf32, #tpu.memory_space<hbm>>) target(%arg10 : memref<128x32xf32, #tpu.memory_space<vmem>>) offsets(%dma_start3A_116 : memref<128xi32, #tpu.memory_space<vmem>>) semaphore(%arg14 : memref<!tpu.dma_semaphore, #tpu.memory_space<semaphore_mem>>)
        } else {
        }
        %dma_wait3A_88 = arith.constant 0 : i32
        %dma_wait3A_89 = tpu.memref_slice %arg7[%add3A_78, %dma_wait3A_88] : memref<80x128xi32, #tpu.memory_space<vmem>> -> memref<1x128xi32, #tpu.memory_space<vmem>>
        %dma_wait3A_90 = tpu.memref_squeeze %dma_wait3A_89 : memref<1x128xi32, #tpu.memory_space<vmem>> -> memref<128xi32, #tpu.memory_space<vmem>>
        %dma_wait3A_91 = arith.constant 0 : i32
        %dma_wait3A_92 = arith.constant 0 : i32
        %dma_wait3A_93 = tpu.memref_slice %arg2[%dma_wait3A_91, %dma_wait3A_92] : memref<80896x32xf32, #tpu.memory_space<hbm>> -> memref<80896x32xf32, #tpu.memory_space<hbm>>
        tpu.wait_indirect_dma semaphore(%arg15 : memref<!tpu.dma_semaphore, #tpu.memory_space<semaphore_mem>>) src(%dma_wait3A_93 : memref<80896x32xf32, #tpu.memory_space<hbm>>) dst(%arg11 : memref<128x32xf32, #tpu.memory_space<vmem>>)
        "tpu.region"() ({
          %run_scoped3A = tpu.sem_alloc : memref<!tpu.dma_semaphore, #tpu.memory_space<semaphore_mem>>
          %dma_start3A_114 = arith.constant 0 : i32
          %dma_start3A_115 = tpu.memref_slice %arg8[%add3A_78, %dma_start3A_114] : memref<80x128xi32, #tpu.memory_space<vmem>> -> memref<1x128xi32, #tpu.memory_space<vmem>>
          %dma_start3A_116 = tpu.memref_squeeze %dma_start3A_115 : memref<1x128xi32, #tpu.memory_space<vmem>> -> memref<128xi32, #tpu.memory_space<vmem>>
          %dma_start3A_117 = arith.constant 0 : i32
          %dma_start3A_118 = arith.constant 0 : i32
          %dma_start3A_119 = tpu.memref_slice %arg17[%dma_start3A_117, %dma_start3A_118] : memref<10112x32xf32, #tpu.memory_space<vmem_shared>> -> memref<10112x32xf32, #tpu.memory_space<vmem_shared>>
          tpu.enqueue_indirect_dma source(%arg11 : memref<128x32xf32, #tpu.memory_space<vmem>>) target(%dma_start3A_119 : memref<10112x32xf32, #tpu.memory_space<vmem_shared>>) offsets(%dma_start3A_116 : memref<128xi32, #tpu.memory_space<vmem>>) semaphore(%run_scoped3A : memref<!tpu.dma_semaphore, #tpu.memory_space<semaphore_mem>>) {add = true}
          %dma_wait3A_120 = arith.constant 0 : i32
          %dma_wait3A_121 = tpu.memref_slice %arg8[%add3A_78, %dma_wait3A_120] : memref<80x128xi32, #tpu.memory_space<vmem>> -> memref<1x128xi32, #tpu.memory_space<vmem>>
          %dma_wait3A_122 = tpu.memref_squeeze %dma_wait3A_121 : memref<1x128xi32, #tpu.memory_space<vmem>> -> memref<128xi32, #tpu.memory_space<vmem>>
          %dma_wait3A_123 = arith.constant 0 : i32
          %dma_wait3A_124 = arith.constant 0 : i32
          %dma_wait3A_125 = tpu.memref_slice %arg17[%dma_wait3A_123, %dma_wait3A_124] : memref<10112x32xf32, #tpu.memory_space<vmem_shared>> -> memref<10112x32xf32, #tpu.memory_space<vmem_shared>>
          tpu.wait_indirect_dma semaphore(%run_scoped3A : memref<!tpu.dma_semaphore, #tpu.memory_space<semaphore_mem>>) src(%arg11 : memref<128x32xf32, #tpu.memory_space<vmem>>) dst(%dma_wait3A_125 : memref<10112x32xf32, #tpu.memory_space<vmem_shared>>)
          tpu.yield
        }) : () -> ()
        %mul3A_94 = arith.constant 4 : i32
        %mul3A_95 = arith.muli %scan3A_38, %mul3A_94 : i32
        %add3A_96 = arith.constant 3 : i32
        %add3A_97 = arith.addi %mul3A_95, %add3A_96 : i32
        %add3A_98 = arith.constant 4 : i32
        %add3A_99 = arith.addi %add3A_97, %add3A_98 : i32
        %sub3A_100 = arith.constant 1 : i32
        %sub3A_101 = arith.subi %add3A_99, %sub3A_100 : i32
        %lt3A_102 = arith.constant 80 : i32
        %lt3A_103 = arith.cmpi slt, %sub3A_101, %lt3A_102 : i32
        %convert_element_type3A_104 = arith.extui %lt3A_103 : i1 to i32
        %cond3A_105 = arith.constant 0 : i32
        %cond3A_106 = arith.cmpi ne, %convert_element_type3A_104, %cond3A_105 : i32
        scf.if %cond3A_106 {
          %dma_start3A_114 = arith.constant 0 : i32
          %dma_start3A_115 = tpu.memref_slice %arg7[%sub3A_101, %dma_start3A_114] : memref<80x128xi32, #tpu.memory_space<vmem>> -> memref<1x128xi32, #tpu.memory_space<vmem>>
          %dma_start3A_116 = tpu.memref_squeeze %dma_start3A_115 : memref<1x128xi32, #tpu.memory_space<vmem>> -> memref<128xi32, #tpu.memory_space<vmem>>
          %dma_start3A_117 = arith.constant 0 : i32
          %dma_start3A_118 = arith.constant 0 : i32
          %dma_start3A_119 = tpu.memref_slice %arg2[%dma_start3A_117, %dma_start3A_118] : memref<80896x32xf32, #tpu.memory_space<hbm>> -> memref<80896x32xf32, #tpu.memory_space<hbm>>
          tpu.enqueue_indirect_dma source(%dma_start3A_119 : memref<80896x32xf32, #tpu.memory_space<hbm>>) target(%arg11 : memref<128x32xf32, #tpu.memory_space<vmem>>) offsets(%dma_start3A_116 : memref<128xi32, #tpu.memory_space<vmem>>) semaphore(%arg15 : memref<!tpu.dma_semaphore, #tpu.memory_space<semaphore_mem>>)
        } else {
        }
        %dma_wait3A_107 = arith.constant 0 : i32
        %dma_wait3A_108 = tpu.memref_slice %arg7[%add3A_97, %dma_wait3A_107] : memref<80x128xi32, #tpu.memory_space<vmem>> -> memref<1x128xi32, #tpu.memory_space<vmem>>
        %dma_wait3A_109 = tpu.memref_squeeze %dma_wait3A_108 : memref<1x128xi32, #tpu.memory_space<vmem>> -> memref<128xi32, #tpu.memory_space<vmem>>
        %dma_wait3A_110 = arith.constant 0 : i32
        %dma_wait3A_111 = arith.constant 0 : i32
        %dma_wait3A_112 = tpu.memref_slice %arg2[%dma_wait3A_110, %dma_wait3A_111] : memref<80896x32xf32, #tpu.memory_space<hbm>> -> memref<80896x32xf32, #tpu.memory_space<hbm>>
        tpu.wait_indirect_dma semaphore(%arg16 : memref<!tpu.dma_semaphore, #tpu.memory_space<semaphore_mem>>) src(%dma_wait3A_112 : memref<80896x32xf32, #tpu.memory_space<hbm>>) dst(%arg12 : memref<128x32xf32, #tpu.memory_space<vmem>>)
        "tpu.region"() ({
          %run_scoped3A = tpu.sem_alloc : memref<!tpu.dma_semaphore, #tpu.memory_space<semaphore_mem>>
          %dma_start3A_114 = arith.constant 0 : i32
          %dma_start3A_115 = tpu.memref_slice %arg8[%add3A_97, %dma_start3A_114] : memref<80x128xi32, #tpu.memory_space<vmem>> -> memref<1x128xi32, #tpu.memory_space<vmem>>
          %dma_start3A_116 = tpu.memref_squeeze %dma_start3A_115 : memref<1x128xi32, #tpu.memory_space<vmem>> -> memref<128xi32, #tpu.memory_space<vmem>>
          %dma_start3A_117 = arith.constant 0 : i32
          %dma_start3A_118 = arith.constant 0 : i32
          %dma_start3A_119 = tpu.memref_slice %arg17[%dma_start3A_117, %dma_start3A_118] : memref<10112x32xf32, #tpu.memory_space<vmem_shared>> -> memref<10112x32xf32, #tpu.memory_space<vmem_shared>>
          tpu.enqueue_indirect_dma source(%arg12 : memref<128x32xf32, #tpu.memory_space<vmem>>) target(%dma_start3A_119 : memref<10112x32xf32, #tpu.memory_space<vmem_shared>>) offsets(%dma_start3A_116 : memref<128xi32, #tpu.memory_space<vmem>>) semaphore(%run_scoped3A : memref<!tpu.dma_semaphore, #tpu.memory_space<semaphore_mem>>) {add = true}
          %dma_wait3A_120 = arith.constant 0 : i32
          %dma_wait3A_121 = tpu.memref_slice %arg8[%add3A_97, %dma_wait3A_120] : memref<80x128xi32, #tpu.memory_space<vmem>> -> memref<1x128xi32, #tpu.memory_space<vmem>>
          %dma_wait3A_122 = tpu.memref_squeeze %dma_wait3A_121 : memref<1x128xi32, #tpu.memory_space<vmem>> -> memref<128xi32, #tpu.memory_space<vmem>>
          %dma_wait3A_123 = arith.constant 0 : i32
          %dma_wait3A_124 = arith.constant 0 : i32
          %dma_wait3A_125 = tpu.memref_slice %arg17[%dma_wait3A_123, %dma_wait3A_124] : memref<10112x32xf32, #tpu.memory_space<vmem_shared>> -> memref<10112x32xf32, #tpu.memory_space<vmem_shared>>
          tpu.wait_indirect_dma semaphore(%run_scoped3A : memref<!tpu.dma_semaphore, #tpu.memory_space<semaphore_mem>>) src(%arg12 : memref<128x32xf32, #tpu.memory_space<vmem>>) dst(%dma_wait3A_125 : memref<10112x32xf32, #tpu.memory_space<vmem_shared>>)
          tpu.yield
        }) : () -> ()
        %scan3A_113 = arith.constant 0 : i32
        scf.yield %scan3A_113 : i32
      }
      %scan3A_36 = arith.constant 20 : i32
      %barrier3A_37 = arith.constant 0 : index
      tpu.barrier barrier_id(%barrier3A_37)
      "tpu.region"() ({
        %run_scoped3A = tpu.sem_alloc : memref<!tpu.dma_semaphore, #tpu.memory_space<semaphore_mem>>
        %dma_start3A_38 = arith.constant 0 : i32
        %dma_start3A_39 = tpu.memref_slice %arg6[%arg0, %mul3A_0, %dma_start3A_38] : memref<2x10112x32xf32, #tpu.memory_space<hbm>> -> memref<1x632x32xf32, #tpu.memory_space<hbm>>
        %dma_start3A_40 = tpu.memref_squeeze %dma_start3A_39 : memref<1x632x32xf32, #tpu.memory_space<hbm>> -> memref<632x32xf32, #tpu.memory_space<hbm>>
        %dma_start3A_41 = arith.constant 0 : i32
        %dma_start3A_42 = tpu.memref_slice %arg17[%mul3A_0, %dma_start3A_41] : memref<10112x32xf32, #tpu.memory_space<vmem_shared>> -> memref<632x32xf32, #tpu.memory_space<vmem_shared>>
        tpu.enqueue_dma source(%dma_start3A_42 : memref<632x32xf32, #tpu.memory_space<vmem_shared>>) target(%dma_start3A_40 : memref<632x32xf32, #tpu.memory_space<hbm>>) target_semaphore(%run_scoped3A : memref<!tpu.dma_semaphore, #tpu.memory_space<semaphore_mem>>)
        %dma_wait3A = arith.constant 0 : i32
        %dma_wait3A_43 = tpu.memref_slice %arg6[%arg0, %mul3A_0, %dma_wait3A] : memref<2x10112x32xf32, #tpu.memory_space<hbm>> -> memref<1x632x32xf32, #tpu.memory_space<hbm>>
        %dma_wait3A_44 = tpu.memref_squeeze %dma_wait3A_43 : memref<1x632x32xf32, #tpu.memory_space<hbm>> -> memref<632x32xf32, #tpu.memory_space<hbm>>
        %dma_wait3A_45 = arith.constant 0 : i32
        %dma_wait3A_46 = tpu.memref_slice %arg17[%mul3A_0, %dma_wait3A_45] : memref<10112x32xf32, #tpu.memory_space<vmem_shared>> -> memref<632x32xf32, #tpu.memory_space<vmem_shared>>
        tpu.wait_dma2 semaphore(%run_scoped3A : memref<!tpu.dma_semaphore, #tpu.memory_space<semaphore_mem>>) src(%dma_wait3A_46 : memref<632x32xf32, #tpu.memory_space<vmem_shared>>) dst(%dma_wait3A_44 : memref<632x32xf32, #tpu.memory_space<hbm>>)
        tpu.yield
      }) : () -> ()
    } else {
    }
    return
  }
}

#map = affine_map<(d0, d1) -> (0, 0)>
#map1 = affine_map<(d0, d1) -> (0, 0, 0)>
module attributes {stable_mosaic.version = 14 : i64} {
  func.func @k(%arg0: i32, %arg1: i32, %arg2: memref<80896x64xf32, #tpu.memory_space<hbm>>, %arg3: memref<2560x128xi32, #tpu.memory_space<hbm>>, %arg4: memref<2560x128xi32, #tpu.memory_space<hbm>>, %arg5: memref<10112x64xf32, #tpu.memory_space<hbm>>, %arg6: memref<2x10112x64xf32, #tpu.memory_space<hbm>>, %arg7: memref<80x128xi32, #tpu.memory_space<vmem>>, %arg8: memref<80x128xi32, #tpu.memory_space<vmem>>, %arg9: memref<128x64xf32, #tpu.memory_space<vmem>>, %arg10: memref<128x64xf32, #tpu.memory_space<vmem>>, %arg11: memref<128x64xf32, #tpu.memory_space<vmem>>, %arg12: memref<128x64xf32, #tpu.memory_space<vmem>>, %arg13: memref<!tpu.dma_semaphore, #tpu.memory_space<semaphore_mem>>, %arg14: memref<!tpu.dma_semaphore, #tpu.memory_space<semaphore_mem>>, %arg15: memref<!tpu.dma_semaphore, #tpu.memory_space<semaphore_mem>>, %arg16: memref<!tpu.dma_semaphore, #tpu.memory_space<semaphore_mem>>, %arg17: memref<10112x64xf32, #tpu.memory_space<vmem_shared>>) attributes {dimension_semantics = [#tpu.dimension_semantics<core_parallel>, #tpu.dimension_semantics<subcore_parallel>], iteration_bounds = array<i64: 2, 16>, scalar_prefetch = 0 : i64, scratch_operands = 11 : i64, tpu.core_type = #tpu.core_type<sc_vector_subcore>, window_params = [{transform_indices = #map}, {transform_indices = #map}, {transform_indices = #map}, {transform_indices = #map}, {transform_indices = #map1}]} {
    %mul3A = arith.constant 632 : i32
    %mul3A_0 = arith.muli %arg1, %mul3A : i32
    "tpu.region"() ({
      %run_scoped3A = tpu.sem_alloc : memref<!tpu.dma_semaphore, #tpu.memory_space<semaphore_mem>>
      %dma_start3A = arith.constant 0 : i32
      %dma_start3A_8 = tpu.memref_slice %arg17[%mul3A_0, %dma_start3A] : memref<10112x64xf32, #tpu.memory_space<vmem_shared>> -> memref<632x64xf32, #tpu.memory_space<vmem_shared>>
      %dma_start3A_9 = arith.constant 0 : i32
      %dma_start3A_10 = tpu.memref_slice %arg5[%mul3A_0, %dma_start3A_9] : memref<10112x64xf32, #tpu.memory_space<hbm>> -> memref<632x64xf32, #tpu.memory_space<hbm>>
      tpu.enqueue_dma source(%dma_start3A_10 : memref<632x64xf32, #tpu.memory_space<hbm>>) target(%dma_start3A_8 : memref<632x64xf32, #tpu.memory_space<vmem_shared>>) target_semaphore(%run_scoped3A : memref<!tpu.dma_semaphore, #tpu.memory_space<semaphore_mem>>)
      %dma_wait3A = arith.constant 0 : i32
      %dma_wait3A_11 = tpu.memref_slice %arg17[%mul3A_0, %dma_wait3A] : memref<10112x64xf32, #tpu.memory_space<vmem_shared>> -> memref<632x64xf32, #tpu.memory_space<vmem_shared>>
      %dma_wait3A_12 = arith.constant 0 : i32
      %dma_wait3A_13 = tpu.memref_slice %arg5[%mul3A_0, %dma_wait3A_12] : memref<10112x64xf32, #tpu.memory_space<hbm>> -> memref<632x64xf32, #tpu.memory_space<hbm>>
      tpu.wait_dma2 semaphore(%run_scoped3A : memref<!tpu.dma_semaphore, #tpu.memory_space<semaphore_mem>>) src(%dma_wait3A_13 : memref<632x64xf32, #tpu.memory_space<hbm>>) dst(%dma_wait3A_11 : memref<632x64xf32, #tpu.memory_space<vmem_shared>>)
      tpu.yield
    }) : () -> ()
    %eq3A = arith.constant 0 : i32
    %eq3A_1 = arith.cmpi eq, %arg0, %eq3A : i32
    %convert_element_type3A = arith.extui %eq3A_1 : i1 to i32
    %cond3A = arith.constant 0 : i32
    %cond3A_2 = arith.cmpi ne, %convert_element_type3A, %cond3A : i32
    scf.if %cond3A_2 {
      %mul3A_8 = arith.constant 80 : i32
      %mul3A_9 = arith.muli %arg1, %mul3A_8 : i32
      "tpu.region"() ({
        %run_scoped3A = tpu.sem_alloc : memref<!tpu.dma_semaphore, #tpu.memory_space<semaphore_mem>>
        %dma_start3A_37 = arith.constant 0 : i32
        %dma_start3A_38 = arith.constant 0 : i32
        %dma_start3A_39 = tpu.memref_slice %arg7[%dma_start3A_37, %dma_start3A_38] : memref<80x128xi32, #tpu.memory_space<vmem>> -> memref<80x128xi32, #tpu.memory_space<vmem>>
        %dma_start3A_40 = arith.constant 0 : i32
        %dma_start3A_41 = tpu.memref_slice %arg3[%mul3A_9, %dma_start3A_40] : memref<2560x128xi32, #tpu.memory_space<hbm>> -> memref<80x128xi32, #tpu.memory_space<hbm>>
        %dma_start3A_42 = arith.constant 0 : i32
        %dma_start3A_43 = arith.constant 0 : i32
        %dma_start3A_44 = tpu.memref_slice %arg7[%dma_start3A_42, %dma_start3A_43] : memref<80x128xi32, #tpu.memory_space<vmem>> -> memref<80x128xi32, #tpu.memory_space<vmem>>
        %dma_start3A_45 = arith.constant 0 : i32
        %dma_start3A_46 = tpu.memref_slice %arg3[%mul3A_9, %dma_start3A_45] : memref<2560x128xi32, #tpu.memory_space<hbm>> -> memref<80x128xi32, #tpu.memory_space<hbm>>
        tpu.enqueue_dma source(%dma_start3A_46 : memref<80x128xi32, #tpu.memory_space<hbm>>) target(%dma_start3A_44 : memref<80x128xi32, #tpu.memory_space<vmem>>) target_semaphore(%run_scoped3A : memref<!tpu.dma_semaphore, #tpu.memory_space<semaphore_mem>>)
        %dma_wait3A = arith.constant 0 : i32
        %dma_wait3A_47 = arith.constant 0 : i32
        %dma_wait3A_48 = tpu.memref_slice %arg7[%dma_wait3A, %dma_wait3A_47] : memref<80x128xi32, #tpu.memory_space<vmem>> -> memref<80x128xi32, #tpu.memory_space<vmem>>
        %dma_wait3A_49 = arith.constant 0 : i32
        %dma_wait3A_50 = tpu.memref_slice %arg3[%mul3A_9, %dma_wait3A_49] : memref<2560x128xi32, #tpu.memory_space<hbm>> -> memref<80x128xi32, #tpu.memory_space<hbm>>
        %dma_wait3A_51 = arith.constant 0 : i32
        %dma_wait3A_52 = arith.constant 0 : i32
        %dma_wait3A_53 = tpu.memref_slice %arg7[%dma_wait3A_51, %dma_wait3A_52] : memref<80x128xi32, #tpu.memory_space<vmem>> -> memref<80x128xi32, #tpu.memory_space<vmem>>
        %dma_wait3A_54 = arith.constant 0 : i32
        %dma_wait3A_55 = tpu.memref_slice %arg3[%mul3A_9, %dma_wait3A_54] : memref<2560x128xi32, #tpu.memory_space<hbm>> -> memref<80x128xi32, #tpu.memory_space<hbm>>
        tpu.wait_dma2 semaphore(%run_scoped3A : memref<!tpu.dma_semaphore, #tpu.memory_space<semaphore_mem>>) src(%dma_wait3A_55 : memref<80x128xi32, #tpu.memory_space<hbm>>) dst(%dma_wait3A_53 : memref<80x128xi32, #tpu.memory_space<vmem>>)
        tpu.yield
      }) : () -> ()
      "tpu.region"() ({
        %run_scoped3A = tpu.sem_alloc : memref<!tpu.dma_semaphore, #tpu.memory_space<semaphore_mem>>
        %dma_start3A_37 = arith.constant 0 : i32
        %dma_start3A_38 = arith.constant 0 : i32
        %dma_start3A_39 = tpu.memref_slice %arg8[%dma_start3A_37, %dma_start3A_38] : memref<80x128xi32, #tpu.memory_space<vmem>> -> memref<80x128xi32, #tpu.memory_space<vmem>>
        %dma_start3A_40 = arith.constant 0 : i32
        %dma_start3A_41 = tpu.memref_slice %arg4[%mul3A_9, %dma_start3A_40] : memref<2560x128xi32, #tpu.memory_space<hbm>> -> memref<80x128xi32, #tpu.memory_space<hbm>>
        %dma_start3A_42 = arith.constant 0 : i32
        %dma_start3A_43 = arith.constant 0 : i32
        %dma_start3A_44 = tpu.memref_slice %arg8[%dma_start3A_42, %dma_start3A_43] : memref<80x128xi32, #tpu.memory_space<vmem>> -> memref<80x128xi32, #tpu.memory_space<vmem>>
        %dma_start3A_45 = arith.constant 0 : i32
        %dma_start3A_46 = tpu.memref_slice %arg4[%mul3A_9, %dma_start3A_45] : memref<2560x128xi32, #tpu.memory_space<hbm>> -> memref<80x128xi32, #tpu.memory_space<hbm>>
        tpu.enqueue_dma source(%dma_start3A_46 : memref<80x128xi32, #tpu.memory_space<hbm>>) target(%dma_start3A_44 : memref<80x128xi32, #tpu.memory_space<vmem>>) target_semaphore(%run_scoped3A : memref<!tpu.dma_semaphore, #tpu.memory_space<semaphore_mem>>)
        %dma_wait3A = arith.constant 0 : i32
        %dma_wait3A_47 = arith.constant 0 : i32
        %dma_wait3A_48 = tpu.memref_slice %arg8[%dma_wait3A, %dma_wait3A_47] : memref<80x128xi32, #tpu.memory_space<vmem>> -> memref<80x128xi32, #tpu.memory_space<vmem>>
        %dma_wait3A_49 = arith.constant 0 : i32
        %dma_wait3A_50 = tpu.memref_slice %arg4[%mul3A_9, %dma_wait3A_49] : memref<2560x128xi32, #tpu.memory_space<hbm>> -> memref<80x128xi32, #tpu.memory_space<hbm>>
        %dma_wait3A_51 = arith.constant 0 : i32
        %dma_wait3A_52 = arith.constant 0 : i32
        %dma_wait3A_53 = tpu.memref_slice %arg8[%dma_wait3A_51, %dma_wait3A_52] : memref<80x128xi32, #tpu.memory_space<vmem>> -> memref<80x128xi32, #tpu.memory_space<vmem>>
        %dma_wait3A_54 = arith.constant 0 : i32
        %dma_wait3A_55 = tpu.memref_slice %arg4[%mul3A_9, %dma_wait3A_54] : memref<2560x128xi32, #tpu.memory_space<hbm>> -> memref<80x128xi32, #tpu.memory_space<hbm>>
        tpu.wait_dma2 semaphore(%run_scoped3A : memref<!tpu.dma_semaphore, #tpu.memory_space<semaphore_mem>>) src(%dma_wait3A_55 : memref<80x128xi32, #tpu.memory_space<hbm>>) dst(%dma_wait3A_53 : memref<80x128xi32, #tpu.memory_space<vmem>>)
        tpu.yield
      }) : () -> ()
      %barrier3A = arith.constant 0 : index
      tpu.barrier barrier_id(%barrier3A)
      %dma_start3A = arith.constant 0 : i32
      %dma_start3A_10 = arith.constant 0 : i32
      %dma_start3A_11 = tpu.memref_slice %arg7[%dma_start3A, %dma_start3A_10] : memref<80x128xi32, #tpu.memory_space<vmem>> -> memref<1x128xi32, #tpu.memory_space<vmem>>
      %dma_start3A_12 = tpu.memref_squeeze %dma_start3A_11 : memref<1x128xi32, #tpu.memory_space<vmem>> -> memref<128xi32, #tpu.memory_space<vmem>>
      %dma_start3A_13 = arith.constant 0 : i32
      %dma_start3A_14 = arith.constant 0 : i32
      %dma_start3A_15 = tpu.memref_slice %arg2[%dma_start3A_13, %dma_start3A_14] : memref<80896x64xf32, #tpu.memory_space<hbm>> -> memref<80896x64xf32, #tpu.memory_space<hbm>>
      tpu.enqueue_indirect_dma source(%dma_start3A_15 : memref<80896x64xf32, #tpu.memory_space<hbm>>) target(%arg9 : memref<128x64xf32, #tpu.memory_space<vmem>>) offsets(%dma_start3A_12 : memref<128xi32, #tpu.memory_space<vmem>>) semaphore(%arg13 : memref<!tpu.dma_semaphore, #tpu.memory_space<semaphore_mem>>)
      %dma_start3A_16 = arith.constant 1 : i32
      %dma_start3A_17 = arith.constant 0 : i32
      %dma_start3A_18 = tpu.memref_slice %arg7[%dma_start3A_16, %dma_start3A_17] : memref<80x128xi32, #tpu.memory_space<vmem>> -> memref<1x128xi32, #tpu.memory_space<vmem>>
      %dma_start3A_19 = tpu.memref_squeeze %dma_start3A_18 : memref<1x128xi32, #tpu.memory_space<vmem>> -> memref<128xi32, #tpu.memory_space<vmem>>
      %dma_start3A_20 = arith.constant 0 : i32
      %dma_start3A_21 = arith.constant 0 : i32
      %dma_start3A_22 = tpu.memref_slice %arg2[%dma_start3A_20, %dma_start3A_21] : memref<80896x64xf32, #tpu.memory_space<hbm>> -> memref<80896x64xf32, #tpu.memory_space<hbm>>
      tpu.enqueue_indirect_dma source(%dma_start3A_22 : memref<80896x64xf32, #tpu.memory_space<hbm>>) target(%arg10 : memref<128x64xf32, #tpu.memory_space<vmem>>) offsets(%dma_start3A_19 : memref<128xi32, #tpu.memory_space<vmem>>) semaphore(%arg14 : memref<!tpu.dma_semaphore, #tpu.memory_space<semaphore_mem>>)
      %dma_start3A_23 = arith.constant 2 : i32
      %dma_start3A_24 = arith.constant 0 : i32
      %dma_start3A_25 = tpu.memref_slice %arg7[%dma_start3A_23, %dma_start3A_24] : memref<80x128xi32, #tpu.memory_space<vmem>> -> memref<1x128xi32, #tpu.memory_space<vmem>>
      %dma_start3A_26 = tpu.memref_squeeze %dma_start3A_25 : memref<1x128xi32, #tpu.memory_space<vmem>> -> memref<128xi32, #tpu.memory_space<vmem>>
      %dma_start3A_27 = arith.constant 0 : i32
      %dma_start3A_28 = arith.constant 0 : i32
      %dma_start3A_29 = tpu.memref_slice %arg2[%dma_start3A_27, %dma_start3A_28] : memref<80896x64xf32, #tpu.memory_space<hbm>> -> memref<80896x64xf32, #tpu.memory_space<hbm>>
      tpu.enqueue_indirect_dma source(%dma_start3A_29 : memref<80896x64xf32, #tpu.memory_space<hbm>>) target(%arg11 : memref<128x64xf32, #tpu.memory_space<vmem>>) offsets(%dma_start3A_26 : memref<128xi32, #tpu.memory_space<vmem>>) semaphore(%arg15 : memref<!tpu.dma_semaphore, #tpu.memory_space<semaphore_mem>>)
      %scan3A = arith.constant 0 : i32
      %scan3A_30 = arith.constant 0 : i32
      %scan3A_31 = arith.constant 20 : i32
      %scan3A_32 = arith.addi %scan3A_30, %scan3A_31 : i32
      %scan3A_33 = arith.constant 1 : i32
      %scan3A_34 = scf.for %scan3A_37 = %scan3A_30 to %scan3A_32 step %scan3A_33 iter_args(%scan3A_38 = %scan3A) -> (i32)  : i32 {
        %mul3A_39 = arith.constant 4 : i32
        %mul3A_40 = arith.muli %scan3A_37, %mul3A_39 : i32
        %add3A = arith.constant 0 : i32
        %add3A_41 = arith.addi %mul3A_40, %add3A : i32
        %add3A_42 = arith.constant 4 : i32
        %add3A_43 = arith.addi %add3A_41, %add3A_42 : i32
        %sub3A = arith.constant 1 : i32
        %sub3A_44 = arith.subi %add3A_43, %sub3A : i32
        %lt3A = arith.constant 80 : i32
        %lt3A_45 = arith.cmpi slt, %sub3A_44, %lt3A : i32
        %convert_element_type3A_46 = arith.extui %lt3A_45 : i1 to i32
        %cond3A_47 = arith.constant 0 : i32
        %cond3A_48 = arith.cmpi ne, %convert_element_type3A_46, %cond3A_47 : i32
        scf.if %cond3A_48 {
          %dma_start3A_112 = arith.constant 0 : i32
          %dma_start3A_113 = tpu.memref_slice %arg7[%sub3A_44, %dma_start3A_112] : memref<80x128xi32, #tpu.memory_space<vmem>> -> memref<1x128xi32, #tpu.memory_space<vmem>>
          %dma_start3A_114 = tpu.memref_squeeze %dma_start3A_113 : memref<1x128xi32, #tpu.memory_space<vmem>> -> memref<128xi32, #tpu.memory_space<vmem>>
          %dma_start3A_115 = arith.constant 0 : i32
          %dma_start3A_116 = arith.constant 0 : i32
          %dma_start3A_117 = tpu.memref_slice %arg2[%dma_start3A_115, %dma_start3A_116] : memref<80896x64xf32, #tpu.memory_space<hbm>> -> memref<80896x64xf32, #tpu.memory_space<hbm>>
          tpu.enqueue_indirect_dma source(%dma_start3A_117 : memref<80896x64xf32, #tpu.memory_space<hbm>>) target(%arg12 : memref<128x64xf32, #tpu.memory_space<vmem>>) offsets(%dma_start3A_114 : memref<128xi32, #tpu.memory_space<vmem>>) semaphore(%arg16 : memref<!tpu.dma_semaphore, #tpu.memory_space<semaphore_mem>>)
        } else {
        }
        %dma_wait3A = arith.constant 0 : i32
        %dma_wait3A_49 = tpu.memref_slice %arg7[%add3A_41, %dma_wait3A] : memref<80x128xi32, #tpu.memory_space<vmem>> -> memref<1x128xi32, #tpu.memory_space<vmem>>
        %dma_wait3A_50 = tpu.memref_squeeze %dma_wait3A_49 : memref<1x128xi32, #tpu.memory_space<vmem>> -> memref<128xi32, #tpu.memory_space<vmem>>
        %dma_wait3A_51 = arith.constant 0 : i32
        %dma_wait3A_52 = arith.constant 0 : i32
        %dma_wait3A_53 = tpu.memref_slice %arg2[%dma_wait3A_51, %dma_wait3A_52] : memref<80896x64xf32, #tpu.memory_space<hbm>> -> memref<80896x64xf32, #tpu.memory_space<hbm>>
        tpu.wait_indirect_dma semaphore(%arg13 : memref<!tpu.dma_semaphore, #tpu.memory_space<semaphore_mem>>) src(%dma_wait3A_53 : memref<80896x64xf32, #tpu.memory_space<hbm>>) dst(%arg9 : memref<128x64xf32, #tpu.memory_space<vmem>>)
        "tpu.region"() ({
          %run_scoped3A = tpu.sem_alloc : memref<!tpu.dma_semaphore, #tpu.memory_space<semaphore_mem>>
          %dma_start3A_112 = arith.constant 0 : i32
          %dma_start3A_113 = tpu.memref_slice %arg8[%add3A_41, %dma_start3A_112] : memref<80x128xi32, #tpu.memory_space<vmem>> -> memref<1x128xi32, #tpu.memory_space<vmem>>
          %dma_start3A_114 = tpu.memref_squeeze %dma_start3A_113 : memref<1x128xi32, #tpu.memory_space<vmem>> -> memref<128xi32, #tpu.memory_space<vmem>>
          %dma_start3A_115 = arith.constant 0 : i32
          %dma_start3A_116 = arith.constant 0 : i32
          %dma_start3A_117 = tpu.memref_slice %arg17[%dma_start3A_115, %dma_start3A_116] : memref<10112x64xf32, #tpu.memory_space<vmem_shared>> -> memref<10112x64xf32, #tpu.memory_space<vmem_shared>>
          tpu.enqueue_indirect_dma source(%arg9 : memref<128x64xf32, #tpu.memory_space<vmem>>) target(%dma_start3A_117 : memref<10112x64xf32, #tpu.memory_space<vmem_shared>>) offsets(%dma_start3A_114 : memref<128xi32, #tpu.memory_space<vmem>>) semaphore(%run_scoped3A : memref<!tpu.dma_semaphore, #tpu.memory_space<semaphore_mem>>) {add = true}
          %dma_wait3A_118 = arith.constant 0 : i32
          %dma_wait3A_119 = tpu.memref_slice %arg8[%add3A_41, %dma_wait3A_118] : memref<80x128xi32, #tpu.memory_space<vmem>> -> memref<1x128xi32, #tpu.memory_space<vmem>>
          %dma_wait3A_120 = tpu.memref_squeeze %dma_wait3A_119 : memref<1x128xi32, #tpu.memory_space<vmem>> -> memref<128xi32, #tpu.memory_space<vmem>>
          %dma_wait3A_121 = arith.constant 0 : i32
          %dma_wait3A_122 = arith.constant 0 : i32
          %dma_wait3A_123 = tpu.memref_slice %arg17[%dma_wait3A_121, %dma_wait3A_122] : memref<10112x64xf32, #tpu.memory_space<vmem_shared>> -> memref<10112x64xf32, #tpu.memory_space<vmem_shared>>
          tpu.wait_indirect_dma semaphore(%run_scoped3A : memref<!tpu.dma_semaphore, #tpu.memory_space<semaphore_mem>>) src(%arg9 : memref<128x64xf32, #tpu.memory_space<vmem>>) dst(%dma_wait3A_123 : memref<10112x64xf32, #tpu.memory_space<vmem_shared>>)
          tpu.yield
        }) : () -> ()
        %mul3A_54 = arith.constant 4 : i32
        %mul3A_55 = arith.muli %scan3A_37, %mul3A_54 : i32
        %add3A_56 = arith.constant 1 : i32
        %add3A_57 = arith.addi %mul3A_55, %add3A_56 : i32
        %add3A_58 = arith.constant 4 : i32
        %add3A_59 = arith.addi %add3A_57, %add3A_58 : i32
        %sub3A_60 = arith.constant 1 : i32
        %sub3A_61 = arith.subi %add3A_59, %sub3A_60 : i32
        %lt3A_62 = arith.constant 80 : i32
        %lt3A_63 = arith.cmpi slt, %sub3A_61, %lt3A_62 : i32
        %convert_element_type3A_64 = arith.extui %lt3A_63 : i1 to i32
        %cond3A_65 = arith.constant 0 : i32
        %cond3A_66 = arith.cmpi ne, %convert_element_type3A_64, %cond3A_65 : i32
        scf.if %cond3A_66 {
          %dma_start3A_112 = arith.constant 0 : i32
          %dma_start3A_113 = tpu.memref_slice %arg7[%sub3A_61, %dma_start3A_112] : memref<80x128xi32, #tpu.memory_space<vmem>> -> memref<1x128xi32, #tpu.memory_space<vmem>>
          %dma_start3A_114 = tpu.memref_squeeze %dma_start3A_113 : memref<1x128xi32, #tpu.memory_space<vmem>> -> memref<128xi32, #tpu.memory_space<vmem>>
          %dma_start3A_115 = arith.constant 0 : i32
          %dma_start3A_116 = arith.constant 0 : i32
          %dma_start3A_117 = tpu.memref_slice %arg2[%dma_start3A_115, %dma_start3A_116] : memref<80896x64xf32, #tpu.memory_space<hbm>> -> memref<80896x64xf32, #tpu.memory_space<hbm>>
          tpu.enqueue_indirect_dma source(%dma_start3A_117 : memref<80896x64xf32, #tpu.memory_space<hbm>>) target(%arg9 : memref<128x64xf32, #tpu.memory_space<vmem>>) offsets(%dma_start3A_114 : memref<128xi32, #tpu.memory_space<vmem>>) semaphore(%arg13 : memref<!tpu.dma_semaphore, #tpu.memory_space<semaphore_mem>>)
        } else {
        }
        %dma_wait3A_67 = arith.constant 0 : i32
        %dma_wait3A_68 = tpu.memref_slice %arg7[%add3A_57, %dma_wait3A_67] : memref<80x128xi32, #tpu.memory_space<vmem>> -> memref<1x128xi32, #tpu.memory_space<vmem>>
        %dma_wait3A_69 = tpu.memref_squeeze %dma_wait3A_68 : memref<1x128xi32, #tpu.memory_space<vmem>> -> memref<128xi32, #tpu.memory_space<vmem>>
        %dma_wait3A_70 = arith.constant 0 : i32
        %dma_wait3A_71 = arith.constant 0 : i32
        %dma_wait3A_72 = tpu.memref_slice %arg2[%dma_wait3A_70, %dma_wait3A_71] : memref<80896x64xf32, #tpu.memory_space<hbm>> -> memref<80896x64xf32, #tpu.memory_space<hbm>>
        tpu.wait_indirect_dma semaphore(%arg14 : memref<!tpu.dma_semaphore, #tpu.memory_space<semaphore_mem>>) src(%dma_wait3A_72 : memref<80896x64xf32, #tpu.memory_space<hbm>>) dst(%arg10 : memref<128x64xf32, #tpu.memory_space<vmem>>)
        "tpu.region"() ({
          %run_scoped3A = tpu.sem_alloc : memref<!tpu.dma_semaphore, #tpu.memory_space<semaphore_mem>>
          %dma_start3A_112 = arith.constant 0 : i32
          %dma_start3A_113 = tpu.memref_slice %arg8[%add3A_57, %dma_start3A_112] : memref<80x128xi32, #tpu.memory_space<vmem>> -> memref<1x128xi32, #tpu.memory_space<vmem>>
          %dma_start3A_114 = tpu.memref_squeeze %dma_start3A_113 : memref<1x128xi32, #tpu.memory_space<vmem>> -> memref<128xi32, #tpu.memory_space<vmem>>
          %dma_start3A_115 = arith.constant 0 : i32
          %dma_start3A_116 = arith.constant 0 : i32
          %dma_start3A_117 = tpu.memref_slice %arg17[%dma_start3A_115, %dma_start3A_116] : memref<10112x64xf32, #tpu.memory_space<vmem_shared>> -> memref<10112x64xf32, #tpu.memory_space<vmem_shared>>
          tpu.enqueue_indirect_dma source(%arg10 : memref<128x64xf32, #tpu.memory_space<vmem>>) target(%dma_start3A_117 : memref<10112x64xf32, #tpu.memory_space<vmem_shared>>) offsets(%dma_start3A_114 : memref<128xi32, #tpu.memory_space<vmem>>) semaphore(%run_scoped3A : memref<!tpu.dma_semaphore, #tpu.memory_space<semaphore_mem>>) {add = true}
          %dma_wait3A_118 = arith.constant 0 : i32
          %dma_wait3A_119 = tpu.memref_slice %arg8[%add3A_57, %dma_wait3A_118] : memref<80x128xi32, #tpu.memory_space<vmem>> -> memref<1x128xi32, #tpu.memory_space<vmem>>
          %dma_wait3A_120 = tpu.memref_squeeze %dma_wait3A_119 : memref<1x128xi32, #tpu.memory_space<vmem>> -> memref<128xi32, #tpu.memory_space<vmem>>
          %dma_wait3A_121 = arith.constant 0 : i32
          %dma_wait3A_122 = arith.constant 0 : i32
          %dma_wait3A_123 = tpu.memref_slice %arg17[%dma_wait3A_121, %dma_wait3A_122] : memref<10112x64xf32, #tpu.memory_space<vmem_shared>> -> memref<10112x64xf32, #tpu.memory_space<vmem_shared>>
          tpu.wait_indirect_dma semaphore(%run_scoped3A : memref<!tpu.dma_semaphore, #tpu.memory_space<semaphore_mem>>) src(%arg10 : memref<128x64xf32, #tpu.memory_space<vmem>>) dst(%dma_wait3A_123 : memref<10112x64xf32, #tpu.memory_space<vmem_shared>>)
          tpu.yield
        }) : () -> ()
        %mul3A_73 = arith.constant 4 : i32
        %mul3A_74 = arith.muli %scan3A_37, %mul3A_73 : i32
        %add3A_75 = arith.constant 2 : i32
        %add3A_76 = arith.addi %mul3A_74, %add3A_75 : i32
        %add3A_77 = arith.constant 4 : i32
        %add3A_78 = arith.addi %add3A_76, %add3A_77 : i32
        %sub3A_79 = arith.constant 1 : i32
        %sub3A_80 = arith.subi %add3A_78, %sub3A_79 : i32
        %lt3A_81 = arith.constant 80 : i32
        %lt3A_82 = arith.cmpi slt, %sub3A_80, %lt3A_81 : i32
        %convert_element_type3A_83 = arith.extui %lt3A_82 : i1 to i32
        %cond3A_84 = arith.constant 0 : i32
        %cond3A_85 = arith.cmpi ne, %convert_element_type3A_83, %cond3A_84 : i32
        scf.if %cond3A_85 {
          %dma_start3A_112 = arith.constant 0 : i32
          %dma_start3A_113 = tpu.memref_slice %arg7[%sub3A_80, %dma_start3A_112] : memref<80x128xi32, #tpu.memory_space<vmem>> -> memref<1x128xi32, #tpu.memory_space<vmem>>
          %dma_start3A_114 = tpu.memref_squeeze %dma_start3A_113 : memref<1x128xi32, #tpu.memory_space<vmem>> -> memref<128xi32, #tpu.memory_space<vmem>>
          %dma_start3A_115 = arith.constant 0 : i32
          %dma_start3A_116 = arith.constant 0 : i32
          %dma_start3A_117 = tpu.memref_slice %arg2[%dma_start3A_115, %dma_start3A_116] : memref<80896x64xf32, #tpu.memory_space<hbm>> -> memref<80896x64xf32, #tpu.memory_space<hbm>>
          tpu.enqueue_indirect_dma source(%dma_start3A_117 : memref<80896x64xf32, #tpu.memory_space<hbm>>) target(%arg10 : memref<128x64xf32, #tpu.memory_space<vmem>>) offsets(%dma_start3A_114 : memref<128xi32, #tpu.memory_space<vmem>>) semaphore(%arg14 : memref<!tpu.dma_semaphore, #tpu.memory_space<semaphore_mem>>)
        } else {
        }
        %dma_wait3A_86 = arith.constant 0 : i32
        %dma_wait3A_87 = tpu.memref_slice %arg7[%add3A_76, %dma_wait3A_86] : memref<80x128xi32, #tpu.memory_space<vmem>> -> memref<1x128xi32, #tpu.memory_space<vmem>>
        %dma_wait3A_88 = tpu.memref_squeeze %dma_wait3A_87 : memref<1x128xi32, #tpu.memory_space<vmem>> -> memref<128xi32, #tpu.memory_space<vmem>>
        %dma_wait3A_89 = arith.constant 0 : i32
        %dma_wait3A_90 = arith.constant 0 : i32
        %dma_wait3A_91 = tpu.memref_slice %arg2[%dma_wait3A_89, %dma_wait3A_90] : memref<80896x64xf32, #tpu.memory_space<hbm>> -> memref<80896x64xf32, #tpu.memory_space<hbm>>
        tpu.wait_indirect_dma semaphore(%arg15 : memref<!tpu.dma_semaphore, #tpu.memory_space<semaphore_mem>>) src(%dma_wait3A_91 : memref<80896x64xf32, #tpu.memory_space<hbm>>) dst(%arg11 : memref<128x64xf32, #tpu.memory_space<vmem>>)
        "tpu.region"() ({
          %run_scoped3A = tpu.sem_alloc : memref<!tpu.dma_semaphore, #tpu.memory_space<semaphore_mem>>
          %dma_start3A_112 = arith.constant 0 : i32
          %dma_start3A_113 = tpu.memref_slice %arg8[%add3A_76, %dma_start3A_112] : memref<80x128xi32, #tpu.memory_space<vmem>> -> memref<1x128xi32, #tpu.memory_space<vmem>>
          %dma_start3A_114 = tpu.memref_squeeze %dma_start3A_113 : memref<1x128xi32, #tpu.memory_space<vmem>> -> memref<128xi32, #tpu.memory_space<vmem>>
          %dma_start3A_115 = arith.constant 0 : i32
          %dma_start3A_116 = arith.constant 0 : i32
          %dma_start3A_117 = tpu.memref_slice %arg17[%dma_start3A_115, %dma_start3A_116] : memref<10112x64xf32, #tpu.memory_space<vmem_shared>> -> memref<10112x64xf32, #tpu.memory_space<vmem_shared>>
          tpu.enqueue_indirect_dma source(%arg11 : memref<128x64xf32, #tpu.memory_space<vmem>>) target(%dma_start3A_117 : memref<10112x64xf32, #tpu.memory_space<vmem_shared>>) offsets(%dma_start3A_114 : memref<128xi32, #tpu.memory_space<vmem>>) semaphore(%run_scoped3A : memref<!tpu.dma_semaphore, #tpu.memory_space<semaphore_mem>>) {add = true}
          %dma_wait3A_118 = arith.constant 0 : i32
          %dma_wait3A_119 = tpu.memref_slice %arg8[%add3A_76, %dma_wait3A_118] : memref<80x128xi32, #tpu.memory_space<vmem>> -> memref<1x128xi32, #tpu.memory_space<vmem>>
          %dma_wait3A_120 = tpu.memref_squeeze %dma_wait3A_119 : memref<1x128xi32, #tpu.memory_space<vmem>> -> memref<128xi32, #tpu.memory_space<vmem>>
          %dma_wait3A_121 = arith.constant 0 : i32
          %dma_wait3A_122 = arith.constant 0 : i32
          %dma_wait3A_123 = tpu.memref_slice %arg17[%dma_wait3A_121, %dma_wait3A_122] : memref<10112x64xf32, #tpu.memory_space<vmem_shared>> -> memref<10112x64xf32, #tpu.memory_space<vmem_shared>>
          tpu.wait_indirect_dma semaphore(%run_scoped3A : memref<!tpu.dma_semaphore, #tpu.memory_space<semaphore_mem>>) src(%arg11 : memref<128x64xf32, #tpu.memory_space<vmem>>) dst(%dma_wait3A_123 : memref<10112x64xf32, #tpu.memory_space<vmem_shared>>)
          tpu.yield
        }) : () -> ()
        %mul3A_92 = arith.constant 4 : i32
        %mul3A_93 = arith.muli %scan3A_37, %mul3A_92 : i32
        %add3A_94 = arith.constant 3 : i32
        %add3A_95 = arith.addi %mul3A_93, %add3A_94 : i32
        %add3A_96 = arith.constant 4 : i32
        %add3A_97 = arith.addi %add3A_95, %add3A_96 : i32
        %sub3A_98 = arith.constant 1 : i32
        %sub3A_99 = arith.subi %add3A_97, %sub3A_98 : i32
        %lt3A_100 = arith.constant 80 : i32
        %lt3A_101 = arith.cmpi slt, %sub3A_99, %lt3A_100 : i32
        %convert_element_type3A_102 = arith.extui %lt3A_101 : i1 to i32
        %cond3A_103 = arith.constant 0 : i32
        %cond3A_104 = arith.cmpi ne, %convert_element_type3A_102, %cond3A_103 : i32
        scf.if %cond3A_104 {
          %dma_start3A_112 = arith.constant 0 : i32
          %dma_start3A_113 = tpu.memref_slice %arg7[%sub3A_99, %dma_start3A_112] : memref<80x128xi32, #tpu.memory_space<vmem>> -> memref<1x128xi32, #tpu.memory_space<vmem>>
          %dma_start3A_114 = tpu.memref_squeeze %dma_start3A_113 : memref<1x128xi32, #tpu.memory_space<vmem>> -> memref<128xi32, #tpu.memory_space<vmem>>
          %dma_start3A_115 = arith.constant 0 : i32
          %dma_start3A_116 = arith.constant 0 : i32
          %dma_start3A_117 = tpu.memref_slice %arg2[%dma_start3A_115, %dma_start3A_116] : memref<80896x64xf32, #tpu.memory_space<hbm>> -> memref<80896x64xf32, #tpu.memory_space<hbm>>
          tpu.enqueue_indirect_dma source(%dma_start3A_117 : memref<80896x64xf32, #tpu.memory_space<hbm>>) target(%arg11 : memref<128x64xf32, #tpu.memory_space<vmem>>) offsets(%dma_start3A_114 : memref<128xi32, #tpu.memory_space<vmem>>) semaphore(%arg15 : memref<!tpu.dma_semaphore, #tpu.memory_space<semaphore_mem>>)
        } else {
        }
        %dma_wait3A_105 = arith.constant 0 : i32
        %dma_wait3A_106 = tpu.memref_slice %arg7[%add3A_95, %dma_wait3A_105] : memref<80x128xi32, #tpu.memory_space<vmem>> -> memref<1x128xi32, #tpu.memory_space<vmem>>
        %dma_wait3A_107 = tpu.memref_squeeze %dma_wait3A_106 : memref<1x128xi32, #tpu.memory_space<vmem>> -> memref<128xi32, #tpu.memory_space<vmem>>
        %dma_wait3A_108 = arith.constant 0 : i32
        %dma_wait3A_109 = arith.constant 0 : i32
        %dma_wait3A_110 = tpu.memref_slice %arg2[%dma_wait3A_108, %dma_wait3A_109] : memref<80896x64xf32, #tpu.memory_space<hbm>> -> memref<80896x64xf32, #tpu.memory_space<hbm>>
        tpu.wait_indirect_dma semaphore(%arg16 : memref<!tpu.dma_semaphore, #tpu.memory_space<semaphore_mem>>) src(%dma_wait3A_110 : memref<80896x64xf32, #tpu.memory_space<hbm>>) dst(%arg12 : memref<128x64xf32, #tpu.memory_space<vmem>>)
        "tpu.region"() ({
          %run_scoped3A = tpu.sem_alloc : memref<!tpu.dma_semaphore, #tpu.memory_space<semaphore_mem>>
          %dma_start3A_112 = arith.constant 0 : i32
          %dma_start3A_113 = tpu.memref_slice %arg8[%add3A_95, %dma_start3A_112] : memref<80x128xi32, #tpu.memory_space<vmem>> -> memref<1x128xi32, #tpu.memory_space<vmem>>
          %dma_start3A_114 = tpu.memref_squeeze %dma_start3A_113 : memref<1x128xi32, #tpu.memory_space<vmem>> -> memref<128xi32, #tpu.memory_space<vmem>>
          %dma_start3A_115 = arith.constant 0 : i32
          %dma_start3A_116 = arith.constant 0 : i32
          %dma_start3A_117 = tpu.memref_slice %arg17[%dma_start3A_115, %dma_start3A_116] : memref<10112x64xf32, #tpu.memory_space<vmem_shared>> -> memref<10112x64xf32, #tpu.memory_space<vmem_shared>>
          tpu.enqueue_indirect_dma source(%arg12 : memref<128x64xf32, #tpu.memory_space<vmem>>) target(%dma_start3A_117 : memref<10112x64xf32, #tpu.memory_space<vmem_shared>>) offsets(%dma_start3A_114 : memref<128xi32, #tpu.memory_space<vmem>>) semaphore(%run_scoped3A : memref<!tpu.dma_semaphore, #tpu.memory_space<semaphore_mem>>) {add = true}
          %dma_wait3A_118 = arith.constant 0 : i32
          %dma_wait3A_119 = tpu.memref_slice %arg8[%add3A_95, %dma_wait3A_118] : memref<80x128xi32, #tpu.memory_space<vmem>> -> memref<1x128xi32, #tpu.memory_space<vmem>>
          %dma_wait3A_120 = tpu.memref_squeeze %dma_wait3A_119 : memref<1x128xi32, #tpu.memory_space<vmem>> -> memref<128xi32, #tpu.memory_space<vmem>>
          %dma_wait3A_121 = arith.constant 0 : i32
          %dma_wait3A_122 = arith.constant 0 : i32
          %dma_wait3A_123 = tpu.memref_slice %arg17[%dma_wait3A_121, %dma_wait3A_122] : memref<10112x64xf32, #tpu.memory_space<vmem_shared>> -> memref<10112x64xf32, #tpu.memory_space<vmem_shared>>
          tpu.wait_indirect_dma semaphore(%run_scoped3A : memref<!tpu.dma_semaphore, #tpu.memory_space<semaphore_mem>>) src(%arg12 : memref<128x64xf32, #tpu.memory_space<vmem>>) dst(%dma_wait3A_123 : memref<10112x64xf32, #tpu.memory_space<vmem_shared>>)
          tpu.yield
        }) : () -> ()
        %scan3A_111 = arith.constant 0 : i32
        scf.yield %scan3A_111 : i32
      }
      %scan3A_35 = arith.constant 20 : i32
      %barrier3A_36 = arith.constant 0 : index
      tpu.barrier barrier_id(%barrier3A_36)
      "tpu.region"() ({
        %run_scoped3A = tpu.sem_alloc : memref<!tpu.dma_semaphore, #tpu.memory_space<semaphore_mem>>
        %dma_start3A_37 = arith.constant 0 : i32
        %dma_start3A_38 = tpu.memref_slice %arg6[%arg0, %mul3A_0, %dma_start3A_37] : memref<2x10112x64xf32, #tpu.memory_space<hbm>> -> memref<1x632x64xf32, #tpu.memory_space<hbm>>
        %dma_start3A_39 = tpu.memref_squeeze %dma_start3A_38 : memref<1x632x64xf32, #tpu.memory_space<hbm>> -> memref<632x64xf32, #tpu.memory_space<hbm>>
        %dma_start3A_40 = arith.constant 0 : i32
        %dma_start3A_41 = tpu.memref_slice %arg17[%mul3A_0, %dma_start3A_40] : memref<10112x64xf32, #tpu.memory_space<vmem_shared>> -> memref<632x64xf32, #tpu.memory_space<vmem_shared>>
        tpu.enqueue_dma source(%dma_start3A_41 : memref<632x64xf32, #tpu.memory_space<vmem_shared>>) target(%dma_start3A_39 : memref<632x64xf32, #tpu.memory_space<hbm>>) target_semaphore(%run_scoped3A : memref<!tpu.dma_semaphore, #tpu.memory_space<semaphore_mem>>)
        %dma_wait3A = arith.constant 0 : i32
        %dma_wait3A_42 = tpu.memref_slice %arg6[%arg0, %mul3A_0, %dma_wait3A] : memref<2x10112x64xf32, #tpu.memory_space<hbm>> -> memref<1x632x64xf32, #tpu.memory_space<hbm>>
        %dma_wait3A_43 = tpu.memref_squeeze %dma_wait3A_42 : memref<1x632x64xf32, #tpu.memory_space<hbm>> -> memref<632x64xf32, #tpu.memory_space<hbm>>
        %dma_wait3A_44 = arith.constant 0 : i32
        %dma_wait3A_45 = tpu.memref_slice %arg17[%mul3A_0, %dma_wait3A_44] : memref<10112x64xf32, #tpu.memory_space<vmem_shared>> -> memref<632x64xf32, #tpu.memory_space<vmem_shared>>
        tpu.wait_dma2 semaphore(%run_scoped3A : memref<!tpu.dma_semaphore, #tpu.memory_space<semaphore_mem>>) src(%dma_wait3A_45 : memref<632x64xf32, #tpu.memory_space<vmem_shared>>) dst(%dma_wait3A_43 : memref<632x64xf32, #tpu.memory_space<hbm>>)
        tpu.yield
      }) : () -> ()
    } else {
    }
    %eq3A_3 = arith.constant 1 : i32
    %eq3A_4 = arith.cmpi eq, %arg0, %eq3A_3 : i32
    %convert_element_type3A_5 = arith.extui %eq3A_4 : i1 to i32
    %cond3A_6 = arith.constant 0 : i32
    %cond3A_7 = arith.cmpi ne, %convert_element_type3A_5, %cond3A_6 : i32
    scf.if %cond3A_7 {
      %mul3A_8 = arith.constant 80 : i32
      %mul3A_9 = arith.muli %arg1, %mul3A_8 : i32
      %add3A = arith.constant 1280 : i32
      %add3A_10 = arith.addi %add3A, %mul3A_9 : i32
      "tpu.region"() ({
        %run_scoped3A = tpu.sem_alloc : memref<!tpu.dma_semaphore, #tpu.memory_space<semaphore_mem>>
        %dma_start3A_38 = arith.constant 0 : i32
        %dma_start3A_39 = arith.constant 0 : i32
        %dma_start3A_40 = tpu.memref_slice %arg7[%dma_start3A_38, %dma_start3A_39] : memref<80x128xi32, #tpu.memory_space<vmem>> -> memref<80x128xi32, #tpu.memory_space<vmem>>
        %dma_start3A_41 = arith.constant 0 : i32
        %dma_start3A_42 = tpu.memref_slice %arg3[%add3A_10, %dma_start3A_41] : memref<2560x128xi32, #tpu.memory_space<hbm>> -> memref<80x128xi32, #tpu.memory_space<hbm>>
        %dma_start3A_43 = arith.constant 0 : i32
        %dma_start3A_44 = arith.constant 0 : i32
        %dma_start3A_45 = tpu.memref_slice %arg7[%dma_start3A_43, %dma_start3A_44] : memref<80x128xi32, #tpu.memory_space<vmem>> -> memref<80x128xi32, #tpu.memory_space<vmem>>
        %dma_start3A_46 = arith.constant 0 : i32
        %dma_start3A_47 = tpu.memref_slice %arg3[%add3A_10, %dma_start3A_46] : memref<2560x128xi32, #tpu.memory_space<hbm>> -> memref<80x128xi32, #tpu.memory_space<hbm>>
        tpu.enqueue_dma source(%dma_start3A_47 : memref<80x128xi32, #tpu.memory_space<hbm>>) target(%dma_start3A_45 : memref<80x128xi32, #tpu.memory_space<vmem>>) target_semaphore(%run_scoped3A : memref<!tpu.dma_semaphore, #tpu.memory_space<semaphore_mem>>)
        %dma_wait3A = arith.constant 0 : i32
        %dma_wait3A_48 = arith.constant 0 : i32
        %dma_wait3A_49 = tpu.memref_slice %arg7[%dma_wait3A, %dma_wait3A_48] : memref<80x128xi32, #tpu.memory_space<vmem>> -> memref<80x128xi32, #tpu.memory_space<vmem>>
        %dma_wait3A_50 = arith.constant 0 : i32
        %dma_wait3A_51 = tpu.memref_slice %arg3[%add3A_10, %dma_wait3A_50] : memref<2560x128xi32, #tpu.memory_space<hbm>> -> memref<80x128xi32, #tpu.memory_space<hbm>>
        %dma_wait3A_52 = arith.constant 0 : i32
        %dma_wait3A_53 = arith.constant 0 : i32
        %dma_wait3A_54 = tpu.memref_slice %arg7[%dma_wait3A_52, %dma_wait3A_53] : memref<80x128xi32, #tpu.memory_space<vmem>> -> memref<80x128xi32, #tpu.memory_space<vmem>>
        %dma_wait3A_55 = arith.constant 0 : i32
        %dma_wait3A_56 = tpu.memref_slice %arg3[%add3A_10, %dma_wait3A_55] : memref<2560x128xi32, #tpu.memory_space<hbm>> -> memref<80x128xi32, #tpu.memory_space<hbm>>
        tpu.wait_dma2 semaphore(%run_scoped3A : memref<!tpu.dma_semaphore, #tpu.memory_space<semaphore_mem>>) src(%dma_wait3A_56 : memref<80x128xi32, #tpu.memory_space<hbm>>) dst(%dma_wait3A_54 : memref<80x128xi32, #tpu.memory_space<vmem>>)
        tpu.yield
      }) : () -> ()
      "tpu.region"() ({
        %run_scoped3A = tpu.sem_alloc : memref<!tpu.dma_semaphore, #tpu.memory_space<semaphore_mem>>
        %dma_start3A_38 = arith.constant 0 : i32
        %dma_start3A_39 = arith.constant 0 : i32
        %dma_start3A_40 = tpu.memref_slice %arg8[%dma_start3A_38, %dma_start3A_39] : memref<80x128xi32, #tpu.memory_space<vmem>> -> memref<80x128xi32, #tpu.memory_space<vmem>>
        %dma_start3A_41 = arith.constant 0 : i32
        %dma_start3A_42 = tpu.memref_slice %arg4[%add3A_10, %dma_start3A_41] : memref<2560x128xi32, #tpu.memory_space<hbm>> -> memref<80x128xi32, #tpu.memory_space<hbm>>
        %dma_start3A_43 = arith.constant 0 : i32
        %dma_start3A_44 = arith.constant 0 : i32
        %dma_start3A_45 = tpu.memref_slice %arg8[%dma_start3A_43, %dma_start3A_44] : memref<80x128xi32, #tpu.memory_space<vmem>> -> memref<80x128xi32, #tpu.memory_space<vmem>>
        %dma_start3A_46 = arith.constant 0 : i32
        %dma_start3A_47 = tpu.memref_slice %arg4[%add3A_10, %dma_start3A_46] : memref<2560x128xi32, #tpu.memory_space<hbm>> -> memref<80x128xi32, #tpu.memory_space<hbm>>
        tpu.enqueue_dma source(%dma_start3A_47 : memref<80x128xi32, #tpu.memory_space<hbm>>) target(%dma_start3A_45 : memref<80x128xi32, #tpu.memory_space<vmem>>) target_semaphore(%run_scoped3A : memref<!tpu.dma_semaphore, #tpu.memory_space<semaphore_mem>>)
        %dma_wait3A = arith.constant 0 : i32
        %dma_wait3A_48 = arith.constant 0 : i32
        %dma_wait3A_49 = tpu.memref_slice %arg8[%dma_wait3A, %dma_wait3A_48] : memref<80x128xi32, #tpu.memory_space<vmem>> -> memref<80x128xi32, #tpu.memory_space<vmem>>
        %dma_wait3A_50 = arith.constant 0 : i32
        %dma_wait3A_51 = tpu.memref_slice %arg4[%add3A_10, %dma_wait3A_50] : memref<2560x128xi32, #tpu.memory_space<hbm>> -> memref<80x128xi32, #tpu.memory_space<hbm>>
        %dma_wait3A_52 = arith.constant 0 : i32
        %dma_wait3A_53 = arith.constant 0 : i32
        %dma_wait3A_54 = tpu.memref_slice %arg8[%dma_wait3A_52, %dma_wait3A_53] : memref<80x128xi32, #tpu.memory_space<vmem>> -> memref<80x128xi32, #tpu.memory_space<vmem>>
        %dma_wait3A_55 = arith.constant 0 : i32
        %dma_wait3A_56 = tpu.memref_slice %arg4[%add3A_10, %dma_wait3A_55] : memref<2560x128xi32, #tpu.memory_space<hbm>> -> memref<80x128xi32, #tpu.memory_space<hbm>>
        tpu.wait_dma2 semaphore(%run_scoped3A : memref<!tpu.dma_semaphore, #tpu.memory_space<semaphore_mem>>) src(%dma_wait3A_56 : memref<80x128xi32, #tpu.memory_space<hbm>>) dst(%dma_wait3A_54 : memref<80x128xi32, #tpu.memory_space<vmem>>)
        tpu.yield
      }) : () -> ()
      %barrier3A = arith.constant 0 : index
      tpu.barrier barrier_id(%barrier3A)
      %dma_start3A = arith.constant 0 : i32
      %dma_start3A_11 = arith.constant 0 : i32
      %dma_start3A_12 = tpu.memref_slice %arg7[%dma_start3A, %dma_start3A_11] : memref<80x128xi32, #tpu.memory_space<vmem>> -> memref<1x128xi32, #tpu.memory_space<vmem>>
      %dma_start3A_13 = tpu.memref_squeeze %dma_start3A_12 : memref<1x128xi32, #tpu.memory_space<vmem>> -> memref<128xi32, #tpu.memory_space<vmem>>
      %dma_start3A_14 = arith.constant 0 : i32
      %dma_start3A_15 = arith.constant 0 : i32
      %dma_start3A_16 = tpu.memref_slice %arg2[%dma_start3A_14, %dma_start3A_15] : memref<80896x64xf32, #tpu.memory_space<hbm>> -> memref<80896x64xf32, #tpu.memory_space<hbm>>
      tpu.enqueue_indirect_dma source(%dma_start3A_16 : memref<80896x64xf32, #tpu.memory_space<hbm>>) target(%arg9 : memref<128x64xf32, #tpu.memory_space<vmem>>) offsets(%dma_start3A_13 : memref<128xi32, #tpu.memory_space<vmem>>) semaphore(%arg13 : memref<!tpu.dma_semaphore, #tpu.memory_space<semaphore_mem>>)
      %dma_start3A_17 = arith.constant 1 : i32
      %dma_start3A_18 = arith.constant 0 : i32
      %dma_start3A_19 = tpu.memref_slice %arg7[%dma_start3A_17, %dma_start3A_18] : memref<80x128xi32, #tpu.memory_space<vmem>> -> memref<1x128xi32, #tpu.memory_space<vmem>>
      %dma_start3A_20 = tpu.memref_squeeze %dma_start3A_19 : memref<1x128xi32, #tpu.memory_space<vmem>> -> memref<128xi32, #tpu.memory_space<vmem>>
      %dma_start3A_21 = arith.constant 0 : i32
      %dma_start3A_22 = arith.constant 0 : i32
      %dma_start3A_23 = tpu.memref_slice %arg2[%dma_start3A_21, %dma_start3A_22] : memref<80896x64xf32, #tpu.memory_space<hbm>> -> memref<80896x64xf32, #tpu.memory_space<hbm>>
      tpu.enqueue_indirect_dma source(%dma_start3A_23 : memref<80896x64xf32, #tpu.memory_space<hbm>>) target(%arg10 : memref<128x64xf32, #tpu.memory_space<vmem>>) offsets(%dma_start3A_20 : memref<128xi32, #tpu.memory_space<vmem>>) semaphore(%arg14 : memref<!tpu.dma_semaphore, #tpu.memory_space<semaphore_mem>>)
      %dma_start3A_24 = arith.constant 2 : i32
      %dma_start3A_25 = arith.constant 0 : i32
      %dma_start3A_26 = tpu.memref_slice %arg7[%dma_start3A_24, %dma_start3A_25] : memref<80x128xi32, #tpu.memory_space<vmem>> -> memref<1x128xi32, #tpu.memory_space<vmem>>
      %dma_start3A_27 = tpu.memref_squeeze %dma_start3A_26 : memref<1x128xi32, #tpu.memory_space<vmem>> -> memref<128xi32, #tpu.memory_space<vmem>>
      %dma_start3A_28 = arith.constant 0 : i32
      %dma_start3A_29 = arith.constant 0 : i32
      %dma_start3A_30 = tpu.memref_slice %arg2[%dma_start3A_28, %dma_start3A_29] : memref<80896x64xf32, #tpu.memory_space<hbm>> -> memref<80896x64xf32, #tpu.memory_space<hbm>>
      tpu.enqueue_indirect_dma source(%dma_start3A_30 : memref<80896x64xf32, #tpu.memory_space<hbm>>) target(%arg11 : memref<128x64xf32, #tpu.memory_space<vmem>>) offsets(%dma_start3A_27 : memref<128xi32, #tpu.memory_space<vmem>>) semaphore(%arg15 : memref<!tpu.dma_semaphore, #tpu.memory_space<semaphore_mem>>)
      %scan3A = arith.constant 0 : i32
      %scan3A_31 = arith.constant 0 : i32
      %scan3A_32 = arith.constant 20 : i32
      %scan3A_33 = arith.addi %scan3A_31, %scan3A_32 : i32
      %scan3A_34 = arith.constant 1 : i32
      %scan3A_35 = scf.for %scan3A_38 = %scan3A_31 to %scan3A_33 step %scan3A_34 iter_args(%scan3A_39 = %scan3A) -> (i32)  : i32 {
        %mul3A_40 = arith.constant 4 : i32
        %mul3A_41 = arith.muli %scan3A_38, %mul3A_40 : i32
        %add3A_42 = arith.constant 0 : i32
        %add3A_43 = arith.addi %mul3A_41, %add3A_42 : i32
        %add3A_44 = arith.constant 4 : i32
        %add3A_45 = arith.addi %add3A_43, %add3A_44 : i32
        %sub3A = arith.constant 1 : i32
        %sub3A_46 = arith.subi %add3A_45, %sub3A : i32
        %lt3A = arith.constant 80 : i32
        %lt3A_47 = arith.cmpi slt, %sub3A_46, %lt3A : i32
        %convert_element_type3A_48 = arith.extui %lt3A_47 : i1 to i32
        %cond3A_49 = arith.constant 0 : i32
        %cond3A_50 = arith.cmpi ne, %convert_element_type3A_48, %cond3A_49 : i32
        scf.if %cond3A_50 {
          %dma_start3A_114 = arith.constant 0 : i32
          %dma_start3A_115 = tpu.memref_slice %arg7[%sub3A_46, %dma_start3A_114] : memref<80x128xi32, #tpu.memory_space<vmem>> -> memref<1x128xi32, #tpu.memory_space<vmem>>
          %dma_start3A_116 = tpu.memref_squeeze %dma_start3A_115 : memref<1x128xi32, #tpu.memory_space<vmem>> -> memref<128xi32, #tpu.memory_space<vmem>>
          %dma_start3A_117 = arith.constant 0 : i32
          %dma_start3A_118 = arith.constant 0 : i32
          %dma_start3A_119 = tpu.memref_slice %arg2[%dma_start3A_117, %dma_start3A_118] : memref<80896x64xf32, #tpu.memory_space<hbm>> -> memref<80896x64xf32, #tpu.memory_space<hbm>>
          tpu.enqueue_indirect_dma source(%dma_start3A_119 : memref<80896x64xf32, #tpu.memory_space<hbm>>) target(%arg12 : memref<128x64xf32, #tpu.memory_space<vmem>>) offsets(%dma_start3A_116 : memref<128xi32, #tpu.memory_space<vmem>>) semaphore(%arg16 : memref<!tpu.dma_semaphore, #tpu.memory_space<semaphore_mem>>)
        } else {
        }
        %dma_wait3A = arith.constant 0 : i32
        %dma_wait3A_51 = tpu.memref_slice %arg7[%add3A_43, %dma_wait3A] : memref<80x128xi32, #tpu.memory_space<vmem>> -> memref<1x128xi32, #tpu.memory_space<vmem>>
        %dma_wait3A_52 = tpu.memref_squeeze %dma_wait3A_51 : memref<1x128xi32, #tpu.memory_space<vmem>> -> memref<128xi32, #tpu.memory_space<vmem>>
        %dma_wait3A_53 = arith.constant 0 : i32
        %dma_wait3A_54 = arith.constant 0 : i32
        %dma_wait3A_55 = tpu.memref_slice %arg2[%dma_wait3A_53, %dma_wait3A_54] : memref<80896x64xf32, #tpu.memory_space<hbm>> -> memref<80896x64xf32, #tpu.memory_space<hbm>>
        tpu.wait_indirect_dma semaphore(%arg13 : memref<!tpu.dma_semaphore, #tpu.memory_space<semaphore_mem>>) src(%dma_wait3A_55 : memref<80896x64xf32, #tpu.memory_space<hbm>>) dst(%arg9 : memref<128x64xf32, #tpu.memory_space<vmem>>)
        "tpu.region"() ({
          %run_scoped3A = tpu.sem_alloc : memref<!tpu.dma_semaphore, #tpu.memory_space<semaphore_mem>>
          %dma_start3A_114 = arith.constant 0 : i32
          %dma_start3A_115 = tpu.memref_slice %arg8[%add3A_43, %dma_start3A_114] : memref<80x128xi32, #tpu.memory_space<vmem>> -> memref<1x128xi32, #tpu.memory_space<vmem>>
          %dma_start3A_116 = tpu.memref_squeeze %dma_start3A_115 : memref<1x128xi32, #tpu.memory_space<vmem>> -> memref<128xi32, #tpu.memory_space<vmem>>
          %dma_start3A_117 = arith.constant 0 : i32
          %dma_start3A_118 = arith.constant 0 : i32
          %dma_start3A_119 = tpu.memref_slice %arg17[%dma_start3A_117, %dma_start3A_118] : memref<10112x64xf32, #tpu.memory_space<vmem_shared>> -> memref<10112x64xf32, #tpu.memory_space<vmem_shared>>
          tpu.enqueue_indirect_dma source(%arg9 : memref<128x64xf32, #tpu.memory_space<vmem>>) target(%dma_start3A_119 : memref<10112x64xf32, #tpu.memory_space<vmem_shared>>) offsets(%dma_start3A_116 : memref<128xi32, #tpu.memory_space<vmem>>) semaphore(%run_scoped3A : memref<!tpu.dma_semaphore, #tpu.memory_space<semaphore_mem>>) {add = true}
          %dma_wait3A_120 = arith.constant 0 : i32
          %dma_wait3A_121 = tpu.memref_slice %arg8[%add3A_43, %dma_wait3A_120] : memref<80x128xi32, #tpu.memory_space<vmem>> -> memref<1x128xi32, #tpu.memory_space<vmem>>
          %dma_wait3A_122 = tpu.memref_squeeze %dma_wait3A_121 : memref<1x128xi32, #tpu.memory_space<vmem>> -> memref<128xi32, #tpu.memory_space<vmem>>
          %dma_wait3A_123 = arith.constant 0 : i32
          %dma_wait3A_124 = arith.constant 0 : i32
          %dma_wait3A_125 = tpu.memref_slice %arg17[%dma_wait3A_123, %dma_wait3A_124] : memref<10112x64xf32, #tpu.memory_space<vmem_shared>> -> memref<10112x64xf32, #tpu.memory_space<vmem_shared>>
          tpu.wait_indirect_dma semaphore(%run_scoped3A : memref<!tpu.dma_semaphore, #tpu.memory_space<semaphore_mem>>) src(%arg9 : memref<128x64xf32, #tpu.memory_space<vmem>>) dst(%dma_wait3A_125 : memref<10112x64xf32, #tpu.memory_space<vmem_shared>>)
          tpu.yield
        }) : () -> ()
        %mul3A_56 = arith.constant 4 : i32
        %mul3A_57 = arith.muli %scan3A_38, %mul3A_56 : i32
        %add3A_58 = arith.constant 1 : i32
        %add3A_59 = arith.addi %mul3A_57, %add3A_58 : i32
        %add3A_60 = arith.constant 4 : i32
        %add3A_61 = arith.addi %add3A_59, %add3A_60 : i32
        %sub3A_62 = arith.constant 1 : i32
        %sub3A_63 = arith.subi %add3A_61, %sub3A_62 : i32
        %lt3A_64 = arith.constant 80 : i32
        %lt3A_65 = arith.cmpi slt, %sub3A_63, %lt3A_64 : i32
        %convert_element_type3A_66 = arith.extui %lt3A_65 : i1 to i32
        %cond3A_67 = arith.constant 0 : i32
        %cond3A_68 = arith.cmpi ne, %convert_element_type3A_66, %cond3A_67 : i32
        scf.if %cond3A_68 {
          %dma_start3A_114 = arith.constant 0 : i32
          %dma_start3A_115 = tpu.memref_slice %arg7[%sub3A_63, %dma_start3A_114] : memref<80x128xi32, #tpu.memory_space<vmem>> -> memref<1x128xi32, #tpu.memory_space<vmem>>
          %dma_start3A_116 = tpu.memref_squeeze %dma_start3A_115 : memref<1x128xi32, #tpu.memory_space<vmem>> -> memref<128xi32, #tpu.memory_space<vmem>>
          %dma_start3A_117 = arith.constant 0 : i32
          %dma_start3A_118 = arith.constant 0 : i32
          %dma_start3A_119 = tpu.memref_slice %arg2[%dma_start3A_117, %dma_start3A_118] : memref<80896x64xf32, #tpu.memory_space<hbm>> -> memref<80896x64xf32, #tpu.memory_space<hbm>>
          tpu.enqueue_indirect_dma source(%dma_start3A_119 : memref<80896x64xf32, #tpu.memory_space<hbm>>) target(%arg9 : memref<128x64xf32, #tpu.memory_space<vmem>>) offsets(%dma_start3A_116 : memref<128xi32, #tpu.memory_space<vmem>>) semaphore(%arg13 : memref<!tpu.dma_semaphore, #tpu.memory_space<semaphore_mem>>)
        } else {
        }
        %dma_wait3A_69 = arith.constant 0 : i32
        %dma_wait3A_70 = tpu.memref_slice %arg7[%add3A_59, %dma_wait3A_69] : memref<80x128xi32, #tpu.memory_space<vmem>> -> memref<1x128xi32, #tpu.memory_space<vmem>>
        %dma_wait3A_71 = tpu.memref_squeeze %dma_wait3A_70 : memref<1x128xi32, #tpu.memory_space<vmem>> -> memref<128xi32, #tpu.memory_space<vmem>>
        %dma_wait3A_72 = arith.constant 0 : i32
        %dma_wait3A_73 = arith.constant 0 : i32
        %dma_wait3A_74 = tpu.memref_slice %arg2[%dma_wait3A_72, %dma_wait3A_73] : memref<80896x64xf32, #tpu.memory_space<hbm>> -> memref<80896x64xf32, #tpu.memory_space<hbm>>
        tpu.wait_indirect_dma semaphore(%arg14 : memref<!tpu.dma_semaphore, #tpu.memory_space<semaphore_mem>>) src(%dma_wait3A_74 : memref<80896x64xf32, #tpu.memory_space<hbm>>) dst(%arg10 : memref<128x64xf32, #tpu.memory_space<vmem>>)
        "tpu.region"() ({
          %run_scoped3A = tpu.sem_alloc : memref<!tpu.dma_semaphore, #tpu.memory_space<semaphore_mem>>
          %dma_start3A_114 = arith.constant 0 : i32
          %dma_start3A_115 = tpu.memref_slice %arg8[%add3A_59, %dma_start3A_114] : memref<80x128xi32, #tpu.memory_space<vmem>> -> memref<1x128xi32, #tpu.memory_space<vmem>>
          %dma_start3A_116 = tpu.memref_squeeze %dma_start3A_115 : memref<1x128xi32, #tpu.memory_space<vmem>> -> memref<128xi32, #tpu.memory_space<vmem>>
          %dma_start3A_117 = arith.constant 0 : i32
          %dma_start3A_118 = arith.constant 0 : i32
          %dma_start3A_119 = tpu.memref_slice %arg17[%dma_start3A_117, %dma_start3A_118] : memref<10112x64xf32, #tpu.memory_space<vmem_shared>> -> memref<10112x64xf32, #tpu.memory_space<vmem_shared>>
          tpu.enqueue_indirect_dma source(%arg10 : memref<128x64xf32, #tpu.memory_space<vmem>>) target(%dma_start3A_119 : memref<10112x64xf32, #tpu.memory_space<vmem_shared>>) offsets(%dma_start3A_116 : memref<128xi32, #tpu.memory_space<vmem>>) semaphore(%run_scoped3A : memref<!tpu.dma_semaphore, #tpu.memory_space<semaphore_mem>>) {add = true}
          %dma_wait3A_120 = arith.constant 0 : i32
          %dma_wait3A_121 = tpu.memref_slice %arg8[%add3A_59, %dma_wait3A_120] : memref<80x128xi32, #tpu.memory_space<vmem>> -> memref<1x128xi32, #tpu.memory_space<vmem>>
          %dma_wait3A_122 = tpu.memref_squeeze %dma_wait3A_121 : memref<1x128xi32, #tpu.memory_space<vmem>> -> memref<128xi32, #tpu.memory_space<vmem>>
          %dma_wait3A_123 = arith.constant 0 : i32
          %dma_wait3A_124 = arith.constant 0 : i32
          %dma_wait3A_125 = tpu.memref_slice %arg17[%dma_wait3A_123, %dma_wait3A_124] : memref<10112x64xf32, #tpu.memory_space<vmem_shared>> -> memref<10112x64xf32, #tpu.memory_space<vmem_shared>>
          tpu.wait_indirect_dma semaphore(%run_scoped3A : memref<!tpu.dma_semaphore, #tpu.memory_space<semaphore_mem>>) src(%arg10 : memref<128x64xf32, #tpu.memory_space<vmem>>) dst(%dma_wait3A_125 : memref<10112x64xf32, #tpu.memory_space<vmem_shared>>)
          tpu.yield
        }) : () -> ()
        %mul3A_75 = arith.constant 4 : i32
        %mul3A_76 = arith.muli %scan3A_38, %mul3A_75 : i32
        %add3A_77 = arith.constant 2 : i32
        %add3A_78 = arith.addi %mul3A_76, %add3A_77 : i32
        %add3A_79 = arith.constant 4 : i32
        %add3A_80 = arith.addi %add3A_78, %add3A_79 : i32
        %sub3A_81 = arith.constant 1 : i32
        %sub3A_82 = arith.subi %add3A_80, %sub3A_81 : i32
        %lt3A_83 = arith.constant 80 : i32
        %lt3A_84 = arith.cmpi slt, %sub3A_82, %lt3A_83 : i32
        %convert_element_type3A_85 = arith.extui %lt3A_84 : i1 to i32
        %cond3A_86 = arith.constant 0 : i32
        %cond3A_87 = arith.cmpi ne, %convert_element_type3A_85, %cond3A_86 : i32
        scf.if %cond3A_87 {
          %dma_start3A_114 = arith.constant 0 : i32
          %dma_start3A_115 = tpu.memref_slice %arg7[%sub3A_82, %dma_start3A_114] : memref<80x128xi32, #tpu.memory_space<vmem>> -> memref<1x128xi32, #tpu.memory_space<vmem>>
          %dma_start3A_116 = tpu.memref_squeeze %dma_start3A_115 : memref<1x128xi32, #tpu.memory_space<vmem>> -> memref<128xi32, #tpu.memory_space<vmem>>
          %dma_start3A_117 = arith.constant 0 : i32
          %dma_start3A_118 = arith.constant 0 : i32
          %dma_start3A_119 = tpu.memref_slice %arg2[%dma_start3A_117, %dma_start3A_118] : memref<80896x64xf32, #tpu.memory_space<hbm>> -> memref<80896x64xf32, #tpu.memory_space<hbm>>
          tpu.enqueue_indirect_dma source(%dma_start3A_119 : memref<80896x64xf32, #tpu.memory_space<hbm>>) target(%arg10 : memref<128x64xf32, #tpu.memory_space<vmem>>) offsets(%dma_start3A_116 : memref<128xi32, #tpu.memory_space<vmem>>) semaphore(%arg14 : memref<!tpu.dma_semaphore, #tpu.memory_space<semaphore_mem>>)
        } else {
        }
        %dma_wait3A_88 = arith.constant 0 : i32
        %dma_wait3A_89 = tpu.memref_slice %arg7[%add3A_78, %dma_wait3A_88] : memref<80x128xi32, #tpu.memory_space<vmem>> -> memref<1x128xi32, #tpu.memory_space<vmem>>
        %dma_wait3A_90 = tpu.memref_squeeze %dma_wait3A_89 : memref<1x128xi32, #tpu.memory_space<vmem>> -> memref<128xi32, #tpu.memory_space<vmem>>
        %dma_wait3A_91 = arith.constant 0 : i32
        %dma_wait3A_92 = arith.constant 0 : i32
        %dma_wait3A_93 = tpu.memref_slice %arg2[%dma_wait3A_91, %dma_wait3A_92] : memref<80896x64xf32, #tpu.memory_space<hbm>> -> memref<80896x64xf32, #tpu.memory_space<hbm>>
        tpu.wait_indirect_dma semaphore(%arg15 : memref<!tpu.dma_semaphore, #tpu.memory_space<semaphore_mem>>) src(%dma_wait3A_93 : memref<80896x64xf32, #tpu.memory_space<hbm>>) dst(%arg11 : memref<128x64xf32, #tpu.memory_space<vmem>>)
        "tpu.region"() ({
          %run_scoped3A = tpu.sem_alloc : memref<!tpu.dma_semaphore, #tpu.memory_space<semaphore_mem>>
          %dma_start3A_114 = arith.constant 0 : i32
          %dma_start3A_115 = tpu.memref_slice %arg8[%add3A_78, %dma_start3A_114] : memref<80x128xi32, #tpu.memory_space<vmem>> -> memref<1x128xi32, #tpu.memory_space<vmem>>
          %dma_start3A_116 = tpu.memref_squeeze %dma_start3A_115 : memref<1x128xi32, #tpu.memory_space<vmem>> -> memref<128xi32, #tpu.memory_space<vmem>>
          %dma_start3A_117 = arith.constant 0 : i32
          %dma_start3A_118 = arith.constant 0 : i32
          %dma_start3A_119 = tpu.memref_slice %arg17[%dma_start3A_117, %dma_start3A_118] : memref<10112x64xf32, #tpu.memory_space<vmem_shared>> -> memref<10112x64xf32, #tpu.memory_space<vmem_shared>>
          tpu.enqueue_indirect_dma source(%arg11 : memref<128x64xf32, #tpu.memory_space<vmem>>) target(%dma_start3A_119 : memref<10112x64xf32, #tpu.memory_space<vmem_shared>>) offsets(%dma_start3A_116 : memref<128xi32, #tpu.memory_space<vmem>>) semaphore(%run_scoped3A : memref<!tpu.dma_semaphore, #tpu.memory_space<semaphore_mem>>) {add = true}
          %dma_wait3A_120 = arith.constant 0 : i32
          %dma_wait3A_121 = tpu.memref_slice %arg8[%add3A_78, %dma_wait3A_120] : memref<80x128xi32, #tpu.memory_space<vmem>> -> memref<1x128xi32, #tpu.memory_space<vmem>>
          %dma_wait3A_122 = tpu.memref_squeeze %dma_wait3A_121 : memref<1x128xi32, #tpu.memory_space<vmem>> -> memref<128xi32, #tpu.memory_space<vmem>>
          %dma_wait3A_123 = arith.constant 0 : i32
          %dma_wait3A_124 = arith.constant 0 : i32
          %dma_wait3A_125 = tpu.memref_slice %arg17[%dma_wait3A_123, %dma_wait3A_124] : memref<10112x64xf32, #tpu.memory_space<vmem_shared>> -> memref<10112x64xf32, #tpu.memory_space<vmem_shared>>
          tpu.wait_indirect_dma semaphore(%run_scoped3A : memref<!tpu.dma_semaphore, #tpu.memory_space<semaphore_mem>>) src(%arg11 : memref<128x64xf32, #tpu.memory_space<vmem>>) dst(%dma_wait3A_125 : memref<10112x64xf32, #tpu.memory_space<vmem_shared>>)
          tpu.yield
        }) : () -> ()
        %mul3A_94 = arith.constant 4 : i32
        %mul3A_95 = arith.muli %scan3A_38, %mul3A_94 : i32
        %add3A_96 = arith.constant 3 : i32
        %add3A_97 = arith.addi %mul3A_95, %add3A_96 : i32
        %add3A_98 = arith.constant 4 : i32
        %add3A_99 = arith.addi %add3A_97, %add3A_98 : i32
        %sub3A_100 = arith.constant 1 : i32
        %sub3A_101 = arith.subi %add3A_99, %sub3A_100 : i32
        %lt3A_102 = arith.constant 80 : i32
        %lt3A_103 = arith.cmpi slt, %sub3A_101, %lt3A_102 : i32
        %convert_element_type3A_104 = arith.extui %lt3A_103 : i1 to i32
        %cond3A_105 = arith.constant 0 : i32
        %cond3A_106 = arith.cmpi ne, %convert_element_type3A_104, %cond3A_105 : i32
        scf.if %cond3A_106 {
          %dma_start3A_114 = arith.constant 0 : i32
          %dma_start3A_115 = tpu.memref_slice %arg7[%sub3A_101, %dma_start3A_114] : memref<80x128xi32, #tpu.memory_space<vmem>> -> memref<1x128xi32, #tpu.memory_space<vmem>>
          %dma_start3A_116 = tpu.memref_squeeze %dma_start3A_115 : memref<1x128xi32, #tpu.memory_space<vmem>> -> memref<128xi32, #tpu.memory_space<vmem>>
          %dma_start3A_117 = arith.constant 0 : i32
          %dma_start3A_118 = arith.constant 0 : i32
          %dma_start3A_119 = tpu.memref_slice %arg2[%dma_start3A_117, %dma_start3A_118] : memref<80896x64xf32, #tpu.memory_space<hbm>> -> memref<80896x64xf32, #tpu.memory_space<hbm>>
          tpu.enqueue_indirect_dma source(%dma_start3A_119 : memref<80896x64xf32, #tpu.memory_space<hbm>>) target(%arg11 : memref<128x64xf32, #tpu.memory_space<vmem>>) offsets(%dma_start3A_116 : memref<128xi32, #tpu.memory_space<vmem>>) semaphore(%arg15 : memref<!tpu.dma_semaphore, #tpu.memory_space<semaphore_mem>>)
        } else {
        }
        %dma_wait3A_107 = arith.constant 0 : i32
        %dma_wait3A_108 = tpu.memref_slice %arg7[%add3A_97, %dma_wait3A_107] : memref<80x128xi32, #tpu.memory_space<vmem>> -> memref<1x128xi32, #tpu.memory_space<vmem>>
        %dma_wait3A_109 = tpu.memref_squeeze %dma_wait3A_108 : memref<1x128xi32, #tpu.memory_space<vmem>> -> memref<128xi32, #tpu.memory_space<vmem>>
        %dma_wait3A_110 = arith.constant 0 : i32
        %dma_wait3A_111 = arith.constant 0 : i32
        %dma_wait3A_112 = tpu.memref_slice %arg2[%dma_wait3A_110, %dma_wait3A_111] : memref<80896x64xf32, #tpu.memory_space<hbm>> -> memref<80896x64xf32, #tpu.memory_space<hbm>>
        tpu.wait_indirect_dma semaphore(%arg16 : memref<!tpu.dma_semaphore, #tpu.memory_space<semaphore_mem>>) src(%dma_wait3A_112 : memref<80896x64xf32, #tpu.memory_space<hbm>>) dst(%arg12 : memref<128x64xf32, #tpu.memory_space<vmem>>)
        "tpu.region"() ({
          %run_scoped3A = tpu.sem_alloc : memref<!tpu.dma_semaphore, #tpu.memory_space<semaphore_mem>>
          %dma_start3A_114 = arith.constant 0 : i32
          %dma_start3A_115 = tpu.memref_slice %arg8[%add3A_97, %dma_start3A_114] : memref<80x128xi32, #tpu.memory_space<vmem>> -> memref<1x128xi32, #tpu.memory_space<vmem>>
          %dma_start3A_116 = tpu.memref_squeeze %dma_start3A_115 : memref<1x128xi32, #tpu.memory_space<vmem>> -> memref<128xi32, #tpu.memory_space<vmem>>
          %dma_start3A_117 = arith.constant 0 : i32
          %dma_start3A_118 = arith.constant 0 : i32
          %dma_start3A_119 = tpu.memref_slice %arg17[%dma_start3A_117, %dma_start3A_118] : memref<10112x64xf32, #tpu.memory_space<vmem_shared>> -> memref<10112x64xf32, #tpu.memory_space<vmem_shared>>
          tpu.enqueue_indirect_dma source(%arg12 : memref<128x64xf32, #tpu.memory_space<vmem>>) target(%dma_start3A_119 : memref<10112x64xf32, #tpu.memory_space<vmem_shared>>) offsets(%dma_start3A_116 : memref<128xi32, #tpu.memory_space<vmem>>) semaphore(%run_scoped3A : memref<!tpu.dma_semaphore, #tpu.memory_space<semaphore_mem>>) {add = true}
          %dma_wait3A_120 = arith.constant 0 : i32
          %dma_wait3A_121 = tpu.memref_slice %arg8[%add3A_97, %dma_wait3A_120] : memref<80x128xi32, #tpu.memory_space<vmem>> -> memref<1x128xi32, #tpu.memory_space<vmem>>
          %dma_wait3A_122 = tpu.memref_squeeze %dma_wait3A_121 : memref<1x128xi32, #tpu.memory_space<vmem>> -> memref<128xi32, #tpu.memory_space<vmem>>
          %dma_wait3A_123 = arith.constant 0 : i32
          %dma_wait3A_124 = arith.constant 0 : i32
          %dma_wait3A_125 = tpu.memref_slice %arg17[%dma_wait3A_123, %dma_wait3A_124] : memref<10112x64xf32, #tpu.memory_space<vmem_shared>> -> memref<10112x64xf32, #tpu.memory_space<vmem_shared>>
          tpu.wait_indirect_dma semaphore(%run_scoped3A : memref<!tpu.dma_semaphore, #tpu.memory_space<semaphore_mem>>) src(%arg12 : memref<128x64xf32, #tpu.memory_space<vmem>>) dst(%dma_wait3A_125 : memref<10112x64xf32, #tpu.memory_space<vmem_shared>>)
          tpu.yield
        }) : () -> ()
        %scan3A_113 = arith.constant 0 : i32
        scf.yield %scan3A_113 : i32
      }
      %scan3A_36 = arith.constant 20 : i32
      %barrier3A_37 = arith.constant 0 : index
      tpu.barrier barrier_id(%barrier3A_37)
      "tpu.region"() ({
        %run_scoped3A = tpu.sem_alloc : memref<!tpu.dma_semaphore, #tpu.memory_space<semaphore_mem>>
        %dma_start3A_38 = arith.constant 0 : i32
        %dma_start3A_39 = tpu.memref_slice %arg6[%arg0, %mul3A_0, %dma_start3A_38] : memref<2x10112x64xf32, #tpu.memory_space<hbm>> -> memref<1x632x64xf32, #tpu.memory_space<hbm>>
        %dma_start3A_40 = tpu.memref_squeeze %dma_start3A_39 : memref<1x632x64xf32, #tpu.memory_space<hbm>> -> memref<632x64xf32, #tpu.memory_space<hbm>>
        %dma_start3A_41 = arith.constant 0 : i32
        %dma_start3A_42 = tpu.memref_slice %arg17[%mul3A_0, %dma_start3A_41] : memref<10112x64xf32, #tpu.memory_space<vmem_shared>> -> memref<632x64xf32, #tpu.memory_space<vmem_shared>>
        tpu.enqueue_dma source(%dma_start3A_42 : memref<632x64xf32, #tpu.memory_space<vmem_shared>>) target(%dma_start3A_40 : memref<632x64xf32, #tpu.memory_space<hbm>>) target_semaphore(%run_scoped3A : memref<!tpu.dma_semaphore, #tpu.memory_space<semaphore_mem>>)
        %dma_wait3A = arith.constant 0 : i32
        %dma_wait3A_43 = tpu.memref_slice %arg6[%arg0, %mul3A_0, %dma_wait3A] : memref<2x10112x64xf32, #tpu.memory_space<hbm>> -> memref<1x632x64xf32, #tpu.memory_space<hbm>>
        %dma_wait3A_44 = tpu.memref_squeeze %dma_wait3A_43 : memref<1x632x64xf32, #tpu.memory_space<hbm>> -> memref<632x64xf32, #tpu.memory_space<hbm>>
        %dma_wait3A_45 = arith.constant 0 : i32
        %dma_wait3A_46 = tpu.memref_slice %arg17[%mul3A_0, %dma_wait3A_45] : memref<10112x64xf32, #tpu.memory_space<vmem_shared>> -> memref<632x64xf32, #tpu.memory_space<vmem_shared>>
        tpu.wait_dma2 semaphore(%run_scoped3A : memref<!tpu.dma_semaphore, #tpu.memory_space<semaphore_mem>>) src(%dma_wait3A_46 : memref<632x64xf32, #tpu.memory_space<vmem_shared>>) dst(%dma_wait3A_44 : memref<632x64xf32, #tpu.memory_space<hbm>>)
        tpu.yield
      }) : () -> ()
    } else {
    }
    return
  }
}

module attributes {stable_mosaic.version = 14 : i64} {
  func.func @body(%arg0: i32, %arg1: i32, %arg2: memref<1264x128xf32, #tpu.memory_space<vmem>>, %arg3: memref<4x128x64xf32, #tpu.memory_space<vmem>>, %arg4: memref<1x1x4xf32, #tpu.memory_space<vmem>>, %arg5: memref<1264x64xf32, #tpu.memory_space<vmem>>) attributes {dimension_semantics = [#tpu.dimension_semantics<arbitrary>, #tpu.dimension_semantics<arbitrary>], iteration_bounds = array<i64: 8, 8>, scalar_prefetch = 0 : i64, scratch_operands = 0 : i64, tpu.core_type = #tpu.core_type<tc>, window_params = [{transform_indices = @transform_0, window_bounds = array<i64: 1264, 128>}, {pipeline_mode = #tpu.pipeline_mode<synchronous>, transform_indices = @transform_1, window_bounds = array<i64: 4, 128, 64>}, {transform_indices = @transform_2, window_bounds = array<i64: 1, 1, 4>}, {transform_indices = @transform_3, window_bounds = array<i64: 1264, 64>}]} {
    %get3A = arith.constant 0 : index
    %get3A_0 = arith.constant 0 : index
    %get3A_1 = arith.constant 0 : index
    %get3A_2 = vector.load %arg4[%get3A, %get3A_0, %get3A_1] : memref<1x1x4xf32, #tpu.memory_space<vmem>>, vector<1x1x1xf32>
    %get3A_3 = vector.extract %get3A_2[0, 0, 0] : f32 from vector<1x1x1xf32>
    %get3A_4 = arith.constant 0 : index
    %get3A_5 = arith.constant 0 : index
    %get3A_6 = arith.constant 0 : index
    %get3A_7 = vector.load %arg3[%get3A_4, %get3A_5, %get3A_6] : memref<4x128x64xf32, #tpu.memory_space<vmem>>, vector<1x128x64xf32>
    %get3A_8 = vector.shape_cast %get3A_7 : vector<1x128x64xf32> to vector<128x64xf32>
    %mul3A = vector.broadcast %get3A_3 : f32 to vector<128x64xf32>
    %mul3A_9 = arith.mulf %mul3A, %get3A_8 : vector<128x64xf32>
    %get3A_10 = arith.constant 0 : index
    %get3A_11 = arith.constant 0 : index
    %get3A_12 = arith.constant 1 : index
    %get3A_13 = vector.load %arg4[%get3A_10, %get3A_11, %get3A_12] : memref<1x1x4xf32, #tpu.memory_space<vmem>>, vector<1x1x1xf32>
    %get3A_14 = vector.extract %get3A_13[0, 0, 0] : f32 from vector<1x1x1xf32>
    %get3A_15 = arith.constant 1 : index
    %get3A_16 = arith.constant 0 : index
    %get3A_17 = arith.constant 0 : index
    %get3A_18 = vector.load %arg3[%get3A_15, %get3A_16, %get3A_17] : memref<4x128x64xf32, #tpu.memory_space<vmem>>, vector<1x128x64xf32>
    %get3A_19 = vector.shape_cast %get3A_18 : vector<1x128x64xf32> to vector<128x64xf32>
    %mul3A_20 = vector.broadcast %get3A_14 : f32 to vector<128x64xf32>
    %mul3A_21 = arith.mulf %mul3A_20, %get3A_19 : vector<128x64xf32>
    %add3A = arith.addf %mul3A_9, %mul3A_21 : vector<128x64xf32>
    %get3A_22 = arith.constant 0 : index
    %get3A_23 = arith.constant 0 : index
    %get3A_24 = arith.constant 2 : index
    %get3A_25 = vector.load %arg4[%get3A_22, %get3A_23, %get3A_24] : memref<1x1x4xf32, #tpu.memory_space<vmem>>, vector<1x1x1xf32>
    %get3A_26 = vector.extract %get3A_25[0, 0, 0] : f32 from vector<1x1x1xf32>
    %get3A_27 = arith.constant 2 : index
    %get3A_28 = arith.constant 0 : index
    %get3A_29 = arith.constant 0 : index
    %get3A_30 = vector.load %arg3[%get3A_27, %get3A_28, %get3A_29] : memref<4x128x64xf32, #tpu.memory_space<vmem>>, vector<1x128x64xf32>
    %get3A_31 = vector.shape_cast %get3A_30 : vector<1x128x64xf32> to vector<128x64xf32>
    %mul3A_32 = vector.broadcast %get3A_26 : f32 to vector<128x64xf32>
    %mul3A_33 = arith.mulf %mul3A_32, %get3A_31 : vector<128x64xf32>
    %add3A_34 = arith.addf %add3A, %mul3A_33 : vector<128x64xf32>
    %get3A_35 = arith.constant 0 : index
    %get3A_36 = arith.constant 0 : index
    %get3A_37 = arith.constant 3 : index
    %get3A_38 = vector.load %arg4[%get3A_35, %get3A_36, %get3A_37] : memref<1x1x4xf32, #tpu.memory_space<vmem>>, vector<1x1x1xf32>
    %get3A_39 = vector.extract %get3A_38[0, 0, 0] : f32 from vector<1x1x1xf32>
    %get3A_40 = arith.constant 3 : index
    %get3A_41 = arith.constant 0 : index
    %get3A_42 = arith.constant 0 : index
    %get3A_43 = vector.load %arg3[%get3A_40, %get3A_41, %get3A_42] : memref<4x128x64xf32, #tpu.memory_space<vmem>>, vector<1x128x64xf32>
    %get3A_44 = vector.shape_cast %get3A_43 : vector<1x128x64xf32> to vector<128x64xf32>
    %mul3A_45 = vector.broadcast %get3A_39 : f32 to vector<128x64xf32>
    %mul3A_46 = arith.mulf %mul3A_45, %get3A_44 : vector<128x64xf32>
    %add3A_47 = arith.addf %add3A_34, %mul3A_46 : vector<128x64xf32>
    %get3A_48 = arith.constant 0 : index
    %get3A_49 = arith.constant 0 : index
    %get3A_50 = vector.load %arg2[%get3A_48, %get3A_49] : memref<1264x128xf32, #tpu.memory_space<vmem>>, vector<1264x128xf32>
    %dot_general3A = arith.constant dense<0.000000e+00> : vector<1264x64xf32>
    %dot_general3A_51 = tpu.matmul %get3A_50, %add3A_47, %dot_general3A {dimension_numbers = #tpu.dot_dimension_numbers<[1], [0], [0], [1], [0, 0, 1, 1], [], []>, transpose_lhs_hint = false} : vector<1264x128xf32>, vector<128x64xf32>, vector<1264x64xf32> -> vector<1264x64xf32>
    %swap3A = arith.constant 0 : index
    %swap3A_52 = arith.constant 0 : index
    %swap3A_53 = vector.load %arg5[%swap3A, %swap3A_52] : memref<1264x64xf32, #tpu.memory_space<vmem>>, vector<1264x64xf32>
    tpu.vector_store %arg5[%swap3A, %swap3A_52], %dot_general3A_51 {strides = array<i32>} : memref<1264x64xf32, #tpu.memory_space<vmem>>, vector<1264x64xf32>,
    return
  }
  func.func @transform_0(%arg0: i32, %arg1: i32) -> (i32, i32) {
    %c0_i32 = arith.constant 0 : i32
    %c0_i32_0 = arith.constant 0 : i32
    return %arg1, %c0_i32 : i32, i32
  }
  func.func @transform_1(%arg0: i32, %arg1: i32) -> (i32, i32, i32) {
    %c0_i32 = arith.constant 0 : i32
    %c0_i32_0 = arith.constant 0 : i32
    %c0_i32_1 = arith.constant 0 : i32
    %c0_i32_2 = arith.constant 0 : i32
    return %c0_i32, %c0_i32_0, %c0_i32_1 : i32, i32, i32
  }
  func.func @transform_2(%arg0: i32, %arg1: i32) -> (i32, i32, i32) {
    %c0_i32 = arith.constant 0 : i32
    %c0_i32_0 = arith.constant 0 : i32
    %c0_i32_1 = arith.constant 0 : i32
    return %arg0, %c0_i32, %c0_i32_0 : i32, i32, i32
  }
  func.func @transform_3(%arg0: i32, %arg1: i32) -> (i32, i32) {
    %mul3A = arith.constant 8 : i32
    %mul3A_0 = arith.muli %arg0, %mul3A : i32
    %add3A = arith.addi %mul3A_0, %arg1 : i32
    %c0_i32 = arith.constant 0 : i32
    %c0_i32_1 = arith.constant 0 : i32
    return %add3A, %c0_i32 : i32, i32
  }
}

module attributes {stable_mosaic.version = 14 : i64} {
  func.func @body(%arg0: i32, %arg1: i32, %arg2: memref<1264x64xf32, #tpu.memory_space<vmem>>, %arg3: memref<4x64x64xf32, #tpu.memory_space<vmem>>, %arg4: memref<1x1x4xf32, #tpu.memory_space<vmem>>, %arg5: memref<1264x64xf32, #tpu.memory_space<vmem>>) attributes {dimension_semantics = [#tpu.dimension_semantics<arbitrary>, #tpu.dimension_semantics<arbitrary>], iteration_bounds = array<i64: 8, 8>, scalar_prefetch = 0 : i64, scratch_operands = 0 : i64, tpu.core_type = #tpu.core_type<tc>, window_params = [{transform_indices = @transform_0, window_bounds = array<i64: 1264, 64>}, {pipeline_mode = #tpu.pipeline_mode<synchronous>, transform_indices = @transform_1, window_bounds = array<i64: 4, 64, 64>}, {transform_indices = @transform_2, window_bounds = array<i64: 1, 1, 4>}, {transform_indices = @transform_3, window_bounds = array<i64: 1264, 64>}]} {
    %get3A = arith.constant 0 : index
    %get3A_0 = arith.constant 0 : index
    %get3A_1 = arith.constant 0 : index
    %get3A_2 = vector.load %arg4[%get3A, %get3A_0, %get3A_1] : memref<1x1x4xf32, #tpu.memory_space<vmem>>, vector<1x1x1xf32>
    %get3A_3 = vector.extract %get3A_2[0, 0, 0] : f32 from vector<1x1x1xf32>
    %get3A_4 = arith.constant 0 : index
    %get3A_5 = arith.constant 0 : index
    %get3A_6 = arith.constant 0 : index
    %get3A_7 = vector.load %arg3[%get3A_4, %get3A_5, %get3A_6] : memref<4x64x64xf32, #tpu.memory_space<vmem>>, vector<1x64x64xf32>
    %get3A_8 = vector.shape_cast %get3A_7 : vector<1x64x64xf32> to vector<64x64xf32>
    %mul3A = vector.broadcast %get3A_3 : f32 to vector<64x64xf32>
    %mul3A_9 = arith.mulf %mul3A, %get3A_8 : vector<64x64xf32>
    %get3A_10 = arith.constant 0 : index
    %get3A_11 = arith.constant 0 : index
    %get3A_12 = arith.constant 1 : index
    %get3A_13 = vector.load %arg4[%get3A_10, %get3A_11, %get3A_12] : memref<1x1x4xf32, #tpu.memory_space<vmem>>, vector<1x1x1xf32>
    %get3A_14 = vector.extract %get3A_13[0, 0, 0] : f32 from vector<1x1x1xf32>
    %get3A_15 = arith.constant 1 : index
    %get3A_16 = arith.constant 0 : index
    %get3A_17 = arith.constant 0 : index
    %get3A_18 = vector.load %arg3[%get3A_15, %get3A_16, %get3A_17] : memref<4x64x64xf32, #tpu.memory_space<vmem>>, vector<1x64x64xf32>
    %get3A_19 = vector.shape_cast %get3A_18 : vector<1x64x64xf32> to vector<64x64xf32>
    %mul3A_20 = vector.broadcast %get3A_14 : f32 to vector<64x64xf32>
    %mul3A_21 = arith.mulf %mul3A_20, %get3A_19 : vector<64x64xf32>
    %add3A = arith.addf %mul3A_9, %mul3A_21 : vector<64x64xf32>
    %get3A_22 = arith.constant 0 : index
    %get3A_23 = arith.constant 0 : index
    %get3A_24 = arith.constant 2 : index
    %get3A_25 = vector.load %arg4[%get3A_22, %get3A_23, %get3A_24] : memref<1x1x4xf32, #tpu.memory_space<vmem>>, vector<1x1x1xf32>
    %get3A_26 = vector.extract %get3A_25[0, 0, 0] : f32 from vector<1x1x1xf32>
    %get3A_27 = arith.constant 2 : index
    %get3A_28 = arith.constant 0 : index
    %get3A_29 = arith.constant 0 : index
    %get3A_30 = vector.load %arg3[%get3A_27, %get3A_28, %get3A_29] : memref<4x64x64xf32, #tpu.memory_space<vmem>>, vector<1x64x64xf32>
    %get3A_31 = vector.shape_cast %get3A_30 : vector<1x64x64xf32> to vector<64x64xf32>
    %mul3A_32 = vector.broadcast %get3A_26 : f32 to vector<64x64xf32>
    %mul3A_33 = arith.mulf %mul3A_32, %get3A_31 : vector<64x64xf32>
    %add3A_34 = arith.addf %add3A, %mul3A_33 : vector<64x64xf32>
    %get3A_35 = arith.constant 0 : index
    %get3A_36 = arith.constant 0 : index
    %get3A_37 = arith.constant 3 : index
    %get3A_38 = vector.load %arg4[%get3A_35, %get3A_36, %get3A_37] : memref<1x1x4xf32, #tpu.memory_space<vmem>>, vector<1x1x1xf32>
    %get3A_39 = vector.extract %get3A_38[0, 0, 0] : f32 from vector<1x1x1xf32>
    %get3A_40 = arith.constant 3 : index
    %get3A_41 = arith.constant 0 : index
    %get3A_42 = arith.constant 0 : index
    %get3A_43 = vector.load %arg3[%get3A_40, %get3A_41, %get3A_42] : memref<4x64x64xf32, #tpu.memory_space<vmem>>, vector<1x64x64xf32>
    %get3A_44 = vector.shape_cast %get3A_43 : vector<1x64x64xf32> to vector<64x64xf32>
    %mul3A_45 = vector.broadcast %get3A_39 : f32 to vector<64x64xf32>
    %mul3A_46 = arith.mulf %mul3A_45, %get3A_44 : vector<64x64xf32>
    %add3A_47 = arith.addf %add3A_34, %mul3A_46 : vector<64x64xf32>
    %get3A_48 = arith.constant 0 : index
    %get3A_49 = arith.constant 0 : index
    %get3A_50 = vector.load %arg2[%get3A_48, %get3A_49] : memref<1264x64xf32, #tpu.memory_space<vmem>>, vector<1264x64xf32>
    %dot_general3A = arith.constant dense<0.000000e+00> : vector<1264x64xf32>
    %dot_general3A_51 = tpu.matmul %get3A_50, %add3A_47, %dot_general3A {dimension_numbers = #tpu.dot_dimension_numbers<[1], [0], [0], [1], [0, 0, 1, 1], [], []>, transpose_lhs_hint = false} : vector<1264x64xf32>, vector<64x64xf32>, vector<1264x64xf32> -> vector<1264x64xf32>
    %swap3A = arith.constant 0 : index
    %swap3A_52 = arith.constant 0 : index
    %swap3A_53 = vector.load %arg5[%swap3A, %swap3A_52] : memref<1264x64xf32, #tpu.memory_space<vmem>>, vector<1264x64xf32>
    tpu.vector_store %arg5[%swap3A, %swap3A_52], %dot_general3A_51 {strides = array<i32>} : memref<1264x64xf32, #tpu.memory_space<vmem>>, vector<1264x64xf32>,
    return
  }
  func.func @transform_0(%arg0: i32, %arg1: i32) -> (i32, i32) {
    %c0_i32 = arith.constant 0 : i32
    %c0_i32_0 = arith.constant 0 : i32
    return %arg1, %c0_i32 : i32, i32
  }
  func.func @transform_1(%arg0: i32, %arg1: i32) -> (i32, i32, i32) {
    %c0_i32 = arith.constant 0 : i32
    %c0_i32_0 = arith.constant 0 : i32
    %c0_i32_1 = arith.constant 0 : i32
    %c0_i32_2 = arith.constant 0 : i32
    return %c0_i32, %c0_i32_0, %c0_i32_1 : i32, i32, i32
  }
  func.func @transform_2(%arg0: i32, %arg1: i32) -> (i32, i32, i32) {
    %c0_i32 = arith.constant 0 : i32
    %c0_i32_0 = arith.constant 0 : i32
    %c0_i32_1 = arith.constant 0 : i32
    return %arg0, %c0_i32, %c0_i32_0 : i32, i32, i32
  }
  func.func @transform_3(%arg0: i32, %arg1: i32) -> (i32, i32) {
    %mul3A = arith.constant 8 : i32
    %mul3A_0 = arith.muli %arg0, %mul3A : i32
    %add3A = arith.addi %mul3A_0, %arg1 : i32
    %c0_i32 = arith.constant 0 : i32
    %c0_i32_1 = arith.constant 0 : i32
    return %add3A, %c0_i32 : i32, i32
  }
}

module attributes {stable_mosaic.version = 14 : i64} {
  func.func @body(%arg0: i32, %arg1: memref<1264x128xf32, #tpu.memory_space<vmem>>, %arg2: memref<2x1264x64xf32, #tpu.memory_space<vmem>>, %arg3: memref<2x1264x16xf32, #tpu.memory_space<vmem>>, %arg4: memref<128x64xf32, #tpu.memory_space<vmem>>, %arg5: memref<1x64xf32, #tpu.memory_space<vmem>>, %arg6: memref<1264x64xf32, #tpu.memory_space<vmem>>) attributes {dimension_semantics = [#tpu.dimension_semantics<arbitrary>], iteration_bounds = array<i64: 8>, scalar_prefetch = 0 : i64, scratch_operands = 0 : i64, tpu.core_type = #tpu.core_type<tc>, window_params = [{transform_indices = @transform_0, window_bounds = array<i64: 1264, 128>}, {transform_indices = @transform_1, window_bounds = array<i64: 2, 1264, 64>}, {transform_indices = @transform_2, window_bounds = array<i64: 2, 1264, 16>}, {pipeline_mode = #tpu.pipeline_mode<synchronous>, transform_indices = @transform_3, window_bounds = array<i64: 128, 64>}, {pipeline_mode = #tpu.pipeline_mode<synchronous>, transform_indices = @transform_4, window_bounds = array<i64: 1, 64>}, {transform_indices = @transform_5, window_bounds = array<i64: 1264, 64>}]} {
    %get3A = arith.constant 0 : index
    %get3A_0 = arith.constant 0 : index
    %get3A_1 = arith.constant 0 : index
    %get3A_2 = vector.load %arg2[%get3A, %get3A_0, %get3A_1] : memref<2x1264x64xf32, #tpu.memory_space<vmem>>, vector<1x1264x64xf32>
    %get3A_3 = vector.shape_cast %get3A_2 : vector<1x1264x64xf32> to vector<1264x64xf32>
    %get3A_4 = arith.constant 1 : index
    %get3A_5 = arith.constant 0 : index
    %get3A_6 = arith.constant 0 : index
    %get3A_7 = vector.load %arg2[%get3A_4, %get3A_5, %get3A_6] : memref<2x1264x64xf32, #tpu.memory_space<vmem>>, vector<1x1264x64xf32>
    %get3A_8 = vector.shape_cast %get3A_7 : vector<1x1264x64xf32> to vector<1264x64xf32>
    %add3A = arith.addf %get3A_3, %get3A_8 : vector<1264x64xf32>
    %get3A_9 = arith.constant 0 : index
    %get3A_10 = arith.constant 0 : index
    %get3A_11 = arith.constant 0 : index
    %get3A_12 = vector.load %arg3[%get3A_9, %get3A_10, %get3A_11] : memref<2x1264x16xf32, #tpu.memory_space<vmem>>, vector<1x1264x1xf32>
    %get3A_13 = vector.shape_cast %get3A_12 : vector<1x1264x1xf32> to vector<1264x1xf32>
    %get3A_14 = arith.constant 1 : index
    %get3A_15 = arith.constant 0 : index
    %get3A_16 = arith.constant 0 : index
    %get3A_17 = vector.load %arg3[%get3A_14, %get3A_15, %get3A_16] : memref<2x1264x16xf32, #tpu.memory_space<vmem>>, vector<1x1264x1xf32>
    %get3A_18 = vector.shape_cast %get3A_17 : vector<1x1264x1xf32> to vector<1264x1xf32>
    %add3A_19 = arith.addf %get3A_13, %get3A_18 : vector<1264x1xf32>
    %max3A = arith.constant 1.000000e+00 : f32
    %max3A_20 = vector.broadcast %max3A : f32 to vector<1264x1xf32>
    %max3A_21 = arith.maximumf %add3A_19, %max3A_20 : vector<1264x1xf32>
    %div3A = arith.constant 1.000000e+00 : f32
    %div3A_22 = vector.broadcast %div3A : f32 to vector<1264x1xf32>
    %div3A_23 = arith.divf %div3A_22, %max3A_21 : vector<1264x1xf32>
    %mul3A = vector.broadcast %div3A_23 : vector<1264x1xf32> to vector<1264x64xf32>
    %mul3A_24 = arith.mulf %add3A, %mul3A : vector<1264x64xf32>
    %get3A_25 = arith.constant 0 : index
    %get3A_26 = arith.constant 0 : index
    %get3A_27 = vector.load %arg1[%get3A_25, %get3A_26] : memref<1264x128xf32, #tpu.memory_space<vmem>>, vector<1264x128xf32>
    %get3A_28 = arith.constant 0 : index
    %get3A_29 = arith.constant 0 : index
    %get3A_30 = vector.load %arg4[%get3A_28, %get3A_29] : memref<128x64xf32, #tpu.memory_space<vmem>>, vector<128x64xf32>
    %dot_general3A = arith.constant dense<0.000000e+00> : vector<1264x64xf32>
    %dot_general3A_31 = tpu.matmul %get3A_27, %get3A_30, %dot_general3A {dimension_numbers = #tpu.dot_dimension_numbers<[1], [0], [0], [1], [0, 0, 1, 1], [], []>, transpose_lhs_hint = false} : vector<1264x128xf32>, vector<128x64xf32>, vector<1264x64xf32> -> vector<1264x64xf32>
    %add3A_32 = arith.addf %mul3A_24, %dot_general3A_31 : vector<1264x64xf32>
    %get3A_33 = arith.constant 0 : index
    %get3A_34 = arith.constant 0 : index
    %get3A_35 = vector.load %arg5[%get3A_33, %get3A_34] : memref<1x64xf32, #tpu.memory_space<vmem>>, vector<1x64xf32>
    %add3A_36 = vector.broadcast %get3A_35 : vector<1x64xf32> to vector<1264x64xf32>
    %add3A_37 = arith.addf %add3A_32, %add3A_36 : vector<1264x64xf32>
    %ge3A = arith.constant 0.000000e+00 : f32
    %ge3A_38 = vector.broadcast %ge3A : f32 to vector<1264x64xf32>
    %ge3A_39 = arith.cmpf oge, %add3A_37, %ge3A_38 : vector<1264x64xf32>
    %mul3A_40 = arith.constant 0.00999999977 : f32
    %mul3A_41 = vector.broadcast %mul3A_40 : f32 to vector<1264x64xf32>
    %mul3A_42 = arith.mulf %mul3A_41, %add3A_37 : vector<1264x64xf32>
    %select_n3A = arith.select %ge3A_39, %add3A_37, %mul3A_42 : vector<1264x64xi1>, vector<1264x64xf32>
    %swap3A = arith.constant 0 : index
    %swap3A_43 = arith.constant 0 : index
    %swap3A_44 = vector.load %arg6[%swap3A, %swap3A_43] : memref<1264x64xf32, #tpu.memory_space<vmem>>, vector<1264x64xf32>
    tpu.vector_store %arg6[%swap3A, %swap3A_43], %select_n3A {strides = array<i32>} : memref<1264x64xf32, #tpu.memory_space<vmem>>, vector<1264x64xf32>,
    return
  }
  func.func @transform_0(%arg0: i32) -> (i32, i32) {
    %c0_i32 = arith.constant 0 : i32
    %c0_i32_0 = arith.constant 0 : i32
    return %arg0, %c0_i32 : i32, i32
  }
  func.func @transform_1(%arg0: i32) -> (i32, i32, i32) {
    %c0_i32 = arith.constant 0 : i32
    %c0_i32_0 = arith.constant 0 : i32
    %c0_i32_1 = arith.constant 0 : i32
    return %c0_i32, %arg0, %c0_i32_0 : i32, i32, i32
  }
  func.func @transform_2(%arg0: i32) -> (i32, i32, i32) {
    %c0_i32 = arith.constant 0 : i32
    %c0_i32_0 = arith.constant 0 : i32
    %c0_i32_1 = arith.constant 0 : i32
    return %c0_i32, %arg0, %c0_i32_0 : i32, i32, i32
  }
  func.func @transform_3(%arg0: i32) -> (i32, i32) {
    %c0_i32 = arith.constant 0 : i32
    %c0_i32_0 = arith.constant 0 : i32
    %c0_i32_1 = arith.constant 0 : i32
    return %c0_i32, %c0_i32_0 : i32, i32
  }
  func.func @transform_4(%arg0: i32) -> (i32, i32) {
    %c0_i32 = arith.constant 0 : i32
    %c0_i32_0 = arith.constant 0 : i32
    %c0_i32_1 = arith.constant 0 : i32
    return %c0_i32, %c0_i32_0 : i32, i32
  }
  func.func @transform_5(%arg0: i32) -> (i32, i32) {
    %c0_i32 = arith.constant 0 : i32
    %c0_i32_0 = arith.constant 0 : i32
    return %arg0, %c0_i32 : i32, i32
  }
}

module attributes {stable_mosaic.version = 14 : i64} {
  func.func @body(%arg0: i32, %arg1: memref<1264x64xf32, #tpu.memory_space<vmem>>, %arg2: memref<2x1264x64xf32, #tpu.memory_space<vmem>>, %arg3: memref<2x1264x16xf32, #tpu.memory_space<vmem>>, %arg4: memref<64x64xf32, #tpu.memory_space<vmem>>, %arg5: memref<1x64xf32, #tpu.memory_space<vmem>>, %arg6: memref<1264x64xf32, #tpu.memory_space<vmem>>) attributes {dimension_semantics = [#tpu.dimension_semantics<arbitrary>], iteration_bounds = array<i64: 8>, scalar_prefetch = 0 : i64, scratch_operands = 0 : i64, tpu.core_type = #tpu.core_type<tc>, window_params = [{transform_indices = @transform_0, window_bounds = array<i64: 1264, 64>}, {transform_indices = @transform_1, window_bounds = array<i64: 2, 1264, 64>}, {transform_indices = @transform_2, window_bounds = array<i64: 2, 1264, 16>}, {pipeline_mode = #tpu.pipeline_mode<synchronous>, transform_indices = @transform_3, window_bounds = array<i64: 64, 64>}, {pipeline_mode = #tpu.pipeline_mode<synchronous>, transform_indices = @transform_4, window_bounds = array<i64: 1, 64>}, {transform_indices = @transform_5, window_bounds = array<i64: 1264, 64>}]} {
    %get3A = arith.constant 0 : index
    %get3A_0 = arith.constant 0 : index
    %get3A_1 = arith.constant 0 : index
    %get3A_2 = vector.load %arg2[%get3A, %get3A_0, %get3A_1] : memref<2x1264x64xf32, #tpu.memory_space<vmem>>, vector<1x1264x64xf32>
    %get3A_3 = vector.shape_cast %get3A_2 : vector<1x1264x64xf32> to vector<1264x64xf32>
    %get3A_4 = arith.constant 1 : index
    %get3A_5 = arith.constant 0 : index
    %get3A_6 = arith.constant 0 : index
    %get3A_7 = vector.load %arg2[%get3A_4, %get3A_5, %get3A_6] : memref<2x1264x64xf32, #tpu.memory_space<vmem>>, vector<1x1264x64xf32>
    %get3A_8 = vector.shape_cast %get3A_7 : vector<1x1264x64xf32> to vector<1264x64xf32>
    %add3A = arith.addf %get3A_3, %get3A_8 : vector<1264x64xf32>
    %get3A_9 = arith.constant 0 : index
    %get3A_10 = arith.constant 0 : index
    %get3A_11 = arith.constant 0 : index
    %get3A_12 = vector.load %arg3[%get3A_9, %get3A_10, %get3A_11] : memref<2x1264x16xf32, #tpu.memory_space<vmem>>, vector<1x1264x1xf32>
    %get3A_13 = vector.shape_cast %get3A_12 : vector<1x1264x1xf32> to vector<1264x1xf32>
    %get3A_14 = arith.constant 1 : index
    %get3A_15 = arith.constant 0 : index
    %get3A_16 = arith.constant 0 : index
    %get3A_17 = vector.load %arg3[%get3A_14, %get3A_15, %get3A_16] : memref<2x1264x16xf32, #tpu.memory_space<vmem>>, vector<1x1264x1xf32>
    %get3A_18 = vector.shape_cast %get3A_17 : vector<1x1264x1xf32> to vector<1264x1xf32>
    %add3A_19 = arith.addf %get3A_13, %get3A_18 : vector<1264x1xf32>
    %max3A = arith.constant 1.000000e+00 : f32
    %max3A_20 = vector.broadcast %max3A : f32 to vector<1264x1xf32>
    %max3A_21 = arith.maximumf %add3A_19, %max3A_20 : vector<1264x1xf32>
    %div3A = arith.constant 1.000000e+00 : f32
    %div3A_22 = vector.broadcast %div3A : f32 to vector<1264x1xf32>
    %div3A_23 = arith.divf %div3A_22, %max3A_21 : vector<1264x1xf32>
    %mul3A = vector.broadcast %div3A_23 : vector<1264x1xf32> to vector<1264x64xf32>
    %mul3A_24 = arith.mulf %add3A, %mul3A : vector<1264x64xf32>
    %get3A_25 = arith.constant 0 : index
    %get3A_26 = arith.constant 0 : index
    %get3A_27 = vector.load %arg1[%get3A_25, %get3A_26] : memref<1264x64xf32, #tpu.memory_space<vmem>>, vector<1264x64xf32>
    %get3A_28 = arith.constant 0 : index
    %get3A_29 = arith.constant 0 : index
    %get3A_30 = vector.load %arg4[%get3A_28, %get3A_29] : memref<64x64xf32, #tpu.memory_space<vmem>>, vector<64x64xf32>
    %dot_general3A = arith.constant dense<0.000000e+00> : vector<1264x64xf32>
    %dot_general3A_31 = tpu.matmul %get3A_27, %get3A_30, %dot_general3A {dimension_numbers = #tpu.dot_dimension_numbers<[1], [0], [0], [1], [0, 0, 1, 1], [], []>, transpose_lhs_hint = false} : vector<1264x64xf32>, vector<64x64xf32>, vector<1264x64xf32> -> vector<1264x64xf32>
    %add3A_32 = arith.addf %mul3A_24, %dot_general3A_31 : vector<1264x64xf32>
    %get3A_33 = arith.constant 0 : index
    %get3A_34 = arith.constant 0 : index
    %get3A_35 = vector.load %arg5[%get3A_33, %get3A_34] : memref<1x64xf32, #tpu.memory_space<vmem>>, vector<1x64xf32>
    %add3A_36 = vector.broadcast %get3A_35 : vector<1x64xf32> to vector<1264x64xf32>
    %add3A_37 = arith.addf %add3A_32, %add3A_36 : vector<1264x64xf32>
    %ge3A = arith.constant 0.000000e+00 : f32
    %ge3A_38 = vector.broadcast %ge3A : f32 to vector<1264x64xf32>
    %ge3A_39 = arith.cmpf oge, %add3A_37, %ge3A_38 : vector<1264x64xf32>
    %mul3A_40 = arith.constant 0.00999999977 : f32
    %mul3A_41 = vector.broadcast %mul3A_40 : f32 to vector<1264x64xf32>
    %mul3A_42 = arith.mulf %mul3A_41, %add3A_37 : vector<1264x64xf32>
    %select_n3A = arith.select %ge3A_39, %add3A_37, %mul3A_42 : vector<1264x64xi1>, vector<1264x64xf32>
    %swap3A = arith.constant 0 : index
    %swap3A_43 = arith.constant 0 : index
    %swap3A_44 = vector.load %arg6[%swap3A, %swap3A_43] : memref<1264x64xf32, #tpu.memory_space<vmem>>, vector<1264x64xf32>
    tpu.vector_store %arg6[%swap3A, %swap3A_43], %select_n3A {strides = array<i32>} : memref<1264x64xf32, #tpu.memory_space<vmem>>, vector<1264x64xf32>,
    return
  }
  func.func @transform_0(%arg0: i32) -> (i32, i32) {
    %c0_i32 = arith.constant 0 : i32
    %c0_i32_0 = arith.constant 0 : i32
    return %arg0, %c0_i32 : i32, i32
  }
  func.func @transform_1(%arg0: i32) -> (i32, i32, i32) {
    %c0_i32 = arith.constant 0 : i32
    %c0_i32_0 = arith.constant 0 : i32
    %c0_i32_1 = arith.constant 0 : i32
    return %c0_i32, %arg0, %c0_i32_0 : i32, i32, i32
  }
  func.func @transform_2(%arg0: i32) -> (i32, i32, i32) {
    %c0_i32 = arith.constant 0 : i32
    %c0_i32_0 = arith.constant 0 : i32
    %c0_i32_1 = arith.constant 0 : i32
    return %c0_i32, %arg0, %c0_i32_0 : i32, i32, i32
  }
  func.func @transform_3(%arg0: i32) -> (i32, i32) {
    %c0_i32 = arith.constant 0 : i32
    %c0_i32_0 = arith.constant 0 : i32
    %c0_i32_1 = arith.constant 0 : i32
    return %c0_i32, %c0_i32_0 : i32, i32
  }
  func.func @transform_4(%arg0: i32) -> (i32, i32) {
    %c0_i32 = arith.constant 0 : i32
    %c0_i32_0 = arith.constant 0 : i32
    %c0_i32_1 = arith.constant 0 : i32
    return %c0_i32, %c0_i32_0 : i32, i32
  }
  func.func @transform_5(%arg0: i32) -> (i32, i32) {
    %c0_i32 = arith.constant 0 : i32
    %c0_i32_0 = arith.constant 0 : i32
    return %arg0, %c0_i32 : i32, i32
  }
}

module attributes {stable_mosaic.version = 14 : i64} {
  func.func @body(%arg0: i32, %arg1: i32, %arg2: memref<1264x64xf32, #tpu.memory_space<vmem>>, %arg3: memref<4x64x32xf32, #tpu.memory_space<vmem>>, %arg4: memref<1x1x4xf32, #tpu.memory_space<vmem>>, %arg5: memref<1264x32xf32, #tpu.memory_space<vmem>>) attributes {dimension_semantics = [#tpu.dimension_semantics<arbitrary>, #tpu.dimension_semantics<arbitrary>], iteration_bounds = array<i64: 8, 8>, scalar_prefetch = 0 : i64, scratch_operands = 0 : i64, tpu.core_type = #tpu.core_type<tc>, window_params = [{transform_indices = @transform_0, window_bounds = array<i64: 1264, 64>}, {pipeline_mode = #tpu.pipeline_mode<synchronous>, transform_indices = @transform_1, window_bounds = array<i64: 4, 64, 32>}, {transform_indices = @transform_2, window_bounds = array<i64: 1, 1, 4>}, {transform_indices = @transform_3, window_bounds = array<i64: 1264, 32>}]} {
    %get3A = arith.constant 0 : index
    %get3A_0 = arith.constant 0 : index
    %get3A_1 = arith.constant 0 : index
    %get3A_2 = vector.load %arg4[%get3A, %get3A_0, %get3A_1] : memref<1x1x4xf32, #tpu.memory_space<vmem>>, vector<1x1x1xf32>
    %get3A_3 = vector.extract %get3A_2[0, 0, 0] : f32 from vector<1x1x1xf32>
    %get3A_4 = arith.constant 0 : index
    %get3A_5 = arith.constant 0 : index
    %get3A_6 = arith.constant 0 : index
    %get3A_7 = vector.load %arg3[%get3A_4, %get3A_5, %get3A_6] : memref<4x64x32xf32, #tpu.memory_space<vmem>>, vector<1x64x32xf32>
    %get3A_8 = vector.shape_cast %get3A_7 : vector<1x64x32xf32> to vector<64x32xf32>
    %mul3A = vector.broadcast %get3A_3 : f32 to vector<64x32xf32>
    %mul3A_9 = arith.mulf %mul3A, %get3A_8 : vector<64x32xf32>
    %get3A_10 = arith.constant 0 : index
    %get3A_11 = arith.constant 0 : index
    %get3A_12 = arith.constant 1 : index
    %get3A_13 = vector.load %arg4[%get3A_10, %get3A_11, %get3A_12] : memref<1x1x4xf32, #tpu.memory_space<vmem>>, vector<1x1x1xf32>
    %get3A_14 = vector.extract %get3A_13[0, 0, 0] : f32 from vector<1x1x1xf32>
    %get3A_15 = arith.constant 1 : index
    %get3A_16 = arith.constant 0 : index
    %get3A_17 = arith.constant 0 : index
    %get3A_18 = vector.load %arg3[%get3A_15, %get3A_16, %get3A_17] : memref<4x64x32xf32, #tpu.memory_space<vmem>>, vector<1x64x32xf32>
    %get3A_19 = vector.shape_cast %get3A_18 : vector<1x64x32xf32> to vector<64x32xf32>
    %mul3A_20 = vector.broadcast %get3A_14 : f32 to vector<64x32xf32>
    %mul3A_21 = arith.mulf %mul3A_20, %get3A_19 : vector<64x32xf32>
    %add3A = arith.addf %mul3A_9, %mul3A_21 : vector<64x32xf32>
    %get3A_22 = arith.constant 0 : index
    %get3A_23 = arith.constant 0 : index
    %get3A_24 = arith.constant 2 : index
    %get3A_25 = vector.load %arg4[%get3A_22, %get3A_23, %get3A_24] : memref<1x1x4xf32, #tpu.memory_space<vmem>>, vector<1x1x1xf32>
    %get3A_26 = vector.extract %get3A_25[0, 0, 0] : f32 from vector<1x1x1xf32>
    %get3A_27 = arith.constant 2 : index
    %get3A_28 = arith.constant 0 : index
    %get3A_29 = arith.constant 0 : index
    %get3A_30 = vector.load %arg3[%get3A_27, %get3A_28, %get3A_29] : memref<4x64x32xf32, #tpu.memory_space<vmem>>, vector<1x64x32xf32>
    %get3A_31 = vector.shape_cast %get3A_30 : vector<1x64x32xf32> to vector<64x32xf32>
    %mul3A_32 = vector.broadcast %get3A_26 : f32 to vector<64x32xf32>
    %mul3A_33 = arith.mulf %mul3A_32, %get3A_31 : vector<64x32xf32>
    %add3A_34 = arith.addf %add3A, %mul3A_33 : vector<64x32xf32>
    %get3A_35 = arith.constant 0 : index
    %get3A_36 = arith.constant 0 : index
    %get3A_37 = arith.constant 3 : index
    %get3A_38 = vector.load %arg4[%get3A_35, %get3A_36, %get3A_37] : memref<1x1x4xf32, #tpu.memory_space<vmem>>, vector<1x1x1xf32>
    %get3A_39 = vector.extract %get3A_38[0, 0, 0] : f32 from vector<1x1x1xf32>
    %get3A_40 = arith.constant 3 : index
    %get3A_41 = arith.constant 0 : index
    %get3A_42 = arith.constant 0 : index
    %get3A_43 = vector.load %arg3[%get3A_40, %get3A_41, %get3A_42] : memref<4x64x32xf32, #tpu.memory_space<vmem>>, vector<1x64x32xf32>
    %get3A_44 = vector.shape_cast %get3A_43 : vector<1x64x32xf32> to vector<64x32xf32>
    %mul3A_45 = vector.broadcast %get3A_39 : f32 to vector<64x32xf32>
    %mul3A_46 = arith.mulf %mul3A_45, %get3A_44 : vector<64x32xf32>
    %add3A_47 = arith.addf %add3A_34, %mul3A_46 : vector<64x32xf32>
    %get3A_48 = arith.constant 0 : index
    %get3A_49 = arith.constant 0 : index
    %get3A_50 = vector.load %arg2[%get3A_48, %get3A_49] : memref<1264x64xf32, #tpu.memory_space<vmem>>, vector<1264x64xf32>
    %dot_general3A = arith.constant dense<0.000000e+00> : vector<1264x32xf32>
    %dot_general3A_51 = tpu.matmul %get3A_50, %add3A_47, %dot_general3A {dimension_numbers = #tpu.dot_dimension_numbers<[1], [0], [0], [1], [0, 0, 1, 1], [], []>, transpose_lhs_hint = false} : vector<1264x64xf32>, vector<64x32xf32>, vector<1264x32xf32> -> vector<1264x32xf32>
    %swap3A = arith.constant 0 : index
    %swap3A_52 = arith.constant 0 : index
    %swap3A_53 = vector.load %arg5[%swap3A, %swap3A_52] : memref<1264x32xf32, #tpu.memory_space<vmem>>, vector<1264x32xf32>
    tpu.vector_store %arg5[%swap3A, %swap3A_52], %dot_general3A_51 {strides = array<i32>} : memref<1264x32xf32, #tpu.memory_space<vmem>>, vector<1264x32xf32>,
    return
  }
  func.func @transform_0(%arg0: i32, %arg1: i32) -> (i32, i32) {
    %c0_i32 = arith.constant 0 : i32
    %c0_i32_0 = arith.constant 0 : i32
    return %arg1, %c0_i32 : i32, i32
  }
  func.func @transform_1(%arg0: i32, %arg1: i32) -> (i32, i32, i32) {
    %c0_i32 = arith.constant 0 : i32
    %c0_i32_0 = arith.constant 0 : i32
    %c0_i32_1 = arith.constant 0 : i32
    %c0_i32_2 = arith.constant 0 : i32
    return %c0_i32, %c0_i32_0, %c0_i32_1 : i32, i32, i32
  }
  func.func @transform_2(%arg0: i32, %arg1: i32) -> (i32, i32, i32) {
    %c0_i32 = arith.constant 0 : i32
    %c0_i32_0 = arith.constant 0 : i32
    %c0_i32_1 = arith.constant 0 : i32
    return %arg0, %c0_i32, %c0_i32_0 : i32, i32, i32
  }
  func.func @transform_3(%arg0: i32, %arg1: i32) -> (i32, i32) {
    %mul3A = arith.constant 8 : i32
    %mul3A_0 = arith.muli %arg0, %mul3A : i32
    %add3A = arith.addi %mul3A_0, %arg1 : i32
    %c0_i32 = arith.constant 0 : i32
    %c0_i32_1 = arith.constant 0 : i32
    return %add3A, %c0_i32 : i32, i32
  }
}

module attributes {stable_mosaic.version = 14 : i64} {
  func.func @body(%arg0: i32, %arg1: memref<1264x64xf32, #tpu.memory_space<vmem>>, %arg2: memref<2x1264x32xf32, #tpu.memory_space<vmem>>, %arg3: memref<2x1264x16xf32, #tpu.memory_space<vmem>>, %arg4: memref<64x32xf32, #tpu.memory_space<vmem>>, %arg5: memref<1x32xf32, #tpu.memory_space<vmem>>, %arg6: memref<1264x32xf32, #tpu.memory_space<vmem>>) attributes {dimension_semantics = [#tpu.dimension_semantics<arbitrary>], iteration_bounds = array<i64: 8>, scalar_prefetch = 0 : i64, scratch_operands = 0 : i64, tpu.core_type = #tpu.core_type<tc>, window_params = [{transform_indices = @transform_0, window_bounds = array<i64: 1264, 64>}, {transform_indices = @transform_1, window_bounds = array<i64: 2, 1264, 32>}, {transform_indices = @transform_2, window_bounds = array<i64: 2, 1264, 16>}, {pipeline_mode = #tpu.pipeline_mode<synchronous>, transform_indices = @transform_3, window_bounds = array<i64: 64, 32>}, {pipeline_mode = #tpu.pipeline_mode<synchronous>, transform_indices = @transform_4, window_bounds = array<i64: 1, 32>}, {transform_indices = @transform_5, window_bounds = array<i64: 1264, 32>}]} {
    %get3A = arith.constant 0 : index
    %get3A_0 = arith.constant 0 : index
    %get3A_1 = arith.constant 0 : index
    %get3A_2 = vector.load %arg2[%get3A, %get3A_0, %get3A_1] : memref<2x1264x32xf32, #tpu.memory_space<vmem>>, vector<1x1264x32xf32>
    %get3A_3 = vector.shape_cast %get3A_2 : vector<1x1264x32xf32> to vector<1264x32xf32>
    %get3A_4 = arith.constant 1 : index
    %get3A_5 = arith.constant 0 : index
    %get3A_6 = arith.constant 0 : index
    %get3A_7 = vector.load %arg2[%get3A_4, %get3A_5, %get3A_6] : memref<2x1264x32xf32, #tpu.memory_space<vmem>>, vector<1x1264x32xf32>
    %get3A_8 = vector.shape_cast %get3A_7 : vector<1x1264x32xf32> to vector<1264x32xf32>
    %add3A = arith.addf %get3A_3, %get3A_8 : vector<1264x32xf32>
    %get3A_9 = arith.constant 0 : index
    %get3A_10 = arith.constant 0 : index
    %get3A_11 = arith.constant 0 : index
    %get3A_12 = vector.load %arg3[%get3A_9, %get3A_10, %get3A_11] : memref<2x1264x16xf32, #tpu.memory_space<vmem>>, vector<1x1264x1xf32>
    %get3A_13 = vector.shape_cast %get3A_12 : vector<1x1264x1xf32> to vector<1264x1xf32>
    %get3A_14 = arith.constant 1 : index
    %get3A_15 = arith.constant 0 : index
    %get3A_16 = arith.constant 0 : index
    %get3A_17 = vector.load %arg3[%get3A_14, %get3A_15, %get3A_16] : memref<2x1264x16xf32, #tpu.memory_space<vmem>>, vector<1x1264x1xf32>
    %get3A_18 = vector.shape_cast %get3A_17 : vector<1x1264x1xf32> to vector<1264x1xf32>
    %add3A_19 = arith.addf %get3A_13, %get3A_18 : vector<1264x1xf32>
    %max3A = arith.constant 1.000000e+00 : f32
    %max3A_20 = vector.broadcast %max3A : f32 to vector<1264x1xf32>
    %max3A_21 = arith.maximumf %add3A_19, %max3A_20 : vector<1264x1xf32>
    %div3A = arith.constant 1.000000e+00 : f32
    %div3A_22 = vector.broadcast %div3A : f32 to vector<1264x1xf32>
    %div3A_23 = arith.divf %div3A_22, %max3A_21 : vector<1264x1xf32>
    %mul3A = vector.broadcast %div3A_23 : vector<1264x1xf32> to vector<1264x32xf32>
    %mul3A_24 = arith.mulf %add3A, %mul3A : vector<1264x32xf32>
    %get3A_25 = arith.constant 0 : index
    %get3A_26 = arith.constant 0 : index
    %get3A_27 = vector.load %arg1[%get3A_25, %get3A_26] : memref<1264x64xf32, #tpu.memory_space<vmem>>, vector<1264x64xf32>
    %get3A_28 = arith.constant 0 : index
    %get3A_29 = arith.constant 0 : index
    %get3A_30 = vector.load %arg4[%get3A_28, %get3A_29] : memref<64x32xf32, #tpu.memory_space<vmem>>, vector<64x32xf32>
    %dot_general3A = arith.constant dense<0.000000e+00> : vector<1264x32xf32>
    %dot_general3A_31 = tpu.matmul %get3A_27, %get3A_30, %dot_general3A {dimension_numbers = #tpu.dot_dimension_numbers<[1], [0], [0], [1], [0, 0, 1, 1], [], []>, transpose_lhs_hint = false} : vector<1264x64xf32>, vector<64x32xf32>, vector<1264x32xf32> -> vector<1264x32xf32>
    %add3A_32 = arith.addf %mul3A_24, %dot_general3A_31 : vector<1264x32xf32>
    %get3A_33 = arith.constant 0 : index
    %get3A_34 = arith.constant 0 : index
    %get3A_35 = vector.load %arg5[%get3A_33, %get3A_34] : memref<1x32xf32, #tpu.memory_space<vmem>>, vector<1x32xf32>
    %add3A_36 = vector.broadcast %get3A_35 : vector<1x32xf32> to vector<1264x32xf32>
    %add3A_37 = arith.addf %add3A_32, %add3A_36 : vector<1264x32xf32>
    %logistic3A = arith.negf %add3A_37 : vector<1264x32xf32>
    %logistic3A_38 = math.exp %logistic3A : vector<1264x32xf32>
    %logistic3A_39 = arith.constant 1.000000e+00 : f32
    %logistic3A_40 = vector.broadcast %logistic3A_39 : f32 to vector<1264x32xf32>
    %logistic3A_41 = arith.addf %logistic3A_40, %logistic3A_38 : vector<1264x32xf32>
    %logistic3A_42 = arith.divf %logistic3A_40, %logistic3A_41 : vector<1264x32xf32>
    %swap3A = arith.constant 0 : index
    %swap3A_43 = arith.constant 0 : index
    %swap3A_44 = vector.load %arg6[%swap3A, %swap3A_43] : memref<1264x32xf32, #tpu.memory_space<vmem>>, vector<1264x32xf32>
    tpu.vector_store %arg6[%swap3A, %swap3A_43], %logistic3A_42 {strides = array<i32>} : memref<1264x32xf32, #tpu.memory_space<vmem>>, vector<1264x32xf32>,
    return
  }
  func.func @transform_0(%arg0: i32) -> (i32, i32) {
    %c0_i32 = arith.constant 0 : i32
    %c0_i32_0 = arith.constant 0 : i32
    return %arg0, %c0_i32 : i32, i32
  }
  func.func @transform_1(%arg0: i32) -> (i32, i32, i32) {
    %c0_i32 = arith.constant 0 : i32
    %c0_i32_0 = arith.constant 0 : i32
    %c0_i32_1 = arith.constant 0 : i32
    return %c0_i32, %arg0, %c0_i32_0 : i32, i32, i32
  }
  func.func @transform_2(%arg0: i32) -> (i32, i32, i32) {
    %c0_i32 = arith.constant 0 : i32
    %c0_i32_0 = arith.constant 0 : i32
    %c0_i32_1 = arith.constant 0 : i32
    return %c0_i32, %arg0, %c0_i32_0 : i32, i32, i32
  }
  func.func @transform_3(%arg0: i32) -> (i32, i32) {
    %c0_i32 = arith.constant 0 : i32
    %c0_i32_0 = arith.constant 0 : i32
    %c0_i32_1 = arith.constant 0 : i32
    return %c0_i32, %c0_i32_0 : i32, i32
  }
  func.func @transform_4(%arg0: i32) -> (i32, i32) {
    %c0_i32 = arith.constant 0 : i32
    %c0_i32_0 = arith.constant 0 : i32
    %c0_i32_1 = arith.constant 0 : i32
    return %c0_i32, %c0_i32_0 : i32, i32
  }
  func.func @transform_5(%arg0: i32) -> (i32, i32) {
    %c0_i32 = arith.constant 0 : i32
    %c0_i32_0 = arith.constant 0 : i32
    return %arg0, %c0_i32 : i32, i32
  }
}

module attributes {stable_mosaic.version = 14 : i64} {
  func.func @body(%arg0: memref<10112x32xf32, #tpu.memory_space<vmem>>, %arg1: memref<9x32x9xf32, #tpu.memory_space<vmem>>, %arg2: memref<1x1xf32, #tpu.memory_space<vmem>>, %arg3: memref<10000x9xf32, #tpu.memory_space<vmem>>, %arg4: memref<10208x32xf32, #tpu.memory_space<vmem>>) attributes {dimension_semantics = [], scalar_prefetch = 0 : i64, scratch_operands = 1 : i64, tpu.core_type = #tpu.core_type<tc>} {
    %broadcast_in_dim3A = arith.constant 0.000000e+00 : f32
    %broadcast_in_dim3A_0 = vector.broadcast %broadcast_in_dim3A : f32 to vector<10208x32xf32>
    %swap3A = arith.constant 0 : index
    %swap3A_1 = arith.constant 0 : index
    %swap3A_2 = vector.load %arg4[%swap3A, %swap3A_1] : memref<10208x32xf32, #tpu.memory_space<vmem>>, vector<10208x32xf32>
    tpu.vector_store %arg4[%swap3A, %swap3A_1], %broadcast_in_dim3A_0 {strides = array<i32>} : memref<10208x32xf32, #tpu.memory_space<vmem>>, vector<10208x32xf32>,
    %get3A = arith.constant 0 : index
    %get3A_3 = arith.constant 0 : index
    %get3A_4 = vector.load %arg0[%get3A, %get3A_3] : memref<10112x32xf32, #tpu.memory_space<vmem>>, vector<10000x32xf32>
    %swap3A_5 = arith.constant 104 : index
    %swap3A_6 = arith.constant 0 : index
    %swap3A_7 = vector.load %arg4[%swap3A_5, %swap3A_6] : memref<10208x32xf32, #tpu.memory_space<vmem>>, vector<10000x32xf32>
    tpu.vector_store %arg4[%swap3A_5, %swap3A_6], %get3A_4 {strides = array<i32>} : memref<10208x32xf32, #tpu.memory_space<vmem>>, vector<10000x32xf32>,
    %iota3A = tpu.iota {dimensions = array<i32: 0>} : vector<10000x1xi32>
    %jit3A = arith.constant 100 : i32
    %eq3A = arith.constant 0 : i32
    %eq3A_8 = arith.cmpi eq, %jit3A, %eq3A : i32
    %jit3A_9 = arith.constant 1 : i32
    %select_n3A = arith.select %eq3A_8, %jit3A_9, %jit3A : i32
    %rem3A = vector.broadcast %select_n3A : i32 to vector<10000x1xi32>
    %rem3A_10 = arith.remsi %iota3A, %rem3A : vector<10000x1xi32>
    %ne3A = arith.constant 0 : i32
    %ne3A_11 = vector.broadcast %ne3A : i32 to vector<10000x1xi32>
    %ne3A_12 = arith.cmpi ne, %rem3A_10, %ne3A_11 : vector<10000x1xi32>
    %lt3A = arith.constant 0 : i32
    %lt3A_13 = vector.broadcast %lt3A : i32 to vector<10000x1xi32>
    %lt3A_14 = arith.cmpi slt, %rem3A_10, %lt3A_13 : vector<10000x1xi32>
    %lt3A_15 = arith.constant 0 : i32
    %lt3A_16 = arith.cmpi slt, %select_n3A, %lt3A_15 : i32
    %ne3A_17 = vector.broadcast %lt3A_16 : i1 to vector<10000x1xi1>
    %ne3A_18 = vector.broadcast %ne3A_17 : vector<10000x1xi1> to vector<10000x1xi1>
    %ne3A_19 = arith.xori %lt3A_14, %ne3A_18 : vector<10000x1xi1>
    %and3A = arith.andi %ne3A_19, %ne3A_12 : vector<10000x1xi1>
    %add3A = vector.broadcast %select_n3A : i32 to vector<10000x1xi32>
    %add3A_20 = arith.addi %rem3A_10, %add3A : vector<10000x1xi32>
    %select_n3A_21 = arith.select %and3A, %add3A_20, %rem3A_10 : vector<10000x1xi1>, vector<10000x1xi32>
    %broadcast_in_dim3A_22 = arith.constant 0.000000e+00 : f32
    %broadcast_in_dim3A_23 = vector.broadcast %broadcast_in_dim3A_22 : f32 to vector<10000x9xf32>
    %get3A_24 = arith.constant 3 : index
    %get3A_25 = arith.constant 0 : index
    %get3A_26 = vector.load %arg4[%get3A_24, %get3A_25] : memref<10208x32xf32, #tpu.memory_space<vmem>>, vector<10000x32xf32>
    %ge3A = arith.constant 1 : i32
    %ge3A_27 = vector.broadcast %ge3A : i32 to vector<10000x1xi32>
    %ge3A_28 = arith.cmpi sge, %select_n3A_21, %ge3A_27 : vector<10000x1xi32>
    %jit3A_29 = arith.constant 0.000000e+00 : f32
    %broadcast_in_dim3A_30 = vector.shape_cast %ge3A_28 : vector<10000x1xi1> to vector<10000x1xi1>
    %broadcast_in_dim3A_31 = vector.broadcast %broadcast_in_dim3A_30 : vector<10000x1xi1> to vector<10000x32xi1>
    %broadcast_in_dim3A_32 = vector.broadcast %jit3A_29 : f32 to vector<10000x32xf32>
    %select_n3A_33 = arith.select %broadcast_in_dim3A_31, %get3A_26, %broadcast_in_dim3A_32 : vector<10000x32xi1>, vector<10000x32xf32>
    %get3A_34 = arith.constant 0 : index
    %get3A_35 = arith.constant 0 : index
    %get3A_36 = arith.constant 0 : index
    %get3A_37 = vector.load %arg1[%get3A_34, %get3A_35, %get3A_36] : memref<9x32x9xf32, #tpu.memory_space<vmem>>, vector<1x32x9xf32>
    %get3A_38 = vector.shape_cast %get3A_37 : vector<1x32x9xf32> to vector<32x9xf32>
    %dot_general3A = arith.constant dense<0.000000e+00> : vector<10000x9xf32>
    %dot_general3A_39 = tpu.matmul %select_n3A_33, %get3A_38, %dot_general3A {dimension_numbers = #tpu.dot_dimension_numbers<[1], [0], [0], [1], [0, 0, 1, 1], [], []>, transpose_lhs_hint = false} : vector<10000x32xf32>, vector<32x9xf32>, vector<10000x9xf32> -> vector<10000x9xf32>
    %add3A_40 = arith.addf %broadcast_in_dim3A_23, %dot_general3A_39 : vector<10000x9xf32>
    %get3A_41 = arith.constant 4 : index
    %get3A_42 = arith.constant 0 : index
    %get3A_43 = vector.load %arg4[%get3A_41, %get3A_42] : memref<10208x32xf32, #tpu.memory_space<vmem>>, vector<10000x32xf32>
    %get3A_44 = arith.constant 1 : index
    %get3A_45 = arith.constant 0 : index
    %get3A_46 = arith.constant 0 : index
    %get3A_47 = vector.load %arg1[%get3A_44, %get3A_45, %get3A_46] : memref<9x32x9xf32, #tpu.memory_space<vmem>>, vector<1x32x9xf32>
    %get3A_48 = vector.shape_cast %get3A_47 : vector<1x32x9xf32> to vector<32x9xf32>
    %dot_general3A_49 = arith.constant dense<0.000000e+00> : vector<10000x9xf32>
    %dot_general3A_50 = tpu.matmul %get3A_43, %get3A_48, %dot_general3A_49 {dimension_numbers = #tpu.dot_dimension_numbers<[1], [0], [0], [1], [0, 0, 1, 1], [], []>, transpose_lhs_hint = false} : vector<10000x32xf32>, vector<32x9xf32>, vector<10000x9xf32> -> vector<10000x9xf32>
    %add3A_51 = arith.addf %add3A_40, %dot_general3A_50 : vector<10000x9xf32>
    %get3A_52 = arith.constant 5 : index
    %get3A_53 = arith.constant 0 : index
    %get3A_54 = vector.load %arg4[%get3A_52, %get3A_53] : memref<10208x32xf32, #tpu.memory_space<vmem>>, vector<10000x32xf32>
    %le3A = arith.constant 98 : i32
    %le3A_55 = vector.broadcast %le3A : i32 to vector<10000x1xi32>
    %le3A_56 = arith.cmpi sle, %select_n3A_21, %le3A_55 : vector<10000x1xi32>
    %jit3A_57 = arith.constant 0.000000e+00 : f32
    %broadcast_in_dim3A_58 = vector.shape_cast %le3A_56 : vector<10000x1xi1> to vector<10000x1xi1>
    %broadcast_in_dim3A_59 = vector.broadcast %broadcast_in_dim3A_58 : vector<10000x1xi1> to vector<10000x32xi1>
    %broadcast_in_dim3A_60 = vector.broadcast %jit3A_57 : f32 to vector<10000x32xf32>
    %select_n3A_61 = arith.select %broadcast_in_dim3A_59, %get3A_54, %broadcast_in_dim3A_60 : vector<10000x32xi1>, vector<10000x32xf32>
    %get3A_62 = arith.constant 2 : index
    %get3A_63 = arith.constant 0 : index
    %get3A_64 = arith.constant 0 : index
    %get3A_65 = vector.load %arg1[%get3A_62, %get3A_63, %get3A_64] : memref<9x32x9xf32, #tpu.memory_space<vmem>>, vector<1x32x9xf32>
    %get3A_66 = vector.shape_cast %get3A_65 : vector<1x32x9xf32> to vector<32x9xf32>
    %dot_general3A_67 = arith.constant dense<0.000000e+00> : vector<10000x9xf32>
    %dot_general3A_68 = tpu.matmul %select_n3A_61, %get3A_66, %dot_general3A_67 {dimension_numbers = #tpu.dot_dimension_numbers<[1], [0], [0], [1], [0, 0, 1, 1], [], []>, transpose_lhs_hint = false} : vector<10000x32xf32>, vector<32x9xf32>, vector<10000x9xf32> -> vector<10000x9xf32>
    %add3A_69 = arith.addf %add3A_51, %dot_general3A_68 : vector<10000x9xf32>
    %get3A_70 = arith.constant 103 : index
    %get3A_71 = arith.constant 0 : index
    %get3A_72 = vector.load %arg4[%get3A_70, %get3A_71] : memref<10208x32xf32, #tpu.memory_space<vmem>>, vector<10000x32xf32>
    %ge3A_73 = arith.constant 1 : i32
    %ge3A_74 = vector.broadcast %ge3A_73 : i32 to vector<10000x1xi32>
    %ge3A_75 = arith.cmpi sge, %select_n3A_21, %ge3A_74 : vector<10000x1xi32>
    %jit3A_76 = arith.constant 0.000000e+00 : f32
    %broadcast_in_dim3A_77 = vector.shape_cast %ge3A_75 : vector<10000x1xi1> to vector<10000x1xi1>
    %broadcast_in_dim3A_78 = vector.broadcast %broadcast_in_dim3A_77 : vector<10000x1xi1> to vector<10000x32xi1>
    %broadcast_in_dim3A_79 = vector.broadcast %jit3A_76 : f32 to vector<10000x32xf32>
    %select_n3A_80 = arith.select %broadcast_in_dim3A_78, %get3A_72, %broadcast_in_dim3A_79 : vector<10000x32xi1>, vector<10000x32xf32>
    %get3A_81 = arith.constant 3 : index
    %get3A_82 = arith.constant 0 : index
    %get3A_83 = arith.constant 0 : index
    %get3A_84 = vector.load %arg1[%get3A_81, %get3A_82, %get3A_83] : memref<9x32x9xf32, #tpu.memory_space<vmem>>, vector<1x32x9xf32>
    %get3A_85 = vector.shape_cast %get3A_84 : vector<1x32x9xf32> to vector<32x9xf32>
    %dot_general3A_86 = arith.constant dense<0.000000e+00> : vector<10000x9xf32>
    %dot_general3A_87 = tpu.matmul %select_n3A_80, %get3A_85, %dot_general3A_86 {dimension_numbers = #tpu.dot_dimension_numbers<[1], [0], [0], [1], [0, 0, 1, 1], [], []>, transpose_lhs_hint = false} : vector<10000x32xf32>, vector<32x9xf32>, vector<10000x9xf32> -> vector<10000x9xf32>
    %add3A_88 = arith.addf %add3A_69, %dot_general3A_87 : vector<10000x9xf32>
    %get3A_89 = arith.constant 104 : index
    %get3A_90 = arith.constant 0 : index
    %get3A_91 = vector.load %arg4[%get3A_89, %get3A_90] : memref<10208x32xf32, #tpu.memory_space<vmem>>, vector<10000x32xf32>
    %get3A_92 = arith.constant 4 : index
    %get3A_93 = arith.constant 0 : index
    %get3A_94 = arith.constant 0 : index
    %get3A_95 = vector.load %arg1[%get3A_92, %get3A_93, %get3A_94] : memref<9x32x9xf32, #tpu.memory_space<vmem>>, vector<1x32x9xf32>
    %get3A_96 = vector.shape_cast %get3A_95 : vector<1x32x9xf32> to vector<32x9xf32>
    %dot_general3A_97 = arith.constant dense<0.000000e+00> : vector<10000x9xf32>
    %dot_general3A_98 = tpu.matmul %get3A_91, %get3A_96, %dot_general3A_97 {dimension_numbers = #tpu.dot_dimension_numbers<[1], [0], [0], [1], [0, 0, 1, 1], [], []>, transpose_lhs_hint = false} : vector<10000x32xf32>, vector<32x9xf32>, vector<10000x9xf32> -> vector<10000x9xf32>
    %add3A_99 = arith.addf %add3A_88, %dot_general3A_98 : vector<10000x9xf32>
    %get3A_100 = arith.constant 105 : index
    %get3A_101 = arith.constant 0 : index
    %get3A_102 = vector.load %arg4[%get3A_100, %get3A_101] : memref<10208x32xf32, #tpu.memory_space<vmem>>, vector<10000x32xf32>
    %le3A_103 = arith.constant 98 : i32
    %le3A_104 = vector.broadcast %le3A_103 : i32 to vector<10000x1xi32>
    %le3A_105 = arith.cmpi sle, %select_n3A_21, %le3A_104 : vector<10000x1xi32>
    %jit3A_106 = arith.constant 0.000000e+00 : f32
    %broadcast_in_dim3A_107 = vector.shape_cast %le3A_105 : vector<10000x1xi1> to vector<10000x1xi1>
    %broadcast_in_dim3A_108 = vector.broadcast %broadcast_in_dim3A_107 : vector<10000x1xi1> to vector<10000x32xi1>
    %broadcast_in_dim3A_109 = vector.broadcast %jit3A_106 : f32 to vector<10000x32xf32>
    %select_n3A_110 = arith.select %broadcast_in_dim3A_108, %get3A_102, %broadcast_in_dim3A_109 : vector<10000x32xi1>, vector<10000x32xf32>
    %get3A_111 = arith.constant 5 : index
    %get3A_112 = arith.constant 0 : index
    %get3A_113 = arith.constant 0 : index
    %get3A_114 = vector.load %arg1[%get3A_111, %get3A_112, %get3A_113] : memref<9x32x9xf32, #tpu.memory_space<vmem>>, vector<1x32x9xf32>
    %get3A_115 = vector.shape_cast %get3A_114 : vector<1x32x9xf32> to vector<32x9xf32>
    %dot_general3A_116 = arith.constant dense<0.000000e+00> : vector<10000x9xf32>
    %dot_general3A_117 = tpu.matmul %select_n3A_110, %get3A_115, %dot_general3A_116 {dimension_numbers = #tpu.dot_dimension_numbers<[1], [0], [0], [1], [0, 0, 1, 1], [], []>, transpose_lhs_hint = false} : vector<10000x32xf32>, vector<32x9xf32>, vector<10000x9xf32> -> vector<10000x9xf32>
    %add3A_118 = arith.addf %add3A_99, %dot_general3A_117 : vector<10000x9xf32>
    %get3A_119 = arith.constant 203 : index
    %get3A_120 = arith.constant 0 : index
    %get3A_121 = vector.load %arg4[%get3A_119, %get3A_120] : memref<10208x32xf32, #tpu.memory_space<vmem>>, vector<10000x32xf32>
    %ge3A_122 = arith.constant 1 : i32
    %ge3A_123 = vector.broadcast %ge3A_122 : i32 to vector<10000x1xi32>
    %ge3A_124 = arith.cmpi sge, %select_n3A_21, %ge3A_123 : vector<10000x1xi32>
    %jit3A_125 = arith.constant 0.000000e+00 : f32
    %broadcast_in_dim3A_126 = vector.shape_cast %ge3A_124 : vector<10000x1xi1> to vector<10000x1xi1>
    %broadcast_in_dim3A_127 = vector.broadcast %broadcast_in_dim3A_126 : vector<10000x1xi1> to vector<10000x32xi1>
    %broadcast_in_dim3A_128 = vector.broadcast %jit3A_125 : f32 to vector<10000x32xf32>
    %select_n3A_129 = arith.select %broadcast_in_dim3A_127, %get3A_121, %broadcast_in_dim3A_128 : vector<10000x32xi1>, vector<10000x32xf32>
    %get3A_130 = arith.constant 6 : index
    %get3A_131 = arith.constant 0 : index
    %get3A_132 = arith.constant 0 : index
    %get3A_133 = vector.load %arg1[%get3A_130, %get3A_131, %get3A_132] : memref<9x32x9xf32, #tpu.memory_space<vmem>>, vector<1x32x9xf32>
    %get3A_134 = vector.shape_cast %get3A_133 : vector<1x32x9xf32> to vector<32x9xf32>
    %dot_general3A_135 = arith.constant dense<0.000000e+00> : vector<10000x9xf32>
    %dot_general3A_136 = tpu.matmul %select_n3A_129, %get3A_134, %dot_general3A_135 {dimension_numbers = #tpu.dot_dimension_numbers<[1], [0], [0], [1], [0, 0, 1, 1], [], []>, transpose_lhs_hint = false} : vector<10000x32xf32>, vector<32x9xf32>, vector<10000x9xf32> -> vector<10000x9xf32>
    %add3A_137 = arith.addf %add3A_118, %dot_general3A_136 : vector<10000x9xf32>
    %get3A_138 = arith.constant 204 : index
    %get3A_139 = arith.constant 0 : index
    %get3A_140 = vector.load %arg4[%get3A_138, %get3A_139] : memref<10208x32xf32, #tpu.memory_space<vmem>>, vector<10000x32xf32>
    %get3A_141 = arith.constant 7 : index
    %get3A_142 = arith.constant 0 : index
    %get3A_143 = arith.constant 0 : index
    %get3A_144 = vector.load %arg1[%get3A_141, %get3A_142, %get3A_143] : memref<9x32x9xf32, #tpu.memory_space<vmem>>, vector<1x32x9xf32>
    %get3A_145 = vector.shape_cast %get3A_144 : vector<1x32x9xf32> to vector<32x9xf32>
    %dot_general3A_146 = arith.constant dense<0.000000e+00> : vector<10000x9xf32>
    %dot_general3A_147 = tpu.matmul %get3A_140, %get3A_145, %dot_general3A_146 {dimension_numbers = #tpu.dot_dimension_numbers<[1], [0], [0], [1], [0, 0, 1, 1], [], []>, transpose_lhs_hint = false} : vector<10000x32xf32>, vector<32x9xf32>, vector<10000x9xf32> -> vector<10000x9xf32>
    %add3A_148 = arith.addf %add3A_137, %dot_general3A_147 : vector<10000x9xf32>
    %get3A_149 = arith.constant 205 : index
    %get3A_150 = arith.constant 0 : index
    %get3A_151 = vector.load %arg4[%get3A_149, %get3A_150] : memref<10208x32xf32, #tpu.memory_space<vmem>>, vector<10000x32xf32>
    %le3A_152 = arith.constant 98 : i32
    %le3A_153 = vector.broadcast %le3A_152 : i32 to vector<10000x1xi32>
    %le3A_154 = arith.cmpi sle, %select_n3A_21, %le3A_153 : vector<10000x1xi32>
    %jit3A_155 = arith.constant 0.000000e+00 : f32
    %broadcast_in_dim3A_156 = vector.shape_cast %le3A_154 : vector<10000x1xi1> to vector<10000x1xi1>
    %broadcast_in_dim3A_157 = vector.broadcast %broadcast_in_dim3A_156 : vector<10000x1xi1> to vector<10000x32xi1>
    %broadcast_in_dim3A_158 = vector.broadcast %jit3A_155 : f32 to vector<10000x32xf32>
    %select_n3A_159 = arith.select %broadcast_in_dim3A_157, %get3A_151, %broadcast_in_dim3A_158 : vector<10000x32xi1>, vector<10000x32xf32>
    %get3A_160 = arith.constant 8 : index
    %get3A_161 = arith.constant 0 : index
    %get3A_162 = arith.constant 0 : index
    %get3A_163 = vector.load %arg1[%get3A_160, %get3A_161, %get3A_162] : memref<9x32x9xf32, #tpu.memory_space<vmem>>, vector<1x32x9xf32>
    %get3A_164 = vector.shape_cast %get3A_163 : vector<1x32x9xf32> to vector<32x9xf32>
    %dot_general3A_165 = arith.constant dense<0.000000e+00> : vector<10000x9xf32>
    %dot_general3A_166 = tpu.matmul %select_n3A_159, %get3A_164, %dot_general3A_165 {dimension_numbers = #tpu.dot_dimension_numbers<[1], [0], [0], [1], [0, 0, 1, 1], [], []>, transpose_lhs_hint = false} : vector<10000x32xf32>, vector<32x9xf32>, vector<10000x9xf32> -> vector<10000x9xf32>
    %add3A_167 = arith.addf %add3A_148, %dot_general3A_166 : vector<10000x9xf32>
    %get3A_168 = arith.constant 0 : index
    %get3A_169 = arith.constant 0 : index
    %get3A_170 = vector.load %arg2[%get3A_168, %get3A_169] : memref<1x1xf32, #tpu.memory_space<vmem>>, vector<1x1xf32>
    %get3A_171 = vector.extract %get3A_170[0, 0] : f32 from vector<1x1xf32>
    %add3A_172 = vector.broadcast %get3A_171 : f32 to vector<10000x9xf32>
    %add3A_173 = arith.addf %add3A_167, %add3A_172 : vector<10000x9xf32>
    %logistic3A = arith.negf %add3A_173 : vector<10000x9xf32>
    %logistic3A_174 = math.exp %logistic3A : vector<10000x9xf32>
    %logistic3A_175 = arith.constant 1.000000e+00 : f32
    %logistic3A_176 = vector.broadcast %logistic3A_175 : f32 to vector<10000x9xf32>
    %logistic3A_177 = arith.addf %logistic3A_176, %logistic3A_174 : vector<10000x9xf32>
    %logistic3A_178 = arith.divf %logistic3A_176, %logistic3A_177 : vector<10000x9xf32>
    %swap3A_179 = arith.constant 0 : index
    %swap3A_180 = arith.constant 0 : index
    %swap3A_181 = vector.load %arg3[%swap3A_179, %swap3A_180] : memref<10000x9xf32, #tpu.memory_space<vmem>>, vector<10000x9xf32>
    tpu.vector_store %arg3[%swap3A_179, %swap3A_180], %logistic3A_178 {strides = array<i32>} : memref<10000x9xf32, #tpu.memory_space<vmem>>, vector<10000x9xf32>,
    return
  }
}

</mosaic_0001>

<sc_bundles>
// kernel: kernel.13.cloned.1.call-start
scs
__scs_entry_jumppad:
0x0: {  	(pc) =	sbr.rel $0x88, $3  }
0x1: {  	(tag) =	ssettag $0x0;
	lr =	simm.s32 $0x1  }
0x2: {  	[smem:$0x3F8F] =	sst lr;
	_ =	strace $0xD0000000  }
0x3: {  	_ = 	snop  }
0x4: {  	_ = 	snop  }
0x5: {  	_ = 	snop  }
0x6: {  	_ = 	snop  }
0x7: {  	_ = 	snop  }
__scs_overlays_trampoline_lowered:
0x8: {  	[smem:$0x3F9E] =	sst s0  }
0x9: {  	[smem:$0x3F9F] =	sst s1  }
0xa: {  	[smem:$0x3FA0] =	sst s2  }
0xb: {  	[smem:$0x3FA1] =	sst s3  }
0xc: {  	[smem:$0x3FA2] =	sst s4  }
0xd: {  	[smem:$0x3FA3] =	sst s5  }
0xe: {  	[smem:$0x3FA4] =	sst s6  }
0xf: {  	[smem:$0x3FA5] =	sst s7  }
0x10: {  	[smem:$0x3FA6] =	sst s8  }
0x11: {  	[smem:$0x3FA7] =	sst s9;
	s0 =	simm.s32 @!p0 $0x0  }
0x12: {  	s1 =	sld [smem:$0x3F8D];
	s0 =	simm.s32 @p0 $0x1  }
0x13: {  	[smem:$0x3FA8] =	sst s0;
	s0 =	simm.s32 @!p1 $0x0  }
0x14: {  	s2 =	sld [smem:$0x3F8C];
	s0 =	simm.s32 @p1 $0x1  }
0x15: {  	[smem:$0x3FA9] =	sst s0;
	s0 =	simm.s32 @!p2 $0x0  }
0x16: {  	s3 =	sld [smem:$0x3FDB];
	s0 =	simm.s32 @p2 $0x1  }
0x17: {  	s4 =	simm.s32 $0x1BF5;
	[smem:$0x3FAB] =	sst s0  }
0x18: {  	s0 =	sld [smem:$0x3F8E];
	_ =	swait.ge [sflag:s4], $0x0  }
0x19: {  	s7 =	sld [smem:$0x3F8F]  }
0x1a: {  	s8 =	sadd.s32 $0xFFFFE003, lr  }
0x1b: {  	s9 =	sadd.s32 $0xFFFFFEF7, lr;
	s5 =	simm.s32 $0xFFFFFFFF;
	p2 =	slt.u32 s8, $0xFFFFF086  }
0x1c: {  	p1 =	slt.u32 s9, $0xF7A;
	s5 =	simm.s32 @!p2 $0x0  }
0x1d: {  	s5 =	simm.s32 @p1 $0x1;
	p0 =	seq.s32 s7, s2  }
0x1e: {  	s7 =	smul.u32 @!p0 $0xF7A, s2;
	p2 =	seq.s32 @!p0 s5, $0x0  }
0x1f: {  	s9 =	smul.u32 $0xF7A, s1;
	s8 =	simm.s32 @!p0 $0x1BF5;
	p2 =	por !p2, p0  }
0x20: {  	[sflag:s8] =	ssyncset.s32 @!p0 $0xFFFFF086;
	s6 =	sadd.s32 @!p0 s3, s7;
	s7 =	simm.s32 @!p0 $0x108  }
0x21: {  	s3 =	sadd.s32 s3, s9;
	s6 =	sadd.s32 @!p0 $0x88, s6;
	s7 =	simm.s32 @p2 $0x1082  }
0x22: {  	[simem:s7], [sflag:s8] =	dma.local @!p0 [hbm:s6], $0xF7A  }
0x23: {  	s9 =	sor.u32 $0xD0000000, s2;
	s6 =	simm.s32 $0x108;
	_ =	swait.ge @!p0 [sflag:s8], $0x0  }
0x24: {  	s3 =	sadd.s32 $0x88, s3;
	s6 =	simm.s32 @!p1 $0x1082;
	[sflag:s4] =	ssyncset.s32 $0xFFFFF086  }
0x25: {  	[simem:s6], [sflag:s4] =	dma.local [hbm:s3], $0xF7A  }
0x26: {  	[smem:$0x3F8F] =	sst s1;
	(tag) =	ssettag s2;
	_ =	strace s9  }
0x27: {  	s1 =	sld [smem:$0x3F9F]  }
0x28: {  	s2 =	sld [smem:$0x3FA0]  }
0x29: {  	s4 =	sld [smem:$0x3FA2]  }
0x2a: {  	p0 =	seq.s32 s5, $0x0;
	s5 =	sld [smem:$0x3FA3]  }
0x2b: {  	s6 =	sld [smem:$0x3FA4]  }
0x2c: {  	s7 =	sld [smem:$0x3FA5]  }
0x2d: {  	s3 =	simm.s32 $0x108;
	s8 =	sld [smem:$0x3FA6]  }
0x2e: {  	s3 =	simm.s32 @!p0 $0x1082;
	s9 =	sld [smem:$0x3FA7]  }
0x2f: {  	lr =	sadd.s32 s0, s3;
	s0 =	sld [smem:$0x3F9E]  }
0x30: {  	s3 =	sld [smem:$0x3FA1]  }
0x31: {  	[smem:$0x3FAA] =	sst s10  }
0x32: {  	s10 =	sld [smem:$0x3FA8];
	_ =	sdelay $0x3  }
0x33: {  	p0 =	seq.s32 s10, $0x1;
	s10 =	sld [smem:$0x3FAA];
	_ =	sdelay $0x3  }
0x34: {  	[smem:$0x3FAA] =	sst s10  }
0x35: {  	s10 =	sld [smem:$0x3FA9];
	_ =	sdelay $0x3  }
0x36: {  	p1 =	seq.s32 s10, $0x1;
	s10 =	sld [smem:$0x3FAA];
	_ =	sdelay $0x3  }
0x37: {  	[smem:$0x3FAA] =	sst s10  }
0x38: {  	s10 =	sld [smem:$0x3FAB]  }
0x39: {  	_ = 	snop;
	(pc) =	sbr.ind lr, $3  }
0x3a: {  	_ = 	snop  }
0x3b: {  	_ = 	snop  }
0x3c: {  	p2 =	seq.s32 s10, $0x1;
	s10 =	sld [smem:$0x3FAA]  }
0x3d: {  	_ =	shalt  }
0x3e: {  	_ =	shalt  }
0x3f: {  	_ =	shalt  }
0x40: {  	_ =	shalt  }
0x41: {  	_ =	shalt  }
0x42: {  	_ =	shalt  }
0x43: {  	_ =	shalt  }
0x44: {  	_ =	shalt  }
0x45: {  	_ =	shalt  }
0x46: {  	_ =	shalt  }
0x47: {  	_ =	shalt  }
0x48: {  	_ =	shalt  }
0x49: {  	_ =	shalt  }
0x4a: {  	_ =	shalt  }
0x4b: {  	_ =	shalt  }
0x4c: {  	_ =	shalt  }
0x4d: {  	_ =	shalt  }
0x4e: {  	_ =	shalt  }
0x4f: {  	_ =	shalt  }
0x50: {  	_ =	shalt  }
0x51: {  	_ =	shalt  }
0x52: {  	_ =	shalt  }
0x53: {  	_ =	shalt  }
0x54: {  	_ =	shalt  }
0x55: {  	_ =	shalt  }
0x56: {  	_ =	shalt  }
0x57: {  	_ =	shalt  }
0x58: {  	_ =	shalt  }
0x59: {  	_ =	shalt  }
0x5a: {  	_ =	shalt  }
0x5b: {  	_ =	shalt  }
0x5c: {  	_ =	shalt  }
0x5d: {  	_ =	shalt  }
0x5e: {  	_ =	shalt  }
0x5f: {  	_ =	shalt  }
0x60: {  	_ =	shalt  }
0x61: {  	_ =	shalt  }
0x62: {  	_ =	shalt  }
0x63: {  	_ =	shalt  }
0x64: {  	_ =	shalt  }
0x65: {  	_ =	shalt  }
0x66: {  	_ =	shalt  }
0x67: {  	_ =	shalt  }
0x68: {  	_ =	shalt  }
0x69: {  	_ =	shalt  }
0x6a: {  	_ =	shalt  }
0x6b: {  	_ =	shalt  }
0x6c: {  	_ =	shalt  }
0x6d: {  	_ =	shalt  }
0x6e: {  	_ =	shalt  }
0x6f: {  	_ =	shalt  }
0x70: {  	_ =	shalt  }
0x71: {  	_ =	shalt  }
0x72: {  	_ =	shalt  }
0x73: {  	_ =	shalt  }
0x74: {  	_ =	shalt  }
0x75: {  	_ =	shalt  }
0x76: {  	_ =	shalt  }
0x77: {  	_ =	shalt  }
0x78: {  	_ =	shalt  }
0x79: {  	_ =	shalt  }
0x7a: {  	_ =	shalt  }
0x7b: {  	_ =	shalt  }
0x7c: {  	_ =	shalt  }
0x7d: {  	_ =	shalt  }
0x7e: {  	_ =	shalt  }
0x7f: {  	_ =	shalt  }
0x80: {  	_ =	shalt  }
0x81: {  	_ =	shalt  }
0x82: {  	_ =	shalt  }
0x83: {  	_ =	shalt  }
0x84: {  	_ =	shalt  }
0x85: {  	_ =	shalt  }
0x86: {  	_ =	shalt  }
0x87: {  	_ =	shalt  }
.Lfunc_end0:
.L_simem_size_0:
called_computation_lowered:
.L_overlay_start_0:
0x88: {  	s2 =	sld [smem:$0x3FD9]  }
0x89: {  	s3 =	sld [smem:$0x3FFE];
	_ =	sdelay $0x1  }
0x8a: {  	s1 =	srdreg.scid  }
0x8b: {  	s0 =	sand.u32 $0x1, s1  }
0x8c: {  	s16 =	sshll.u32 s0, $0xA;
	s2 =	sadd.s32 s3, s2  }
0x8d: {  	s2 =	sadd.s32 s2, s16  }
0x8e: {  	[smem:$0x3FB6] =	sst s2  }
0x8f: {  	_ = 	snop  }
0x90: {  	(tm) =	ssettm $0x1  }
0x91: {  	s17 =	sld [smem:$0x3FFB];
	_ =	sdelay $0x3  }
0x92: {  	_ =	strace s17  }
0x93: {  	s2 =	sld [smem:$0x3FFC];
	_ =	sdelay $0x3  }
0x94: {  	_ =	strace s2  }
0x95: {  	s2 =	sld [smem:$0x3FFD];
	_ =	sdelay $0x3  }
0x96: {  	_ =	strace s2  }
0x97: {  	_ =	strace $0x8FFFFFFF  }
0x98: {  	s18 =	sld [smem:$0x3FDB];
	_ =	sdelay $0x1  }
0x99: {  	s19 =	simm.s32 $_scs_section_size  }
0x9a: {  	s4 =	simm.s32 $_size__tile_overlayer_lowered;
	s5 =	simm.s32 $_tile_overlayer_lowered  }
0x9b: {  	s22 =	simm.s32 $0x1BFF;
	s21 =	sshll.u32 s5, $0x1;
	s2 =	sadd.s32 s19, s18  }
0x9c: {  	s6 =	simm.s32 $0x0;
	s20 =	sshll.u32 s4, $0x1;
	s4 =	sadd.s32 s21, s2  }
0x9d: {  	[timem:s6], [sflag:s22] =	dma.local [hbm:s4], s20  }
0x9e: {  	_ =	swait.ge [sflag:s22], s20  }
0x9f: {  	s3 =	ssub.s32 $0x0, s20;
	[sflag:s22] =	ssyncset.done $0x0  }
0xa0: {  	[sflag:s22] =	ssyncadd.s32 s3;
	_ =	sdelay $0x1  }
0xa1: {  	s23 =	simm.s32 $0x1B8B  }
0xa2: {  	_ =	swait.ge [sflag:s23], $0x1  }
0xa3: {  	[sflag:s23] =	ssyncset.done $0x0  }
0xa4: {  	s25 =	simm.s32 $0x1B8E;
	s24 =	sld [smem:$0x3FFE];
	[sflag:s23] =	ssyncadd.s32 $0xFFFFFFFF  }
0xa5: {  	s26 =	simm.s32 $execute0_lowered;
	[smem:$0x3FD2] =	sst s25  }
0xa6: {  	s4 =	sshll.u32 s26, $0x1;
	_ =	strace $0x80000046;
	[dreg:$0x1] =	wrdreg $0xFFFFFFFF  }
0xa7: {  	s28 =	simm.s32 $_size_execute0_lowered;
	s2 =	sadd.s32 s2, s4;
	[dreg:$0x0] =	wrdreg $0x0  }
0xa8: {  	s4 =	sshll.u32 s28, $0x1;
	[dreg:$0x2] =	wrdreg s2  }
0xa9: {  	[dreg:$0x3] =	wrdreg s4  }
0xaa: {  	[dreg:$0x4] =	wrdreg $0xC0  }
0xab: {  	_ =	task [dreg:s6], $0x5FFFF  }
0xac: {  	[dreg:$0x1] =	wrdreg $0xFFFFFFFF  }
0xad: {  	[dreg:$0x0] =	wrdreg $0x60  }
0xae: {  	[dreg:$0x2] =	wrdreg s24  }
0xaf: {  	[dreg:$0x3] =	wrdreg $0xA8000  }
0xb0: {  	[dreg:$0x4] =	wrdreg $0x9  }
0xb1: {  	_ =	task.clear_ibuf [dreg:s6], $0x5FFFF;
	_ =	strace $0x90000046  }
0xb2: {  	s29 =	simm.s32 $0x9;
	_ =	strace $0x80000048  }
0xb3: {  	_ =	swait.ge [sflag:s29], $0x1  }
0xb4: {  	[sflag:s29] =	ssyncadd.s32 $0xFFFFFFFF  }
0xb5: {  	_ =	strace $0x90000048  }
0xb6: {  	_ =	sfence  }
0xb7: {  	s30 =	sld [smem:$0x0];
	_ =	sdelay $0x2  }
0xb8: {  	s31 =	sshll.u32 s1, $0xD;
	s1 =	sshrl.u32 s1, $0x2  }
0xb9: {  	s3 =	sand.u32 $0x4000, s31;
	s1 =	sadd.s32 s1, s30  }
0xba: {  	s0 =	sor.u32 s3, s0;
	s1 =	sshll.u32 s1, $0x11  }
0xbb: {  	s0 =	sor.u32 s1, s0  }
0xbc: {  	s0 =	sadd.s32 $0x8F2B, s0  }
0xbd: {  	[sflag:s0] =	ssyncadd.remote.s32 $0x1  }
0xbe: {  	_ =	sfence.sel $0xFFFF  }
0xbf: {  	[dreg:$0x0] =	wrdreg $0xFFFFFFFF;
	(pc) =	sbr.abs _section_cstart, $3  }
0xc0: {  	[dreg:$0x1] =	wrdreg $0xFFFFFFFF  }
0xc1: {  	_ =	task.clear_ibuf [dreg:s6], $0x2FFFF;
	_ =	strace $0x9FFFFFFF  }
0xc2: {  	(tm) =	ssettm $0x7FFFFFFF  }
0xc3: {  	_ =	shalt  }
tec
execute0_lowered:
.L_overlay_start_1:
0x0: {  	(tag) =	ssettag $0x1  }
0x1: {  	s4 =	rddreg [dreg:$0x0]  }
0x2: {  	s2 =	rddreg [dreg:$0x1]  }
0x3: {  	s0 =	rddreg [dreg:$0x2]  }
0x4: {  	s1 =	stileid.u32;
	s5 =	srdreg.scid  }
0x5: {  	s3 =	simm.s32 $0x0;
	s15 =	simm.s32 $0x7800;
	s16 =	simm.s32 $0x5000  }
0x6: {  	s17 =	simm.s32 $0x80;
	s18 =	simm.s32 $0xA000;
	s19 =	simm.s32 $0x0  }
0x7: {  	s6 =	smul.u32 $0x2780, s1;
	s5 =	sand.u32 $0x1, s5;
	[smem:$0x7FF] =	sst s3  }
0x8: {  	s7 =	sshll.u32 s1, $0x1;
	s31 =	sshll.u32 s1, $0x6;
	s8 =	smul.u32 $0x27800, s5  }
0x9: {  	_ =	strace $0x80000047;
	s7 =	sor.u32 s5, s7;
	s5 =	ssub.s32 $0x2, s5  }
0xa: {  	s9 =	sshrl.u32 s6, $0x3;
	s7 =	smul.u32 $0x500, s7;
	s10 =	sshrl.u32 s5, $0x1  }
0xb: {  	s14 =	sadd.s32 s6, s2;
	s8 =	sadd.s32 s6, s8;
	s9 =	sadd.s32 s9, s4  }
0xc: {  	s13 =	ssub.s32 s5, s10;
	s5 =	sor.u32 $0x1C01, s31;
	s8 =	sshrl.u32 s8, $0x3  }
0xd: {  	s11 =	sadd.s32 s7, s4;
	s12 =	sadd.s32 s8, s4;
	s4 =	sadd.s32 $0x22000, s9  }
0xe: {  	s6 =	sadd.s32 $0x4000, s11;
	s7 =	sadd.s32 $0xE000, s11;
	s8 =	sadd.s32 $0x18000, s11  }
0xf: {  	s9 =	sadd.s32 $0x30E00, s11;
	s11 =	smax.u32 s13, $0x1;
	s13 =	simm.s32 $0x1  }
0x10: {  	v0 =	vimm.f32 $1.000000000e+00;
	s10 =	sadd.s32 $0x27000, s12;
	s12 =	sshrl.u32 s14, $0x3;
	s14 =	simm.s32 $0x2800  }
.LBB2_1:
0x11: {  	[spmem:s12], [sflag:s5] =	dma.local [hbm:s4], $0x4F0  }
0x12: {  	_ =	swait.ge [sflag:s13], $0x4F0  }
0x13: {  	[sflag:s13] =	ssyncset.done $0x0  }
0x14: {  	[sflag:s13] =	ssyncadd.s32 $0xFFFFFB10  }
0x15: {  	[tilespmem:s3], [sflag:$0x1] =	stream.linear.gather [hbm4b:s6+s3], $0x2800, $0x38;
	[tilespmem:$0xCF80] =	vst v63  }
0x16: {  	_ =	swait.ge [sflag:s13], $0x2800  }
0x17: {  	[sflag:s13] =	ssyncset.done $0x0  }
0x18: {  	[sflag:s13] =	ssyncadd.s32 $0xFFFFD800  }
0x19: {  	[tilespmem:s14], [sflag:$0x1] =	stream.linear.gather [hbm4b:s7+s3], $0x2800, $0x38;
	[tilespmem:$0xCF80] =	vst v63  }
0x1a: {  	_ =	swait.ge [sflag:s13], $0x2800  }
0x1b: {  	[sflag:s13] =	ssyncset.done $0x0  }
0x1c: {  	[sflag:s13] =	ssyncadd.s32 $0xFFFFD800  }
0x1d: {  	[tilespmem:s15], [sflag:$0x1] =	stream.linear.gather [hbm4b:s8+s3], $0x2800, $0x38;
	[tilespmem:$0xCF80] =	vst v63  }
0x1e: {  	_ =	swait.ge [sflag:s13], $0x2800  }
0x1f: {  	[sflag:s13] =	ssyncset.done $0x0  }
0x20: {  	s20 =	simm.s32 $0x0;
	[sflag:s13] =	ssyncadd.s32 $0xFFFFD800  }
.LBB2_2:
0x21: {  	p0 =	sne.s32 s20, $0x1FC0  }
.Ltmp0:
0x22: {  	_ = 	snop;
	(pc) =	sbr.rel @p0 .LBB2_2-.Ltmp0, $3  }
0x23: {  	_ =	sdelay $0x1  }
0x24: {  	s21 =	sshra.s32 s20, $0x2  }
0x25: {  	s20 =	sadd.s32 $0x40, s20;
	[tilespmem:s21+$0xA000] =	vst v0  }
0x26: {  	s20 =	simm.s32 $0x0  }
0x27: {  	v1 =	vld [tilespmem:s20+$0x2870]  }
0x28: {  	v2 =	vld [tilespmem:s20+$0x2800]  }
0x29: {  	v3 =	vld [tilespmem:s20+$0x70]  }
0x2a: {  	v4 =	vld [tilespmem:s20+$0x2810]  }
0x2b: {  	v5 =	vld [tilespmem:s20+$0x2820]  }
0x2c: {  	v7 =	vld [tilespmem:s20+$0x2830]  }
0x2d: {  	v10 =	vld [tilespmem:s20+$0x2840];
	v1 =	vmul.u32 $0x2780, v1  }
0x2e: {  	v11 =	vld [tilespmem:s20+$0x2850]  }
0x2f: {  	v12 =	vld [tilespmem:s20+$0x2860];
	v1 =	vadd.s32 v3, v1  }
0x30: {  	[tilespmem:s20+$0x5070] =	vst v1;
	v1 =	vld [tilespmem:s20+$0x0]  }
0x31: {  	v13 =	vld [tilespmem:s20+$0x10]  }
0x32: {  	v8 =	vld [tilespmem:s20+$0x20]  }
0x33: {  	v6 =	vld [tilespmem:s20+$0x30];
	v2 =	vmul.u32 $0x2780, v2  }
0x34: {  	v14 =	vmul.u32 $0x2780, v4;
	v9 =	vmul.u32 $0x2780, v5;
	v3 =	vld [tilespmem:s20+$0x40]  }
0x35: {  	v4 =	vld [tilespmem:s20+$0x50];
	v7 =	vmul.u32 $0x2780, v7;
	v5 =	vmul.u32 $0x2780, v10;
	v1 =	vadd.s32 v1, v2  }
0x36: {  	s21 =	simm.s32 $0x80;
	s22 =	simm.s32 $0x400;
	v10 =	vld [tilespmem:s20+$0x60];
	v2 =	vmul.u32 $0x2780, v11;
	v11 =	vadd.s32 v13, v14;
	[tilespmem:s20+$0x5000] =	vst v1;
	v1 =	vmul.u32 $0x2780, v12  }
.LBB2_4:
0x37: {  	p0 =	sne.s32 s22, $0x9E00;
	v12 =	vld [tilespmem:s21+$0x2870];
	[tilespmem:s20+$0x5010] =	vst v11;
	v8 =	vadd.s32 v8, v9  }
0x38: {  	v9 =	vld [tilespmem:s21+$0x2800];
	[tilespmem:s20+$0x5020] =	vst v8;
	v6 =	vadd.s32 v6, v7  }
0x39: {  	v7 =	vld [tilespmem:s21+$0x70];
	[tilespmem:s20+$0x5030] =	vst v6;
	v3 =	vadd.s32 v3, v5  }
0x3a: {  	v5 =	vld [tilespmem:s21+$0x2810];
	[tilespmem:s20+$0x5040] =	vst v3;
	v2 =	vadd.s32 v4, v2  }
0x3b: {  	v3 =	vld [tilespmem:s21+$0x2820];
	[tilespmem:s20+$0x5050] =	vst v2;
	v1 =	vadd.s32 v10, v1  }
0x3c: {  	v2 =	vld [tilespmem:s21+$0x2830];
	v4 =	vmul.u32 $0x2780, v12;
	[tilespmem:s20+$0x5060] =	vst v1;
	s20 =	smov.u32 s21  }
0x3d: {  	v10 =	vmul.u32 $0x2780, v9;
	v1 =	vld [tilespmem:s20+$0x2840]  }
0x3e: {  	v11 =	vld [tilespmem:s20+$0x2850];
	v4 =	vadd.s32 v7, v4  }
0x3f: {  	v12 =	vmul.u32 $0x2780, v5;
	v13 =	vld [tilespmem:s20+$0x2860];
	[tilespmem:s20+$0x5070] =	vst v4  }
0x40: {  	v4 =	vld [tilespmem:s20+$0x0];
	v9 =	vmul.u32 $0x2780, v3  }
0x41: {  	v14 =	vld [tilespmem:s20+$0x10];
	v7 =	vmul.u32 $0x2780, v2  }
.Ltmp1:
0x42: {  	v8 =	vld [tilespmem:s20+$0x20];
	v5 =	vmul.u32 $0x2780, v1;
	(pc) =	sbr.rel @p0 .LBB2_4-.Ltmp1, $4  }
0x43: {  	v6 =	vld [tilespmem:s20+$0x30];
	v2 =	vmul.u32 $0x2780, v11  }
0x44: {  	v3 =	vld [tilespmem:s20+$0x40];
	v1 =	vmul.u32 $0x2780, v13  }
0x45: {  	v10 =	vadd.s32 v4, v10;
	v4 =	vld [tilespmem:s20+$0x50]  }
0x46: {  	s21 =	sshra.s32 s22, $0x2;
	s22 =	sadd.s32 $0x200, s22;
	[tilespmem:s20+$0x5000] =	vst v10;
	v11 =	vadd.s32 v14, v12;
	v10 =	vld [tilespmem:s20+$0x60]  }
0x47: {  	v12 =	vld [tilespmem:s21+$0x2870];
	[tilespmem:s20+$0x5010] =	vst v11;
	v8 =	vadd.s32 v8, v9  }
0x48: {  	v55 =	vld [tilespmem:s21+$0x2800];
	[tilespmem:s20+$0x5020] =	vst v8;
	v6 =	vadd.s32 v6, v7  }
0x49: {  	v56 =	vld [tilespmem:s21+$0x70];
	[tilespmem:s20+$0x5030] =	vst v6;
	v3 =	vadd.s32 v3, v5  }
0x4a: {  	v57 =	vld [tilespmem:s21+$0x2810];
	[tilespmem:s20+$0x5040] =	vst v3;
	v2 =	vadd.s32 v4, v2  }
0x4b: {  	v3 =	vld [tilespmem:s21+$0x2820];
	[tilespmem:s20+$0x5050] =	vst v2;
	v1 =	vadd.s32 v10, v1  }
0x4c: {  	v2 =	vld [tilespmem:s21+$0x2830];
	[tilespmem:s20+$0x5060] =	vst v1  }
0x4d: {  	v1 =	vmul.u32 $0x2780, v12;
	v58 =	vld [tilespmem:s21+$0x2840]  }
0x4e: {  	v6 =	vld [tilespmem:s21+$0x2850]  }
0x4f: {  	v59 =	vld [tilespmem:s21+$0x2860];
	v1 =	vadd.s32 v56, v1  }
0x50: {  	[tilespmem:s21+$0x5070] =	vst v1;
	v1 =	vld [tilespmem:s21+$0x0]  }
0x51: {  	v8 =	vld [tilespmem:s21+$0x10]  }
0x52: {  	v60 =	vld [tilespmem:s21+$0x20]  }
0x53: {  	v9 =	vmul.u32 $0x2780, v55;
	v11 =	vld [tilespmem:s21+$0x30]  }
0x54: {  	v61 =	vld [tilespmem:s21+$0x40];
	v5 =	vmul.u32 $0x2780, v57  }
0x55: {  	v62 =	vld [tilespmem:s21+$0x50];
	v3 =	vmul.u32 $0x2780, v3;
	v1 =	vadd.s32 v1, v9  }
0x56: {  	v63 =	vld [tilespmem:s21+$0x60];
	[tilespmem:s21+$0x5000] =	vst v1;
	v1 =	vmul.u32 $0x2780, v2;
	v2 =	vadd.s32 v8, v5  }
0x57: {  	v4 =	vmul.u32 $0x2780, v58;
	[tilespmem:s21+$0x5010] =	vst v2;
	v2 =	vadd.s32 v60, v3  }
0x58: {  	v3 =	vmul.u32 $0x2780, v6;
	[tilespmem:s21+$0x5020] =	vst v2;
	v1 =	vadd.s32 v11, v1  }
0x59: {  	v2 =	vmul.u32 $0x2780, v59;
	[tilespmem:s21+$0x5030] =	vst v1;
	v1 =	vadd.s32 v61, v4  }
0x5a: {  	[tilespmem:s21+$0x5040] =	vst v1;
	v1 =	vadd.s32 v62, v3  }
0x5b: {  	[tilespmem:s21+$0x5050] =	vst v1;
	v1 =	vadd.s32 v63, v2  }
0x5c: {  	s30 =	simm.s32 $0x0;
	[tilespmem:s21+$0x5060] =	vst v1  }
0x5d: {  	[hbm4b:s9+s30] =	stream.linear.scatter [tilespmem:s16], [sflag:$0x1], $0x2800, $0x38;
	[tilespmem:$0xCF80] =	vst v63  }
0x5e: {  	_ =	swait.ge [sflag:s13], $0x2800  }
0x5f: {  	[sflag:s13] =	ssyncset.done $0x0  }
0x60: {  	[sflag:s13] =	ssyncadd.s32 $0xFFFFD800  }
0x61: {  	s31 =	simm.s32 $0x7800;
	[bflag:$0x0] =	sbarrier.arrive $0xFFFF  }
0x62: {  	[spmem:s2] =	stream.indirect.scatter.add.f32 [tilespmem:s18], [sflag:$0x1], $0x10, s31, s17, $0xb8;
	[tilespmem:$0xCF80] =	vst v63  }
0x63: {  	s20 =	simm.s32 $0x200;
	_ =	swait.ge [sflag:s13], $0x800  }
.LBB2_6:
0x64: {  	s21 =	sshra.s32 s20, $0x2;
	[sflag:s13] =	ssyncset.done $0x0;
	p0 =	sne.s32 s20, $0x9E00  }
.Ltmp2:
0x65: {  	s21 =	sadd.s32 $0x7800, s21;
	[sflag:s13] =	ssyncadd.s32 $0xFFFFF800;
	(pc) =	sbr.rel @p0 .LBB2_6-.Ltmp2, $3  }
0x66: {  	[spmem:s2] =	stream.indirect.scatter.add.f32 [tilespmem:s18], [sflag:$0x1], $0x10, s21, s17, $0xb8;
	[tilespmem:$0xCF80] =	vst v63  }
0x67: {  	s20 =	sadd.s32 $0x200, s20;
	_ =	sdelay $0x1  }
0x68: {  	_ =	swait.ge [sflag:s13], $0x800  }
0x69: {  	[sflag:s13] =	ssyncset.done $0x0;
	s19 =	sadd.s32 $0x1, s19  }
0x6a: {  	[sflag:s13] =	ssyncadd.s32 $0xFFFFF800;
	p0 =	sne.s32 s19, s11  }
.Ltmp3:
0x6b: {  	[bflag:$0x0] =	sbarrier.arrive $0xFFFF;
	(pc) =	sbr.rel @p0 .LBB2_1-.Ltmp3, $4  }
0x6c: {  	[hbm:s10], [sflag:s5] =	dma.local [spmem:s12], $0x4F0  }
0x6d: {  	_ =	swait.ge [sflag:s13], $0x4F0  }
0x6e: {  	[sflag:s13] =	ssyncset.done $0x0  }
0x6f: {  	[sflag:s13] =	ssyncadd.s32 $0xFFFFFB10  }
0x70: {  	_ =	sfence.sel $0x180000  }
0x71: {  	[bflag:$0x0] =	sbarrier.arrive $0xFFFF  }
0x72: {  	p0 =	sne.s32 s1, $0x0;
	_ =	strace $0x90000047  }
0x73: {  	s0 =	sadd.s32 @!p0 $0x100000, s0;
	[bflag:$0x2] =	sbarrier.arrive $0xFFFF  }
0x74: {  	[sflag:s0] =	ssyncadd.tile.s32 @!p0 $0x1;
	_ =	shalt  }
.Lfunc_end2:
_tile_overlayer_lowered:
.L_overlay_start_2:
0x75: {  	(tag) =	ssettag $0x2  }
0x76: {  	s0 =	rddreg [dreg:$0x0];
	s2 =	stileid.u32  }
0x77: {  	s1 =	rddreg [dreg:$0x1];
	p0 =	sne.s32 s2, $0x0  }
0x78: {  	s3 =	rddreg [dreg:$0x2];
	[bflag:$0x3] =	sbarrier.arrive $0xFFFF;
	s2 =	simm.s32 @!p0 $0x1C01  }
0x79: {  	[timem:s3], [sflag:s2] =	dma.local @!p0 [hbm:s0], s1  }
0x7a: {  	s0 =	simm.s32 @!p0 $0x1  }
0x7b: {  	_ =	swait.ge @!p0 [sflag:s0], s1  }
0x7c: {  	s1 =	ssub.s32 @!p0 $0x0, s1;
	[sflag:s0] =	ssyncset.done @!p0 $0x0  }
0x7d: {  	[sflag:s0] =	ssyncadd.s32 @!p0 s1  }
0x7e: {  	[bflag:$0x3] =	sbarrier.arrive $0xFFFF  }
0x7f: {  	_ =	shalt  }

// kernel: kernel.16.cloned.1.call-start
scs
__scs_entry_jumppad:
0x0: {  	(pc) =	sbr.rel $0x88, $3  }
0x1: {  	(tag) =	ssettag $0x0;
	lr =	simm.s32 $0x1  }
0x2: {  	[smem:$0x3F8F] =	sst lr;
	_ =	strace $0xD0000000  }
0x3: {  	_ = 	snop  }
0x4: {  	_ = 	snop  }
0x5: {  	_ = 	snop  }
0x6: {  	_ = 	snop  }
0x7: {  	_ = 	snop  }
__scs_overlays_trampoline_lowered:
0x8: {  	[smem:$0x3F9E] =	sst s0  }
0x9: {  	[smem:$0x3F9F] =	sst s1  }
0xa: {  	[smem:$0x3FA0] =	sst s2  }
0xb: {  	[smem:$0x3FA1] =	sst s3  }
0xc: {  	[smem:$0x3FA2] =	sst s4  }
0xd: {  	[smem:$0x3FA3] =	sst s5  }
0xe: {  	[smem:$0x3FA4] =	sst s6  }
0xf: {  	[smem:$0x3FA5] =	sst s7  }
0x10: {  	[smem:$0x3FA6] =	sst s8  }
0x11: {  	[smem:$0x3FA7] =	sst s9;
	s0 =	simm.s32 @!p0 $0x0  }
0x12: {  	s1 =	sld [smem:$0x3F8D];
	s0 =	simm.s32 @p0 $0x1  }
0x13: {  	[smem:$0x3FA8] =	sst s0;
	s0 =	simm.s32 @!p1 $0x0  }
0x14: {  	s2 =	sld [smem:$0x3F8C];
	s0 =	simm.s32 @p1 $0x1  }
0x15: {  	[smem:$0x3FA9] =	sst s0;
	s0 =	simm.s32 @!p2 $0x0  }
0x16: {  	s3 =	sld [smem:$0x3FDB];
	s0 =	simm.s32 @p2 $0x1  }
0x17: {  	s4 =	simm.s32 $0x1BF5;
	[smem:$0x3FAB] =	sst s0  }
0x18: {  	s0 =	sld [smem:$0x3F8E];
	_ =	swait.ge [sflag:s4], $0x0  }
0x19: {  	s7 =	sld [smem:$0x3F8F]  }
0x1a: {  	s8 =	sadd.s32 $0xFFFFE003, lr  }
0x1b: {  	s9 =	sadd.s32 $0xFFFFFEF7, lr;
	s5 =	simm.s32 $0xFFFFFFFF;
	p2 =	slt.u32 s8, $0xFFFFF086  }
0x1c: {  	p1 =	slt.u32 s9, $0xF7A;
	s5 =	simm.s32 @!p2 $0x0  }
0x1d: {  	s5 =	simm.s32 @p1 $0x1;
	p0 =	seq.s32 s7, s2  }
0x1e: {  	s7 =	smul.u32 @!p0 $0xF7A, s2;
	p2 =	seq.s32 @!p0 s5, $0x0  }
0x1f: {  	s9 =	smul.u32 $0xF7A, s1;
	s8 =	simm.s32 @!p0 $0x1BF5;
	p2 =	por !p2, p0  }
0x20: {  	[sflag:s8] =	ssyncset.s32 @!p0 $0xFFFFF086;
	s6 =	sadd.s32 @!p0 s3, s7;
	s7 =	simm.s32 @!p0 $0x108  }
0x21: {  	s3 =	sadd.s32 s3, s9;
	s6 =	sadd.s32 @!p0 $0x88, s6;
	s7 =	simm.s32 @p2 $0x1082  }
0x22: {  	[simem:s7], [sflag:s8] =	dma.local @!p0 [hbm:s6], $0xF7A  }
0x23: {  	s9 =	sor.u32 $0xD0000000, s2;
	s6 =	simm.s32 $0x108;
	_ =	swait.ge @!p0 [sflag:s8], $0x0  }
0x24: {  	s3 =	sadd.s32 $0x88, s3;
	s6 =	simm.s32 @!p1 $0x1082;
	[sflag:s4] =	ssyncset.s32 $0xFFFFF086  }
0x25: {  	[simem:s6], [sflag:s4] =	dma.local [hbm:s3], $0xF7A  }
0x26: {  	[smem:$0x3F8F] =	sst s1;
	(tag) =	ssettag s2;
	_ =	strace s9  }
0x27: {  	s1 =	sld [smem:$0x3F9F]  }
0x28: {  	s2 =	sld [smem:$0x3FA0]  }
0x29: {  	s4 =	sld [smem:$0x3FA2]  }
0x2a: {  	p0 =	seq.s32 s5, $0x0;
	s5 =	sld [smem:$0x3FA3]  }
0x2b: {  	s6 =	sld [smem:$0x3FA4]  }
0x2c: {  	s7 =	sld [smem:$0x3FA5]  }
0x2d: {  	s3 =	simm.s32 $0x108;
	s8 =	sld [smem:$0x3FA6]  }
0x2e: {  	s3 =	simm.s32 @!p0 $0x1082;
	s9 =	sld [smem:$0x3FA7]  }
0x2f: {  	lr =	sadd.s32 s0, s3;
	s0 =	sld [smem:$0x3F9E]  }
0x30: {  	s3 =	sld [smem:$0x3FA1]  }
0x31: {  	[smem:$0x3FAA] =	sst s10  }
0x32: {  	s10 =	sld [smem:$0x3FA8];
	_ =	sdelay $0x3  }
0x33: {  	p0 =	seq.s32 s10, $0x1;
	s10 =	sld [smem:$0x3FAA];
	_ =	sdelay $0x3  }
0x34: {  	[smem:$0x3FAA] =	sst s10  }
0x35: {  	s10 =	sld [smem:$0x3FA9];
	_ =	sdelay $0x3  }
0x36: {  	p1 =	seq.s32 s10, $0x1;
	s10 =	sld [smem:$0x3FAA];
	_ =	sdelay $0x3  }
0x37: {  	[smem:$0x3FAA] =	sst s10  }
0x38: {  	s10 =	sld [smem:$0x3FAB]  }
0x39: {  	_ = 	snop;
	(pc) =	sbr.ind lr, $3  }
0x3a: {  	_ = 	snop  }
0x3b: {  	_ = 	snop  }
0x3c: {  	p2 =	seq.s32 s10, $0x1;
	s10 =	sld [smem:$0x3FAA]  }
0x3d: {  	_ =	shalt  }
0x3e: {  	_ =	shalt  }
0x3f: {  	_ =	shalt  }
0x40: {  	_ =	shalt  }
0x41: {  	_ =	shalt  }
0x42: {  	_ =	shalt  }
0x43: {  	_ =	shalt  }
0x44: {  	_ =	shalt  }
0x45: {  	_ =	shalt  }
0x46: {  	_ =	shalt  }
0x47: {  	_ =	shalt  }
0x48: {  	_ =	shalt  }
0x49: {  	_ =	shalt  }
0x4a: {  	_ =	shalt  }
0x4b: {  	_ =	shalt  }
0x4c: {  	_ =	shalt  }
0x4d: {  	_ =	shalt  }
0x4e: {  	_ =	shalt  }
0x4f: {  	_ =	shalt  }
0x50: {  	_ =	shalt  }
0x51: {  	_ =	shalt  }
0x52: {  	_ =	shalt  }
0x53: {  	_ =	shalt  }
0x54: {  	_ =	shalt  }
0x55: {  	_ =	shalt  }
0x56: {  	_ =	shalt  }
0x57: {  	_ =	shalt  }
0x58: {  	_ =	shalt  }
0x59: {  	_ =	shalt  }
0x5a: {  	_ =	shalt  }
0x5b: {  	_ =	shalt  }
0x5c: {  	_ =	shalt  }
0x5d: {  	_ =	shalt  }
0x5e: {  	_ =	shalt  }
0x5f: {  	_ =	shalt  }
0x60: {  	_ =	shalt  }
0x61: {  	_ =	shalt  }
0x62: {  	_ =	shalt  }
0x63: {  	_ =	shalt  }
0x64: {  	_ =	shalt  }
0x65: {  	_ =	shalt  }
0x66: {  	_ =	shalt  }
0x67: {  	_ =	shalt  }
0x68: {  	_ =	shalt  }
0x69: {  	_ =	shalt  }
0x6a: {  	_ =	shalt  }
0x6b: {  	_ =	shalt  }
0x6c: {  	_ =	shalt  }
0x6d: {  	_ =	shalt  }
0x6e: {  	_ =	shalt  }
0x6f: {  	_ =	shalt  }
0x70: {  	_ =	shalt  }
0x71: {  	_ =	shalt  }
0x72: {  	_ =	shalt  }
0x73: {  	_ =	shalt  }
0x74: {  	_ =	shalt  }
0x75: {  	_ =	shalt  }
0x76: {  	_ =	shalt  }
0x77: {  	_ =	shalt  }
0x78: {  	_ =	shalt  }
0x79: {  	_ =	shalt  }
0x7a: {  	_ =	shalt  }
0x7b: {  	_ =	shalt  }
0x7c: {  	_ =	shalt  }
0x7d: {  	_ =	shalt  }
0x7e: {  	_ =	shalt  }
0x7f: {  	_ =	shalt  }
0x80: {  	_ =	shalt  }
0x81: {  	_ =	shalt  }
0x82: {  	_ =	shalt  }
0x83: {  	_ =	shalt  }
0x84: {  	_ =	shalt  }
0x85: {  	_ =	shalt  }
0x86: {  	_ =	shalt  }
0x87: {  	_ =	shalt  }
.Lfunc_end0:
.L_simem_size_0:
called_computation.1_lowered:
.L_overlay_start_0:
0x88: {  	s2 =	sld [smem:$0x3FD9]  }
0x89: {  	s3 =	sld [smem:$0x3FFE];
	_ =	sdelay $0x1  }
0x8a: {  	s1 =	srdreg.scid  }
0x8b: {  	s0 =	sand.u32 $0x1, s1  }
0x8c: {  	s16 =	sshll.u32 s0, $0xA;
	s2 =	sadd.s32 s3, s2  }
0x8d: {  	s2 =	sadd.s32 s2, s16  }
0x8e: {  	[smem:$0x3FB6] =	sst s2  }
0x8f: {  	_ = 	snop  }
0x90: {  	(tm) =	ssettm $0x1  }
0x91: {  	s17 =	sld [smem:$0x3FFB];
	_ =	sdelay $0x3  }
0x92: {  	_ =	strace s17  }
0x93: {  	s2 =	sld [smem:$0x3FFC];
	_ =	sdelay $0x3  }
0x94: {  	_ =	strace s2  }
0x95: {  	s2 =	sld [smem:$0x3FFD];
	_ =	sdelay $0x3  }
0x96: {  	_ =	strace s2  }
0x97: {  	_ =	strace $0x8FFFFFFF  }
0x98: {  	s18 =	sld [smem:$0x3FDB];
	_ =	sdelay $0x1  }
0x99: {  	s19 =	simm.s32 $_scs_section_size  }
0x9a: {  	s4 =	simm.s32 $_size__tile_overlayer_lowered;
	s5 =	simm.s32 $_tile_overlayer_lowered  }
0x9b: {  	s22 =	simm.s32 $0x1BFF;
	s21 =	sshll.u32 s5, $0x1;
	s2 =	sadd.s32 s19, s18  }
0x9c: {  	s6 =	simm.s32 $0x0;
	s20 =	sshll.u32 s4, $0x1;
	s4 =	sadd.s32 s21, s2  }
0x9d: {  	[timem:s6], [sflag:s22] =	dma.local [hbm:s4], s20  }
0x9e: {  	_ =	swait.ge [sflag:s22], s20  }
0x9f: {  	s3 =	ssub.s32 $0x0, s20;
	[sflag:s22] =	ssyncset.done $0x0  }
0xa0: {  	[sflag:s22] =	ssyncadd.s32 s3;
	_ =	sdelay $0x1  }
0xa1: {  	s23 =	simm.s32 $0x1B8B  }
0xa2: {  	_ =	swait.ge [sflag:s23], $0x1  }
0xa3: {  	[sflag:s23] =	ssyncset.done $0x0  }
0xa4: {  	s25 =	simm.s32 $0x1B8E;
	s24 =	sld [smem:$0x3FFE];
	[sflag:s23] =	ssyncadd.s32 $0xFFFFFFFF  }
0xa5: {  	s26 =	simm.s32 $execute0_lowered;
	[smem:$0x3FD2] =	sst s25  }
0xa6: {  	s4 =	sshll.u32 s26, $0x1;
	_ =	strace $0x80000049;
	[dreg:$0x1] =	wrdreg $0xFFFFFFFF  }
0xa7: {  	s28 =	simm.s32 $_size_execute0_lowered;
	s2 =	sadd.s32 s2, s4;
	[dreg:$0x0] =	wrdreg $0x0  }
0xa8: {  	s4 =	sshll.u32 s28, $0x1;
	[dreg:$0x2] =	wrdreg s2  }
0xa9: {  	[dreg:$0x3] =	wrdreg s4  }
0xaa: {  	[dreg:$0x4] =	wrdreg $0xC0  }
0xab: {  	_ =	task [dreg:s6], $0x5FFFF  }
0xac: {  	[dreg:$0x1] =	wrdreg $0xFFFFFFFF  }
0xad: {  	[dreg:$0x0] =	wrdreg $0x60  }
0xae: {  	[dreg:$0x2] =	wrdreg s24  }
0xaf: {  	[dreg:$0x3] =	wrdreg $0xD0000  }
0xb0: {  	[dreg:$0x4] =	wrdreg $0x9  }
0xb1: {  	_ =	task.clear_ibuf [dreg:s6], $0x5FFFF;
	_ =	strace $0x90000049  }
0xb2: {  	s29 =	simm.s32 $0x9;
	_ =	strace $0x8000004B  }
0xb3: {  	_ =	swait.ge [sflag:s29], $0x1  }
0xb4: {  	[sflag:s29] =	ssyncadd.s32 $0xFFFFFFFF  }
0xb5: {  	_ =	strace $0x9000004B  }
0xb6: {  	_ =	sfence  }
0xb7: {  	s30 =	sld [smem:$0x0];
	_ =	sdelay $0x2  }
0xb8: {  	s31 =	sshll.u32 s1, $0xD;
	s1 =	sshrl.u32 s1, $0x2  }
0xb9: {  	s3 =	sand.u32 $0x4000, s31;
	s1 =	sadd.s32 s1, s30  }
0xba: {  	s0 =	sor.u32 s3, s0;
	s1 =	sshll.u32 s1, $0x11  }
0xbb: {  	s0 =	sor.u32 s1, s0  }
0xbc: {  	s0 =	sadd.s32 $0x8F2B, s0  }
0xbd: {  	[sflag:s0] =	ssyncadd.remote.s32 $0x1  }
0xbe: {  	_ =	sfence.sel $0xFFFF  }
0xbf: {  	[dreg:$0x0] =	wrdreg $0xFFFFFFFF;
	(pc) =	sbr.abs _section_cstart, $3  }
0xc0: {  	[dreg:$0x1] =	wrdreg $0xFFFFFFFF  }
0xc1: {  	_ =	task.clear_ibuf [dreg:s6], $0x2FFFF;
	_ =	strace $0x9FFFFFFF  }
0xc2: {  	(tm) =	ssettm $0x7FFFFFFF  }
0xc3: {  	_ =	shalt  }
tec
execute0_lowered:
.L_overlay_start_1:
0x0: {  	(tag) =	ssettag $0x1  }
0x1: {  	s0 =	rddreg [dreg:$0x0]  }
0x2: {  	s2 =	rddreg [dreg:$0x1]  }
0x3: {  	s3 =	simm.s32 $0x0;
	s13 =	stileid.u32;
	s6 =	srdreg.scid  }
0x4: {  	s16 =	simm.s32 $0x5;
	s18 =	simm.s32 $0x80;
	s19 =	simm.s32 $0x5000  }
0x5: {  	s20 =	simm.s32 $0x7000;
	s28 =	simm.s32 $0x4;
	s29 =	simm.s32 $0x2780  }
0x6: {  	s30 =	simm.s32 $0x4E00;
	s31 =	simm.s32 $0x4E80;
	[smem:$0x7FF] =	sst s3  }
0x7: {  	s1 =	smul.u32 $0x9E00, s13;
	s4 =	sadd.s32 $0x176E00, s0;
	s9 =	sadd.s32 $0x30E00, s0  }
0x8: {  	s10 =	sand.u32 $0x1, s6;
	s12 =	sadd.s32 $0x18000, s0;
	s11 =	smul.u32 $0x2800, s13  }
0x9: {  	s6 =	sadd.s32 $0x3AE00, s0;
	s23 =	sshll.u32 s13, $0x6;
	s13 =	smul.u32 $0x500, s13  }
0xa: {  	_ =	strace $0x8000004A;
	s8 =	ssub.s32 $0x2, s10;
	p0 =	seq.s32 s10, $0x1  }
0xb: {  	s5 =	sshrl.u32 s1, $0x3;
	s22 =	sshrl.u32 s8, $0x1;
	s1 =	sadd.s32 s1, s2  }
0xc: {  	s11 =	sshrl.u32 s11, $0x3;
	s25 =	sadd.s32 s9, s13;
	s26 =	sadd.s32 s12, s13  }
0xd: {  	s7 =	sadd.s32 s5, s0;
	s0 =	ssub.s32 s8, s22;
	[dreg:$0x3] =	wrdreg s25  }
0xe: {  	s8 =	sor.u32 $0x1C05, s23;
	s24 =	sadd.s32 $0x5000, s11;
	[dreg:$0x4] =	wrdreg s26  }
.Ltmp0:
0xf: {  	s13 =	sadd.s32 $0x13C00, s5;
	s15 =	sshrl.u32 s1, $0x3;
	(pc) =	sbr.rel .LBB2_1-.Ltmp0, $4  }
0x10: {  	s22 =	simm.s32 $0x9000;
	s23 =	simm.s32 $0xB000;
	s25 =	simm.s32 $0x2  }
0x11: {  	s26 =	simm.s32 $0x3;
	s1 =	simm.s32 $0x4F80;
	s7 =	sadd.s32 $0x4000, s7  }
0x12: {  	s9 =	sadd.s32 s9, s24;
	s12 =	sadd.s32 s12, s24;
	s14 =	smax.u32 s0, $0x1  }
0x13: {  	s24 =	simm.s32 $0x1;
	s0 =	simm.s32 $0x4F00;
	[dreg:$0x5] =	wrdreg s9  }
.LBB2_7:
0x14: {  	s9 =	sadd.s32 $0x180, s17;
	[sflag:s16] =	ssyncadd.s32 $0xFFFFE000  }
0x15: {  	[tilespmem:s23], [sflag:$0x4] =	stream.indirect.gather [hbm4b:s4+s18], $0x40, s9, s18, $0xb8;
	[tilespmem:$0x16E00] =	vst v63  }
0x16: {  	_ =	swait.ge [sflag:s24], $0x2000  }
0x17: {  	[sflag:s24] =	ssyncset.done $0x0  }
0x18: {  	s21 =	sadd.s32 $0x2800, s17;
	[sflag:s24] =	ssyncadd.s32 $0xFFFFE000  }
0x19: {  	[spmem:s2] =	stream.indirect.scatter.add.f32 [tilespmem:s19], [sflag:$0x5], $0x40, s21, s18, $0xb8;
	[tilespmem:$0x16E00] =	vst v63  }
0x1a: {  	_ =	swait.ge [sflag:s16], $0x2000  }
0x1b: {  	[sflag:s16] =	ssyncset.done $0x0  }
0x1c: {  	s10 =	sadd.s32 $0x200, s17;
	[sflag:s16] =	ssyncadd.s32 $0xFFFFE000  }
0x1d: {  	[tilespmem:s19], [sflag:$0x1] =	stream.indirect.gather [hbm4b:s4+s18], $0x40, s10, s18, $0xb8;
	[tilespmem:$0x16E00] =	vst v63  }
0x1e: {  	_ =	swait.ge [sflag:s25], $0x2000  }
0x1f: {  	[sflag:s25] =	ssyncset.done $0x0  }
0x20: {  	s11 =	sadd.s32 $0x2880, s17;
	[sflag:s25] =	ssyncadd.s32 $0xFFFFE000  }
0x21: {  	[spmem:s2] =	stream.indirect.scatter.add.f32 [tilespmem:s20], [sflag:$0x5], $0x40, s11, s18, $0xb8;
	[tilespmem:$0x16E00] =	vst v63  }
0x22: {  	_ =	swait.ge [sflag:s16], $0x2000  }
0x23: {  	[sflag:s16] =	ssyncset.done $0x0  }
0x24: {  	s21 =	sadd.s32 $0x280, s17;
	[sflag:s16] =	ssyncadd.s32 $0xFFFFE000  }
0x25: {  	[tilespmem:s20], [sflag:$0x2] =	stream.indirect.gather [hbm4b:s4+s18], $0x40, s21, s18, $0xb8;
	[tilespmem:$0x16E00] =	vst v63  }
0x26: {  	_ =	swait.ge [sflag:s26], $0x2000  }
0x27: {  	[sflag:s26] =	ssyncset.done $0x0  }
0x28: {  	s10 =	sadd.s32 $0x2900, s17;
	[sflag:s26] =	ssyncadd.s32 $0xFFFFE000  }
0x29: {  	[spmem:s2] =	stream.indirect.scatter.add.f32 [tilespmem:s22], [sflag:$0x5], $0x40, s10, s18, $0xb8;
	[tilespmem:$0x16E00] =	vst v63  }
0x2a: {  	_ =	swait.ge [sflag:s16], $0x2000  }
0x2b: {  	[sflag:s16] =	ssyncset.done $0x0  }
0x2c: {  	s11 =	sadd.s32 $0x300, s17;
	[sflag:s16] =	ssyncadd.s32 $0xFFFFE000  }
0x2d: {  	[tilespmem:s22], [sflag:$0x3] =	stream.indirect.gather [hbm4b:s4+s18], $0x40, s11, s18, $0xb8;
	[tilespmem:$0x16E00] =	vst v63  }
0x2e: {  	_ =	swait.ge [sflag:s28], $0x2000  }
0x2f: {  	[sflag:s28] =	ssyncset.done $0x0  }
0x30: {  	s21 =	sadd.s32 $0x2980, s17;
	[sflag:s28] =	ssyncadd.s32 $0xFFFFE000  }
0x31: {  	[spmem:s2] =	stream.indirect.scatter.add.f32 [tilespmem:s23], [sflag:$0x5], $0x40, s21, s18, $0xb8;
	[tilespmem:$0x16E00] =	vst v63  }
0x32: {  	_ =	swait.ge [sflag:s16], $0x2000  }
0x33: {  	[sflag:s16] =	ssyncset.done $0x0  }
0x34: {  	s9 =	smov.u32 s13;
	[sflag:s16] =	ssyncadd.s32 $0xFFFFE000  }
.LBB2_8:
0x35: {  	[tilespmem:s23], [sflag:$0x4] =	stream.indirect.gather [hbm4b:s4+s18], $0x40, s29, s18, $0xb8;
	[tilespmem:$0x16E00] =	vst v63  }
0x36: {  	_ =	swait.ge [sflag:s24], $0x2000  }
0x37: {  	[sflag:s24] =	ssyncset.done $0x0  }
0x38: {  	[sflag:s24] =	ssyncadd.s32 $0xFFFFE000  }
0x39: {  	[spmem:s2] =	stream.indirect.scatter.add.f32 [tilespmem:s19], [sflag:$0x5], $0x40, s30, s18, $0xb8;
	[tilespmem:$0x16E00] =	vst v63  }
0x3a: {  	_ =	swait.ge [sflag:s16], $0x2000  }
0x3b: {  	[sflag:s16] =	ssyncset.done $0x0  }
0x3c: {  	[sflag:s16] =	ssyncadd.s32 $0xFFFFE000  }
0x3d: {  	_ =	swait.ge [sflag:s25], $0x2000  }
0x3e: {  	[sflag:s25] =	ssyncset.done $0x0  }
0x3f: {  	[sflag:s25] =	ssyncadd.s32 $0xFFFFE000  }
0x40: {  	[spmem:s2] =	stream.indirect.scatter.add.f32 [tilespmem:s20], [sflag:$0x5], $0x40, s31, s18, $0xb8;
	[tilespmem:$0x16E00] =	vst v63  }
0x41: {  	_ =	swait.ge [sflag:s16], $0x2000  }
0x42: {  	[sflag:s16] =	ssyncset.done $0x0  }
0x43: {  	[sflag:s16] =	ssyncadd.s32 $0xFFFFE000  }
0x44: {  	_ =	swait.ge [sflag:s26], $0x2000  }
0x45: {  	[sflag:s26] =	ssyncset.done $0x0  }
0x46: {  	[sflag:s26] =	ssyncadd.s32 $0xFFFFE000  }
0x47: {  	[spmem:s2] =	stream.indirect.scatter.add.f32 [tilespmem:s22], [sflag:$0x5], $0x40, s0, s18, $0xb8;
	[tilespmem:$0x16E00] =	vst v63  }
0x48: {  	_ =	swait.ge [sflag:s16], $0x2000  }
0x49: {  	[sflag:s16] =	ssyncset.done $0x0  }
0x4a: {  	[sflag:s16] =	ssyncadd.s32 $0xFFFFE000  }
0x4b: {  	_ =	swait.ge [sflag:s28], $0x2000  }
0x4c: {  	[sflag:s28] =	ssyncset.done $0x0  }
0x4d: {  	[sflag:s28] =	ssyncadd.s32 $0xFFFFE000  }
0x4e: {  	[spmem:s2] =	stream.indirect.scatter.add.f32 [tilespmem:s23], [sflag:$0x5], $0x40, s1, s18, $0xb8;
	[tilespmem:$0x16E00] =	vst v63  }
0x4f: {  	_ =	swait.ge [sflag:s16], $0x2000  }
0x50: {  	s3 =	sadd.s32 $0x1, s3;
	[sflag:s16] =	ssyncset.done $0x0  }
0x51: {  	p1 =	sne.s32 s3, s14;
	[sflag:s16] =	ssyncadd.s32 $0xFFFFE000  }
.Ltmp1:
0x52: {  	s9 =	sadd.s32 s6, s9;
	[bflag:$0x0] =	sbarrier.arrive $0xFFFF;
	(pc) =	sbr.rel @!p1 .LBB2_9-.Ltmp1, $4  }
0x53: {  	[hbm:s9], [sflag:s8] =	dma.local [spmem:s15], $0x13C0  }
0x54: {  	_ =	swait.ge [sflag:s16], $0x13C0  }
0x55: {  	[sflag:s16] =	ssyncset.done $0x0  }
0x56: {  	[sflag:s16] =	ssyncadd.s32 $0xFFFFEC40  }
.LBB2_1:
.Ltmp2:
0x57: {  	(pc) =	sbr.rel @!p0 .LBB2_2-.Ltmp2, $4  }
0x58: {  	[spmem:s15], [sflag:s8] =	dma.local [hbm:s7], $0x13C0  }
0x59: {  	_ =	swait.ge [sflag:s16], $0x13C0  }
0x5a: {  	[sflag:s16] =	ssyncset.done $0x0  }
0x5b: {  	s9 =	simm.s32 $0x0;
	[sflag:s16] =	ssyncadd.s32 $0xFFFFEC40  }
0x5c: {  	s10 =	rddreg [dreg:$0x5]  }
0x5d: {  	[tilespmem:s9], [sflag:$0x5] =	stream.linear.gather [hbm4b:s10+s9], $0x2800, $0x38;
	[tilespmem:$0x16E00] =	vst v63  }
0x5e: {  	_ =	swait.ge [sflag:s16], $0x2800  }
0x5f: {  	[sflag:s16] =	ssyncset.done $0x0  }
0x60: {  	s17 =	simm.s32 $0x2800;
	[sflag:s16] =	ssyncadd.s32 $0xFFFFD800  }
0x61: {  	[tilespmem:s17], [sflag:$0x5] =	stream.linear.gather [hbm4b:s12+s9], $0x2800, $0x38;
	[tilespmem:$0x16E00] =	vst v63  }
0x62: {  	_ =	swait.ge [sflag:s16], $0x2800  }
0x63: {  	[sflag:s16] =	ssyncset.done $0x0  }
0x64: {  	[sflag:s16] =	ssyncadd.s32 $0xFFFFD800  }
0x65: {  	[bflag:$0x0] =	sbarrier.arrive $0xFFFF  }
0x66: {  	[tilespmem:s19], [sflag:$0x1] =	stream.indirect.gather [hbm4b:s4+s18], $0x40, s9, s18, $0xb8;
	[tilespmem:$0x16E00] =	vst v63  }
0x67: {  	_ = 	snop  }
0x68: {  	[tilespmem:s20], [sflag:$0x2] =	stream.indirect.gather [hbm4b:s4+s18], $0x40, s18, s18, $0xb8;
	[tilespmem:$0x16E00] =	vst v63  }
0x69: {  	s21 =	simm.s32 $0x100  }
0x6a: {  	[tilespmem:s22], [sflag:$0x3] =	stream.indirect.gather [hbm4b:s4+s18], $0x40, s21, s18, $0xb8;
	[tilespmem:$0x16E00] =	vst v63  }
0x6b: {  	s10 =	simm.s32 $0x180  }
0x6c: {  	[tilespmem:s23], [sflag:$0x4] =	stream.indirect.gather [hbm4b:s4+s18], $0x40, s10, s18, $0xb8;
	[tilespmem:$0x16E00] =	vst v63  }
0x6d: {  	_ =	swait.ge [sflag:s24], $0x2000  }
0x6e: {  	[sflag:s24] =	ssyncset.done $0x0  }
0x6f: {  	s11 =	simm.s32 $0x2800;
	[sflag:s24] =	ssyncadd.s32 $0xFFFFE000  }
0x70: {  	[spmem:s2] =	stream.indirect.scatter.add.f32 [tilespmem:s19], [sflag:$0x5], $0x40, s11, s18, $0xb8;
	[tilespmem:$0x16E00] =	vst v63  }
0x71: {  	_ =	swait.ge [sflag:s16], $0x2000  }
0x72: {  	[sflag:s16] =	ssyncset.done $0x0  }
0x73: {  	s17 =	simm.s32 $0x200;
	[sflag:s16] =	ssyncadd.s32 $0xFFFFE000  }
0x74: {  	[tilespmem:s19], [sflag:$0x1] =	stream.indirect.gather [hbm4b:s4+s18], $0x40, s17, s18, $0xb8;
	[tilespmem:$0x16E00] =	vst v63  }
0x75: {  	_ =	swait.ge [sflag:s25], $0x2000  }
0x76: {  	[sflag:s25] =	ssyncset.done $0x0  }
0x77: {  	s21 =	simm.s32 $0x2880;
	[sflag:s25] =	ssyncadd.s32 $0xFFFFE000  }
0x78: {  	[spmem:s2] =	stream.indirect.scatter.add.f32 [tilespmem:s20], [sflag:$0x5], $0x40, s21, s18, $0xb8;
	[tilespmem:$0x16E00] =	vst v63  }
0x79: {  	_ =	swait.ge [sflag:s16], $0x2000  }
0x7a: {  	[sflag:s16] =	ssyncset.done $0x0  }
0x7b: {  	s10 =	simm.s32 $0x280;
	[sflag:s16] =	ssyncadd.s32 $0xFFFFE000  }
0x7c: {  	[tilespmem:s20], [sflag:$0x2] =	stream.indirect.gather [hbm4b:s4+s18], $0x40, s10, s18, $0xb8;
	[tilespmem:$0x16E00] =	vst v63  }
0x7d: {  	_ =	swait.ge [sflag:s26], $0x2000  }
0x7e: {  	[sflag:s26] =	ssyncset.done $0x0  }
0x7f: {  	s11 =	simm.s32 $0x2900;
	[sflag:s26] =	ssyncadd.s32 $0xFFFFE000  }
0x80: {  	[spmem:s2] =	stream.indirect.scatter.add.f32 [tilespmem:s22], [sflag:$0x5], $0x40, s11, s18, $0xb8;
	[tilespmem:$0x16E00] =	vst v63  }
0x81: {  	_ =	swait.ge [sflag:s16], $0x2000  }
0x82: {  	[sflag:s16] =	ssyncset.done $0x0  }
0x83: {  	s17 =	simm.s32 $0x300;
	[sflag:s16] =	ssyncadd.s32 $0xFFFFE000  }
0x84: {  	[tilespmem:s22], [sflag:$0x3] =	stream.indirect.gather [hbm4b:s4+s18], $0x40, s17, s18, $0xb8;
	[tilespmem:$0x16E00] =	vst v63  }
0x85: {  	_ =	swait.ge [sflag:s28], $0x2000  }
0x86: {  	[sflag:s28] =	ssyncset.done $0x0  }
0x87: {  	s21 =	simm.s32 $0x2980;
	[sflag:s28] =	ssyncadd.s32 $0xFFFFE000  }
0x88: {  	[spmem:s2] =	stream.indirect.scatter.add.f32 [tilespmem:s23], [sflag:$0x5], $0x40, s21, s18, $0xb8;
	[tilespmem:$0x16E00] =	vst v63  }
0x89: {  	_ =	swait.ge [sflag:s16], $0x2000  }
0x8a: {  	s10 =	simm.s32 $0x1000;
	s17 =	simm.s32 $0x200;
	[sflag:s16] =	ssyncset.done $0x0  }
.LBB2_6:
0x8b: {  	s11 =	sadd.s32 $0x180, s17  }
0x8c: {  	[sflag:s16] =	ssyncadd.s32 $0xFFFFE000;
	s9 =	smov.u32 s10;
	s21 =	sadd.s32 $0x800, s10  }
0x8d: {  	[tilespmem:s23], [sflag:$0x4] =	stream.indirect.gather [hbm4b:s4+s18], $0x40, s11, s18, $0xb8;
	[tilespmem:$0x16E00] =	vst v63  }
0x8e: {  	p1 =	sne.s32 s10, $0x9000;
	_ =	swait.ge [sflag:s24], $0x2000  }
0x8f: {  	[sflag:s24] =	ssyncset.done $0x0  }
0x90: {  	s10 =	sadd.s32 $0x2800, s17;
	[sflag:s24] =	ssyncadd.s32 $0xFFFFE000  }
0x91: {  	[spmem:s2] =	stream.indirect.scatter.add.f32 [tilespmem:s19], [sflag:$0x5], $0x40, s10, s18, $0xb8;
	[tilespmem:$0x16E00] =	vst v63  }
0x92: {  	_ =	swait.ge [sflag:s16], $0x2000  }
0x93: {  	[sflag:s16] =	ssyncset.done $0x0  }
0x94: {  	s10 =	sadd.s32 $0x200, s17;
	[sflag:s16] =	ssyncadd.s32 $0xFFFFE000  }
0x95: {  	[tilespmem:s19], [sflag:$0x1] =	stream.indirect.gather [hbm4b:s4+s18], $0x40, s10, s18, $0xb8;
	[tilespmem:$0x16E00] =	vst v63  }
0x96: {  	_ =	swait.ge [sflag:s25], $0x2000  }
0x97: {  	[sflag:s25] =	ssyncset.done $0x0  }
0x98: {  	s10 =	sadd.s32 $0x2880, s17;
	[sflag:s25] =	ssyncadd.s32 $0xFFFFE000  }
0x99: {  	[spmem:s2] =	stream.indirect.scatter.add.f32 [tilespmem:s20], [sflag:$0x5], $0x40, s10, s18, $0xb8;
	[tilespmem:$0x16E00] =	vst v63  }
0x9a: {  	_ =	swait.ge [sflag:s16], $0x2000  }
0x9b: {  	[sflag:s16] =	ssyncset.done $0x0  }
0x9c: {  	s10 =	sadd.s32 $0x280, s17;
	[sflag:s16] =	ssyncadd.s32 $0xFFFFE000  }
0x9d: {  	[tilespmem:s20], [sflag:$0x2] =	stream.indirect.gather [hbm4b:s4+s18], $0x40, s10, s18, $0xb8;
	[tilespmem:$0x16E00] =	vst v63  }
0x9e: {  	_ =	swait.ge [sflag:s26], $0x2000  }
0x9f: {  	[sflag:s26] =	ssyncset.done $0x0  }
0xa0: {  	s10 =	sadd.s32 $0x2900, s17;
	[sflag:s26] =	ssyncadd.s32 $0xFFFFE000  }
0xa1: {  	[spmem:s2] =	stream.indirect.scatter.add.f32 [tilespmem:s22], [sflag:$0x5], $0x40, s10, s18, $0xb8;
	[tilespmem:$0x16E00] =	vst v63  }
0xa2: {  	_ =	swait.ge [sflag:s16], $0x2000  }
0xa3: {  	[sflag:s16] =	ssyncset.done $0x0  }
0xa4: {  	s10 =	sadd.s32 $0x300, s17;
	[sflag:s16] =	ssyncadd.s32 $0xFFFFE000  }
0xa5: {  	[tilespmem:s22], [sflag:$0x3] =	stream.indirect.gather [hbm4b:s4+s18], $0x40, s10, s18, $0xb8;
	[tilespmem:$0x16E00] =	vst v63  }
0xa6: {  	_ =	swait.ge [sflag:s28], $0x2000  }
.Ltmp3:
0xa7: {  	[sflag:s28] =	ssyncset.done $0x0;
	(pc) =	sbr.rel @p1 .LBB2_6-.Ltmp3, $4  }
0xa8: {  	s10 =	sadd.s32 $0x2980, s17;
	[sflag:s28] =	ssyncadd.s32 $0xFFFFE000  }
0xa9: {  	[spmem:s2] =	stream.indirect.scatter.add.f32 [tilespmem:s23], [sflag:$0x5], $0x40, s10, s18, $0xb8;
	[tilespmem:$0x16E00] =	vst v63  }
0xaa: {  	_ =	swait.ge [sflag:s16], $0x2000  }
0xab: {  	s17 =	sshra.s32 s9, $0x2;
	s10 =	smov.u32 s21;
	[sflag:s16] =	ssyncset.done $0x0  }
.Ltmp4:
0xac: {  	_ = 	snop;
	(pc) =	sbr.rel .LBB2_7-.Ltmp4, $1  }
0xad: {  	_ =	sdelay $0x3  }
.LBB2_2:
0xae: {  	s10 =	rddreg [dreg:$0x3]  }
0xaf: {  	[tilespmem:s9], [sflag:$0x5] =	stream.linear.gather [hbm4b:s10+s9], $0x2800, $0x38;
	[tilespmem:$0x16E00] =	vst v63  }
0xb0: {  	_ =	swait.ge [sflag:s16], $0x2800  }
0xb1: {  	[sflag:s16] =	ssyncset.done $0x0  }
0xb2: {  	s11 =	simm.s32 $0x2800;
	s17 =	rddreg [dreg:$0x4];
	[sflag:s16] =	ssyncadd.s32 $0xFFFFD800  }
0xb3: {  	[tilespmem:s11], [sflag:$0x5] =	stream.linear.gather [hbm4b:s17+s9], $0x2800, $0x38;
	[tilespmem:$0x16E00] =	vst v63  }
0xb4: {  	_ =	swait.ge [sflag:s16], $0x2800  }
0xb5: {  	[sflag:s16] =	ssyncset.done $0x0  }
0xb6: {  	[sflag:s16] =	ssyncadd.s32 $0xFFFFD800  }
0xb7: {  	[bflag:$0x0] =	sbarrier.arrive $0xFFFF  }
0xb8: {  	[tilespmem:s19], [sflag:$0x1] =	stream.indirect.gather [hbm4b:s4+s18], $0x40, s9, s18, $0xb8;
	[tilespmem:$0x16E00] =	vst v63  }
0xb9: {  	_ = 	snop  }
0xba: {  	[tilespmem:s20], [sflag:$0x2] =	stream.indirect.gather [hbm4b:s4+s18], $0x40, s18, s18, $0xb8;
	[tilespmem:$0x16E00] =	vst v63  }
0xbb: {  	s21 =	simm.s32 $0x100  }
0xbc: {  	[tilespmem:s22], [sflag:$0x3] =	stream.indirect.gather [hbm4b:s4+s18], $0x40, s21, s18, $0xb8;
	[tilespmem:$0x16E00] =	vst v63  }
0xbd: {  	s10 =	simm.s32 $0x180  }
0xbe: {  	[tilespmem:s23], [sflag:$0x4] =	stream.indirect.gather [hbm4b:s4+s18], $0x40, s10, s18, $0xb8;
	[tilespmem:$0x16E00] =	vst v63  }
0xbf: {  	_ =	swait.ge [sflag:s24], $0x2000  }
0xc0: {  	[sflag:s24] =	ssyncset.done $0x0  }
0xc1: {  	s11 =	simm.s32 $0x2800;
	[sflag:s24] =	ssyncadd.s32 $0xFFFFE000  }
0xc2: {  	[spmem:s2] =	stream.indirect.scatter.add.f32 [tilespmem:s19], [sflag:$0x5], $0x40, s11, s18, $0xb8;
	[tilespmem:$0x16E00] =	vst v63  }
0xc3: {  	_ =	swait.ge [sflag:s16], $0x2000  }
0xc4: {  	[sflag:s16] =	ssyncset.done $0x0  }
0xc5: {  	s17 =	simm.s32 $0x200;
	[sflag:s16] =	ssyncadd.s32 $0xFFFFE000  }
0xc6: {  	[tilespmem:s19], [sflag:$0x1] =	stream.indirect.gather [hbm4b:s4+s18], $0x40, s17, s18, $0xb8;
	[tilespmem:$0x16E00] =	vst v63  }
0xc7: {  	_ =	swait.ge [sflag:s25], $0x2000  }
0xc8: {  	[sflag:s25] =	ssyncset.done $0x0  }
0xc9: {  	s21 =	simm.s32 $0x2880;
	[sflag:s25] =	ssyncadd.s32 $0xFFFFE000  }
0xca: {  	[spmem:s2] =	stream.indirect.scatter.add.f32 [tilespmem:s20], [sflag:$0x5], $0x40, s21, s18, $0xb8;
	[tilespmem:$0x16E00] =	vst v63  }
0xcb: {  	_ =	swait.ge [sflag:s16], $0x2000  }
0xcc: {  	[sflag:s16] =	ssyncset.done $0x0  }
0xcd: {  	s10 =	simm.s32 $0x280;
	[sflag:s16] =	ssyncadd.s32 $0xFFFFE000  }
0xce: {  	[tilespmem:s20], [sflag:$0x2] =	stream.indirect.gather [hbm4b:s4+s18], $0x40, s10, s18, $0xb8;
	[tilespmem:$0x16E00] =	vst v63  }
0xcf: {  	_ =	swait.ge [sflag:s26], $0x2000  }
0xd0: {  	[sflag:s26] =	ssyncset.done $0x0  }
0xd1: {  	s11 =	simm.s32 $0x2900;
	[sflag:s26] =	ssyncadd.s32 $0xFFFFE000  }
0xd2: {  	[spmem:s2] =	stream.indirect.scatter.add.f32 [tilespmem:s22], [sflag:$0x5], $0x40, s11, s18, $0xb8;
	[tilespmem:$0x16E00] =	vst v63  }
0xd3: {  	_ =	swait.ge [sflag:s16], $0x2000  }
0xd4: {  	[sflag:s16] =	ssyncset.done $0x0  }
0xd5: {  	s17 =	simm.s32 $0x300;
	[sflag:s16] =	ssyncadd.s32 $0xFFFFE000  }
0xd6: {  	[tilespmem:s22], [sflag:$0x3] =	stream.indirect.gather [hbm4b:s4+s18], $0x40, s17, s18, $0xb8;
	[tilespmem:$0x16E00] =	vst v63  }
0xd7: {  	_ =	swait.ge [sflag:s28], $0x2000  }
0xd8: {  	[sflag:s28] =	ssyncset.done $0x0  }
0xd9: {  	s21 =	simm.s32 $0x2980;
	[sflag:s28] =	ssyncadd.s32 $0xFFFFE000  }
0xda: {  	[spmem:s2] =	stream.indirect.scatter.add.f32 [tilespmem:s23], [sflag:$0x5], $0x40, s21, s18, $0xb8;
	[tilespmem:$0x16E00] =	vst v63  }
0xdb: {  	_ =	swait.ge [sflag:s16], $0x2000  }
0xdc: {  	s17 =	simm.s32 $0x200;
	s21 =	simm.s32 $0x1000;
	[sflag:s16] =	ssyncset.done $0x0  }
.LBB2_3:
0xdd: {  	s11 =	sadd.s32 $0x180, s17  }
0xde: {  	[sflag:s16] =	ssyncadd.s32 $0xFFFFE000;
	s9 =	smov.u32 s21;
	s10 =	sadd.s32 $0x800, s21  }
0xdf: {  	[tilespmem:s23], [sflag:$0x4] =	stream.indirect.gather [hbm4b:s4+s18], $0x40, s11, s18, $0xb8;
	[tilespmem:$0x16E00] =	vst v63  }
0xe0: {  	p1 =	seq.s32 s21, $0x9000;
	_ =	swait.ge [sflag:s24], $0x2000  }
0xe1: {  	[sflag:s24] =	ssyncset.done $0x0  }
0xe2: {  	s11 =	sadd.s32 $0x2800, s17;
	[sflag:s24] =	ssyncadd.s32 $0xFFFFE000  }
0xe3: {  	[spmem:s2] =	stream.indirect.scatter.add.f32 [tilespmem:s19], [sflag:$0x5], $0x40, s11, s18, $0xb8;
	[tilespmem:$0x16E00] =	vst v63  }
0xe4: {  	_ =	swait.ge [sflag:s16], $0x2000  }
0xe5: {  	[sflag:s16] =	ssyncset.done $0x0  }
0xe6: {  	s11 =	sadd.s32 $0x200, s17;
	[sflag:s16] =	ssyncadd.s32 $0xFFFFE000  }
0xe7: {  	[tilespmem:s19], [sflag:$0x1] =	stream.indirect.gather [hbm4b:s4+s18], $0x40, s11, s18, $0xb8;
	[tilespmem:$0x16E00] =	vst v63  }
0xe8: {  	_ =	swait.ge [sflag:s25], $0x2000  }
0xe9: {  	[sflag:s25] =	ssyncset.done $0x0  }
0xea: {  	s11 =	sadd.s32 $0x2880, s17;
	[sflag:s25] =	ssyncadd.s32 $0xFFFFE000  }
0xeb: {  	[spmem:s2] =	stream.indirect.scatter.add.f32 [tilespmem:s20], [sflag:$0x5], $0x40, s11, s18, $0xb8;
	[tilespmem:$0x16E00] =	vst v63  }
0xec: {  	_ =	swait.ge [sflag:s16], $0x2000  }
0xed: {  	[sflag:s16] =	ssyncset.done $0x0  }
0xee: {  	s11 =	sadd.s32 $0x280, s17;
	[sflag:s16] =	ssyncadd.s32 $0xFFFFE000  }
0xef: {  	[tilespmem:s20], [sflag:$0x2] =	stream.indirect.gather [hbm4b:s4+s18], $0x40, s11, s18, $0xb8;
	[tilespmem:$0x16E00] =	vst v63  }
0xf0: {  	_ =	swait.ge [sflag:s26], $0x2000  }
0xf1: {  	[sflag:s26] =	ssyncset.done $0x0  }
0xf2: {  	s11 =	sadd.s32 $0x2900, s17;
	[sflag:s26] =	ssyncadd.s32 $0xFFFFE000  }
0xf3: {  	[spmem:s2] =	stream.indirect.scatter.add.f32 [tilespmem:s22], [sflag:$0x5], $0x40, s11, s18, $0xb8;
	[tilespmem:$0x16E00] =	vst v63  }
0xf4: {  	_ =	swait.ge [sflag:s16], $0x2000  }
0xf5: {  	[sflag:s16] =	ssyncset.done $0x0  }
0xf6: {  	s11 =	sadd.s32 $0x300, s17;
	[sflag:s16] =	ssyncadd.s32 $0xFFFFE000  }
0xf7: {  	[tilespmem:s22], [sflag:$0x3] =	stream.indirect.gather [hbm4b:s4+s18], $0x40, s11, s18, $0xb8;
	[tilespmem:$0x16E00] =	vst v63  }
0xf8: {  	_ =	swait.ge [sflag:s28], $0x2000  }
.Ltmp5:
0xf9: {  	[sflag:s28] =	ssyncset.done $0x0;
	(pc) =	sbr.rel @!p1 .LBB2_3-.Ltmp5, $4  }
0xfa: {  	s11 =	sadd.s32 $0x2980, s17;
	[sflag:s28] =	ssyncadd.s32 $0xFFFFE000  }
0xfb: {  	[spmem:s2] =	stream.indirect.scatter.add.f32 [tilespmem:s23], [sflag:$0x5], $0x40, s11, s18, $0xb8;
	[tilespmem:$0x16E00] =	vst v63  }
0xfc: {  	_ =	swait.ge [sflag:s16], $0x2000  }
0xfd: {  	s21 =	smov.u32 s10;
	s17 =	sshra.s32 s9, $0x2;
	[sflag:s16] =	ssyncset.done $0x0  }
0xfe: {  	s9 =	sadd.s32 $0x180, s17;
	[sflag:s16] =	ssyncadd.s32 $0xFFFFE000  }
0xff: {  	[tilespmem:s23], [sflag:$0x4] =	stream.indirect.gather [hbm4b:s4+s18], $0x40, s9, s18, $0xb8;
	[tilespmem:$0x16E00] =	vst v63  }
0x100: {  	_ =	swait.ge [sflag:s24], $0x2000  }
0x101: {  	[sflag:s24] =	ssyncset.done $0x0  }
0x102: {  	s21 =	sadd.s32 $0x2800, s17;
	[sflag:s24] =	ssyncadd.s32 $0xFFFFE000  }
0x103: {  	[spmem:s2] =	stream.indirect.scatter.add.f32 [tilespmem:s19], [sflag:$0x5], $0x40, s21, s18, $0xb8;
	[tilespmem:$0x16E00] =	vst v63  }
0x104: {  	_ =	swait.ge [sflag:s16], $0x2000  }
0x105: {  	[sflag:s16] =	ssyncset.done $0x0  }
0x106: {  	s10 =	sadd.s32 $0x200, s17;
	[sflag:s16] =	ssyncadd.s32 $0xFFFFE000  }
0x107: {  	[tilespmem:s19], [sflag:$0x1] =	stream.indirect.gather [hbm4b:s4+s18], $0x40, s10, s18, $0xb8;
	[tilespmem:$0x16E00] =	vst v63  }
0x108: {  	_ =	swait.ge [sflag:s25], $0x2000  }
0x109: {  	[sflag:s25] =	ssyncset.done $0x0  }
0x10a: {  	s11 =	sadd.s32 $0x2880, s17;
	[sflag:s25] =	ssyncadd.s32 $0xFFFFE000  }
0x10b: {  	[spmem:s2] =	stream.indirect.scatter.add.f32 [tilespmem:s20], [sflag:$0x5], $0x40, s11, s18, $0xb8;
	[tilespmem:$0x16E00] =	vst v63  }
0x10c: {  	_ =	swait.ge [sflag:s16], $0x2000  }
0x10d: {  	[sflag:s16] =	ssyncset.done $0x0  }
0x10e: {  	s21 =	sadd.s32 $0x280, s17;
	[sflag:s16] =	ssyncadd.s32 $0xFFFFE000  }
0x10f: {  	[tilespmem:s20], [sflag:$0x2] =	stream.indirect.gather [hbm4b:s4+s18], $0x40, s21, s18, $0xb8;
	[tilespmem:$0x16E00] =	vst v63  }
0x110: {  	_ =	swait.ge [sflag:s26], $0x2000  }
0x111: {  	[sflag:s26] =	ssyncset.done $0x0  }
0x112: {  	s10 =	sadd.s32 $0x2900, s17;
	[sflag:s26] =	ssyncadd.s32 $0xFFFFE000  }
0x113: {  	[spmem:s2] =	stream.indirect.scatter.add.f32 [tilespmem:s22], [sflag:$0x5], $0x40, s10, s18, $0xb8;
	[tilespmem:$0x16E00] =	vst v63  }
0x114: {  	_ =	swait.ge [sflag:s16], $0x2000  }
0x115: {  	[sflag:s16] =	ssyncset.done $0x0  }
0x116: {  	s11 =	sadd.s32 $0x300, s17;
	[sflag:s16] =	ssyncadd.s32 $0xFFFFE000  }
0x117: {  	[tilespmem:s22], [sflag:$0x3] =	stream.indirect.gather [hbm4b:s4+s18], $0x40, s11, s18, $0xb8;
	[tilespmem:$0x16E00] =	vst v63  }
0x118: {  	_ =	swait.ge [sflag:s28], $0x2000  }
0x119: {  	[sflag:s28] =	ssyncset.done $0x0  }
.Ltmp6:
0x11a: {  	s21 =	sadd.s32 $0x2980, s17;
	[sflag:s28] =	ssyncadd.s32 $0xFFFFE000;
	(pc) =	sbr.rel .LBB2_8-.Ltmp6, $4  }
0x11b: {  	[spmem:s2] =	stream.indirect.scatter.add.f32 [tilespmem:s23], [sflag:$0x5], $0x40, s21, s18, $0xb8;
	[tilespmem:$0x16E00] =	vst v63  }
0x11c: {  	_ =	swait.ge [sflag:s16], $0x2000  }
0x11d: {  	[sflag:s16] =	ssyncset.done $0x0  }
0x11e: {  	s9 =	smov.u32 s5;
	[sflag:s16] =	ssyncadd.s32 $0xFFFFE000  }
.LBB2_9:
0x11f: {  	_ =	sfence.sel $0x180000  }
0x120: {  	[bflag:$0x0] =	sbarrier.arrive $0xFFFF  }
0x121: {  	_ =	strace $0x9000004A  }
0x122: {  	s0 =	stileid.u32;
	[bflag:$0x2] =	sbarrier.arrive $0xFFFF  }
0x123: {  	p0 =	sne.s32 s0, $0x0;
	s0 =	rddreg [dreg:$0x2]  }
0x124: {  	s0 =	sadd.s32 @!p0 $0x100000, s0  }
0x125: {  	[sflag:s0] =	ssyncadd.tile.s32 @!p0 $0x1;
	_ =	shalt  }
.Lfunc_end2:
_tile_overlayer_lowered:
.L_overlay_start_2:
0x126: {  	(tag) =	ssettag $0x2  }
0x127: {  	s0 =	rddreg [dreg:$0x0];
	s2 =	stileid.u32  }
0x128: {  	s1 =	rddreg [dreg:$0x1];
	p0 =	sne.s32 s2, $0x0  }
0x129: {  	s3 =	rddreg [dreg:$0x2];
	[bflag:$0x3] =	sbarrier.arrive $0xFFFF;
	s2 =	simm.s32 @!p0 $0x1C05  }
0x12a: {  	[timem:s3], [sflag:s2] =	dma.local @!p0 [hbm:s0], s1  }
0x12b: {  	s0 =	simm.s32 @!p0 $0x5  }
0x12c: {  	_ =	swait.ge @!p0 [sflag:s0], s1  }
0x12d: {  	s1 =	ssub.s32 @!p0 $0x0, s1;
	[sflag:s0] =	ssyncset.done @!p0 $0x0  }
0x12e: {  	[sflag:s0] =	ssyncadd.s32 @!p0 s1  }
0x12f: {  	[bflag:$0x3] =	sbarrier.arrive $0xFFFF  }
0x130: {  	_ =	shalt  }

// kernel: kernel.19.cloned.1.call-start
scs
__scs_entry_jumppad:
0x0: {  	(pc) =	sbr.rel $0x88, $3  }
0x1: {  	(tag) =	ssettag $0x0;
	lr =	simm.s32 $0x1  }
0x2: {  	[smem:$0x3F8F] =	sst lr;
	_ =	strace $0xD0000000  }
0x3: {  	_ = 	snop  }
0x4: {  	_ = 	snop  }
0x5: {  	_ = 	snop  }
0x6: {  	_ = 	snop  }
0x7: {  	_ = 	snop  }
__scs_overlays_trampoline_lowered:
0x8: {  	[smem:$0x3F9E] =	sst s0  }
0x9: {  	[smem:$0x3F9F] =	sst s1  }
0xa: {  	[smem:$0x3FA0] =	sst s2  }
0xb: {  	[smem:$0x3FA1] =	sst s3  }
0xc: {  	[smem:$0x3FA2] =	sst s4  }
0xd: {  	[smem:$0x3FA3] =	sst s5  }
0xe: {  	[smem:$0x3FA4] =	sst s6  }
0xf: {  	[smem:$0x3FA5] =	sst s7  }
0x10: {  	[smem:$0x3FA6] =	sst s8  }
0x11: {  	[smem:$0x3FA7] =	sst s9;
	s0 =	simm.s32 @!p0 $0x0  }
0x12: {  	s1 =	sld [smem:$0x3F8D];
	s0 =	simm.s32 @p0 $0x1  }
0x13: {  	[smem:$0x3FA8] =	sst s0;
	s0 =	simm.s32 @!p1 $0x0  }
0x14: {  	s2 =	sld [smem:$0x3F8C];
	s0 =	simm.s32 @p1 $0x1  }
0x15: {  	[smem:$0x3FA9] =	sst s0;
	s0 =	simm.s32 @!p2 $0x0  }
0x16: {  	s3 =	sld [smem:$0x3FDB];
	s0 =	simm.s32 @p2 $0x1  }
0x17: {  	s4 =	simm.s32 $0x1BF5;
	[smem:$0x3FAB] =	sst s0  }
0x18: {  	s0 =	sld [smem:$0x3F8E];
	_ =	swait.ge [sflag:s4], $0x0  }
0x19: {  	s7 =	sld [smem:$0x3F8F]  }
0x1a: {  	s8 =	sadd.s32 $0xFFFFE003, lr  }
0x1b: {  	s9 =	sadd.s32 $0xFFFFFEF7, lr;
	s5 =	simm.s32 $0xFFFFFFFF;
	p2 =	slt.u32 s8, $0xFFFFF086  }
0x1c: {  	p1 =	slt.u32 s9, $0xF7A;
	s5 =	simm.s32 @!p2 $0x0  }
0x1d: {  	s5 =	simm.s32 @p1 $0x1;
	p0 =	seq.s32 s7, s2  }
0x1e: {  	s7 =	smul.u32 @!p0 $0xF7A, s2;
	p2 =	seq.s32 @!p0 s5, $0x0  }
0x1f: {  	s9 =	smul.u32 $0xF7A, s1;
	s8 =	simm.s32 @!p0 $0x1BF5;
	p2 =	por !p2, p0  }
0x20: {  	[sflag:s8] =	ssyncset.s32 @!p0 $0xFFFFF086;
	s6 =	sadd.s32 @!p0 s3, s7;
	s7 =	simm.s32 @!p0 $0x108  }
0x21: {  	s3 =	sadd.s32 s3, s9;
	s6 =	sadd.s32 @!p0 $0x88, s6;
	s7 =	simm.s32 @p2 $0x1082  }
0x22: {  	[simem:s7], [sflag:s8] =	dma.local @!p0 [hbm:s6], $0xF7A  }
0x23: {  	s9 =	sor.u32 $0xD0000000, s2;
	s6 =	simm.s32 $0x108;
	_ =	swait.ge @!p0 [sflag:s8], $0x0  }
0x24: {  	s3 =	sadd.s32 $0x88, s3;
	s6 =	simm.s32 @!p1 $0x1082;
	[sflag:s4] =	ssyncset.s32 $0xFFFFF086  }
0x25: {  	[simem:s6], [sflag:s4] =	dma.local [hbm:s3], $0xF7A  }
0x26: {  	[smem:$0x3F8F] =	sst s1;
	(tag) =	ssettag s2;
	_ =	strace s9  }
0x27: {  	s1 =	sld [smem:$0x3F9F]  }
0x28: {  	s2 =	sld [smem:$0x3FA0]  }
0x29: {  	s4 =	sld [smem:$0x3FA2]  }
0x2a: {  	p0 =	seq.s32 s5, $0x0;
	s5 =	sld [smem:$0x3FA3]  }
0x2b: {  	s6 =	sld [smem:$0x3FA4]  }
0x2c: {  	s7 =	sld [smem:$0x3FA5]  }
0x2d: {  	s3 =	simm.s32 $0x108;
	s8 =	sld [smem:$0x3FA6]  }
0x2e: {  	s3 =	simm.s32 @!p0 $0x1082;
	s9 =	sld [smem:$0x3FA7]  }
0x2f: {  	lr =	sadd.s32 s0, s3;
	s0 =	sld [smem:$0x3F9E]  }
0x30: {  	s3 =	sld [smem:$0x3FA1]  }
0x31: {  	[smem:$0x3FAA] =	sst s10  }
0x32: {  	s10 =	sld [smem:$0x3FA8];
	_ =	sdelay $0x3  }
0x33: {  	p0 =	seq.s32 s10, $0x1;
	s10 =	sld [smem:$0x3FAA];
	_ =	sdelay $0x3  }
0x34: {  	[smem:$0x3FAA] =	sst s10  }
0x35: {  	s10 =	sld [smem:$0x3FA9];
	_ =	sdelay $0x3  }
0x36: {  	p1 =	seq.s32 s10, $0x1;
	s10 =	sld [smem:$0x3FAA];
	_ =	sdelay $0x3  }
0x37: {  	[smem:$0x3FAA] =	sst s10  }
0x38: {  	s10 =	sld [smem:$0x3FAB]  }
0x39: {  	_ = 	snop;
	(pc) =	sbr.ind lr, $3  }
0x3a: {  	_ = 	snop  }
0x3b: {  	_ = 	snop  }
0x3c: {  	p2 =	seq.s32 s10, $0x1;
	s10 =	sld [smem:$0x3FAA]  }
0x3d: {  	_ =	shalt  }
0x3e: {  	_ =	shalt  }
0x3f: {  	_ =	shalt  }
0x40: {  	_ =	shalt  }
0x41: {  	_ =	shalt  }
0x42: {  	_ =	shalt  }
0x43: {  	_ =	shalt  }
0x44: {  	_ =	shalt  }
0x45: {  	_ =	shalt  }
0x46: {  	_ =	shalt  }
0x47: {  	_ =	shalt  }
0x48: {  	_ =	shalt  }
0x49: {  	_ =	shalt  }
0x4a: {  	_ =	shalt  }
0x4b: {  	_ =	shalt  }
0x4c: {  	_ =	shalt  }
0x4d: {  	_ =	shalt  }
0x4e: {  	_ =	shalt  }
0x4f: {  	_ =	shalt  }
0x50: {  	_ =	shalt  }
0x51: {  	_ =	shalt  }
0x52: {  	_ =	shalt  }
0x53: {  	_ =	shalt  }
0x54: {  	_ =	shalt  }
0x55: {  	_ =	shalt  }
0x56: {  	_ =	shalt  }
0x57: {  	_ =	shalt  }
0x58: {  	_ =	shalt  }
0x59: {  	_ =	shalt  }
0x5a: {  	_ =	shalt  }
0x5b: {  	_ =	shalt  }
0x5c: {  	_ =	shalt  }
0x5d: {  	_ =	shalt  }
0x5e: {  	_ =	shalt  }
0x5f: {  	_ =	shalt  }
0x60: {  	_ =	shalt  }
0x61: {  	_ =	shalt  }
0x62: {  	_ =	shalt  }
0x63: {  	_ =	shalt  }
0x64: {  	_ =	shalt  }
0x65: {  	_ =	shalt  }
0x66: {  	_ =	shalt  }
0x67: {  	_ =	shalt  }
0x68: {  	_ =	shalt  }
0x69: {  	_ =	shalt  }
0x6a: {  	_ =	shalt  }
0x6b: {  	_ =	shalt  }
0x6c: {  	_ =	shalt  }
0x6d: {  	_ =	shalt  }
0x6e: {  	_ =	shalt  }
0x6f: {  	_ =	shalt  }
0x70: {  	_ =	shalt  }
0x71: {  	_ =	shalt  }
0x72: {  	_ =	shalt  }
0x73: {  	_ =	shalt  }
0x74: {  	_ =	shalt  }
0x75: {  	_ =	shalt  }
0x76: {  	_ =	shalt  }
0x77: {  	_ =	shalt  }
0x78: {  	_ =	shalt  }
0x79: {  	_ =	shalt  }
0x7a: {  	_ =	shalt  }
0x7b: {  	_ =	shalt  }
0x7c: {  	_ =	shalt  }
0x7d: {  	_ =	shalt  }
0x7e: {  	_ =	shalt  }
0x7f: {  	_ =	shalt  }
0x80: {  	_ =	shalt  }
0x81: {  	_ =	shalt  }
0x82: {  	_ =	shalt  }
0x83: {  	_ =	shalt  }
0x84: {  	_ =	shalt  }
0x85: {  	_ =	shalt  }
0x86: {  	_ =	shalt  }
0x87: {  	_ =	shalt  }
.Lfunc_end0:
.L_simem_size_0:
called_computation.2_lowered:
.L_overlay_start_0:
0x88: {  	s2 =	sld [smem:$0x3FD9]  }
0x89: {  	s3 =	sld [smem:$0x3FFE];
	_ =	sdelay $0x1  }
0x8a: {  	s1 =	srdreg.scid  }
0x8b: {  	s0 =	sand.u32 $0x1, s1  }
0x8c: {  	s16 =	sshll.u32 s0, $0xA;
	s2 =	sadd.s32 s3, s2  }
0x8d: {  	s2 =	sadd.s32 s2, s16  }
0x8e: {  	[smem:$0x3FB6] =	sst s2  }
0x8f: {  	_ = 	snop  }
0x90: {  	(tm) =	ssettm $0x1  }
0x91: {  	s17 =	sld [smem:$0x3FFB];
	_ =	sdelay $0x3  }
0x92: {  	_ =	strace s17  }
0x93: {  	s2 =	sld [smem:$0x3FFC];
	_ =	sdelay $0x3  }
0x94: {  	_ =	strace s2  }
0x95: {  	s2 =	sld [smem:$0x3FFD];
	_ =	sdelay $0x3  }
0x96: {  	_ =	strace s2  }
0x97: {  	_ =	strace $0x8FFFFFFF  }
0x98: {  	s18 =	sld [smem:$0x3FDB];
	_ =	sdelay $0x1  }
0x99: {  	s19 =	simm.s32 $_scs_section_size  }
0x9a: {  	s4 =	simm.s32 $_size__tile_overlayer_lowered;
	s5 =	simm.s32 $_tile_overlayer_lowered  }
0x9b: {  	s22 =	simm.s32 $0x1BFF;
	s21 =	sshll.u32 s5, $0x1;
	s2 =	sadd.s32 s19, s18  }
0x9c: {  	s6 =	simm.s32 $0x0;
	s20 =	sshll.u32 s4, $0x1;
	s4 =	sadd.s32 s21, s2  }
0x9d: {  	[timem:s6], [sflag:s22] =	dma.local [hbm:s4], s20  }
0x9e: {  	_ =	swait.ge [sflag:s22], s20  }
0x9f: {  	s3 =	ssub.s32 $0x0, s20;
	[sflag:s22] =	ssyncset.done $0x0  }
0xa0: {  	[sflag:s22] =	ssyncadd.s32 s3;
	_ =	sdelay $0x1  }
0xa1: {  	s23 =	simm.s32 $0x1B8B  }
0xa2: {  	_ =	swait.ge [sflag:s23], $0x1  }
0xa3: {  	[sflag:s23] =	ssyncset.done $0x0  }
0xa4: {  	s25 =	simm.s32 $0x1B8E;
	s24 =	sld [smem:$0x3FFE];
	[sflag:s23] =	ssyncadd.s32 $0xFFFFFFFF  }
0xa5: {  	s26 =	simm.s32 $execute0_lowered;
	[smem:$0x3FD2] =	sst s25  }
0xa6: {  	s4 =	sshll.u32 s26, $0x1;
	_ =	strace $0x8000004C;
	[dreg:$0x1] =	wrdreg $0xFFFFFFFF  }
0xa7: {  	s28 =	simm.s32 $_size_execute0_lowered;
	s2 =	sadd.s32 s2, s4;
	[dreg:$0x0] =	wrdreg $0x0  }
0xa8: {  	s4 =	sshll.u32 s28, $0x1;
	[dreg:$0x2] =	wrdreg s2  }
0xa9: {  	[dreg:$0x3] =	wrdreg s4  }
0xaa: {  	[dreg:$0x4] =	wrdreg $0xC0  }
0xab: {  	_ =	task [dreg:s6], $0x5FFFF  }
0xac: {  	[dreg:$0x1] =	wrdreg $0xFFFFFFFF  }
0xad: {  	[dreg:$0x0] =	wrdreg $0x60  }
0xae: {  	[dreg:$0x2] =	wrdreg s24  }
0xaf: {  	[dreg:$0x3] =	wrdreg $0xD0000  }
0xb0: {  	[dreg:$0x4] =	wrdreg $0x9  }
0xb1: {  	_ =	task.clear_ibuf [dreg:s6], $0x5FFFF;
	_ =	strace $0x9000004C  }
0xb2: {  	s29 =	simm.s32 $0x9;
	_ =	strace $0x8000004E  }
0xb3: {  	_ =	swait.ge [sflag:s29], $0x1  }
0xb4: {  	[sflag:s29] =	ssyncadd.s32 $0xFFFFFFFF  }
0xb5: {  	_ =	strace $0x9000004E  }
0xb6: {  	_ =	sfence  }
0xb7: {  	s30 =	sld [smem:$0x0];
	_ =	sdelay $0x2  }
0xb8: {  	s31 =	sshll.u32 s1, $0xD;
	s1 =	sshrl.u32 s1, $0x2  }
0xb9: {  	s3 =	sand.u32 $0x4000, s31;
	s1 =	sadd.s32 s1, s30  }
0xba: {  	s0 =	sor.u32 s3, s0;
	s1 =	sshll.u32 s1, $0x11  }
0xbb: {  	s0 =	sor.u32 s1, s0  }
0xbc: {  	s0 =	sadd.s32 $0x8F2B, s0  }
0xbd: {  	[sflag:s0] =	ssyncadd.remote.s32 $0x1  }
0xbe: {  	_ =	sfence.sel $0xFFFF  }
0xbf: {  	[dreg:$0x0] =	wrdreg $0xFFFFFFFF;
	(pc) =	sbr.abs _section_cstart, $3  }
0xc0: {  	[dreg:$0x1] =	wrdreg $0xFFFFFFFF  }
0xc1: {  	_ =	task.clear_ibuf [dreg:s6], $0x2FFFF;
	_ =	strace $0x9FFFFFFF  }
0xc2: {  	(tm) =	ssettm $0x7FFFFFFF  }
0xc3: {  	_ =	shalt  }
tec
execute0_lowered:
.L_overlay_start_1:
0x0: {  	(tag) =	ssettag $0x1  }
0x1: {  	s0 =	rddreg [dreg:$0x0]  }
0x2: {  	s2 =	rddreg [dreg:$0x1]  }
0x3: {  	s3 =	simm.s32 $0x0;
	s13 =	stileid.u32;
	s6 =	srdreg.scid  }
0x4: {  	s16 =	simm.s32 $0x5;
	s18 =	simm.s32 $0x80;
	s19 =	simm.s32 $0x5000  }
0x5: {  	s20 =	simm.s32 $0x7000;
	s28 =	simm.s32 $0x4;
	s29 =	simm.s32 $0x2780  }
0x6: {  	s30 =	simm.s32 $0x4E00;
	s31 =	simm.s32 $0x4E80;
	[smem:$0x7FF] =	sst s3  }
0x7: {  	s1 =	smul.u32 $0x9E00, s13;
	s4 =	sadd.s32 $0x1ED600, s0;
	s9 =	sadd.s32 $0x30E00, s0  }
0x8: {  	s10 =	sand.u32 $0x1, s6;
	s12 =	sadd.s32 $0x18000, s0;
	s11 =	smul.u32 $0x2800, s13  }
0x9: {  	s6 =	sadd.s32 $0x3AE00, s0;
	s23 =	sshll.u32 s13, $0x6;
	s13 =	smul.u32 $0x500, s13  }
0xa: {  	_ =	strace $0x8000004D;
	s8 =	ssub.s32 $0x2, s10;
	p0 =	seq.s32 s10, $0x1  }
0xb: {  	s5 =	sshrl.u32 s1, $0x3;
	s22 =	sshrl.u32 s8, $0x1;
	s1 =	sadd.s32 s1, s2  }
0xc: {  	s11 =	sshrl.u32 s11, $0x3;
	s25 =	sadd.s32 s9, s13;
	s26 =	sadd.s32 s12, s13  }
0xd: {  	s7 =	sadd.s32 s5, s0;
	s0 =	ssub.s32 s8, s22;
	[dreg:$0x3] =	wrdreg s25  }
0xe: {  	s8 =	sor.u32 $0x1C05, s23;
	s24 =	sadd.s32 $0x5000, s11;
	[dreg:$0x4] =	wrdreg s26  }
.Ltmp0:
0xf: {  	s13 =	sadd.s32 $0x13C00, s5;
	s15 =	sshrl.u32 s1, $0x3;
	(pc) =	sbr.rel .LBB2_1-.Ltmp0, $4  }
0x10: {  	s22 =	simm.s32 $0x9000;
	s23 =	simm.s32 $0xB000;
	s25 =	simm.s32 $0x2  }
0x11: {  	s26 =	simm.s32 $0x3;
	s1 =	simm.s32 $0x4F80;
	s7 =	sadd.s32 $0x4000, s7  }
0x12: {  	s9 =	sadd.s32 s9, s24;
	s12 =	sadd.s32 s12, s24;
	s14 =	smax.u32 s0, $0x1  }
0x13: {  	s24 =	simm.s32 $0x1;
	s0 =	simm.s32 $0x4F00;
	[dreg:$0x5] =	wrdreg s9  }
.LBB2_7:
0x14: {  	s9 =	sadd.s32 $0x180, s17;
	[sflag:s16] =	ssyncadd.s32 $0xFFFFE000  }
0x15: {  	[tilespmem:s23], [sflag:$0x4] =	stream.indirect.gather [hbm4b:s4+s18], $0x40, s9, s18, $0xb8;
	[tilespmem:$0x16E00] =	vst v63  }
0x16: {  	_ =	swait.ge [sflag:s24], $0x2000  }
0x17: {  	[sflag:s24] =	ssyncset.done $0x0  }
0x18: {  	s21 =	sadd.s32 $0x2800, s17;
	[sflag:s24] =	ssyncadd.s32 $0xFFFFE000  }
0x19: {  	[spmem:s2] =	stream.indirect.scatter.add.f32 [tilespmem:s19], [sflag:$0x5], $0x40, s21, s18, $0xb8;
	[tilespmem:$0x16E00] =	vst v63  }
0x1a: {  	_ =	swait.ge [sflag:s16], $0x2000  }
0x1b: {  	[sflag:s16] =	ssyncset.done $0x0  }
0x1c: {  	s10 =	sadd.s32 $0x200, s17;
	[sflag:s16] =	ssyncadd.s32 $0xFFFFE000  }
0x1d: {  	[tilespmem:s19], [sflag:$0x1] =	stream.indirect.gather [hbm4b:s4+s18], $0x40, s10, s18, $0xb8;
	[tilespmem:$0x16E00] =	vst v63  }
0x1e: {  	_ =	swait.ge [sflag:s25], $0x2000  }
0x1f: {  	[sflag:s25] =	ssyncset.done $0x0  }
0x20: {  	s11 =	sadd.s32 $0x2880, s17;
	[sflag:s25] =	ssyncadd.s32 $0xFFFFE000  }
0x21: {  	[spmem:s2] =	stream.indirect.scatter.add.f32 [tilespmem:s20], [sflag:$0x5], $0x40, s11, s18, $0xb8;
	[tilespmem:$0x16E00] =	vst v63  }
0x22: {  	_ =	swait.ge [sflag:s16], $0x2000  }
0x23: {  	[sflag:s16] =	ssyncset.done $0x0  }
0x24: {  	s21 =	sadd.s32 $0x280, s17;
	[sflag:s16] =	ssyncadd.s32 $0xFFFFE000  }
0x25: {  	[tilespmem:s20], [sflag:$0x2] =	stream.indirect.gather [hbm4b:s4+s18], $0x40, s21, s18, $0xb8;
	[tilespmem:$0x16E00] =	vst v63  }
0x26: {  	_ =	swait.ge [sflag:s26], $0x2000  }
0x27: {  	[sflag:s26] =	ssyncset.done $0x0  }
0x28: {  	s10 =	sadd.s32 $0x2900, s17;
	[sflag:s26] =	ssyncadd.s32 $0xFFFFE000  }
0x29: {  	[spmem:s2] =	stream.indirect.scatter.add.f32 [tilespmem:s22], [sflag:$0x5], $0x40, s10, s18, $0xb8;
	[tilespmem:$0x16E00] =	vst v63  }
0x2a: {  	_ =	swait.ge [sflag:s16], $0x2000  }
0x2b: {  	[sflag:s16] =	ssyncset.done $0x0  }
0x2c: {  	s11 =	sadd.s32 $0x300, s17;
	[sflag:s16] =	ssyncadd.s32 $0xFFFFE000  }
0x2d: {  	[tilespmem:s22], [sflag:$0x3] =	stream.indirect.gather [hbm4b:s4+s18], $0x40, s11, s18, $0xb8;
	[tilespmem:$0x16E00] =	vst v63  }
0x2e: {  	_ =	swait.ge [sflag:s28], $0x2000  }
0x2f: {  	[sflag:s28] =	ssyncset.done $0x0  }
0x30: {  	s21 =	sadd.s32 $0x2980, s17;
	[sflag:s28] =	ssyncadd.s32 $0xFFFFE000  }
0x31: {  	[spmem:s2] =	stream.indirect.scatter.add.f32 [tilespmem:s23], [sflag:$0x5], $0x40, s21, s18, $0xb8;
	[tilespmem:$0x16E00] =	vst v63  }
0x32: {  	_ =	swait.ge [sflag:s16], $0x2000  }
0x33: {  	[sflag:s16] =	ssyncset.done $0x0  }
0x34: {  	s9 =	smov.u32 s13;
	[sflag:s16] =	ssyncadd.s32 $0xFFFFE000  }
.LBB2_8:
0x35: {  	[tilespmem:s23], [sflag:$0x4] =	stream.indirect.gather [hbm4b:s4+s18], $0x40, s29, s18, $0xb8;
	[tilespmem:$0x16E00] =	vst v63  }
0x36: {  	_ =	swait.ge [sflag:s24], $0x2000  }
0x37: {  	[sflag:s24] =	ssyncset.done $0x0  }
0x38: {  	[sflag:s24] =	ssyncadd.s32 $0xFFFFE000  }
0x39: {  	[spmem:s2] =	stream.indirect.scatter.add.f32 [tilespmem:s19], [sflag:$0x5], $0x40, s30, s18, $0xb8;
	[tilespmem:$0x16E00] =	vst v63  }
0x3a: {  	_ =	swait.ge [sflag:s16], $0x2000  }
0x3b: {  	[sflag:s16] =	ssyncset.done $0x0  }
0x3c: {  	[sflag:s16] =	ssyncadd.s32 $0xFFFFE000  }
0x3d: {  	_ =	swait.ge [sflag:s25], $0x2000  }
0x3e: {  	[sflag:s25] =	ssyncset.done $0x0  }
0x3f: {  	[sflag:s25] =	ssyncadd.s32 $0xFFFFE000  }
0x40: {  	[spmem:s2] =	stream.indirect.scatter.add.f32 [tilespmem:s20], [sflag:$0x5], $0x40, s31, s18, $0xb8;
	[tilespmem:$0x16E00] =	vst v63  }
0x41: {  	_ =	swait.ge [sflag:s16], $0x2000  }
0x42: {  	[sflag:s16] =	ssyncset.done $0x0  }
0x43: {  	[sflag:s16] =	ssyncadd.s32 $0xFFFFE000  }
0x44: {  	_ =	swait.ge [sflag:s26], $0x2000  }
0x45: {  	[sflag:s26] =	ssyncset.done $0x0  }
0x46: {  	[sflag:s26] =	ssyncadd.s32 $0xFFFFE000  }
0x47: {  	[spmem:s2] =	stream.indirect.scatter.add.f32 [tilespmem:s22], [sflag:$0x5], $0x40, s0, s18, $0xb8;
	[tilespmem:$0x16E00] =	vst v63  }
0x48: {  	_ =	swait.ge [sflag:s16], $0x2000  }
0x49: {  	[sflag:s16] =	ssyncset.done $0x0  }
0x4a: {  	[sflag:s16] =	ssyncadd.s32 $0xFFFFE000  }
0x4b: {  	_ =	swait.ge [sflag:s28], $0x2000  }
0x4c: {  	[sflag:s28] =	ssyncset.done $0x0  }
0x4d: {  	[sflag:s28] =	ssyncadd.s32 $0xFFFFE000  }
0x4e: {  	[spmem:s2] =	stream.indirect.scatter.add.f32 [tilespmem:s23], [sflag:$0x5], $0x40, s1, s18, $0xb8;
	[tilespmem:$0x16E00] =	vst v63  }
0x4f: {  	_ =	swait.ge [sflag:s16], $0x2000  }
0x50: {  	s3 =	sadd.s32 $0x1, s3;
	[sflag:s16] =	ssyncset.done $0x0  }
0x51: {  	p1 =	sne.s32 s3, s14;
	[sflag:s16] =	ssyncadd.s32 $0xFFFFE000  }
.Ltmp1:
0x52: {  	s9 =	sadd.s32 s6, s9;
	[bflag:$0x0] =	sbarrier.arrive $0xFFFF;
	(pc) =	sbr.rel @!p1 .LBB2_9-.Ltmp1, $4  }
0x53: {  	[hbm:s9], [sflag:s8] =	dma.local [spmem:s15], $0x13C0  }
0x54: {  	_ =	swait.ge [sflag:s16], $0x13C0  }
0x55: {  	[sflag:s16] =	ssyncset.done $0x0  }
0x56: {  	[sflag:s16] =	ssyncadd.s32 $0xFFFFEC40  }
.LBB2_1:
.Ltmp2:
0x57: {  	(pc) =	sbr.rel @!p0 .LBB2_2-.Ltmp2, $4  }
0x58: {  	[spmem:s15], [sflag:s8] =	dma.local [hbm:s7], $0x13C0  }
0x59: {  	_ =	swait.ge [sflag:s16], $0x13C0  }
0x5a: {  	[sflag:s16] =	ssyncset.done $0x0  }
0x5b: {  	s9 =	simm.s32 $0x0;
	[sflag:s16] =	ssyncadd.s32 $0xFFFFEC40  }
0x5c: {  	s10 =	rddreg [dreg:$0x5]  }
0x5d: {  	[tilespmem:s9], [sflag:$0x5] =	stream.linear.gather [hbm4b:s10+s9], $0x2800, $0x38;
	[tilespmem:$0x16E00] =	vst v63  }
0x5e: {  	_ =	swait.ge [sflag:s16], $0x2800  }
0x5f: {  	[sflag:s16] =	ssyncset.done $0x0  }
0x60: {  	s17 =	simm.s32 $0x2800;
	[sflag:s16] =	ssyncadd.s32 $0xFFFFD800  }
0x61: {  	[tilespmem:s17], [sflag:$0x5] =	stream.linear.gather [hbm4b:s12+s9], $0x2800, $0x38;
	[tilespmem:$0x16E00] =	vst v63  }
0x62: {  	_ =	swait.ge [sflag:s16], $0x2800  }
0x63: {  	[sflag:s16] =	ssyncset.done $0x0  }
0x64: {  	[sflag:s16] =	ssyncadd.s32 $0xFFFFD800  }
0x65: {  	[bflag:$0x0] =	sbarrier.arrive $0xFFFF  }
0x66: {  	[tilespmem:s19], [sflag:$0x1] =	stream.indirect.gather [hbm4b:s4+s18], $0x40, s9, s18, $0xb8;
	[tilespmem:$0x16E00] =	vst v63  }
0x67: {  	_ = 	snop  }
0x68: {  	[tilespmem:s20], [sflag:$0x2] =	stream.indirect.gather [hbm4b:s4+s18], $0x40, s18, s18, $0xb8;
	[tilespmem:$0x16E00] =	vst v63  }
0x69: {  	s21 =	simm.s32 $0x100  }
0x6a: {  	[tilespmem:s22], [sflag:$0x3] =	stream.indirect.gather [hbm4b:s4+s18], $0x40, s21, s18, $0xb8;
	[tilespmem:$0x16E00] =	vst v63  }
0x6b: {  	s10 =	simm.s32 $0x180  }
0x6c: {  	[tilespmem:s23], [sflag:$0x4] =	stream.indirect.gather [hbm4b:s4+s18], $0x40, s10, s18, $0xb8;
	[tilespmem:$0x16E00] =	vst v63  }
0x6d: {  	_ =	swait.ge [sflag:s24], $0x2000  }
0x6e: {  	[sflag:s24] =	ssyncset.done $0x0  }
0x6f: {  	s11 =	simm.s32 $0x2800;
	[sflag:s24] =	ssyncadd.s32 $0xFFFFE000  }
0x70: {  	[spmem:s2] =	stream.indirect.scatter.add.f32 [tilespmem:s19], [sflag:$0x5], $0x40, s11, s18, $0xb8;
	[tilespmem:$0x16E00] =	vst v63  }
0x71: {  	_ =	swait.ge [sflag:s16], $0x2000  }
0x72: {  	[sflag:s16] =	ssyncset.done $0x0  }
0x73: {  	s17 =	simm.s32 $0x200;
	[sflag:s16] =	ssyncadd.s32 $0xFFFFE000  }
0x74: {  	[tilespmem:s19], [sflag:$0x1] =	stream.indirect.gather [hbm4b:s4+s18], $0x40, s17, s18, $0xb8;
	[tilespmem:$0x16E00] =	vst v63  }
0x75: {  	_ =	swait.ge [sflag:s25], $0x2000  }
0x76: {  	[sflag:s25] =	ssyncset.done $0x0  }
0x77: {  	s21 =	simm.s32 $0x2880;
	[sflag:s25] =	ssyncadd.s32 $0xFFFFE000  }
0x78: {  	[spmem:s2] =	stream.indirect.scatter.add.f32 [tilespmem:s20], [sflag:$0x5], $0x40, s21, s18, $0xb8;
	[tilespmem:$0x16E00] =	vst v63  }
0x79: {  	_ =	swait.ge [sflag:s16], $0x2000  }
0x7a: {  	[sflag:s16] =	ssyncset.done $0x0  }
0x7b: {  	s10 =	simm.s32 $0x280;
	[sflag:s16] =	ssyncadd.s32 $0xFFFFE000  }
0x7c: {  	[tilespmem:s20], [sflag:$0x2] =	stream.indirect.gather [hbm4b:s4+s18], $0x40, s10, s18, $0xb8;
	[tilespmem:$0x16E00] =	vst v63  }
0x7d: {  	_ =	swait.ge [sflag:s26], $0x2000  }
0x7e: {  	[sflag:s26] =	ssyncset.done $0x0  }
0x7f: {  	s11 =	simm.s32 $0x2900;
	[sflag:s26] =	ssyncadd.s32 $0xFFFFE000  }
0x80: {  	[spmem:s2] =	stream.indirect.scatter.add.f32 [tilespmem:s22], [sflag:$0x5], $0x40, s11, s18, $0xb8;
	[tilespmem:$0x16E00] =	vst v63  }
0x81: {  	_ =	swait.ge [sflag:s16], $0x2000  }
0x82: {  	[sflag:s16] =	ssyncset.done $0x0  }
0x83: {  	s17 =	simm.s32 $0x300;
	[sflag:s16] =	ssyncadd.s32 $0xFFFFE000  }
0x84: {  	[tilespmem:s22], [sflag:$0x3] =	stream.indirect.gather [hbm4b:s4+s18], $0x40, s17, s18, $0xb8;
	[tilespmem:$0x16E00] =	vst v63  }
0x85: {  	_ =	swait.ge [sflag:s28], $0x2000  }
0x86: {  	[sflag:s28] =	ssyncset.done $0x0  }
0x87: {  	s21 =	simm.s32 $0x2980;
	[sflag:s28] =	ssyncadd.s32 $0xFFFFE000  }
0x88: {  	[spmem:s2] =	stream.indirect.scatter.add.f32 [tilespmem:s23], [sflag:$0x5], $0x40, s21, s18, $0xb8;
	[tilespmem:$0x16E00] =	vst v63  }
0x89: {  	_ =	swait.ge [sflag:s16], $0x2000  }
0x8a: {  	s10 =	simm.s32 $0x1000;
	s17 =	simm.s32 $0x200;
	[sflag:s16] =	ssyncset.done $0x0  }
.LBB2_6:
0x8b: {  	s11 =	sadd.s32 $0x180, s17  }
0x8c: {  	[sflag:s16] =	ssyncadd.s32 $0xFFFFE000;
	s9 =	smov.u32 s10;
	s21 =	sadd.s32 $0x800, s10  }
0x8d: {  	[tilespmem:s23], [sflag:$0x4] =	stream.indirect.gather [hbm4b:s4+s18], $0x40, s11, s18, $0xb8;
	[tilespmem:$0x16E00] =	vst v63  }
0x8e: {  	p1 =	sne.s32 s10, $0x9000;
	_ =	swait.ge [sflag:s24], $0x2000  }
0x8f: {  	[sflag:s24] =	ssyncset.done $0x0  }
0x90: {  	s10 =	sadd.s32 $0x2800, s17;
	[sflag:s24] =	ssyncadd.s32 $0xFFFFE000  }
0x91: {  	[spmem:s2] =	stream.indirect.scatter.add.f32 [tilespmem:s19], [sflag:$0x5], $0x40, s10, s18, $0xb8;
	[tilespmem:$0x16E00] =	vst v63  }
0x92: {  	_ =	swait.ge [sflag:s16], $0x2000  }
0x93: {  	[sflag:s16] =	ssyncset.done $0x0  }
0x94: {  	s10 =	sadd.s32 $0x200, s17;
	[sflag:s16] =	ssyncadd.s32 $0xFFFFE000  }
0x95: {  	[tilespmem:s19], [sflag:$0x1] =	stream.indirect.gather [hbm4b:s4+s18], $0x40, s10, s18, $0xb8;
	[tilespmem:$0x16E00] =	vst v63  }
0x96: {  	_ =	swait.ge [sflag:s25], $0x2000  }
0x97: {  	[sflag:s25] =	ssyncset.done $0x0  }
0x98: {  	s10 =	sadd.s32 $0x2880, s17;
	[sflag:s25] =	ssyncadd.s32 $0xFFFFE000  }
0x99: {  	[spmem:s2] =	stream.indirect.scatter.add.f32 [tilespmem:s20], [sflag:$0x5], $0x40, s10, s18, $0xb8;
	[tilespmem:$0x16E00] =	vst v63  }
0x9a: {  	_ =	swait.ge [sflag:s16], $0x2000  }
0x9b: {  	[sflag:s16] =	ssyncset.done $0x0  }
0x9c: {  	s10 =	sadd.s32 $0x280, s17;
	[sflag:s16] =	ssyncadd.s32 $0xFFFFE000  }
0x9d: {  	[tilespmem:s20], [sflag:$0x2] =	stream.indirect.gather [hbm4b:s4+s18], $0x40, s10, s18, $0xb8;
	[tilespmem:$0x16E00] =	vst v63  }
0x9e: {  	_ =	swait.ge [sflag:s26], $0x2000  }
0x9f: {  	[sflag:s26] =	ssyncset.done $0x0  }
0xa0: {  	s10 =	sadd.s32 $0x2900, s17;
	[sflag:s26] =	ssyncadd.s32 $0xFFFFE000  }
0xa1: {  	[spmem:s2] =	stream.indirect.scatter.add.f32 [tilespmem:s22], [sflag:$0x5], $0x40, s10, s18, $0xb8;
	[tilespmem:$0x16E00] =	vst v63  }
0xa2: {  	_ =	swait.ge [sflag:s16], $0x2000  }
0xa3: {  	[sflag:s16] =	ssyncset.done $0x0  }
0xa4: {  	s10 =	sadd.s32 $0x300, s17;
	[sflag:s16] =	ssyncadd.s32 $0xFFFFE000  }
0xa5: {  	[tilespmem:s22], [sflag:$0x3] =	stream.indirect.gather [hbm4b:s4+s18], $0x40, s10, s18, $0xb8;
	[tilespmem:$0x16E00] =	vst v63  }
0xa6: {  	_ =	swait.ge [sflag:s28], $0x2000  }
.Ltmp3:
0xa7: {  	[sflag:s28] =	ssyncset.done $0x0;
	(pc) =	sbr.rel @p1 .LBB2_6-.Ltmp3, $4  }
0xa8: {  	s10 =	sadd.s32 $0x2980, s17;
	[sflag:s28] =	ssyncadd.s32 $0xFFFFE000  }
0xa9: {  	[spmem:s2] =	stream.indirect.scatter.add.f32 [tilespmem:s23], [sflag:$0x5], $0x40, s10, s18, $0xb8;
	[tilespmem:$0x16E00] =	vst v63  }
0xaa: {  	_ =	swait.ge [sflag:s16], $0x2000  }
0xab: {  	s17 =	sshra.s32 s9, $0x2;
	s10 =	smov.u32 s21;
	[sflag:s16] =	ssyncset.done $0x0  }
.Ltmp4:
0xac: {  	_ = 	snop;
	(pc) =	sbr.rel .LBB2_7-.Ltmp4, $1  }
0xad: {  	_ =	sdelay $0x3  }
.LBB2_2:
0xae: {  	s10 =	rddreg [dreg:$0x3]  }
0xaf: {  	[tilespmem:s9], [sflag:$0x5] =	stream.linear.gather [hbm4b:s10+s9], $0x2800, $0x38;
	[tilespmem:$0x16E00] =	vst v63  }
0xb0: {  	_ =	swait.ge [sflag:s16], $0x2800  }
0xb1: {  	[sflag:s16] =	ssyncset.done $0x0  }
0xb2: {  	s11 =	simm.s32 $0x2800;
	s17 =	rddreg [dreg:$0x4];
	[sflag:s16] =	ssyncadd.s32 $0xFFFFD800  }
0xb3: {  	[tilespmem:s11], [sflag:$0x5] =	stream.linear.gather [hbm4b:s17+s9], $0x2800, $0x38;
	[tilespmem:$0x16E00] =	vst v63  }
0xb4: {  	_ =	swait.ge [sflag:s16], $0x2800  }
0xb5: {  	[sflag:s16] =	ssyncset.done $0x0  }
0xb6: {  	[sflag:s16] =	ssyncadd.s32 $0xFFFFD800  }
0xb7: {  	[bflag:$0x0] =	sbarrier.arrive $0xFFFF  }
0xb8: {  	[tilespmem:s19], [sflag:$0x1] =	stream.indirect.gather [hbm4b:s4+s18], $0x40, s9, s18, $0xb8;
	[tilespmem:$0x16E00] =	vst v63  }
0xb9: {  	_ = 	snop  }
0xba: {  	[tilespmem:s20], [sflag:$0x2] =	stream.indirect.gather [hbm4b:s4+s18], $0x40, s18, s18, $0xb8;
	[tilespmem:$0x16E00] =	vst v63  }
0xbb: {  	s21 =	simm.s32 $0x100  }
0xbc: {  	[tilespmem:s22], [sflag:$0x3] =	stream.indirect.gather [hbm4b:s4+s18], $0x40, s21, s18, $0xb8;
	[tilespmem:$0x16E00] =	vst v63  }
0xbd: {  	s10 =	simm.s32 $0x180  }
0xbe: {  	[tilespmem:s23], [sflag:$0x4] =	stream.indirect.gather [hbm4b:s4+s18], $0x40, s10, s18, $0xb8;
	[tilespmem:$0x16E00] =	vst v63  }
0xbf: {  	_ =	swait.ge [sflag:s24], $0x2000  }
0xc0: {  	[sflag:s24] =	ssyncset.done $0x0  }
0xc1: {  	s11 =	simm.s32 $0x2800;
	[sflag:s24] =	ssyncadd.s32 $0xFFFFE000  }
0xc2: {  	[spmem:s2] =	stream.indirect.scatter.add.f32 [tilespmem:s19], [sflag:$0x5], $0x40, s11, s18, $0xb8;
	[tilespmem:$0x16E00] =	vst v63  }
0xc3: {  	_ =	swait.ge [sflag:s16], $0x2000  }
0xc4: {  	[sflag:s16] =	ssyncset.done $0x0  }
0xc5: {  	s17 =	simm.s32 $0x200;
	[sflag:s16] =	ssyncadd.s32 $0xFFFFE000  }
0xc6: {  	[tilespmem:s19], [sflag:$0x1] =	stream.indirect.gather [hbm4b:s4+s18], $0x40, s17, s18, $0xb8;
	[tilespmem:$0x16E00] =	vst v63  }
0xc7: {  	_ =	swait.ge [sflag:s25], $0x2000  }
0xc8: {  	[sflag:s25] =	ssyncset.done $0x0  }
0xc9: {  	s21 =	simm.s32 $0x2880;
	[sflag:s25] =	ssyncadd.s32 $0xFFFFE000  }
0xca: {  	[spmem:s2] =	stream.indirect.scatter.add.f32 [tilespmem:s20], [sflag:$0x5], $0x40, s21, s18, $0xb8;
	[tilespmem:$0x16E00] =	vst v63  }
0xcb: {  	_ =	swait.ge [sflag:s16], $0x2000  }
0xcc: {  	[sflag:s16] =	ssyncset.done $0x0  }
0xcd: {  	s10 =	simm.s32 $0x280;
	[sflag:s16] =	ssyncadd.s32 $0xFFFFE000  }
0xce: {  	[tilespmem:s20], [sflag:$0x2] =	stream.indirect.gather [hbm4b:s4+s18], $0x40, s10, s18, $0xb8;
	[tilespmem:$0x16E00] =	vst v63  }
0xcf: {  	_ =	swait.ge [sflag:s26], $0x2000  }
0xd0: {  	[sflag:s26] =	ssyncset.done $0x0  }
0xd1: {  	s11 =	simm.s32 $0x2900;
	[sflag:s26] =	ssyncadd.s32 $0xFFFFE000  }
0xd2: {  	[spmem:s2] =	stream.indirect.scatter.add.f32 [tilespmem:s22], [sflag:$0x5], $0x40, s11, s18, $0xb8;
	[tilespmem:$0x16E00] =	vst v63  }
0xd3: {  	_ =	swait.ge [sflag:s16], $0x2000  }
0xd4: {  	[sflag:s16] =	ssyncset.done $0x0  }
0xd5: {  	s17 =	simm.s32 $0x300;
	[sflag:s16] =	ssyncadd.s32 $0xFFFFE000  }
0xd6: {  	[tilespmem:s22], [sflag:$0x3] =	stream.indirect.gather [hbm4b:s4+s18], $0x40, s17, s18, $0xb8;
	[tilespmem:$0x16E00] =	vst v63  }
0xd7: {  	_ =	swait.ge [sflag:s28], $0x2000  }
0xd8: {  	[sflag:s28] =	ssyncset.done $0x0  }
0xd9: {  	s21 =	simm.s32 $0x2980;
	[sflag:s28] =	ssyncadd.s32 $0xFFFFE000  }
0xda: {  	[spmem:s2] =	stream.indirect.scatter.add.f32 [tilespmem:s23], [sflag:$0x5], $0x40, s21, s18, $0xb8;
	[tilespmem:$0x16E00] =	vst v63  }
0xdb: {  	_ =	swait.ge [sflag:s16], $0x2000  }
0xdc: {  	s17 =	simm.s32 $0x200;
	s21 =	simm.s32 $0x1000;
	[sflag:s16] =	ssyncset.done $0x0  }
.LBB2_3:
0xdd: {  	s11 =	sadd.s32 $0x180, s17  }
0xde: {  	[sflag:s16] =	ssyncadd.s32 $0xFFFFE000;
	s9 =	smov.u32 s21;
	s10 =	sadd.s32 $0x800, s21  }
0xdf: {  	[tilespmem:s23], [sflag:$0x4] =	stream.indirect.gather [hbm4b:s4+s18], $0x40, s11, s18, $0xb8;
	[tilespmem:$0x16E00] =	vst v63  }
0xe0: {  	p1 =	seq.s32 s21, $0x9000;
	_ =	swait.ge [sflag:s24], $0x2000  }
0xe1: {  	[sflag:s24] =	ssyncset.done $0x0  }
0xe2: {  	s11 =	sadd.s32 $0x2800, s17;
	[sflag:s24] =	ssyncadd.s32 $0xFFFFE000  }
0xe3: {  	[spmem:s2] =	stream.indirect.scatter.add.f32 [tilespmem:s19], [sflag:$0x5], $0x40, s11, s18, $0xb8;
	[tilespmem:$0x16E00] =	vst v63  }
0xe4: {  	_ =	swait.ge [sflag:s16], $0x2000  }
0xe5: {  	[sflag:s16] =	ssyncset.done $0x0  }
0xe6: {  	s11 =	sadd.s32 $0x200, s17;
	[sflag:s16] =	ssyncadd.s32 $0xFFFFE000  }
0xe7: {  	[tilespmem:s19], [sflag:$0x1] =	stream.indirect.gather [hbm4b:s4+s18], $0x40, s11, s18, $0xb8;
	[tilespmem:$0x16E00] =	vst v63  }
0xe8: {  	_ =	swait.ge [sflag:s25], $0x2000  }
0xe9: {  	[sflag:s25] =	ssyncset.done $0x0  }
0xea: {  	s11 =	sadd.s32 $0x2880, s17;
	[sflag:s25] =	ssyncadd.s32 $0xFFFFE000  }
0xeb: {  	[spmem:s2] =	stream.indirect.scatter.add.f32 [tilespmem:s20], [sflag:$0x5], $0x40, s11, s18, $0xb8;
	[tilespmem:$0x16E00] =	vst v63  }
0xec: {  	_ =	swait.ge [sflag:s16], $0x2000  }
0xed: {  	[sflag:s16] =	ssyncset.done $0x0  }
0xee: {  	s11 =	sadd.s32 $0x280, s17;
	[sflag:s16] =	ssyncadd.s32 $0xFFFFE000  }
0xef: {  	[tilespmem:s20], [sflag:$0x2] =	stream.indirect.gather [hbm4b:s4+s18], $0x40, s11, s18, $0xb8;
	[tilespmem:$0x16E00] =	vst v63  }
0xf0: {  	_ =	swait.ge [sflag:s26], $0x2000  }
0xf1: {  	[sflag:s26] =	ssyncset.done $0x0  }
0xf2: {  	s11 =	sadd.s32 $0x2900, s17;
	[sflag:s26] =	ssyncadd.s32 $0xFFFFE000  }
0xf3: {  	[spmem:s2] =	stream.indirect.scatter.add.f32 [tilespmem:s22], [sflag:$0x5], $0x40, s11, s18, $0xb8;
	[tilespmem:$0x16E00] =	vst v63  }
0xf4: {  	_ =	swait.ge [sflag:s16], $0x2000  }
0xf5: {  	[sflag:s16] =	ssyncset.done $0x0  }
0xf6: {  	s11 =	sadd.s32 $0x300, s17;
	[sflag:s16] =	ssyncadd.s32 $0xFFFFE000  }
0xf7: {  	[tilespmem:s22], [sflag:$0x3] =	stream.indirect.gather [hbm4b:s4+s18], $0x40, s11, s18, $0xb8;
	[tilespmem:$0x16E00] =	vst v63  }
0xf8: {  	_ =	swait.ge [sflag:s28], $0x2000  }
.Ltmp5:
0xf9: {  	[sflag:s28] =	ssyncset.done $0x0;
	(pc) =	sbr.rel @!p1 .LBB2_3-.Ltmp5, $4  }
0xfa: {  	s11 =	sadd.s32 $0x2980, s17;
	[sflag:s28] =	ssyncadd.s32 $0xFFFFE000  }
0xfb: {  	[spmem:s2] =	stream.indirect.scatter.add.f32 [tilespmem:s23], [sflag:$0x5], $0x40, s11, s18, $0xb8;
	[tilespmem:$0x16E00] =	vst v63  }
0xfc: {  	_ =	swait.ge [sflag:s16], $0x2000  }
0xfd: {  	s21 =	smov.u32 s10;
	s17 =	sshra.s32 s9, $0x2;
	[sflag:s16] =	ssyncset.done $0x0  }
0xfe: {  	s9 =	sadd.s32 $0x180, s17;
	[sflag:s16] =	ssyncadd.s32 $0xFFFFE000  }
0xff: {  	[tilespmem:s23], [sflag:$0x4] =	stream.indirect.gather [hbm4b:s4+s18], $0x40, s9, s18, $0xb8;
	[tilespmem:$0x16E00] =	vst v63  }
0x100: {  	_ =	swait.ge [sflag:s24], $0x2000  }
0x101: {  	[sflag:s24] =	ssyncset.done $0x0  }
0x102: {  	s21 =	sadd.s32 $0x2800, s17;
	[sflag:s24] =	ssyncadd.s32 $0xFFFFE000  }
0x103: {  	[spmem:s2] =	stream.indirect.scatter.add.f32 [tilespmem:s19], [sflag:$0x5], $0x40, s21, s18, $0xb8;
	[tilespmem:$0x16E00] =	vst v63  }
0x104: {  	_ =	swait.ge [sflag:s16], $0x2000  }
0x105: {  	[sflag:s16] =	ssyncset.done $0x0  }
0x106: {  	s10 =	sadd.s32 $0x200, s17;
	[sflag:s16] =	ssyncadd.s32 $0xFFFFE000  }
0x107: {  	[tilespmem:s19], [sflag:$0x1] =	stream.indirect.gather [hbm4b:s4+s18], $0x40, s10, s18, $0xb8;
	[tilespmem:$0x16E00] =	vst v63  }
0x108: {  	_ =	swait.ge [sflag:s25], $0x2000  }
0x109: {  	[sflag:s25] =	ssyncset.done $0x0  }
0x10a: {  	s11 =	sadd.s32 $0x2880, s17;
	[sflag:s25] =	ssyncadd.s32 $0xFFFFE000  }
0x10b: {  	[spmem:s2] =	stream.indirect.scatter.add.f32 [tilespmem:s20], [sflag:$0x5], $0x40, s11, s18, $0xb8;
	[tilespmem:$0x16E00] =	vst v63  }
0x10c: {  	_ =	swait.ge [sflag:s16], $0x2000  }
0x10d: {  	[sflag:s16] =	ssyncset.done $0x0  }
0x10e: {  	s21 =	sadd.s32 $0x280, s17;
	[sflag:s16] =	ssyncadd.s32 $0xFFFFE000  }
0x10f: {  	[tilespmem:s20], [sflag:$0x2] =	stream.indirect.gather [hbm4b:s4+s18], $0x40, s21, s18, $0xb8;
	[tilespmem:$0x16E00] =	vst v63  }
0x110: {  	_ =	swait.ge [sflag:s26], $0x2000  }
0x111: {  	[sflag:s26] =	ssyncset.done $0x0  }
0x112: {  	s10 =	sadd.s32 $0x2900, s17;
	[sflag:s26] =	ssyncadd.s32 $0xFFFFE000  }
0x113: {  	[spmem:s2] =	stream.indirect.scatter.add.f32 [tilespmem:s22], [sflag:$0x5], $0x40, s10, s18, $0xb8;
	[tilespmem:$0x16E00] =	vst v63  }
0x114: {  	_ =	swait.ge [sflag:s16], $0x2000  }
0x115: {  	[sflag:s16] =	ssyncset.done $0x0  }
0x116: {  	s11 =	sadd.s32 $0x300, s17;
	[sflag:s16] =	ssyncadd.s32 $0xFFFFE000  }
0x117: {  	[tilespmem:s22], [sflag:$0x3] =	stream.indirect.gather [hbm4b:s4+s18], $0x40, s11, s18, $0xb8;
	[tilespmem:$0x16E00] =	vst v63  }
0x118: {  	_ =	swait.ge [sflag:s28], $0x2000  }
0x119: {  	[sflag:s28] =	ssyncset.done $0x0  }
.Ltmp6:
0x11a: {  	s21 =	sadd.s32 $0x2980, s17;
	[sflag:s28] =	ssyncadd.s32 $0xFFFFE000;
	(pc) =	sbr.rel .LBB2_8-.Ltmp6, $4  }
0x11b: {  	[spmem:s2] =	stream.indirect.scatter.add.f32 [tilespmem:s23], [sflag:$0x5], $0x40, s21, s18, $0xb8;
	[tilespmem:$0x16E00] =	vst v63  }
0x11c: {  	_ =	swait.ge [sflag:s16], $0x2000  }
0x11d: {  	[sflag:s16] =	ssyncset.done $0x0  }
0x11e: {  	s9 =	smov.u32 s5;
	[sflag:s16] =	ssyncadd.s32 $0xFFFFE000  }
.LBB2_9:
0x11f: {  	_ =	sfence.sel $0x180000  }
0x120: {  	[bflag:$0x0] =	sbarrier.arrive $0xFFFF  }
0x121: {  	_ =	strace $0x9000004D  }
0x122: {  	s0 =	stileid.u32;
	[bflag:$0x2] =	sbarrier.arrive $0xFFFF  }
0x123: {  	p0 =	sne.s32 s0, $0x0;
	s0 =	rddreg [dreg:$0x2]  }
0x124: {  	s0 =	sadd.s32 @!p0 $0x100000, s0  }
0x125: {  	[sflag:s0] =	ssyncadd.tile.s32 @!p0 $0x1;
	_ =	shalt  }
.Lfunc_end2:
_tile_overlayer_lowered:
.L_overlay_start_2:
0x126: {  	(tag) =	ssettag $0x2  }
0x127: {  	s0 =	rddreg [dreg:$0x0];
	s2 =	stileid.u32  }
0x128: {  	s1 =	rddreg [dreg:$0x1];
	p0 =	sne.s32 s2, $0x0  }
0x129: {  	s3 =	rddreg [dreg:$0x2];
	[bflag:$0x3] =	sbarrier.arrive $0xFFFF;
	s2 =	simm.s32 @!p0 $0x1C05  }
0x12a: {  	[timem:s3], [sflag:s2] =	dma.local @!p0 [hbm:s0], s1  }
0x12b: {  	s0 =	simm.s32 @!p0 $0x5  }
0x12c: {  	_ =	swait.ge @!p0 [sflag:s0], s1  }
0x12d: {  	s1 =	ssub.s32 @!p0 $0x0, s1;
	[sflag:s0] =	ssyncset.done @!p0 $0x0  }
0x12e: {  	[sflag:s0] =	ssyncadd.s32 @!p0 s1  }
0x12f: {  	[bflag:$0x3] =	sbarrier.arrive $0xFFFF  }
0x130: {  	_ =	shalt  }

// kernel: kernel.22.cloned.1.call-start
scs
__scs_entry_jumppad:
0x0: {  	(pc) =	sbr.rel $0x88, $3  }
0x1: {  	(tag) =	ssettag $0x0;
	lr =	simm.s32 $0x1  }
0x2: {  	[smem:$0x3F8F] =	sst lr;
	_ =	strace $0xD0000000  }
0x3: {  	_ = 	snop  }
0x4: {  	_ = 	snop  }
0x5: {  	_ = 	snop  }
0x6: {  	_ = 	snop  }
0x7: {  	_ = 	snop  }
__scs_overlays_trampoline_lowered:
0x8: {  	[smem:$0x3F9E] =	sst s0  }
0x9: {  	[smem:$0x3F9F] =	sst s1  }
0xa: {  	[smem:$0x3FA0] =	sst s2  }
0xb: {  	[smem:$0x3FA1] =	sst s3  }
0xc: {  	[smem:$0x3FA2] =	sst s4  }
0xd: {  	[smem:$0x3FA3] =	sst s5  }
0xe: {  	[smem:$0x3FA4] =	sst s6  }
0xf: {  	[smem:$0x3FA5] =	sst s7  }
0x10: {  	[smem:$0x3FA6] =	sst s8  }
0x11: {  	[smem:$0x3FA7] =	sst s9;
	s0 =	simm.s32 @!p0 $0x0  }
0x12: {  	s1 =	sld [smem:$0x3F8D];
	s0 =	simm.s32 @p0 $0x1  }
0x13: {  	[smem:$0x3FA8] =	sst s0;
	s0 =	simm.s32 @!p1 $0x0  }
0x14: {  	s2 =	sld [smem:$0x3F8C];
	s0 =	simm.s32 @p1 $0x1  }
0x15: {  	[smem:$0x3FA9] =	sst s0;
	s0 =	simm.s32 @!p2 $0x0  }
0x16: {  	s3 =	sld [smem:$0x3FDB];
	s0 =	simm.s32 @p2 $0x1  }
0x17: {  	s4 =	simm.s32 $0x1BF5;
	[smem:$0x3FAB] =	sst s0  }
0x18: {  	s0 =	sld [smem:$0x3F8E];
	_ =	swait.ge [sflag:s4], $0x0  }
0x19: {  	s7 =	sld [smem:$0x3F8F]  }
0x1a: {  	s8 =	sadd.s32 $0xFFFFE003, lr  }
0x1b: {  	s9 =	sadd.s32 $0xFFFFFEF7, lr;
	s5 =	simm.s32 $0xFFFFFFFF;
	p2 =	slt.u32 s8, $0xFFFFF086  }
0x1c: {  	p1 =	slt.u32 s9, $0xF7A;
	s5 =	simm.s32 @!p2 $0x0  }
0x1d: {  	s5 =	simm.s32 @p1 $0x1;
	p0 =	seq.s32 s7, s2  }
0x1e: {  	s7 =	smul.u32 @!p0 $0xF7A, s2;
	p2 =	seq.s32 @!p0 s5, $0x0  }
0x1f: {  	s9 =	smul.u32 $0xF7A, s1;
	s8 =	simm.s32 @!p0 $0x1BF5;
	p2 =	por !p2, p0  }
0x20: {  	[sflag:s8] =	ssyncset.s32 @!p0 $0xFFFFF086;
	s6 =	sadd.s32 @!p0 s3, s7;
	s7 =	simm.s32 @!p0 $0x108  }
0x21: {  	s3 =	sadd.s32 s3, s9;
	s6 =	sadd.s32 @!p0 $0x88, s6;
	s7 =	simm.s32 @p2 $0x1082  }
0x22: {  	[simem:s7], [sflag:s8] =	dma.local @!p0 [hbm:s6], $0xF7A  }
0x23: {  	s9 =	sor.u32 $0xD0000000, s2;
	s6 =	simm.s32 $0x108;
	_ =	swait.ge @!p0 [sflag:s8], $0x0  }
0x24: {  	s3 =	sadd.s32 $0x88, s3;
	s6 =	simm.s32 @!p1 $0x1082;
	[sflag:s4] =	ssyncset.s32 $0xFFFFF086  }
0x25: {  	[simem:s6], [sflag:s4] =	dma.local [hbm:s3], $0xF7A  }
0x26: {  	[smem:$0x3F8F] =	sst s1;
	(tag) =	ssettag s2;
	_ =	strace s9  }
0x27: {  	s1 =	sld [smem:$0x3F9F]  }
0x28: {  	s2 =	sld [smem:$0x3FA0]  }
0x29: {  	s4 =	sld [smem:$0x3FA2]  }
0x2a: {  	p0 =	seq.s32 s5, $0x0;
	s5 =	sld [smem:$0x3FA3]  }
0x2b: {  	s6 =	sld [smem:$0x3FA4]  }
0x2c: {  	s7 =	sld [smem:$0x3FA5]  }
0x2d: {  	s3 =	simm.s32 $0x108;
	s8 =	sld [smem:$0x3FA6]  }
0x2e: {  	s3 =	simm.s32 @!p0 $0x1082;
	s9 =	sld [smem:$0x3FA7]  }
0x2f: {  	lr =	sadd.s32 s0, s3;
	s0 =	sld [smem:$0x3F9E]  }
0x30: {  	s3 =	sld [smem:$0x3FA1]  }
0x31: {  	[smem:$0x3FAA] =	sst s10  }
0x32: {  	s10 =	sld [smem:$0x3FA8];
	_ =	sdelay $0x3  }
0x33: {  	p0 =	seq.s32 s10, $0x1;
	s10 =	sld [smem:$0x3FAA];
	_ =	sdelay $0x3  }
0x34: {  	[smem:$0x3FAA] =	sst s10  }
0x35: {  	s10 =	sld [smem:$0x3FA9];
	_ =	sdelay $0x3  }
0x36: {  	p1 =	seq.s32 s10, $0x1;
	s10 =	sld [smem:$0x3FAA];
	_ =	sdelay $0x3  }
0x37: {  	[smem:$0x3FAA] =	sst s10  }
0x38: {  	s10 =	sld [smem:$0x3FAB]  }
0x39: {  	_ = 	snop;
	(pc) =	sbr.ind lr, $3  }
0x3a: {  	_ = 	snop  }
0x3b: {  	_ = 	snop  }
0x3c: {  	p2 =	seq.s32 s10, $0x1;
	s10 =	sld [smem:$0x3FAA]  }
0x3d: {  	_ =	shalt  }
0x3e: {  	_ =	shalt  }
0x3f: {  	_ =	shalt  }
0x40: {  	_ =	shalt  }
0x41: {  	_ =	shalt  }
0x42: {  	_ =	shalt  }
0x43: {  	_ =	shalt  }
0x44: {  	_ =	shalt  }
0x45: {  	_ =	shalt  }
0x46: {  	_ =	shalt  }
0x47: {  	_ =	shalt  }
0x48: {  	_ =	shalt  }
0x49: {  	_ =	shalt  }
0x4a: {  	_ =	shalt  }
0x4b: {  	_ =	shalt  }
0x4c: {  	_ =	shalt  }
0x4d: {  	_ =	shalt  }
0x4e: {  	_ =	shalt  }
0x4f: {  	_ =	shalt  }
0x50: {  	_ =	shalt  }
0x51: {  	_ =	shalt  }
0x52: {  	_ =	shalt  }
0x53: {  	_ =	shalt  }
0x54: {  	_ =	shalt  }
0x55: {  	_ =	shalt  }
0x56: {  	_ =	shalt  }
0x57: {  	_ =	shalt  }
0x58: {  	_ =	shalt  }
0x59: {  	_ =	shalt  }
0x5a: {  	_ =	shalt  }
0x5b: {  	_ =	shalt  }
0x5c: {  	_ =	shalt  }
0x5d: {  	_ =	shalt  }
0x5e: {  	_ =	shalt  }
0x5f: {  	_ =	shalt  }
0x60: {  	_ =	shalt  }
0x61: {  	_ =	shalt  }
0x62: {  	_ =	shalt  }
0x63: {  	_ =	shalt  }
0x64: {  	_ =	shalt  }
0x65: {  	_ =	shalt  }
0x66: {  	_ =	shalt  }
0x67: {  	_ =	shalt  }
0x68: {  	_ =	shalt  }
0x69: {  	_ =	shalt  }
0x6a: {  	_ =	shalt  }
0x6b: {  	_ =	shalt  }
0x6c: {  	_ =	shalt  }
0x6d: {  	_ =	shalt  }
0x6e: {  	_ =	shalt  }
0x6f: {  	_ =	shalt  }
0x70: {  	_ =	shalt  }
0x71: {  	_ =	shalt  }
0x72: {  	_ =	shalt  }
0x73: {  	_ =	shalt  }
0x74: {  	_ =	shalt  }
0x75: {  	_ =	shalt  }
0x76: {  	_ =	shalt  }
0x77: {  	_ =	shalt  }
0x78: {  	_ =	shalt  }
0x79: {  	_ =	shalt  }
0x7a: {  	_ =	shalt  }
0x7b: {  	_ =	shalt  }
0x7c: {  	_ =	shalt  }
0x7d: {  	_ =	shalt  }
0x7e: {  	_ =	shalt  }
0x7f: {  	_ =	shalt  }
0x80: {  	_ =	shalt  }
0x81: {  	_ =	shalt  }
0x82: {  	_ =	shalt  }
0x83: {  	_ =	shalt  }
0x84: {  	_ =	shalt  }
0x85: {  	_ =	shalt  }
0x86: {  	_ =	shalt  }
0x87: {  	_ =	shalt  }
.Lfunc_end0:
.L_simem_size_0:
called_computation.3_lowered:
.L_overlay_start_0:
0x88: {  	s2 =	sld [smem:$0x3FD9]  }
0x89: {  	s3 =	sld [smem:$0x3FFE];
	_ =	sdelay $0x1  }
0x8a: {  	s1 =	srdreg.scid  }
0x8b: {  	s0 =	sand.u32 $0x1, s1  }
0x8c: {  	s16 =	sshll.u32 s0, $0xA;
	s2 =	sadd.s32 s3, s2  }
0x8d: {  	s2 =	sadd.s32 s2, s16  }
0x8e: {  	[smem:$0x3FB6] =	sst s2  }
0x8f: {  	_ = 	snop  }
0x90: {  	(tm) =	ssettm $0x1  }
0x91: {  	s17 =	sld [smem:$0x3FFB];
	_ =	sdelay $0x3  }
0x92: {  	_ =	strace s17  }
0x93: {  	s2 =	sld [smem:$0x3FFC];
	_ =	sdelay $0x3  }
0x94: {  	_ =	strace s2  }
0x95: {  	s2 =	sld [smem:$0x3FFD];
	_ =	sdelay $0x3  }
0x96: {  	_ =	strace s2  }
0x97: {  	_ =	strace $0x8FFFFFFF  }
0x98: {  	s18 =	sld [smem:$0x3FDB];
	_ =	sdelay $0x1  }
0x99: {  	s19 =	simm.s32 $_scs_section_size  }
0x9a: {  	s4 =	simm.s32 $_size__tile_overlayer_lowered;
	s5 =	simm.s32 $_tile_overlayer_lowered  }
0x9b: {  	s22 =	simm.s32 $0x1BFF;
	s21 =	sshll.u32 s5, $0x1;
	s2 =	sadd.s32 s19, s18  }
0x9c: {  	s6 =	simm.s32 $0x0;
	s20 =	sshll.u32 s4, $0x1;
	s4 =	sadd.s32 s21, s2  }
0x9d: {  	[timem:s6], [sflag:s22] =	dma.local [hbm:s4], s20  }
0x9e: {  	_ =	swait.ge [sflag:s22], s20  }
0x9f: {  	s3 =	ssub.s32 $0x0, s20;
	[sflag:s22] =	ssyncset.done $0x0  }
0xa0: {  	[sflag:s22] =	ssyncadd.s32 s3;
	_ =	sdelay $0x1  }
0xa1: {  	s23 =	simm.s32 $0x1B8B  }
0xa2: {  	_ =	swait.ge [sflag:s23], $0x1  }
0xa3: {  	[sflag:s23] =	ssyncset.done $0x0  }
0xa4: {  	s25 =	simm.s32 $0x1B8E;
	s24 =	sld [smem:$0x3FFE];
	[sflag:s23] =	ssyncadd.s32 $0xFFFFFFFF  }
0xa5: {  	s26 =	simm.s32 $execute0_lowered;
	[smem:$0x3FD2] =	sst s25  }
0xa6: {  	s4 =	sshll.u32 s26, $0x1;
	_ =	strace $0x8000004F;
	[dreg:$0x1] =	wrdreg $0xFFFFFFFF  }
0xa7: {  	s28 =	simm.s32 $_size_execute0_lowered;
	s2 =	sadd.s32 s2, s4;
	[dreg:$0x0] =	wrdreg $0x0  }
0xa8: {  	s4 =	sshll.u32 s28, $0x1;
	[dreg:$0x2] =	wrdreg s2  }
0xa9: {  	[dreg:$0x3] =	wrdreg s4  }
0xaa: {  	[dreg:$0x4] =	wrdreg $0xC0  }
0xab: {  	_ =	task [dreg:s6], $0x5FFFF  }
0xac: {  	[dreg:$0x1] =	wrdreg $0xFFFFFFFF  }
0xad: {  	[dreg:$0x0] =	wrdreg $0x60  }
0xae: {  	[dreg:$0x2] =	wrdreg s24  }
0xaf: {  	[dreg:$0x3] =	wrdreg $0x90000  }
0xb0: {  	[dreg:$0x4] =	wrdreg $0x9  }
0xb1: {  	_ =	task.clear_ibuf [dreg:s6], $0x5FFFF;
	_ =	strace $0x9000004F  }
0xb2: {  	s29 =	simm.s32 $0x9;
	_ =	strace $0x80000051  }
0xb3: {  	_ =	swait.ge [sflag:s29], $0x1  }
0xb4: {  	[sflag:s29] =	ssyncadd.s32 $0xFFFFFFFF  }
0xb5: {  	_ =	strace $0x90000051  }
0xb6: {  	_ =	sfence  }
0xb7: {  	s30 =	sld [smem:$0x0];
	_ =	sdelay $0x2  }
0xb8: {  	s31 =	sshll.u32 s1, $0xD;
	s1 =	sshrl.u32 s1, $0x2  }
0xb9: {  	s3 =	sand.u32 $0x4000, s31;
	s1 =	sadd.s32 s1, s30  }
0xba: {  	s0 =	sor.u32 s3, s0;
	s1 =	sshll.u32 s1, $0x11  }
0xbb: {  	s0 =	sor.u32 s1, s0  }
0xbc: {  	s0 =	sadd.s32 $0x8F2B, s0  }
0xbd: {  	[sflag:s0] =	ssyncadd.remote.s32 $0x1  }
0xbe: {  	_ =	sfence.sel $0xFFFF  }
0xbf: {  	[dreg:$0x0] =	wrdreg $0xFFFFFFFF;
	(pc) =	sbr.abs _section_cstart, $3  }
0xc0: {  	[dreg:$0x1] =	wrdreg $0xFFFFFFFF  }
0xc1: {  	_ =	task.clear_ibuf [dreg:s6], $0x2FFFF;
	_ =	strace $0x9FFFFFFF  }
0xc2: {  	(tm) =	ssettm $0x7FFFFFFF  }
0xc3: {  	_ =	shalt  }
tec
execute0_lowered:
.L_overlay_start_1:
0x0: {  	(tag) =	ssettag $0x1  }
0x1: {  	s0 =	rddreg [dreg:$0x0]  }
0x2: {  	s2 =	rddreg [dreg:$0x1]  }
0x3: {  	s3 =	simm.s32 $0x0;
	s13 =	stileid.u32;
	s6 =	srdreg.scid  }
0x4: {  	s16 =	simm.s32 $0x5;
	s18 =	simm.s32 $0x80;
	s19 =	simm.s32 $0x5000  }
0x5: {  	s20 =	simm.s32 $0x6000;
	s28 =	simm.s32 $0x4;
	s29 =	simm.s32 $0x2780  }
0x6: {  	s30 =	simm.s32 $0x4E00;
	s31 =	simm.s32 $0x4E80;
	[smem:$0x7FF] =	sst s3  }
0x7: {  	s1 =	smul.u32 $0x4F00, s13;
	s4 =	sadd.s32 $0x1ED600, s0;
	s9 =	sadd.s32 $0x30E00, s0  }
0x8: {  	s10 =	sand.u32 $0x1, s6;
	s12 =	sadd.s32 $0x18000, s0;
	s11 =	smul.u32 $0x2800, s13  }
0x9: {  	s6 =	sadd.s32 $0x4000, s0;
	s23 =	sshll.u32 s13, $0x6;
	s13 =	smul.u32 $0x500, s13  }
0xa: {  	_ =	strace $0x80000050;
	s8 =	ssub.s32 $0x2, s10;
	p0 =	seq.s32 s10, $0x1  }
0xb: {  	s5 =	sshrl.u32 s1, $0x3;
	s22 =	sshrl.u32 s8, $0x1;
	s1 =	sadd.s32 s1, s2  }
0xc: {  	s11 =	sshrl.u32 s11, $0x3;
	s25 =	sadd.s32 s9, s13;
	s26 =	sadd.s32 s12, s13  }
0xd: {  	s7 =	sadd.s32 s5, s0;
	s0 =	ssub.s32 s8, s22;
	[dreg:$0x3] =	wrdreg s25  }
0xe: {  	s8 =	sor.u32 $0x1C05, s23;
	s24 =	sadd.s32 $0x5000, s11;
	[dreg:$0x4] =	wrdreg s26  }
.Ltmp0:
0xf: {  	s13 =	sadd.s32 $0x9E00, s5;
	s15 =	sshrl.u32 s1, $0x3;
	(pc) =	sbr.rel .LBB2_1-.Ltmp0, $4  }
0x10: {  	s22 =	simm.s32 $0x7000;
	s23 =	simm.s32 $0x8000;
	s25 =	simm.s32 $0x2  }
0x11: {  	s26 =	simm.s32 $0x3;
	s1 =	simm.s32 $0x4F80;
	s7 =	sadd.s32 $0x22000, s7  }
0x12: {  	s9 =	sadd.s32 s9, s24;
	s12 =	sadd.s32 s12, s24;
	s14 =	smax.u32 s0, $0x1  }
0x13: {  	s24 =	simm.s32 $0x1;
	s0 =	simm.s32 $0x4F00;
	[dreg:$0x5] =	wrdreg s9  }
.LBB2_7:
0x14: {  	s9 =	sadd.s32 $0x180, s17;
	[sflag:s16] =	ssyncadd.s32 $0xFFFFF000  }
0x15: {  	[tilespmem:s23], [sflag:$0x4] =	stream.indirect.gather [hbm4b:s4+s18], $0x20, s9, s18, $0xb8;
	[tilespmem:$0xDF00] =	vst v63  }
0x16: {  	_ =	swait.ge [sflag:s24], $0x1000  }
0x17: {  	[sflag:s24] =	ssyncset.done $0x0  }
0x18: {  	s21 =	sadd.s32 $0x2800, s17;
	[sflag:s24] =	ssyncadd.s32 $0xFFFFF000  }
0x19: {  	[spmem:s2] =	stream.indirect.scatter.add.f32 [tilespmem:s19], [sflag:$0x5], $0x20, s21, s18, $0xb8;
	[tilespmem:$0xDF00] =	vst v63  }
0x1a: {  	_ =	swait.ge [sflag:s16], $0x1000  }
0x1b: {  	[sflag:s16] =	ssyncset.done $0x0  }
0x1c: {  	s10 =	sadd.s32 $0x200, s17;
	[sflag:s16] =	ssyncadd.s32 $0xFFFFF000  }
0x1d: {  	[tilespmem:s19], [sflag:$0x1] =	stream.indirect.gather [hbm4b:s4+s18], $0x20, s10, s18, $0xb8;
	[tilespmem:$0xDF00] =	vst v63  }
0x1e: {  	_ =	swait.ge [sflag:s25], $0x1000  }
0x1f: {  	[sflag:s25] =	ssyncset.done $0x0  }
0x20: {  	s11 =	sadd.s32 $0x2880, s17;
	[sflag:s25] =	ssyncadd.s32 $0xFFFFF000  }
0x21: {  	[spmem:s2] =	stream.indirect.scatter.add.f32 [tilespmem:s20], [sflag:$0x5], $0x20, s11, s18, $0xb8;
	[tilespmem:$0xDF00] =	vst v63  }
0x22: {  	_ =	swait.ge [sflag:s16], $0x1000  }
0x23: {  	[sflag:s16] =	ssyncset.done $0x0  }
0x24: {  	s21 =	sadd.s32 $0x280, s17;
	[sflag:s16] =	ssyncadd.s32 $0xFFFFF000  }
0x25: {  	[tilespmem:s20], [sflag:$0x2] =	stream.indirect.gather [hbm4b:s4+s18], $0x20, s21, s18, $0xb8;
	[tilespmem:$0xDF00] =	vst v63  }
0x26: {  	_ =	swait.ge [sflag:s26], $0x1000  }
0x27: {  	[sflag:s26] =	ssyncset.done $0x0  }
0x28: {  	s10 =	sadd.s32 $0x2900, s17;
	[sflag:s26] =	ssyncadd.s32 $0xFFFFF000  }
0x29: {  	[spmem:s2] =	stream.indirect.scatter.add.f32 [tilespmem:s22], [sflag:$0x5], $0x20, s10, s18, $0xb8;
	[tilespmem:$0xDF00] =	vst v63  }
0x2a: {  	_ =	swait.ge [sflag:s16], $0x1000  }
0x2b: {  	[sflag:s16] =	ssyncset.done $0x0  }
0x2c: {  	s11 =	sadd.s32 $0x300, s17;
	[sflag:s16] =	ssyncadd.s32 $0xFFFFF000  }
0x2d: {  	[tilespmem:s22], [sflag:$0x3] =	stream.indirect.gather [hbm4b:s4+s18], $0x20, s11, s18, $0xb8;
	[tilespmem:$0xDF00] =	vst v63  }
0x2e: {  	_ =	swait.ge [sflag:s28], $0x1000  }
0x2f: {  	[sflag:s28] =	ssyncset.done $0x0  }
0x30: {  	s21 =	sadd.s32 $0x2980, s17;
	[sflag:s28] =	ssyncadd.s32 $0xFFFFF000  }
0x31: {  	[spmem:s2] =	stream.indirect.scatter.add.f32 [tilespmem:s23], [sflag:$0x5], $0x20, s21, s18, $0xb8;
	[tilespmem:$0xDF00] =	vst v63  }
0x32: {  	_ =	swait.ge [sflag:s16], $0x1000  }
0x33: {  	[sflag:s16] =	ssyncset.done $0x0  }
0x34: {  	s9 =	smov.u32 s13;
	[sflag:s16] =	ssyncadd.s32 $0xFFFFF000  }
.LBB2_8:
0x35: {  	[tilespmem:s23], [sflag:$0x4] =	stream.indirect.gather [hbm4b:s4+s18], $0x20, s29, s18, $0xb8;
	[tilespmem:$0xDF00] =	vst v63  }
0x36: {  	_ =	swait.ge [sflag:s24], $0x1000  }
0x37: {  	[sflag:s24] =	ssyncset.done $0x0  }
0x38: {  	[sflag:s24] =	ssyncadd.s32 $0xFFFFF000  }
0x39: {  	[spmem:s2] =	stream.indirect.scatter.add.f32 [tilespmem:s19], [sflag:$0x5], $0x20, s30, s18, $0xb8;
	[tilespmem:$0xDF00] =	vst v63  }
0x3a: {  	_ =	swait.ge [sflag:s16], $0x1000  }
0x3b: {  	[sflag:s16] =	ssyncset.done $0x0  }
0x3c: {  	[sflag:s16] =	ssyncadd.s32 $0xFFFFF000  }
0x3d: {  	_ =	swait.ge [sflag:s25], $0x1000  }
0x3e: {  	[sflag:s25] =	ssyncset.done $0x0  }
0x3f: {  	[sflag:s25] =	ssyncadd.s32 $0xFFFFF000  }
0x40: {  	[spmem:s2] =	stream.indirect.scatter.add.f32 [tilespmem:s20], [sflag:$0x5], $0x20, s31, s18, $0xb8;
	[tilespmem:$0xDF00] =	vst v63  }
0x41: {  	_ =	swait.ge [sflag:s16], $0x1000  }
0x42: {  	[sflag:s16] =	ssyncset.done $0x0  }
0x43: {  	[sflag:s16] =	ssyncadd.s32 $0xFFFFF000  }
0x44: {  	_ =	swait.ge [sflag:s26], $0x1000  }
0x45: {  	[sflag:s26] =	ssyncset.done $0x0  }
0x46: {  	[sflag:s26] =	ssyncadd.s32 $0xFFFFF000  }
0x47: {  	[spmem:s2] =	stream.indirect.scatter.add.f32 [tilespmem:s22], [sflag:$0x5], $0x20, s0, s18, $0xb8;
	[tilespmem:$0xDF00] =	vst v63  }
0x48: {  	_ =	swait.ge [sflag:s16], $0x1000  }
0x49: {  	[sflag:s16] =	ssyncset.done $0x0  }
0x4a: {  	[sflag:s16] =	ssyncadd.s32 $0xFFFFF000  }
0x4b: {  	_ =	swait.ge [sflag:s28], $0x1000  }
0x4c: {  	[sflag:s28] =	ssyncset.done $0x0  }
0x4d: {  	[sflag:s28] =	ssyncadd.s32 $0xFFFFF000  }
0x4e: {  	[spmem:s2] =	stream.indirect.scatter.add.f32 [tilespmem:s23], [sflag:$0x5], $0x20, s1, s18, $0xb8;
	[tilespmem:$0xDF00] =	vst v63  }
0x4f: {  	_ =	swait.ge [sflag:s16], $0x1000  }
0x50: {  	s3 =	sadd.s32 $0x1, s3;
	[sflag:s16] =	ssyncset.done $0x0  }
0x51: {  	p1 =	sne.s32 s3, s14;
	[sflag:s16] =	ssyncadd.s32 $0xFFFFF000  }
.Ltmp1:
0x52: {  	s9 =	sadd.s32 s6, s9;
	[bflag:$0x0] =	sbarrier.arrive $0xFFFF;
	(pc) =	sbr.rel @!p1 .LBB2_9-.Ltmp1, $4  }
0x53: {  	[hbm:s9], [sflag:s8] =	dma.local [spmem:s15], $0x9E0  }
0x54: {  	_ =	swait.ge [sflag:s16], $0x9E0  }
0x55: {  	[sflag:s16] =	ssyncset.done $0x0  }
0x56: {  	[sflag:s16] =	ssyncadd.s32 $0xFFFFF620  }
.LBB2_1:
.Ltmp2:
0x57: {  	(pc) =	sbr.rel @!p0 .LBB2_2-.Ltmp2, $4  }
0x58: {  	[spmem:s15], [sflag:s8] =	dma.local [hbm:s7], $0x9E0  }
0x59: {  	_ =	swait.ge [sflag:s16], $0x9E0  }
0x5a: {  	[sflag:s16] =	ssyncset.done $0x0  }
0x5b: {  	s9 =	simm.s32 $0x0;
	[sflag:s16] =	ssyncadd.s32 $0xFFFFF620  }
0x5c: {  	s10 =	rddreg [dreg:$0x5]  }
0x5d: {  	[tilespmem:s9], [sflag:$0x5] =	stream.linear.gather [hbm4b:s10+s9], $0x2800, $0x38;
	[tilespmem:$0xDF00] =	vst v63  }
0x5e: {  	_ =	swait.ge [sflag:s16], $0x2800  }
0x5f: {  	[sflag:s16] =	ssyncset.done $0x0  }
0x60: {  	s17 =	simm.s32 $0x2800;
	[sflag:s16] =	ssyncadd.s32 $0xFFFFD800  }
0x61: {  	[tilespmem:s17], [sflag:$0x5] =	stream.linear.gather [hbm4b:s12+s9], $0x2800, $0x38;
	[tilespmem:$0xDF00] =	vst v63  }
0x62: {  	_ =	swait.ge [sflag:s16], $0x2800  }
0x63: {  	[sflag:s16] =	ssyncset.done $0x0  }
0x64: {  	[sflag:s16] =	ssyncadd.s32 $0xFFFFD800  }
0x65: {  	[bflag:$0x0] =	sbarrier.arrive $0xFFFF  }
0x66: {  	[tilespmem:s19], [sflag:$0x1] =	stream.indirect.gather [hbm4b:s4+s18], $0x20, s9, s18, $0xb8;
	[tilespmem:$0xDF00] =	vst v63  }
0x67: {  	_ = 	snop  }
0x68: {  	[tilespmem:s20], [sflag:$0x2] =	stream.indirect.gather [hbm4b:s4+s18], $0x20, s18, s18, $0xb8;
	[tilespmem:$0xDF00] =	vst v63  }
0x69: {  	s21 =	simm.s32 $0x100  }
0x6a: {  	[tilespmem:s22], [sflag:$0x3] =	stream.indirect.gather [hbm4b:s4+s18], $0x20, s21, s18, $0xb8;
	[tilespmem:$0xDF00] =	vst v63  }
0x6b: {  	s10 =	simm.s32 $0x180  }
0x6c: {  	[tilespmem:s23], [sflag:$0x4] =	stream.indirect.gather [hbm4b:s4+s18], $0x20, s10, s18, $0xb8;
	[tilespmem:$0xDF00] =	vst v63  }
0x6d: {  	_ =	swait.ge [sflag:s24], $0x1000  }
0x6e: {  	[sflag:s24] =	ssyncset.done $0x0  }
0x6f: {  	s11 =	simm.s32 $0x2800;
	[sflag:s24] =	ssyncadd.s32 $0xFFFFF000  }
0x70: {  	[spmem:s2] =	stream.indirect.scatter.add.f32 [tilespmem:s19], [sflag:$0x5], $0x20, s11, s18, $0xb8;
	[tilespmem:$0xDF00] =	vst v63  }
0x71: {  	_ =	swait.ge [sflag:s16], $0x1000  }
0x72: {  	[sflag:s16] =	ssyncset.done $0x0  }
0x73: {  	s17 =	simm.s32 $0x200;
	[sflag:s16] =	ssyncadd.s32 $0xFFFFF000  }
0x74: {  	[tilespmem:s19], [sflag:$0x1] =	stream.indirect.gather [hbm4b:s4+s18], $0x20, s17, s18, $0xb8;
	[tilespmem:$0xDF00] =	vst v63  }
0x75: {  	_ =	swait.ge [sflag:s25], $0x1000  }
0x76: {  	[sflag:s25] =	ssyncset.done $0x0  }
0x77: {  	s21 =	simm.s32 $0x2880;
	[sflag:s25] =	ssyncadd.s32 $0xFFFFF000  }
0x78: {  	[spmem:s2] =	stream.indirect.scatter.add.f32 [tilespmem:s20], [sflag:$0x5], $0x20, s21, s18, $0xb8;
	[tilespmem:$0xDF00] =	vst v63  }
0x79: {  	_ =	swait.ge [sflag:s16], $0x1000  }
0x7a: {  	[sflag:s16] =	ssyncset.done $0x0  }
0x7b: {  	s10 =	simm.s32 $0x280;
	[sflag:s16] =	ssyncadd.s32 $0xFFFFF000  }
0x7c: {  	[tilespmem:s20], [sflag:$0x2] =	stream.indirect.gather [hbm4b:s4+s18], $0x20, s10, s18, $0xb8;
	[tilespmem:$0xDF00] =	vst v63  }
0x7d: {  	_ =	swait.ge [sflag:s26], $0x1000  }
0x7e: {  	[sflag:s26] =	ssyncset.done $0x0  }
0x7f: {  	s11 =	simm.s32 $0x2900;
	[sflag:s26] =	ssyncadd.s32 $0xFFFFF000  }
0x80: {  	[spmem:s2] =	stream.indirect.scatter.add.f32 [tilespmem:s22], [sflag:$0x5], $0x20, s11, s18, $0xb8;
	[tilespmem:$0xDF00] =	vst v63  }
0x81: {  	_ =	swait.ge [sflag:s16], $0x1000  }
0x82: {  	[sflag:s16] =	ssyncset.done $0x0  }
0x83: {  	s17 =	simm.s32 $0x300;
	[sflag:s16] =	ssyncadd.s32 $0xFFFFF000  }
0x84: {  	[tilespmem:s22], [sflag:$0x3] =	stream.indirect.gather [hbm4b:s4+s18], $0x20, s17, s18, $0xb8;
	[tilespmem:$0xDF00] =	vst v63  }
0x85: {  	_ =	swait.ge [sflag:s28], $0x1000  }
0x86: {  	[sflag:s28] =	ssyncset.done $0x0  }
0x87: {  	s21 =	simm.s32 $0x2980;
	[sflag:s28] =	ssyncadd.s32 $0xFFFFF000  }
0x88: {  	[spmem:s2] =	stream.indirect.scatter.add.f32 [tilespmem:s23], [sflag:$0x5], $0x20, s21, s18, $0xb8;
	[tilespmem:$0xDF00] =	vst v63  }
0x89: {  	_ =	swait.ge [sflag:s16], $0x1000  }
0x8a: {  	s10 =	simm.s32 $0x1000;
	s17 =	simm.s32 $0x200;
	[sflag:s16] =	ssyncset.done $0x0  }
.LBB2_6:
0x8b: {  	s11 =	sadd.s32 $0x180, s17  }
0x8c: {  	[sflag:s16] =	ssyncadd.s32 $0xFFFFF000;
	s9 =	smov.u32 s10;
	s21 =	sadd.s32 $0x800, s10  }
0x8d: {  	[tilespmem:s23], [sflag:$0x4] =	stream.indirect.gather [hbm4b:s4+s18], $0x20, s11, s18, $0xb8;
	[tilespmem:$0xDF00] =	vst v63  }
0x8e: {  	p1 =	sne.s32 s10, $0x9000;
	_ =	swait.ge [sflag:s24], $0x1000  }
0x8f: {  	[sflag:s24] =	ssyncset.done $0x0  }
0x90: {  	s10 =	sadd.s32 $0x2800, s17;
	[sflag:s24] =	ssyncadd.s32 $0xFFFFF000  }
0x91: {  	[spmem:s2] =	stream.indirect.scatter.add.f32 [tilespmem:s19], [sflag:$0x5], $0x20, s10, s18, $0xb8;
	[tilespmem:$0xDF00] =	vst v63  }
0x92: {  	_ =	swait.ge [sflag:s16], $0x1000  }
0x93: {  	[sflag:s16] =	ssyncset.done $0x0  }
0x94: {  	s10 =	sadd.s32 $0x200, s17;
	[sflag:s16] =	ssyncadd.s32 $0xFFFFF000  }
0x95: {  	[tilespmem:s19], [sflag:$0x1] =	stream.indirect.gather [hbm4b:s4+s18], $0x20, s10, s18, $0xb8;
	[tilespmem:$0xDF00] =	vst v63  }
0x96: {  	_ =	swait.ge [sflag:s25], $0x1000  }
0x97: {  	[sflag:s25] =	ssyncset.done $0x0  }
0x98: {  	s10 =	sadd.s32 $0x2880, s17;
	[sflag:s25] =	ssyncadd.s32 $0xFFFFF000  }
0x99: {  	[spmem:s2] =	stream.indirect.scatter.add.f32 [tilespmem:s20], [sflag:$0x5], $0x20, s10, s18, $0xb8;
	[tilespmem:$0xDF00] =	vst v63  }
0x9a: {  	_ =	swait.ge [sflag:s16], $0x1000  }
0x9b: {  	[sflag:s16] =	ssyncset.done $0x0  }
0x9c: {  	s10 =	sadd.s32 $0x280, s17;
	[sflag:s16] =	ssyncadd.s32 $0xFFFFF000  }
0x9d: {  	[tilespmem:s20], [sflag:$0x2] =	stream.indirect.gather [hbm4b:s4+s18], $0x20, s10, s18, $0xb8;
	[tilespmem:$0xDF00] =	vst v63  }
0x9e: {  	_ =	swait.ge [sflag:s26], $0x1000  }
0x9f: {  	[sflag:s26] =	ssyncset.done $0x0  }
0xa0: {  	s10 =	sadd.s32 $0x2900, s17;
	[sflag:s26] =	ssyncadd.s32 $0xFFFFF000  }
0xa1: {  	[spmem:s2] =	stream.indirect.scatter.add.f32 [tilespmem:s22], [sflag:$0x5], $0x20, s10, s18, $0xb8;
	[tilespmem:$0xDF00] =	vst v63  }
0xa2: {  	_ =	swait.ge [sflag:s16], $0x1000  }
0xa3: {  	[sflag:s16] =	ssyncset.done $0x0  }
0xa4: {  	s10 =	sadd.s32 $0x300, s17;
	[sflag:s16] =	ssyncadd.s32 $0xFFFFF000  }
0xa5: {  	[tilespmem:s22], [sflag:$0x3] =	stream.indirect.gather [hbm4b:s4+s18], $0x20, s10, s18, $0xb8;
	[tilespmem:$0xDF00] =	vst v63  }
0xa6: {  	_ =	swait.ge [sflag:s28], $0x1000  }
.Ltmp3:
0xa7: {  	[sflag:s28] =	ssyncset.done $0x0;
	(pc) =	sbr.rel @p1 .LBB2_6-.Ltmp3, $4  }
0xa8: {  	s10 =	sadd.s32 $0x2980, s17;
	[sflag:s28] =	ssyncadd.s32 $0xFFFFF000  }
0xa9: {  	[spmem:s2] =	stream.indirect.scatter.add.f32 [tilespmem:s23], [sflag:$0x5], $0x20, s10, s18, $0xb8;
	[tilespmem:$0xDF00] =	vst v63  }
0xaa: {  	_ =	swait.ge [sflag:s16], $0x1000  }
0xab: {  	s17 =	sshra.s32 s9, $0x2;
	s10 =	smov.u32 s21;
	[sflag:s16] =	ssyncset.done $0x0  }
.Ltmp4:
0xac: {  	_ = 	snop;
	(pc) =	sbr.rel .LBB2_7-.Ltmp4, $1  }
0xad: {  	_ =	sdelay $0x3  }
.LBB2_2:
0xae: {  	s10 =	rddreg [dreg:$0x3]  }
0xaf: {  	[tilespmem:s9], [sflag:$0x5] =	stream.linear.gather [hbm4b:s10+s9], $0x2800, $0x38;
	[tilespmem:$0xDF00] =	vst v63  }
0xb0: {  	_ =	swait.ge [sflag:s16], $0x2800  }
0xb1: {  	[sflag:s16] =	ssyncset.done $0x0  }
0xb2: {  	s11 =	simm.s32 $0x2800;
	s17 =	rddreg [dreg:$0x4];
	[sflag:s16] =	ssyncadd.s32 $0xFFFFD800  }
0xb3: {  	[tilespmem:s11], [sflag:$0x5] =	stream.linear.gather [hbm4b:s17+s9], $0x2800, $0x38;
	[tilespmem:$0xDF00] =	vst v63  }
0xb4: {  	_ =	swait.ge [sflag:s16], $0x2800  }
0xb5: {  	[sflag:s16] =	ssyncset.done $0x0  }
0xb6: {  	[sflag:s16] =	ssyncadd.s32 $0xFFFFD800  }
0xb7: {  	[bflag:$0x0] =	sbarrier.arrive $0xFFFF  }
0xb8: {  	[tilespmem:s19], [sflag:$0x1] =	stream.indirect.gather [hbm4b:s4+s18], $0x20, s9, s18, $0xb8;
	[tilespmem:$0xDF00] =	vst v63  }
0xb9: {  	_ = 	snop  }
0xba: {  	[tilespmem:s20], [sflag:$0x2] =	stream.indirect.gather [hbm4b:s4+s18], $0x20, s18, s18, $0xb8;
	[tilespmem:$0xDF00] =	vst v63  }
0xbb: {  	s21 =	simm.s32 $0x100  }
0xbc: {  	[tilespmem:s22], [sflag:$0x3] =	stream.indirect.gather [hbm4b:s4+s18], $0x20, s21, s18, $0xb8;
	[tilespmem:$0xDF00] =	vst v63  }
0xbd: {  	s10 =	simm.s32 $0x180  }
0xbe: {  	[tilespmem:s23], [sflag:$0x4] =	stream.indirect.gather [hbm4b:s4+s18], $0x20, s10, s18, $0xb8;
	[tilespmem:$0xDF00] =	vst v63  }
0xbf: {  	_ =	swait.ge [sflag:s24], $0x1000  }
0xc0: {  	[sflag:s24] =	ssyncset.done $0x0  }
0xc1: {  	s11 =	simm.s32 $0x2800;
	[sflag:s24] =	ssyncadd.s32 $0xFFFFF000  }
0xc2: {  	[spmem:s2] =	stream.indirect.scatter.add.f32 [tilespmem:s19], [sflag:$0x5], $0x20, s11, s18, $0xb8;
	[tilespmem:$0xDF00] =	vst v63  }
0xc3: {  	_ =	swait.ge [sflag:s16], $0x1000  }
0xc4: {  	[sflag:s16] =	ssyncset.done $0x0  }
0xc5: {  	s17 =	simm.s32 $0x200;
	[sflag:s16] =	ssyncadd.s32 $0xFFFFF000  }
0xc6: {  	[tilespmem:s19], [sflag:$0x1] =	stream.indirect.gather [hbm4b:s4+s18], $0x20, s17, s18, $0xb8;
	[tilespmem:$0xDF00] =	vst v63  }
0xc7: {  	_ =	swait.ge [sflag:s25], $0x1000  }
0xc8: {  	[sflag:s25] =	ssyncset.done $0x0  }
0xc9: {  	s21 =	simm.s32 $0x2880;
	[sflag:s25] =	ssyncadd.s32 $0xFFFFF000  }
0xca: {  	[spmem:s2] =	stream.indirect.scatter.add.f32 [tilespmem:s20], [sflag:$0x5], $0x20, s21, s18, $0xb8;
	[tilespmem:$0xDF00] =	vst v63  }
0xcb: {  	_ =	swait.ge [sflag:s16], $0x1000  }
0xcc: {  	[sflag:s16] =	ssyncset.done $0x0  }
0xcd: {  	s10 =	simm.s32 $0x280;
	[sflag:s16] =	ssyncadd.s32 $0xFFFFF000  }
0xce: {  	[tilespmem:s20], [sflag:$0x2] =	stream.indirect.gather [hbm4b:s4+s18], $0x20, s10, s18, $0xb8;
	[tilespmem:$0xDF00] =	vst v63  }
0xcf: {  	_ =	swait.ge [sflag:s26], $0x1000  }
0xd0: {  	[sflag:s26] =	ssyncset.done $0x0  }
0xd1: {  	s11 =	simm.s32 $0x2900;
	[sflag:s26] =	ssyncadd.s32 $0xFFFFF000  }
0xd2: {  	[spmem:s2] =	stream.indirect.scatter.add.f32 [tilespmem:s22], [sflag:$0x5], $0x20, s11, s18, $0xb8;
	[tilespmem:$0xDF00] =	vst v63  }
0xd3: {  	_ =	swait.ge [sflag:s16], $0x1000  }
0xd4: {  	[sflag:s16] =	ssyncset.done $0x0  }
0xd5: {  	s17 =	simm.s32 $0x300;
	[sflag:s16] =	ssyncadd.s32 $0xFFFFF000  }
0xd6: {  	[tilespmem:s22], [sflag:$0x3] =	stream.indirect.gather [hbm4b:s4+s18], $0x20, s17, s18, $0xb8;
	[tilespmem:$0xDF00] =	vst v63  }
0xd7: {  	_ =	swait.ge [sflag:s28], $0x1000  }
0xd8: {  	[sflag:s28] =	ssyncset.done $0x0  }
0xd9: {  	s21 =	simm.s32 $0x2980;
	[sflag:s28] =	ssyncadd.s32 $0xFFFFF000  }
0xda: {  	[spmem:s2] =	stream.indirect.scatter.add.f32 [tilespmem:s23], [sflag:$0x5], $0x20, s21, s18, $0xb8;
	[tilespmem:$0xDF00] =	vst v63  }
0xdb: {  	_ =	swait.ge [sflag:s16], $0x1000  }
0xdc: {  	s17 =	simm.s32 $0x200;
	s21 =	simm.s32 $0x1000;
	[sflag:s16] =	ssyncset.done $0x0  }
.LBB2_3:
0xdd: {  	s11 =	sadd.s32 $0x180, s17  }
0xde: {  	[sflag:s16] =	ssyncadd.s32 $0xFFFFF000;
	s9 =	smov.u32 s21;
	s10 =	sadd.s32 $0x800, s21  }
0xdf: {  	[tilespmem:s23], [sflag:$0x4] =	stream.indirect.gather [hbm4b:s4+s18], $0x20, s11, s18, $0xb8;
	[tilespmem:$0xDF00] =	vst v63  }
0xe0: {  	p1 =	seq.s32 s21, $0x9000;
	_ =	swait.ge [sflag:s24], $0x1000  }
0xe1: {  	[sflag:s24] =	ssyncset.done $0x0  }
0xe2: {  	s11 =	sadd.s32 $0x2800, s17;
	[sflag:s24] =	ssyncadd.s32 $0xFFFFF000  }
0xe3: {  	[spmem:s2] =	stream.indirect.scatter.add.f32 [tilespmem:s19], [sflag:$0x5], $0x20, s11, s18, $0xb8;
	[tilespmem:$0xDF00] =	vst v63  }
0xe4: {  	_ =	swait.ge [sflag:s16], $0x1000  }
0xe5: {  	[sflag:s16] =	ssyncset.done $0x0  }
0xe6: {  	s11 =	sadd.s32 $0x200, s17;
	[sflag:s16] =	ssyncadd.s32 $0xFFFFF000  }
0xe7: {  	[tilespmem:s19], [sflag:$0x1] =	stream.indirect.gather [hbm4b:s4+s18], $0x20, s11, s18, $0xb8;
	[tilespmem:$0xDF00] =	vst v63  }
0xe8: {  	_ =	swait.ge [sflag:s25], $0x1000  }
0xe9: {  	[sflag:s25] =	ssyncset.done $0x0  }
0xea: {  	s11 =	sadd.s32 $0x2880, s17;
	[sflag:s25] =	ssyncadd.s32 $0xFFFFF000  }
0xeb: {  	[spmem:s2] =	stream.indirect.scatter.add.f32 [tilespmem:s20], [sflag:$0x5], $0x20, s11, s18, $0xb8;
	[tilespmem:$0xDF00] =	vst v63  }
0xec: {  	_ =	swait.ge [sflag:s16], $0x1000  }
0xed: {  	[sflag:s16] =	ssyncset.done $0x0  }
0xee: {  	s11 =	sadd.s32 $0x280, s17;
	[sflag:s16] =	ssyncadd.s32 $0xFFFFF000  }
0xef: {  	[tilespmem:s20], [sflag:$0x2] =	stream.indirect.gather [hbm4b:s4+s18], $0x20, s11, s18, $0xb8;
	[tilespmem:$0xDF00] =	vst v63  }
0xf0: {  	_ =	swait.ge [sflag:s26], $0x1000  }
0xf1: {  	[sflag:s26] =	ssyncset.done $0x0  }
0xf2: {  	s11 =	sadd.s32 $0x2900, s17;
	[sflag:s26] =	ssyncadd.s32 $0xFFFFF000  }
0xf3: {  	[spmem:s2] =	stream.indirect.scatter.add.f32 [tilespmem:s22], [sflag:$0x5], $0x20, s11, s18, $0xb8;
	[tilespmem:$0xDF00] =	vst v63  }
0xf4: {  	_ =	swait.ge [sflag:s16], $0x1000  }
0xf5: {  	[sflag:s16] =	ssyncset.done $0x0  }
0xf6: {  	s11 =	sadd.s32 $0x300, s17;
	[sflag:s16] =	ssyncadd.s32 $0xFFFFF000  }
0xf7: {  	[tilespmem:s22], [sflag:$0x3] =	stream.indirect.gather [hbm4b:s4+s18], $0x20, s11, s18, $0xb8;
	[tilespmem:$0xDF00] =	vst v63  }
0xf8: {  	_ =	swait.ge [sflag:s28], $0x1000  }
.Ltmp5:
0xf9: {  	[sflag:s28] =	ssyncset.done $0x0;
	(pc) =	sbr.rel @!p1 .LBB2_3-.Ltmp5, $4  }
0xfa: {  	s11 =	sadd.s32 $0x2980, s17;
	[sflag:s28] =	ssyncadd.s32 $0xFFFFF000  }
0xfb: {  	[spmem:s2] =	stream.indirect.scatter.add.f32 [tilespmem:s23], [sflag:$0x5], $0x20, s11, s18, $0xb8;
	[tilespmem:$0xDF00] =	vst v63  }
0xfc: {  	_ =	swait.ge [sflag:s16], $0x1000  }
0xfd: {  	s21 =	smov.u32 s10;
	s17 =	sshra.s32 s9, $0x2;
	[sflag:s16] =	ssyncset.done $0x0  }
0xfe: {  	s9 =	sadd.s32 $0x180, s17;
	[sflag:s16] =	ssyncadd.s32 $0xFFFFF000  }
0xff: {  	[tilespmem:s23], [sflag:$0x4] =	stream.indirect.gather [hbm4b:s4+s18], $0x20, s9, s18, $0xb8;
	[tilespmem:$0xDF00] =	vst v63  }
0x100: {  	_ =	swait.ge [sflag:s24], $0x1000  }
0x101: {  	[sflag:s24] =	ssyncset.done $0x0  }
0x102: {  	s21 =	sadd.s32 $0x2800, s17;
	[sflag:s24] =	ssyncadd.s32 $0xFFFFF000  }
0x103: {  	[spmem:s2] =	stream.indirect.scatter.add.f32 [tilespmem:s19], [sflag:$0x5], $0x20, s21, s18, $0xb8;
	[tilespmem:$0xDF00] =	vst v63  }
0x104: {  	_ =	swait.ge [sflag:s16], $0x1000  }
0x105: {  	[sflag:s16] =	ssyncset.done $0x0  }
0x106: {  	s10 =	sadd.s32 $0x200, s17;
	[sflag:s16] =	ssyncadd.s32 $0xFFFFF000  }
0x107: {  	[tilespmem:s19], [sflag:$0x1] =	stream.indirect.gather [hbm4b:s4+s18], $0x20, s10, s18, $0xb8;
	[tilespmem:$0xDF00] =	vst v63  }
0x108: {  	_ =	swait.ge [sflag:s25], $0x1000  }
0x109: {  	[sflag:s25] =	ssyncset.done $0x0  }
0x10a: {  	s11 =	sadd.s32 $0x2880, s17;
	[sflag:s25] =	ssyncadd.s32 $0xFFFFF000  }
0x10b: {  	[spmem:s2] =	stream.indirect.scatter.add.f32 [tilespmem:s20], [sflag:$0x5], $0x20, s11, s18, $0xb8;
	[tilespmem:$0xDF00] =	vst v63  }
0x10c: {  	_ =	swait.ge [sflag:s16], $0x1000  }
0x10d: {  	[sflag:s16] =	ssyncset.done $0x0  }
0x10e: {  	s21 =	sadd.s32 $0x280, s17;
	[sflag:s16] =	ssyncadd.s32 $0xFFFFF000  }
0x10f: {  	[tilespmem:s20], [sflag:$0x2] =	stream.indirect.gather [hbm4b:s4+s18], $0x20, s21, s18, $0xb8;
	[tilespmem:$0xDF00] =	vst v63  }
0x110: {  	_ =	swait.ge [sflag:s26], $0x1000  }
0x111: {  	[sflag:s26] =	ssyncset.done $0x0  }
0x112: {  	s10 =	sadd.s32 $0x2900, s17;
	[sflag:s26] =	ssyncadd.s32 $0xFFFFF000  }
0x113: {  	[spmem:s2] =	stream.indirect.scatter.add.f32 [tilespmem:s22], [sflag:$0x5], $0x20, s10, s18, $0xb8;
	[tilespmem:$0xDF00] =	vst v63  }
0x114: {  	_ =	swait.ge [sflag:s16], $0x1000  }
0x115: {  	[sflag:s16] =	ssyncset.done $0x0  }
0x116: {  	s11 =	sadd.s32 $0x300, s17;
	[sflag:s16] =	ssyncadd.s32 $0xFFFFF000  }
0x117: {  	[tilespmem:s22], [sflag:$0x3] =	stream.indirect.gather [hbm4b:s4+s18], $0x20, s11, s18, $0xb8;
	[tilespmem:$0xDF00] =	vst v63  }
0x118: {  	_ =	swait.ge [sflag:s28], $0x1000  }
0x119: {  	[sflag:s28] =	ssyncset.done $0x0  }
.Ltmp6:
0x11a: {  	s21 =	sadd.s32 $0x2980, s17;
	[sflag:s28] =	ssyncadd.s32 $0xFFFFF000;
	(pc) =	sbr.rel .LBB2_8-.Ltmp6, $4  }
0x11b: {  	[spmem:s2] =	stream.indirect.scatter.add.f32 [tilespmem:s23], [sflag:$0x5], $0x20, s21, s18, $0xb8;
	[tilespmem:$0xDF00] =	vst v63  }
0x11c: {  	_ =	swait.ge [sflag:s16], $0x1000  }
0x11d: {  	[sflag:s16] =	ssyncset.done $0x0  }
0x11e: {  	s9 =	smov.u32 s5;
	[sflag:s16] =	ssyncadd.s32 $0xFFFFF000  }
.LBB2_9:
0x11f: {  	_ =	sfence.sel $0x180000  }
0x120: {  	[bflag:$0x0] =	sbarrier.arrive $0xFFFF  }
0x121: {  	_ =	strace $0x90000050  }
0x122: {  	s0 =	stileid.u32;
	[bflag:$0x2] =	sbarrier.arrive $0xFFFF  }
0x123: {  	p0 =	sne.s32 s0, $0x0;
	s0 =	rddreg [dreg:$0x2]  }
0x124: {  	s0 =	sadd.s32 @!p0 $0x100000, s0  }
0x125: {  	[sflag:s0] =	ssyncadd.tile.s32 @!p0 $0x1;
	_ =	shalt  }
.Lfunc_end2:
_tile_overlayer_lowered:
.L_overlay_start_2:
0x126: {  	(tag) =	ssettag $0x2  }
0x127: {  	s0 =	rddreg [dreg:$0x0];
	s2 =	stileid.u32  }
0x128: {  	s1 =	rddreg [dreg:$0x1];
	p0 =	sne.s32 s2, $0x0  }
0x129: {  	s3 =	rddreg [dreg:$0x2];
	[bflag:$0x3] =	sbarrier.arrive $0xFFFF;
	s2 =	simm.s32 @!p0 $0x1C05  }
0x12a: {  	[timem:s3], [sflag:s2] =	dma.local @!p0 [hbm:s0], s1  }
0x12b: {  	s0 =	simm.s32 @!p0 $0x5  }
0x12c: {  	_ =	swait.ge @!p0 [sflag:s0], s1  }
0x12d: {  	s1 =	ssub.s32 @!p0 $0x0, s1;
	[sflag:s0] =	ssyncset.done @!p0 $0x0  }
0x12e: {  	[sflag:s0] =	ssyncadd.s32 @!p0 s1  }
0x12f: {  	[bflag:$0x3] =	sbarrier.arrive $0xFFFF  }
0x130: {  	_ =	shalt  }

</sc_bundles>
